<compile_context>
chip_gen: v7x
topology: tpu7x:2x2x1
jax: 0.10.2.dev20260603
libtpu: 0.0.44.dev20260713+nightly
codegen_flags: <defaults>
</compile_context>

<pallas_src>
import functools

import jax
import jax.numpy as jnp
from jax import lax
from jax.experimental import pallas as pl
from jax.experimental.pallas import tpu as pltpu
from jax.experimental.pallas import tpu_sc as plsc

NUM_ITEMS = 1_000_000
NIP = 1 << 20
N = 3_276_800
M = 16_384

NROWS = N // 128
NSUB = 16
ROWS_PER_TILE = NROWS // NSUB
CHUNK_ROWS = 32
NCHUNKS = ROWS_PER_TILE // CHUNK_ROWS
CHUNK = CHUNK_ROWS * 128
ACC_TILE = NIP // NSUB
TGT_ROWS_PER_TILE = (M // 128) // NSUB


def _fill_const(ref, n, value):
    vec = jnp.full((16,), value, jnp.float32)

    def body(i, _):
        ref[pl.ds(i * 16, 16)] = vec
        return 0

    lax.fori_loop(0, n // 16, body, 0)


def _sc_accumulate(item2d, rating, tgt2d):
    mesh = plsc.VectorSubcoreMesh(core_axis_name="c", subcore_axis_name="s")

    @functools.partial(
        pl.kernel,
        mesh=mesh,
        out_type=[
            jax.ShapeDtypeStruct((NIP,), jnp.float32),
            jax.ShapeDtypeStruct((NIP,), jnp.float32),
            jax.ShapeDtypeStruct((128, 128), jnp.float32),
            jax.ShapeDtypeStruct((128, 128), jnp.float32),
        ],
        scratch_types=[
            pltpu.VMEM_SHARED((NIP,), jnp.float32),
            pltpu.VMEM((2, CHUNK_ROWS, 128), jnp.int32),
            pltpu.VMEM((2, CHUNK), jnp.float32),
            pltpu.VMEM((TGT_ROWS_PER_TILE, 128), jnp.int32),
            pltpu.VMEM((TGT_ROWS_PER_TILE, 128), jnp.float32),
            pltpu.SemaphoreType.DMA,
            pltpu.SemaphoreType.DMA,
        ],
    )
    def k(item_ref, rating_ref, tgt_ref, zeros_ref, base_ref, count_ref,
          bt_ref, ct_ref, acc, idx_v, val_v, tidx_v, tout_v, sem_in,
          sem_sc):
        cid = lax.axis_index("c")
        sid = lax.axis_index("s")
        row0 = sid * ROWS_PER_TILE

        def in_copies(c, b):
            row = row0 + c * CHUNK_ROWS
            yield pltpu.make_async_copy(item_ref.at[pl.ds(row, CHUNK_ROWS)],
                                        idx_v.at[b], sem_in)
            yield pltpu.make_async_copy(rating_ref.at[pl.ds(row * 128, CHUNK)],
                                        val_v.at[b], sem_in)

        def start_in(c, b):
            for ii, cp in enumerate(in_copies(c, b)):
                if ii == 0:
                    cp.start()
                else:
                    @pl.when(cid == 0)
                    def _():
                        cp.start()

        def wait_in(c, b):
            for ii, cp in enumerate(in_copies(c, b)):
                if ii == 0:
                    cp.wait()
                else:
                    @pl.when(cid == 0)
                    def _():
                        cp.wait()

        start_in(0, 0)

        pltpu.sync_copy(zeros_ref.at[pl.ds(sid * ACC_TILE, ACC_TILE)],
                        acc.at[pl.ds(sid * ACC_TILE, ACC_TILE)])
        plsc.subcore_barrier()

        @pl.when(cid == 1)
        def _():
            _fill_const(val_v.at[0], CHUNK, 1.0)
            _fill_const(val_v.at[1], CHUNK, 1.0)

        def do_chunk(c, b):
            wait_in(c, b)

            @pl.when(c + 1 < NCHUNKS)
            def _():
                start_in(c + 1, 1 - b)

            copies = [
                pltpu.async_copy(val_v.at[b].at[pl.ds(j * 128, 128)],
                                 acc.at[idx_v.at[b].at[j]], sem_sc, add=True)
                for j in range(CHUNK_ROWS)
            ]
            for cp in copies:
                cp.wait()

        def chunk_body(g, _):
            do_chunk(g * 2, 0)
            do_chunk(g * 2 + 1, 1)
            return 0

        lax.fori_loop(0, NCHUNKS // 2, chunk_body, 0)
        plsc.subcore_barrier()

        @pl.when(cid == 0)
        def _():
            pltpu.sync_copy(acc.at[pl.ds(sid * ACC_TILE, ACC_TILE)],
                            base_ref.at[pl.ds(sid * ACC_TILE, ACC_TILE)])

        @pl.when(cid == 1)
        def _():
            pltpu.sync_copy(acc.at[pl.ds(sid * ACC_TILE, ACC_TILE)],
                            count_ref.at[pl.ds(sid * ACC_TILE, ACC_TILE)])

        pltpu.sync_copy(tgt_ref.at[pl.ds(sid * TGT_ROWS_PER_TILE, TGT_ROWS_PER_TILE)],
                        tidx_v)
        for j in range(TGT_ROWS_PER_TILE):
            pltpu.sync_copy(acc.at[tidx_v.at[j]], tout_v.at[j])

        @pl.when(cid == 0)
        def _():
            pltpu.sync_copy(tout_v, bt_ref.at[pl.ds(sid * TGT_ROWS_PER_TILE,
                                                    TGT_ROWS_PER_TILE)])

        @pl.when(cid == 1)
        def _():
            pltpu.sync_copy(tout_v, ct_ref.at[pl.ds(sid * TGT_ROWS_PER_TILE,
                                                    TGT_ROWS_PER_TILE)])

    return k(item2d, rating, tgt2d, jnp.zeros((NIP,), jnp.float32))


_RB = 8


def _tc_finish_body(base_ref, count_ref, bt_ref, ct_ref, tgtr_ref,
                    tr_ref, loss_ref, acc):
    i = pl.program_id(0)

    @pl.when(i == 0)
    def _():
        acc[0] = 0.0
        acc[1] = 0.0

    b = base_ref[...]
    c = count_ref[...]
    nzm = c != 0.0
    ratio = jnp.where(nzm, b / jnp.where(nzm, c, 1.0), 0.0)
    acc[0] += jnp.sum(ratio)
    acc[1] += jnp.sum(nzm.astype(jnp.float32))

    @pl.when(i == _RB - 1)
    def _():
        gmean = acc[0] / jnp.maximum(acc[1], 1.0)
        bt = bt_ref[...]
        ct = ct_ref[...]
        tr = jnp.where(ct == 0.0, gmean, bt / (ct + 1e-10))
        tr_ref[...] = tr
        loss_ref[0, 0] = jnp.mean((tr - tgtr_ref[...]) ** 2)


def _tc_finish(base2d, count2d, bt, ct, tgtr):
    blk = 1024 // _RB
    return pl.pallas_call(
        _tc_finish_body,
        grid=(_RB,),
        in_specs=[
            pl.BlockSpec((blk, 1024), lambda i: (i, 0)),
            pl.BlockSpec((blk, 1024), lambda i: (i, 0)),
            pl.BlockSpec((128, 128), lambda i: (0, 0)),
            pl.BlockSpec((128, 128), lambda i: (0, 0)),
            pl.BlockSpec((128, 128), lambda i: (0, 0)),
        ],
        out_specs=[
            pl.BlockSpec((128, 128), lambda i: (0, 0)),
            pl.BlockSpec((1, 1), lambda i: (0, 0), memory_space=pltpu.SMEM),
        ],
        out_shape=[
            jax.ShapeDtypeStruct((128, 128), jnp.float32),
            jax.ShapeDtypeStruct((1, 1), jnp.float32),
        ],
        scratch_shapes=[pltpu.SMEM((2,), jnp.float32)],
    )(base2d, count2d, bt, ct, tgtr)


def kernel(rating, target_rating, item, target_item):
    item2d = item.astype(jnp.int32).reshape(NROWS, 128)
    tgt2d = target_item.astype(jnp.int32).reshape(128, 128)
    base, count, bt, ct = _sc_accumulate(item2d, rating, tgt2d)
    tr2d, loss = _tc_finish(base.reshape(1024, 1024), count.reshape(1024, 1024),
                            bt, ct, target_rating.reshape(128, 128))
    return tr2d.reshape(M), loss.reshape(())

# --- scband reference (transcript-rebuilt; emitter-appended) ---
"""Pipeline reference for scband-base-42554535969358 (READ-ONLY COPY).

The authoritative reference and input builder live on the scoring server;
editing this copy changes nothing except your own understanding.
"""

import jax, jax.numpy as jnp
import numpy as np

NUM_ITEMS = 1000000
N = 3276800
M = 16384

def setup_inputs(seed: int = 0):
    key = jax.random.key(seed)
    k1, k2, k3, k4 = jax.random.split(key, 4)
    item = jax.random.randint(k1, (N,), 0, NUM_ITEMS, dtype=jnp.int64) if jax.config.jax_enable_x64 else jax.random.randint(k1, (N,), 0, NUM_ITEMS)
    rating = jax.random.uniform(k2, (N,), dtype=jnp.float32)
    target_item = jax.random.randint(k3, (M,), 0, NUM_ITEMS)
    target_rating = jax.random.uniform(k4, (M,), dtype=jnp.float32)
    return {"rating": rating, "target_rating": target_rating, "item": item, "target_item": target_item}

def reference(rating, target_rating, item, target_item):
    # data_mode='user', target_mode='explicit', training=True
    # buffers start at zero; scatter_add_ interactions, then gather + normalize
    base = jnp.zeros((NUM_ITEMS,), jnp.float32).at[item].add(rating)
    count = jnp.zeros((NUM_ITEMS,), jnp.float32).at[item].add(jnp.ones_like(rating))
    cnt_t = count[target_item]
    tr = base[target_item] / (cnt_t + 1e-10)
    nz = count != 0
    ratio = jnp.where(nz, base / jnp.where(nz, count, 1.0), 0.0)
    gmean = ratio.sum() / jnp.maximum(nz.sum().astype(jnp.float32), 1.0)
    tr = jnp.where(cnt_t == 0, gmean, tr)
    loss = jnp.mean((tr - target_rating) ** 2)  # explicit -> MSE loss
    return tr, loss

if __name__ == "__main__":
    import jax
    _d = setup_inputs()
    print(jax.jit(kernel)(*tuple(_d.values())))

</pallas_src>

<mosaic_0001>
#map = affine_map<(d0, d1) -> (0, 0)>
#map1 = affine_map<(d0, d1) -> (0)>
module attributes {stable_mosaic.version = 14 : i64} {
  func.func @k(%arg0: i32, %arg1: i32, %arg2: memref<25600x128xi32, #tpu.memory_space<hbm>>, %arg3: memref<3276800xf32, #tpu.memory_space<hbm>>, %arg4: memref<128x128xi32, #tpu.memory_space<hbm>>, %arg5: memref<1048576xf32, #tpu.memory_space<hbm>>, %arg6: memref<1048576xf32, #tpu.memory_space<hbm>>, %arg7: memref<1048576xf32, #tpu.memory_space<hbm>>, %arg8: memref<128x128xf32, #tpu.memory_space<hbm>>, %arg9: memref<128x128xf32, #tpu.memory_space<hbm>>, %arg10: memref<1048576xf32, #tpu.memory_space<vmem_shared>>, %arg11: memref<2x32x128xi32, #tpu.memory_space<vmem>>, %arg12: memref<2x4096xf32, #tpu.memory_space<vmem>>, %arg13: memref<8x128xi32, #tpu.memory_space<vmem>>, %arg14: memref<8x128xf32, #tpu.memory_space<vmem>>, %arg15: memref<!tpu.dma_semaphore, #tpu.memory_space<semaphore_mem>>, %arg16: memref<!tpu.dma_semaphore, #tpu.memory_space<semaphore_mem>>) attributes {dimension_semantics = [#tpu.dimension_semantics<core_parallel>, #tpu.dimension_semantics<subcore_parallel>], iteration_bounds = array<i64: 2, 16>, scalar_prefetch = 0 : i64, scratch_operands = 7 : i64, tpu.core_type = #tpu.core_type<sc_vector_subcore>, window_params = [{transform_indices = #map}, {transform_indices = #map1}, {transform_indices = #map}, {transform_indices = #map1}, {transform_indices = #map1}, {transform_indices = #map1}, {transform_indices = #map}, {transform_indices = #map}]} {
    %mul3A = arith.constant 1600 : i32
    %mul3A_0 = arith.muli %arg1, %mul3A : i32
    %add3A = arith.constant 0 : i32
    %add3A_1 = arith.addi %mul3A_0, %add3A : i32
    %dma_start3A = arith.constant 0 : i32
    %dma_start3A_2 = arith.constant 0 : i32
    %dma_start3A_3 = arith.constant 0 : i32
    %dma_start3A_4 = tpu.memref_slice %arg11[%dma_start3A, %dma_start3A_2, %dma_start3A_3] : memref<2x32x128xi32, #tpu.memory_space<vmem>> -> memref<1x32x128xi32, #tpu.memory_space<vmem>>
    %dma_start3A_5 = tpu.memref_squeeze %dma_start3A_4 : memref<1x32x128xi32, #tpu.memory_space<vmem>> -> memref<32x128xi32, #tpu.memory_space<vmem>>
    %dma_start3A_6 = arith.constant 0 : i32
    %dma_start3A_7 = tpu.memref_slice %arg2[%add3A_1, %dma_start3A_6] : memref<25600x128xi32, #tpu.memory_space<hbm>> -> memref<32x128xi32, #tpu.memory_space<hbm>>
    %dma_start3A_8 = arith.constant 0 : i32
    %dma_start3A_9 = arith.constant 0 : i32
    %dma_start3A_10 = tpu.memref_slice %arg11[%dma_start3A, %dma_start3A_8, %dma_start3A_9] : memref<2x32x128xi32, #tpu.memory_space<vmem>> -> memref<1x32x128xi32, #tpu.memory_space<vmem>>
    %dma_start3A_11 = tpu.memref_squeeze %dma_start3A_10 : memref<1x32x128xi32, #tpu.memory_space<vmem>> -> memref<32x128xi32, #tpu.memory_space<vmem>>
    %dma_start3A_12 = arith.constant 0 : i32
    %dma_start3A_13 = tpu.memref_slice %arg2[%add3A_1, %dma_start3A_12] : memref<25600x128xi32, #tpu.memory_space<hbm>> -> memref<32x128xi32, #tpu.memory_space<hbm>>
    tpu.enqueue_dma source(%dma_start3A_13 : memref<32x128xi32, #tpu.memory_space<hbm>>) target(%dma_start3A_11 : memref<32x128xi32, #tpu.memory_space<vmem>>) target_semaphore(%arg15 : memref<!tpu.dma_semaphore, #tpu.memory_space<semaphore_mem>>)
    %mul3A_14 = arith.constant 128 : i32
    %mul3A_15 = arith.muli %add3A_1, %mul3A_14 : i32
    %eq3A = arith.constant 0 : i32
    %eq3A_16 = arith.cmpi eq, %arg0, %eq3A : i32
    %convert_element_type3A = arith.extui %eq3A_16 : i1 to i32
    %cond3A = arith.constant 0 : i32
    %cond3A_17 = arith.constant 0 : i32
    %cond3A_18 = arith.cmpi ne, %convert_element_type3A, %cond3A_17 : i32
    scf.if %cond3A_18 {
      %dma_start3A_72 = arith.constant 0 : i32
      %dma_start3A_73 = tpu.memref_slice %arg12[%cond3A, %dma_start3A_72] : memref<2x4096xf32, #tpu.memory_space<vmem>> -> memref<1x4096xf32, #tpu.memory_space<vmem>>
      %dma_start3A_74 = tpu.memref_squeeze %dma_start3A_73 : memref<1x4096xf32, #tpu.memory_space<vmem>> -> memref<4096xf32, #tpu.memory_space<vmem>>
      %dma_start3A_75 = tpu.memref_slice %arg3[%mul3A_15] : memref<3276800xf32, #tpu.memory_space<hbm>> -> memref<4096xf32, #tpu.memory_space<hbm>>
      %dma_start3A_76 = arith.constant 0 : i32
      %dma_start3A_77 = tpu.memref_slice %arg12[%cond3A, %dma_start3A_76] : memref<2x4096xf32, #tpu.memory_space<vmem>> -> memref<1x4096xf32, #tpu.memory_space<vmem>>
      %dma_start3A_78 = tpu.memref_squeeze %dma_start3A_77 : memref<1x4096xf32, #tpu.memory_space<vmem>> -> memref<4096xf32, #tpu.memory_space<vmem>>
      %dma_start3A_79 = tpu.memref_slice %arg3[%mul3A_15] : memref<3276800xf32, #tpu.memory_space<hbm>> -> memref<4096xf32, #tpu.memory_space<hbm>>
      tpu.enqueue_dma source(%dma_start3A_79 : memref<4096xf32, #tpu.memory_space<hbm>>) target(%dma_start3A_78 : memref<4096xf32, #tpu.memory_space<vmem>>) target_semaphore(%arg15 : memref<!tpu.dma_semaphore, #tpu.memory_space<semaphore_mem>>)
    } else {
    }
    %mul3A_19 = arith.constant 65536 : i32
    %mul3A_20 = arith.muli %arg1, %mul3A_19 : i32
    %mul3A_21 = arith.constant 65536 : i32
    %mul3A_22 = arith.muli %arg1, %mul3A_21 : i32
    "tpu.region"() ({
      %run_scoped3A_72 = tpu.sem_alloc : memref<!tpu.dma_semaphore, #tpu.memory_space<semaphore_mem>>
      %dma_start3A_73 = tpu.memref_slice %arg10[%mul3A_22] : memref<1048576xf32, #tpu.memory_space<vmem_shared>> -> memref<65536xf32, #tpu.memory_space<vmem_shared>>
      %dma_start3A_74 = tpu.memref_slice %arg5[%mul3A_20] : memref<1048576xf32, #tpu.memory_space<hbm>> -> memref<65536xf32, #tpu.memory_space<hbm>>
      tpu.enqueue_dma source(%dma_start3A_74 : memref<65536xf32, #tpu.memory_space<hbm>>) target(%dma_start3A_73 : memref<65536xf32, #tpu.memory_space<vmem_shared>>) target_semaphore(%run_scoped3A_72 : memref<!tpu.dma_semaphore, #tpu.memory_space<semaphore_mem>>)
      %dma_wait3A = tpu.memref_slice %arg10[%mul3A_22] : memref<1048576xf32, #tpu.memory_space<vmem_shared>> -> memref<65536xf32, #tpu.memory_space<vmem_shared>>
      %dma_wait3A_75 = tpu.memref_slice %arg5[%mul3A_20] : memref<1048576xf32, #tpu.memory_space<hbm>> -> memref<65536xf32, #tpu.memory_space<hbm>>
      tpu.wait_dma2 semaphore(%run_scoped3A_72 : memref<!tpu.dma_semaphore, #tpu.memory_space<semaphore_mem>>) src(%dma_wait3A_75 : memref<65536xf32, #tpu.memory_space<hbm>>) dst(%dma_wait3A : memref<65536xf32, #tpu.memory_space<vmem_shared>>)
      tpu.yield
    }) : () -> ()
    %barrier3A = arith.constant 0 : index
    tpu.barrier barrier_id(%barrier3A)
    %eq3A_23 = arith.constant 1 : i32
    %eq3A_24 = arith.cmpi eq, %arg0, %eq3A_23 : i32
    %convert_element_type3A_25 = arith.extui %eq3A_24 : i1 to i32
    %cond3A_26 = arith.constant 0 : i32
    %cond3A_27 = arith.cmpi ne, %convert_element_type3A_25, %cond3A_26 : i32
    scf.if %cond3A_27 {
      %broadcast_in_dim3A = arith.constant 1.000000e+00 : f32
      %broadcast_in_dim3A_72 = vector.broadcast %broadcast_in_dim3A : f32 to vector<16xf32>
      %scan3A_73 = arith.constant 0 : i32
      %scan3A_74 = arith.constant 0 : i32
      %scan3A_75 = arith.constant 0 : i32
      %scan3A_76 = arith.constant 256 : i32
      %scan3A_77 = arith.addi %scan3A_75, %scan3A_76 : i32
      %scan3A_78 = arith.constant 1 : i32
      %scan3A_79 = scf.for %scan3A_91 = %scan3A_75 to %scan3A_77 step %scan3A_78 iter_args(%scan3A_92 = %scan3A_74) -> (i32)  : i32 {
        %mul3A_93 = arith.constant 16 : i32
        %mul3A_94 = arith.muli %scan3A_91, %mul3A_93 : i32
        %swap3A = arith.constant 0 : i32
        %swap3A_95 = tpu.memref_slice %arg12[%scan3A_73, %swap3A] : memref<2x4096xf32, #tpu.memory_space<vmem>> -> memref<1x4096xf32, #tpu.memory_space<vmem>>
        %swap3A_96 = tpu.memref_squeeze %swap3A_95 : memref<1x4096xf32, #tpu.memory_space<vmem>> -> memref<4096xf32, #tpu.memory_space<vmem>>
        %swap3A_97 = arith.index_cast %mul3A_94 : i32 to index
        %swap3A_98 = tpu.vector_load %swap3A_96[%swap3A_97] {strides = array<i32>} : memref<4096xf32, #tpu.memory_space<vmem>>, vector<16xf32>,
        %swap3A_99 = vector.shape_cast %swap3A_98 : vector<16xf32> to vector<16xf32>
        %swap3A_100 = vector.shape_cast %broadcast_in_dim3A_72 : vector<16xf32> to vector<16xf32>
        tpu.vector_store %swap3A_96[%swap3A_97], %swap3A_100 {strides = array<i32>} : memref<4096xf32, #tpu.memory_space<vmem>>, vector<16xf32>,
        %scan3A_101 = arith.constant 0 : i32
        scf.yield %scan3A_101 : i32
      }
      %scan3A_80 = arith.constant 256 : i32
      %broadcast_in_dim3A_81 = arith.constant 1.000000e+00 : f32
      %broadcast_in_dim3A_82 = vector.broadcast %broadcast_in_dim3A_81 : f32 to vector<16xf32>
      %scan3A_83 = arith.constant 1 : i32
      %scan3A_84 = arith.constant 0 : i32
      %scan3A_85 = arith.constant 0 : i32
      %scan3A_86 = arith.constant 256 : i32
      %scan3A_87 = arith.addi %scan3A_85, %scan3A_86 : i32
      %scan3A_88 = arith.constant 1 : i32
      %scan3A_89 = scf.for %scan3A_91 = %scan3A_85 to %scan3A_87 step %scan3A_88 iter_args(%scan3A_92 = %scan3A_84) -> (i32)  : i32 {
        %mul3A_93 = arith.constant 16 : i32
        %mul3A_94 = arith.muli %scan3A_91, %mul3A_93 : i32
        %swap3A = arith.constant 0 : i32
        %swap3A_95 = tpu.memref_slice %arg12[%scan3A_83, %swap3A] : memref<2x4096xf32, #tpu.memory_space<vmem>> -> memref<1x4096xf32, #tpu.memory_space<vmem>>
        %swap3A_96 = tpu.memref_squeeze %swap3A_95 : memref<1x4096xf32, #tpu.memory_space<vmem>> -> memref<4096xf32, #tpu.memory_space<vmem>>
        %swap3A_97 = arith.index_cast %mul3A_94 : i32 to index
        %swap3A_98 = tpu.vector_load %swap3A_96[%swap3A_97] {strides = array<i32>} : memref<4096xf32, #tpu.memory_space<vmem>>, vector<16xf32>,
        %swap3A_99 = vector.shape_cast %swap3A_98 : vector<16xf32> to vector<16xf32>
        %swap3A_100 = vector.shape_cast %broadcast_in_dim3A_82 : vector<16xf32> to vector<16xf32>
        tpu.vector_store %swap3A_96[%swap3A_97], %swap3A_100 {strides = array<i32>} : memref<4096xf32, #tpu.memory_space<vmem>>, vector<16xf32>,
        %scan3A_101 = arith.constant 0 : i32
        scf.yield %scan3A_101 : i32
      }
      %scan3A_90 = arith.constant 256 : i32
    } else {
    }
    %scan3A = arith.constant 0 : i32
    %scan3A_28 = arith.constant 0 : i32
    %scan3A_29 = arith.constant 25 : i32
    %scan3A_30 = arith.addi %scan3A_28, %scan3A_29 : i32
    %scan3A_31 = arith.constant 1 : i32
    %scan3A_32 = scf.for %scan3A_72 = %scan3A_28 to %scan3A_30 step %scan3A_31 iter_args(%scan3A_73 = %scan3A) -> (i32)  : i32 {
      %mul3A_74 = arith.constant 2 : i32
      %mul3A_75 = arith.muli %scan3A_72, %mul3A_74 : i32
      %mul3A_76 = arith.constant 32 : i32
      %mul3A_77 = arith.muli %mul3A_75, %mul3A_76 : i32
      %add3A_78 = arith.addi %mul3A_0, %mul3A_77 : i32
      %dma_wait3A = arith.constant 0 : i32
      %dma_wait3A_79 = arith.constant 0 : i32
      %dma_wait3A_80 = arith.constant 0 : i32
      %dma_wait3A_81 = tpu.memref_slice %arg11[%dma_wait3A, %dma_wait3A_79, %dma_wait3A_80] : memref<2x32x128xi32, #tpu.memory_space<vmem>> -> memref<1x32x128xi32, #tpu.memory_space<vmem>>
      %dma_wait3A_82 = tpu.memref_squeeze %dma_wait3A_81 : memref<1x32x128xi32, #tpu.memory_space<vmem>> -> memref<32x128xi32, #tpu.memory_space<vmem>>
      %dma_wait3A_83 = arith.constant 0 : i32
      %dma_wait3A_84 = tpu.memref_slice %arg2[%add3A_78, %dma_wait3A_83] : memref<25600x128xi32, #tpu.memory_space<hbm>> -> memref<32x128xi32, #tpu.memory_space<hbm>>
      %dma_wait3A_85 = arith.constant 0 : i32
      %dma_wait3A_86 = arith.constant 0 : i32
      %dma_wait3A_87 = tpu.memref_slice %arg11[%dma_wait3A, %dma_wait3A_85, %dma_wait3A_86] : memref<2x32x128xi32, #tpu.memory_space<vmem>> -> memref<1x32x128xi32, #tpu.memory_space<vmem>>
      %dma_wait3A_88 = tpu.memref_squeeze %dma_wait3A_87 : memref<1x32x128xi32, #tpu.memory_space<vmem>> -> memref<32x128xi32, #tpu.memory_space<vmem>>
      %dma_wait3A_89 = arith.constant 0 : i32
      %dma_wait3A_90 = tpu.memref_slice %arg2[%add3A_78, %dma_wait3A_89] : memref<25600x128xi32, #tpu.memory_space<hbm>> -> memref<32x128xi32, #tpu.memory_space<hbm>>
      tpu.wait_dma2 semaphore(%arg15 : memref<!tpu.dma_semaphore, #tpu.memory_space<semaphore_mem>>) src(%dma_wait3A_90 : memref<32x128xi32, #tpu.memory_space<hbm>>) dst(%dma_wait3A_88 : memref<32x128xi32, #tpu.memory_space<vmem>>)
      %mul3A_91 = arith.constant 128 : i32
      %mul3A_92 = arith.muli %add3A_78, %mul3A_91 : i32
      %eq3A_93 = arith.constant 0 : i32
      %eq3A_94 = arith.cmpi eq, %arg0, %eq3A_93 : i32
      %convert_element_type3A_95 = arith.extui %eq3A_94 : i1 to i32
      %cond3A_96 = arith.constant 0 : i32
      %cond3A_97 = arith.constant 0 : i32
      %cond3A_98 = arith.cmpi ne, %convert_element_type3A_95, %cond3A_97 : i32
      scf.if %cond3A_98 {
        %dma_wait3A_2317 = arith.constant 0 : i32
        %dma_wait3A_2318 = tpu.memref_slice %arg12[%cond3A_96, %dma_wait3A_2317] : memref<2x4096xf32, #tpu.memory_space<vmem>> -> memref<1x4096xf32, #tpu.memory_space<vmem>>
        %dma_wait3A_2319 = tpu.memref_squeeze %dma_wait3A_2318 : memref<1x4096xf32, #tpu.memory_space<vmem>> -> memref<4096xf32, #tpu.memory_space<vmem>>
        %dma_wait3A_2320 = tpu.memref_slice %arg3[%mul3A_92] : memref<3276800xf32, #tpu.memory_space<hbm>> -> memref<4096xf32, #tpu.memory_space<hbm>>
        %dma_wait3A_2321 = arith.constant 0 : i32
        %dma_wait3A_2322 = tpu.memref_slice %arg12[%cond3A_96, %dma_wait3A_2321] : memref<2x4096xf32, #tpu.memory_space<vmem>> -> memref<1x4096xf32, #tpu.memory_space<vmem>>
        %dma_wait3A_2323 = tpu.memref_squeeze %dma_wait3A_2322 : memref<1x4096xf32, #tpu.memory_space<vmem>> -> memref<4096xf32, #tpu.memory_space<vmem>>
        %dma_wait3A_2324 = tpu.memref_slice %arg3[%mul3A_92] : memref<3276800xf32, #tpu.memory_space<hbm>> -> memref<4096xf32, #tpu.memory_space<hbm>>
        tpu.wait_dma2 semaphore(%arg15 : memref<!tpu.dma_semaphore, #tpu.memory_space<semaphore_mem>>) src(%dma_wait3A_2324 : memref<4096xf32, #tpu.memory_space<hbm>>) dst(%dma_wait3A_2323 : memref<4096xf32, #tpu.memory_space<vmem>>)
      } else {
      }
      %add3A_99 = arith.constant 1 : i32
      %add3A_100 = arith.addi %mul3A_75, %add3A_99 : i32
      %lt3A = arith.constant 50 : i32
      %lt3A_101 = arith.cmpi slt, %add3A_100, %lt3A : i32
      %convert_element_type3A_102 = arith.extui %lt3A_101 : i1 to i32
      %cond3A_103 = arith.constant 0 : i32
      %cond3A_104 = arith.cmpi ne, %convert_element_type3A_102, %cond3A_103 : i32
      scf.if %cond3A_104 {
        %add3A_2317 = arith.constant 1 : i32
        %add3A_2318 = arith.addi %mul3A_75, %add3A_2317 : i32
        %mul3A_2319 = arith.constant 32 : i32
        %mul3A_2320 = arith.muli %add3A_2318, %mul3A_2319 : i32
        %add3A_2321 = arith.addi %mul3A_0, %mul3A_2320 : i32
        %dma_start3A_2322 = arith.constant 1 : i32
        %dma_start3A_2323 = arith.constant 0 : i32
        %dma_start3A_2324 = arith.constant 0 : i32
        %dma_start3A_2325 = tpu.memref_slice %arg11[%dma_start3A_2322, %dma_start3A_2323, %dma_start3A_2324] : memref<2x32x128xi32, #tpu.memory_space<vmem>> -> memref<1x32x128xi32, #tpu.memory_space<vmem>>
        %dma_start3A_2326 = tpu.memref_squeeze %dma_start3A_2325 : memref<1x32x128xi32, #tpu.memory_space<vmem>> -> memref<32x128xi32, #tpu.memory_space<vmem>>
        %dma_start3A_2327 = arith.constant 0 : i32
        %dma_start3A_2328 = tpu.memref_slice %arg2[%add3A_2321, %dma_start3A_2327] : memref<25600x128xi32, #tpu.memory_space<hbm>> -> memref<32x128xi32, #tpu.memory_space<hbm>>
        %dma_start3A_2329 = arith.constant 0 : i32
        %dma_start3A_2330 = arith.constant 0 : i32
        %dma_start3A_2331 = tpu.memref_slice %arg11[%dma_start3A_2322, %dma_start3A_2329, %dma_start3A_2330] : memref<2x32x128xi32, #tpu.memory_space<vmem>> -> memref<1x32x128xi32, #tpu.memory_space<vmem>>
        %dma_start3A_2332 = tpu.memref_squeeze %dma_start3A_2331 : memref<1x32x128xi32, #tpu.memory_space<vmem>> -> memref<32x128xi32, #tpu.memory_space<vmem>>
        %dma_start3A_2333 = arith.constant 0 : i32
        %dma_start3A_2334 = tpu.memref_slice %arg2[%add3A_2321, %dma_start3A_2333] : memref<25600x128xi32, #tpu.memory_space<hbm>> -> memref<32x128xi32, #tpu.memory_space<hbm>>
        tpu.enqueue_dma source(%dma_start3A_2334 : memref<32x128xi32, #tpu.memory_space<hbm>>) target(%dma_start3A_2332 : memref<32x128xi32, #tpu.memory_space<vmem>>) target_semaphore(%arg15 : memref<!tpu.dma_semaphore, #tpu.memory_space<semaphore_mem>>)
        %mul3A_2335 = arith.constant 128 : i32
        %mul3A_2336 = arith.muli %add3A_2321, %mul3A_2335 : i32
        %eq3A_2337 = arith.constant 0 : i32
        %eq3A_2338 = arith.cmpi eq, %arg0, %eq3A_2337 : i32
        %convert_element_type3A_2339 = arith.extui %eq3A_2338 : i1 to i32
        %cond3A_2340 = arith.constant 1 : i32
        %cond3A_2341 = arith.constant 0 : i32
        %cond3A_2342 = arith.cmpi ne, %convert_element_type3A_2339, %cond3A_2341 : i32
        scf.if %cond3A_2342 {
          %dma_start3A_2343 = arith.constant 0 : i32
          %dma_start3A_2344 = tpu.memref_slice %arg12[%cond3A_2340, %dma_start3A_2343] : memref<2x4096xf32, #tpu.memory_space<vmem>> -> memref<1x4096xf32, #tpu.memory_space<vmem>>
          %dma_start3A_2345 = tpu.memref_squeeze %dma_start3A_2344 : memref<1x4096xf32, #tpu.memory_space<vmem>> -> memref<4096xf32, #tpu.memory_space<vmem>>
          %dma_start3A_2346 = tpu.memref_slice %arg3[%mul3A_2336] : memref<3276800xf32, #tpu.memory_space<hbm>> -> memref<4096xf32, #tpu.memory_space<hbm>>
          %dma_start3A_2347 = arith.constant 0 : i32
          %dma_start3A_2348 = tpu.memref_slice %arg12[%cond3A_2340, %dma_start3A_2347] : memref<2x4096xf32, #tpu.memory_space<vmem>> -> memref<1x4096xf32, #tpu.memory_space<vmem>>
          %dma_start3A_2349 = tpu.memref_squeeze %dma_start3A_2348 : memref<1x4096xf32, #tpu.memory_space<vmem>> -> memref<4096xf32, #tpu.memory_space<vmem>>
          %dma_start3A_2350 = tpu.memref_slice %arg3[%mul3A_2336] : memref<3276800xf32, #tpu.memory_space<hbm>> -> memref<4096xf32, #tpu.memory_space<hbm>>
          tpu.enqueue_dma source(%dma_start3A_2350 : memref<4096xf32, #tpu.memory_space<hbm>>) target(%dma_start3A_2349 : memref<4096xf32, #tpu.memory_space<vmem>>) target_semaphore(%arg15 : memref<!tpu.dma_semaphore, #tpu.memory_space<semaphore_mem>>)
        } else {
        }
      } else {
      }
      %dma_start3A_105 = arith.constant 0 : i32
      %dma_start3A_106 = arith.constant 0 : i32
      %dma_start3A_107 = arith.constant 0 : i32
      %dma_start3A_108 = arith.constant 0 : i32
      %dma_start3A_109 = tpu.memref_slice %arg12[%dma_start3A_105, %dma_start3A_108] : memref<2x4096xf32, #tpu.memory_space<vmem>> -> memref<1x4096xf32, #tpu.memory_space<vmem>>
      %dma_start3A_110 = tpu.memref_squeeze %dma_start3A_109 : memref<1x4096xf32, #tpu.memory_space<vmem>> -> memref<4096xf32, #tpu.memory_space<vmem>>
      %dma_start3A_111 = arith.constant 0 : i32
      %dma_start3A_112 = tpu.memref_slice %dma_start3A_110[%dma_start3A_111] : memref<4096xf32, #tpu.memory_space<vmem>> -> memref<128xf32, #tpu.memory_space<vmem>>
      %dma_start3A_113 = arith.constant 0 : i32
      %dma_start3A_114 = arith.constant 0 : i32
      %dma_start3A_115 = tpu.memref_slice %arg11[%dma_start3A_106, %dma_start3A_113, %dma_start3A_114] : memref<2x32x128xi32, #tpu.memory_space<vmem>> -> memref<1x32x128xi32, #tpu.memory_space<vmem>>
      %dma_start3A_116 = tpu.memref_squeeze %dma_start3A_115 : memref<1x32x128xi32, #tpu.memory_space<vmem>> -> memref<32x128xi32, #tpu.memory_space<vmem>>
      %dma_start3A_117 = arith.constant 0 : i32
      %dma_start3A_118 = tpu.memref_slice %dma_start3A_116[%dma_start3A_107, %dma_start3A_117] : memref<32x128xi32, #tpu.memory_space<vmem>> -> memref<1x128xi32, #tpu.memory_space<vmem>>
      %dma_start3A_119 = tpu.memref_squeeze %dma_start3A_118 : memref<1x128xi32, #tpu.memory_space<vmem>> -> memref<128xi32, #tpu.memory_space<vmem>>
      %dma_start3A_120 = arith.constant 0 : i32
      %dma_start3A_121 = tpu.memref_slice %arg10[%dma_start3A_120] : memref<1048576xf32, #tpu.memory_space<vmem_shared>> -> memref<1048576xf32, #tpu.memory_space<vmem_shared>>
      tpu.enqueue_indirect_dma source(%dma_start3A_112 : memref<128xf32, #tpu.memory_space<vmem>>) target(%dma_start3A_121 : memref<1048576xf32, #tpu.memory_space<vmem_shared>>) offsets(%dma_start3A_119 : memref<128xi32, #tpu.memory_space<vmem>>) semaphore(%arg16 : memref<!tpu.dma_semaphore, #tpu.memory_space<semaphore_mem>>) {add = true}
      %dma_start3A_122 = arith.constant 0 : i32
      %dma_start3A_123 = arith.constant 0 : i32
      %dma_start3A_124 = arith.constant 1 : i32
      %dma_start3A_125 = arith.constant 0 : i32
      %dma_start3A_126 = tpu.memref_slice %arg12[%dma_start3A_122, %dma_start3A_125] : memref<2x4096xf32, #tpu.memory_space<vmem>> -> memref<1x4096xf32, #tpu.memory_space<vmem>>
      %dma_start3A_127 = tpu.memref_squeeze %dma_start3A_126 : memref<1x4096xf32, #tpu.memory_space<vmem>> -> memref<4096xf32, #tpu.memory_space<vmem>>
      %dma_start3A_128 = arith.constant 128 : i32
      %dma_start3A_129 = tpu.memref_slice %dma_start3A_127[%dma_start3A_128] : memref<4096xf32, #tpu.memory_space<vmem>> -> memref<128xf32, #tpu.memory_space<vmem>>
      %dma_start3A_130 = arith.constant 0 : i32
      %dma_start3A_131 = arith.constant 0 : i32
      %dma_start3A_132 = tpu.memref_slice %arg11[%dma_start3A_123, %dma_start3A_130, %dma_start3A_131] : memref<2x32x128xi32, #tpu.memory_space<vmem>> -> memref<1x32x128xi32, #tpu.memory_space<vmem>>
      %dma_start3A_133 = tpu.memref_squeeze %dma_start3A_132 : memref<1x32x128xi32, #tpu.memory_space<vmem>> -> memref<32x128xi32, #tpu.memory_space<vmem>>
      %dma_start3A_134 = arith.constant 0 : i32
      %dma_start3A_135 = tpu.memref_slice %dma_start3A_133[%dma_start3A_124, %dma_start3A_134] : memref<32x128xi32, #tpu.memory_space<vmem>> -> memref<1x128xi32, #tpu.memory_space<vmem>>
      %dma_start3A_136 = tpu.memref_squeeze %dma_start3A_135 : memref<1x128xi32, #tpu.memory_space<vmem>> -> memref<128xi32, #tpu.memory_space<vmem>>
      %dma_start3A_137 = arith.constant 0 : i32
      %dma_start3A_138 = tpu.memref_slice %arg10[%dma_start3A_137] : memref<1048576xf32, #tpu.memory_space<vmem_shared>> -> memref<1048576xf32, #tpu.memory_space<vmem_shared>>
      tpu.enqueue_indirect_dma source(%dma_start3A_129 : memref<128xf32, #tpu.memory_space<vmem>>) target(%dma_start3A_138 : memref<1048576xf32, #tpu.memory_space<vmem_shared>>) offsets(%dma_start3A_136 : memref<128xi32, #tpu.memory_space<vmem>>) semaphore(%arg16 : memref<!tpu.dma_semaphore, #tpu.memory_space<semaphore_mem>>) {add = true}
      %dma_start3A_139 = arith.constant 0 : i32
      %dma_start3A_140 = arith.constant 0 : i32
      %dma_start3A_141 = arith.constant 2 : i32
      %dma_start3A_142 = arith.constant 0 : i32
      %dma_start3A_143 = tpu.memref_slice %arg12[%dma_start3A_139, %dma_start3A_142] : memref<2x4096xf32, #tpu.memory_space<vmem>> -> memref<1x4096xf32, #tpu.memory_space<vmem>>
      %dma_start3A_144 = tpu.memref_squeeze %dma_start3A_143 : memref<1x4096xf32, #tpu.memory_space<vmem>> -> memref<4096xf32, #tpu.memory_space<vmem>>
      %dma_start3A_145 = arith.constant 256 : i32
      %dma_start3A_146 = tpu.memref_slice %dma_start3A_144[%dma_start3A_145] : memref<4096xf32, #tpu.memory_space<vmem>> -> memref<128xf32, #tpu.memory_space<vmem>>
      %dma_start3A_147 = arith.constant 0 : i32
      %dma_start3A_148 = arith.constant 0 : i32
      %dma_start3A_149 = tpu.memref_slice %arg11[%dma_start3A_140, %dma_start3A_147, %dma_start3A_148] : memref<2x32x128xi32, #tpu.memory_space<vmem>> -> memref<1x32x128xi32, #tpu.memory_space<vmem>>
      %dma_start3A_150 = tpu.memref_squeeze %dma_start3A_149 : memref<1x32x128xi32, #tpu.memory_space<vmem>> -> memref<32x128xi32, #tpu.memory_space<vmem>>
      %dma_start3A_151 = arith.constant 0 : i32
      %dma_start3A_152 = tpu.memref_slice %dma_start3A_150[%dma_start3A_141, %dma_start3A_151] : memref<32x128xi32, #tpu.memory_space<vmem>> -> memref<1x128xi32, #tpu.memory_space<vmem>>
      %dma_start3A_153 = tpu.memref_squeeze %dma_start3A_152 : memref<1x128xi32, #tpu.memory_space<vmem>> -> memref<128xi32, #tpu.memory_space<vmem>>
      %dma_start3A_154 = arith.constant 0 : i32
      %dma_start3A_155 = tpu.memref_slice %arg10[%dma_start3A_154] : memref<1048576xf32, #tpu.memory_space<vmem_shared>> -> memref<1048576xf32, #tpu.memory_space<vmem_shared>>
      tpu.enqueue_indirect_dma source(%dma_start3A_146 : memref<128xf32, #tpu.memory_space<vmem>>) target(%dma_start3A_155 : memref<1048576xf32, #tpu.memory_space<vmem_shared>>) offsets(%dma_start3A_153 : memref<128xi32, #tpu.memory_space<vmem>>) semaphore(%arg16 : memref<!tpu.dma_semaphore, #tpu.memory_space<semaphore_mem>>) {add = true}
      %dma_start3A_156 = arith.constant 0 : i32
      %dma_start3A_157 = arith.constant 0 : i32
      %dma_start3A_158 = arith.constant 3 : i32
      %dma_start3A_159 = arith.constant 0 : i32
      %dma_start3A_160 = tpu.memref_slice %arg12[%dma_start3A_156, %dma_start3A_159] : memref<2x4096xf32, #tpu.memory_space<vmem>> -> memref<1x4096xf32, #tpu.memory_space<vmem>>
      %dma_start3A_161 = tpu.memref_squeeze %dma_start3A_160 : memref<1x4096xf32, #tpu.memory_space<vmem>> -> memref<4096xf32, #tpu.memory_space<vmem>>
      %dma_start3A_162 = arith.constant 384 : i32
      %dma_start3A_163 = tpu.memref_slice %dma_start3A_161[%dma_start3A_162] : memref<4096xf32, #tpu.memory_space<vmem>> -> memref<128xf32, #tpu.memory_space<vmem>>
      %dma_start3A_164 = arith.constant 0 : i32
      %dma_start3A_165 = arith.constant 0 : i32
      %dma_start3A_166 = tpu.memref_slice %arg11[%dma_start3A_157, %dma_start3A_164, %dma_start3A_165] : memref<2x32x128xi32, #tpu.memory_space<vmem>> -> memref<1x32x128xi32, #tpu.memory_space<vmem>>
      %dma_start3A_167 = tpu.memref_squeeze %dma_start3A_166 : memref<1x32x128xi32, #tpu.memory_space<vmem>> -> memref<32x128xi32, #tpu.memory_space<vmem>>
      %dma_start3A_168 = arith.constant 0 : i32
      %dma_start3A_169 = tpu.memref_slice %dma_start3A_167[%dma_start3A_158, %dma_start3A_168] : memref<32x128xi32, #tpu.memory_space<vmem>> -> memref<1x128xi32, #tpu.memory_space<vmem>>
      %dma_start3A_170 = tpu.memref_squeeze %dma_start3A_169 : memref<1x128xi32, #tpu.memory_space<vmem>> -> memref<128xi32, #tpu.memory_space<vmem>>
      %dma_start3A_171 = arith.constant 0 : i32
      %dma_start3A_172 = tpu.memref_slice %arg10[%dma_start3A_171] : memref<1048576xf32, #tpu.memory_space<vmem_shared>> -> memref<1048576xf32, #tpu.memory_space<vmem_shared>>
      tpu.enqueue_indirect_dma source(%dma_start3A_163 : memref<128xf32, #tpu.memory_space<vmem>>) target(%dma_start3A_172 : memref<1048576xf32, #tpu.memory_space<vmem_shared>>) offsets(%dma_start3A_170 : memref<128xi32, #tpu.memory_space<vmem>>) semaphore(%arg16 : memref<!tpu.dma_semaphore, #tpu.memory_space<semaphore_mem>>) {add = true}
      %dma_start3A_173 = arith.constant 0 : i32
      %dma_start3A_174 = arith.constant 0 : i32
      %dma_start3A_175 = arith.constant 4 : i32
      %dma_start3A_176 = arith.constant 0 : i32
      %dma_start3A_177 = tpu.memref_slice %arg12[%dma_start3A_173, %dma_start3A_176] : memref<2x4096xf32, #tpu.memory_space<vmem>> -> memref<1x4096xf32, #tpu.memory_space<vmem>>
      %dma_start3A_178 = tpu.memref_squeeze %dma_start3A_177 : memref<1x4096xf32, #tpu.memory_space<vmem>> -> memref<4096xf32, #tpu.memory_space<vmem>>
      %dma_start3A_179 = arith.constant 512 : i32
      %dma_start3A_180 = tpu.memref_slice %dma_start3A_178[%dma_start3A_179] : memref<4096xf32, #tpu.memory_space<vmem>> -> memref<128xf32, #tpu.memory_space<vmem>>
      %dma_start3A_181 = arith.constant 0 : i32
      %dma_start3A_182 = arith.constant 0 : i32
      %dma_start3A_183 = tpu.memref_slice %arg11[%dma_start3A_174, %dma_start3A_181, %dma_start3A_182] : memref<2x32x128xi32, #tpu.memory_space<vmem>> -> memref<1x32x128xi32, #tpu.memory_space<vmem>>
      %dma_start3A_184 = tpu.memref_squeeze %dma_start3A_183 : memref<1x32x128xi32, #tpu.memory_space<vmem>> -> memref<32x128xi32, #tpu.memory_space<vmem>>
      %dma_start3A_185 = arith.constant 0 : i32
      %dma_start3A_186 = tpu.memref_slice %dma_start3A_184[%dma_start3A_175, %dma_start3A_185] : memref<32x128xi32, #tpu.memory_space<vmem>> -> memref<1x128xi32, #tpu.memory_space<vmem>>
      %dma_start3A_187 = tpu.memref_squeeze %dma_start3A_186 : memref<1x128xi32, #tpu.memory_space<vmem>> -> memref<128xi32, #tpu.memory_space<vmem>>
      %dma_start3A_188 = arith.constant 0 : i32
      %dma_start3A_189 = tpu.memref_slice %arg10[%dma_start3A_188] : memref<1048576xf32, #tpu.memory_space<vmem_shared>> -> memref<1048576xf32, #tpu.memory_space<vmem_shared>>
      tpu.enqueue_indirect_dma source(%dma_start3A_180 : memref<128xf32, #tpu.memory_space<vmem>>) target(%dma_start3A_189 : memref<1048576xf32, #tpu.memory_space<vmem_shared>>) offsets(%dma_start3A_187 : memref<128xi32, #tpu.memory_space<vmem>>) semaphore(%arg16 : memref<!tpu.dma_semaphore, #tpu.memory_space<semaphore_mem>>) {add = true}
      %dma_start3A_190 = arith.constant 0 : i32
      %dma_start3A_191 = arith.constant 0 : i32
      %dma_start3A_192 = arith.constant 5 : i32
      %dma_start3A_193 = arith.constant 0 : i32
      %dma_start3A_194 = tpu.memref_slice %arg12[%dma_start3A_190, %dma_start3A_193] : memref<2x4096xf32, #tpu.memory_space<vmem>> -> memref<1x4096xf32, #tpu.memory_space<vmem>>
      %dma_start3A_195 = tpu.memref_squeeze %dma_start3A_194 : memref<1x4096xf32, #tpu.memory_space<vmem>> -> memref<4096xf32, #tpu.memory_space<vmem>>
      %dma_start3A_196 = arith.constant 640 : i32
      %dma_start3A_197 = tpu.memref_slice %dma_start3A_195[%dma_start3A_196] : memref<4096xf32, #tpu.memory_space<vmem>> -> memref<128xf32, #tpu.memory_space<vmem>>
      %dma_start3A_198 = arith.constant 0 : i32
      %dma_start3A_199 = arith.constant 0 : i32
      %dma_start3A_200 = tpu.memref_slice %arg11[%dma_start3A_191, %dma_start3A_198, %dma_start3A_199] : memref<2x32x128xi32, #tpu.memory_space<vmem>> -> memref<1x32x128xi32, #tpu.memory_space<vmem>>
      %dma_start3A_201 = tpu.memref_squeeze %dma_start3A_200 : memref<1x32x128xi32, #tpu.memory_space<vmem>> -> memref<32x128xi32, #tpu.memory_space<vmem>>
      %dma_start3A_202 = arith.constant 0 : i32
      %dma_start3A_203 = tpu.memref_slice %dma_start3A_201[%dma_start3A_192, %dma_start3A_202] : memref<32x128xi32, #tpu.memory_space<vmem>> -> memref<1x128xi32, #tpu.memory_space<vmem>>
      %dma_start3A_204 = tpu.memref_squeeze %dma_start3A_203 : memref<1x128xi32, #tpu.memory_space<vmem>> -> memref<128xi32, #tpu.memory_space<vmem>>
      %dma_start3A_205 = arith.constant 0 : i32
      %dma_start3A_206 = tpu.memref_slice %arg10[%dma_start3A_205] : memref<1048576xf32, #tpu.memory_space<vmem_shared>> -> memref<1048576xf32, #tpu.memory_space<vmem_shared>>
      tpu.enqueue_indirect_dma source(%dma_start3A_197 : memref<128xf32, #tpu.memory_space<vmem>>) target(%dma_start3A_206 : memref<1048576xf32, #tpu.memory_space<vmem_shared>>) offsets(%dma_start3A_204 : memref<128xi32, #tpu.memory_space<vmem>>) semaphore(%arg16 : memref<!tpu.dma_semaphore, #tpu.memory_space<semaphore_mem>>) {add = true}
      %dma_start3A_207 = arith.constant 0 : i32
      %dma_start3A_208 = arith.constant 0 : i32
      %dma_start3A_209 = arith.constant 6 : i32
      %dma_start3A_210 = arith.constant 0 : i32
      %dma_start3A_211 = tpu.memref_slice %arg12[%dma_start3A_207, %dma_start3A_210] : memref<2x4096xf32, #tpu.memory_space<vmem>> -> memref<1x4096xf32, #tpu.memory_space<vmem>>
      %dma_start3A_212 = tpu.memref_squeeze %dma_start3A_211 : memref<1x4096xf32, #tpu.memory_space<vmem>> -> memref<4096xf32, #tpu.memory_space<vmem>>
      %dma_start3A_213 = arith.constant 768 : i32
      %dma_start3A_214 = tpu.memref_slice %dma_start3A_212[%dma_start3A_213] : memref<4096xf32, #tpu.memory_space<vmem>> -> memref<128xf32, #tpu.memory_space<vmem>>
      %dma_start3A_215 = arith.constant 0 : i32
      %dma_start3A_216 = arith.constant 0 : i32
      %dma_start3A_217 = tpu.memref_slice %arg11[%dma_start3A_208, %dma_start3A_215, %dma_start3A_216] : memref<2x32x128xi32, #tpu.memory_space<vmem>> -> memref<1x32x128xi32, #tpu.memory_space<vmem>>
      %dma_start3A_218 = tpu.memref_squeeze %dma_start3A_217 : memref<1x32x128xi32, #tpu.memory_space<vmem>> -> memref<32x128xi32, #tpu.memory_space<vmem>>
      %dma_start3A_219 = arith.constant 0 : i32
      %dma_start3A_220 = tpu.memref_slice %dma_start3A_218[%dma_start3A_209, %dma_start3A_219] : memref<32x128xi32, #tpu.memory_space<vmem>> -> memref<1x128xi32, #tpu.memory_space<vmem>>
      %dma_start3A_221 = tpu.memref_squeeze %dma_start3A_220 : memref<1x128xi32, #tpu.memory_space<vmem>> -> memref<128xi32, #tpu.memory_space<vmem>>
      %dma_start3A_222 = arith.constant 0 : i32
      %dma_start3A_223 = tpu.memref_slice %arg10[%dma_start3A_222] : memref<1048576xf32, #tpu.memory_space<vmem_shared>> -> memref<1048576xf32, #tpu.memory_space<vmem_shared>>
      tpu.enqueue_indirect_dma source(%dma_start3A_214 : memref<128xf32, #tpu.memory_space<vmem>>) target(%dma_start3A_223 : memref<1048576xf32, #tpu.memory_space<vmem_shared>>) offsets(%dma_start3A_221 : memref<128xi32, #tpu.memory_space<vmem>>) semaphore(%arg16 : memref<!tpu.dma_semaphore, #tpu.memory_space<semaphore_mem>>) {add = true}
      %dma_start3A_224 = arith.constant 0 : i32
      %dma_start3A_225 = arith.constant 0 : i32
      %dma_start3A_226 = arith.constant 7 : i32
      %dma_start3A_227 = arith.constant 0 : i32
      %dma_start3A_228 = tpu.memref_slice %arg12[%dma_start3A_224, %dma_start3A_227] : memref<2x4096xf32, #tpu.memory_space<vmem>> -> memref<1x4096xf32, #tpu.memory_space<vmem>>
      %dma_start3A_229 = tpu.memref_squeeze %dma_start3A_228 : memref<1x4096xf32, #tpu.memory_space<vmem>> -> memref<4096xf32, #tpu.memory_space<vmem>>
      %dma_start3A_230 = arith.constant 896 : i32
      %dma_start3A_231 = tpu.memref_slice %dma_start3A_229[%dma_start3A_230] : memref<4096xf32, #tpu.memory_space<vmem>> -> memref<128xf32, #tpu.memory_space<vmem>>
      %dma_start3A_232 = arith.constant 0 : i32
      %dma_start3A_233 = arith.constant 0 : i32
      %dma_start3A_234 = tpu.memref_slice %arg11[%dma_start3A_225, %dma_start3A_232, %dma_start3A_233] : memref<2x32x128xi32, #tpu.memory_space<vmem>> -> memref<1x32x128xi32, #tpu.memory_space<vmem>>
      %dma_start3A_235 = tpu.memref_squeeze %dma_start3A_234 : memref<1x32x128xi32, #tpu.memory_space<vmem>> -> memref<32x128xi32, #tpu.memory_space<vmem>>
      %dma_start3A_236 = arith.constant 0 : i32
      %dma_start3A_237 = tpu.memref_slice %dma_start3A_235[%dma_start3A_226, %dma_start3A_236] : memref<32x128xi32, #tpu.memory_space<vmem>> -> memref<1x128xi32, #tpu.memory_space<vmem>>
      %dma_start3A_238 = tpu.memref_squeeze %dma_start3A_237 : memref<1x128xi32, #tpu.memory_space<vmem>> -> memref<128xi32, #tpu.memory_space<vmem>>
      %dma_start3A_239 = arith.constant 0 : i32
      %dma_start3A_240 = tpu.memref_slice %arg10[%dma_start3A_239] : memref<1048576xf32, #tpu.memory_space<vmem_shared>> -> memref<1048576xf32, #tpu.memory_space<vmem_shared>>
      tpu.enqueue_indirect_dma source(%dma_start3A_231 : memref<128xf32, #tpu.memory_space<vmem>>) target(%dma_start3A_240 : memref<1048576xf32, #tpu.memory_space<vmem_shared>>) offsets(%dma_start3A_238 : memref<128xi32, #tpu.memory_space<vmem>>) semaphore(%arg16 : memref<!tpu.dma_semaphore, #tpu.memory_space<semaphore_mem>>) {add = true}
      %dma_start3A_241 = arith.constant 0 : i32
      %dma_start3A_242 = arith.constant 0 : i32
      %dma_start3A_243 = arith.constant 8 : i32
      %dma_start3A_244 = arith.constant 0 : i32
      %dma_start3A_245 = tpu.memref_slice %arg12[%dma_start3A_241, %dma_start3A_244] : memref<2x4096xf32, #tpu.memory_space<vmem>> -> memref<1x4096xf32, #tpu.memory_space<vmem>>
      %dma_start3A_246 = tpu.memref_squeeze %dma_start3A_245 : memref<1x4096xf32, #tpu.memory_space<vmem>> -> memref<4096xf32, #tpu.memory_space<vmem>>
      %dma_start3A_247 = arith.constant 1024 : i32
      %dma_start3A_248 = tpu.memref_slice %dma_start3A_246[%dma_start3A_247] : memref<4096xf32, #tpu.memory_space<vmem>> -> memref<128xf32, #tpu.memory_space<vmem>>
      %dma_start3A_249 = arith.constant 0 : i32
      %dma_start3A_250 = arith.constant 0 : i32
      %dma_start3A_251 = tpu.memref_slice %arg11[%dma_start3A_242, %dma_start3A_249, %dma_start3A_250] : memref<2x32x128xi32, #tpu.memory_space<vmem>> -> memref<1x32x128xi32, #tpu.memory_space<vmem>>
      %dma_start3A_252 = tpu.memref_squeeze %dma_start3A_251 : memref<1x32x128xi32, #tpu.memory_space<vmem>> -> memref<32x128xi32, #tpu.memory_space<vmem>>
      %dma_start3A_253 = arith.constant 0 : i32
      %dma_start3A_254 = tpu.memref_slice %dma_start3A_252[%dma_start3A_243, %dma_start3A_253] : memref<32x128xi32, #tpu.memory_space<vmem>> -> memref<1x128xi32, #tpu.memory_space<vmem>>
      %dma_start3A_255 = tpu.memref_squeeze %dma_start3A_254 : memref<1x128xi32, #tpu.memory_space<vmem>> -> memref<128xi32, #tpu.memory_space<vmem>>
      %dma_start3A_256 = arith.constant 0 : i32
      %dma_start3A_257 = tpu.memref_slice %arg10[%dma_start3A_256] : memref<1048576xf32, #tpu.memory_space<vmem_shared>> -> memref<1048576xf32, #tpu.memory_space<vmem_shared>>
      tpu.enqueue_indirect_dma source(%dma_start3A_248 : memref<128xf32, #tpu.memory_space<vmem>>) target(%dma_start3A_257 : memref<1048576xf32, #tpu.memory_space<vmem_shared>>) offsets(%dma_start3A_255 : memref<128xi32, #tpu.memory_space<vmem>>) semaphore(%arg16 : memref<!tpu.dma_semaphore, #tpu.memory_space<semaphore_mem>>) {add = true}
      %dma_start3A_258 = arith.constant 0 : i32
      %dma_start3A_259 = arith.constant 0 : i32
      %dma_start3A_260 = arith.constant 9 : i32
      %dma_start3A_261 = arith.constant 0 : i32
      %dma_start3A_262 = tpu.memref_slice %arg12[%dma_start3A_258, %dma_start3A_261] : memref<2x4096xf32, #tpu.memory_space<vmem>> -> memref<1x4096xf32, #tpu.memory_space<vmem>>
      %dma_start3A_263 = tpu.memref_squeeze %dma_start3A_262 : memref<1x4096xf32, #tpu.memory_space<vmem>> -> memref<4096xf32, #tpu.memory_space<vmem>>
      %dma_start3A_264 = arith.constant 1152 : i32
      %dma_start3A_265 = tpu.memref_slice %dma_start3A_263[%dma_start3A_264] : memref<4096xf32, #tpu.memory_space<vmem>> -> memref<128xf32, #tpu.memory_space<vmem>>
      %dma_start3A_266 = arith.constant 0 : i32
      %dma_start3A_267 = arith.constant 0 : i32
      %dma_start3A_268 = tpu.memref_slice %arg11[%dma_start3A_259, %dma_start3A_266, %dma_start3A_267] : memref<2x32x128xi32, #tpu.memory_space<vmem>> -> memref<1x32x128xi32, #tpu.memory_space<vmem>>
      %dma_start3A_269 = tpu.memref_squeeze %dma_start3A_268 : memref<1x32x128xi32, #tpu.memory_space<vmem>> -> memref<32x128xi32, #tpu.memory_space<vmem>>
      %dma_start3A_270 = arith.constant 0 : i32
      %dma_start3A_271 = tpu.memref_slice %dma_start3A_269[%dma_start3A_260, %dma_start3A_270] : memref<32x128xi32, #tpu.memory_space<vmem>> -> memref<1x128xi32, #tpu.memory_space<vmem>>
      %dma_start3A_272 = tpu.memref_squeeze %dma_start3A_271 : memref<1x128xi32, #tpu.memory_space<vmem>> -> memref<128xi32, #tpu.memory_space<vmem>>
      %dma_start3A_273 = arith.constant 0 : i32
      %dma_start3A_274 = tpu.memref_slice %arg10[%dma_start3A_273] : memref<1048576xf32, #tpu.memory_space<vmem_shared>> -> memref<1048576xf32, #tpu.memory_space<vmem_shared>>
      tpu.enqueue_indirect_dma source(%dma_start3A_265 : memref<128xf32, #tpu.memory_space<vmem>>) target(%dma_start3A_274 : memref<1048576xf32, #tpu.memory_space<vmem_shared>>) offsets(%dma_start3A_272 : memref<128xi32, #tpu.memory_space<vmem>>) semaphore(%arg16 : memref<!tpu.dma_semaphore, #tpu.memory_space<semaphore_mem>>) {add = true}
      %dma_start3A_275 = arith.constant 0 : i32
      %dma_start3A_276 = arith.constant 0 : i32
      %dma_start3A_277 = arith.constant 10 : i32
      %dma_start3A_278 = arith.constant 0 : i32
      %dma_start3A_279 = tpu.memref_slice %arg12[%dma_start3A_275, %dma_start3A_278] : memref<2x4096xf32, #tpu.memory_space<vmem>> -> memref<1x4096xf32, #tpu.memory_space<vmem>>
      %dma_start3A_280 = tpu.memref_squeeze %dma_start3A_279 : memref<1x4096xf32, #tpu.memory_space<vmem>> -> memref<4096xf32, #tpu.memory_space<vmem>>
      %dma_start3A_281 = arith.constant 1280 : i32
      %dma_start3A_282 = tpu.memref_slice %dma_start3A_280[%dma_start3A_281] : memref<4096xf32, #tpu.memory_space<vmem>> -> memref<128xf32, #tpu.memory_space<vmem>>
      %dma_start3A_283 = arith.constant 0 : i32
      %dma_start3A_284 = arith.constant 0 : i32
      %dma_start3A_285 = tpu.memref_slice %arg11[%dma_start3A_276, %dma_start3A_283, %dma_start3A_284] : memref<2x32x128xi32, #tpu.memory_space<vmem>> -> memref<1x32x128xi32, #tpu.memory_space<vmem>>
      %dma_start3A_286 = tpu.memref_squeeze %dma_start3A_285 : memref<1x32x128xi32, #tpu.memory_space<vmem>> -> memref<32x128xi32, #tpu.memory_space<vmem>>
      %dma_start3A_287 = arith.constant 0 : i32
      %dma_start3A_288 = tpu.memref_slice %dma_start3A_286[%dma_start3A_277, %dma_start3A_287] : memref<32x128xi32, #tpu.memory_space<vmem>> -> memref<1x128xi32, #tpu.memory_space<vmem>>
      %dma_start3A_289 = tpu.memref_squeeze %dma_start3A_288 : memref<1x128xi32, #tpu.memory_space<vmem>> -> memref<128xi32, #tpu.memory_space<vmem>>
      %dma_start3A_290 = arith.constant 0 : i32
      %dma_start3A_291 = tpu.memref_slice %arg10[%dma_start3A_290] : memref<1048576xf32, #tpu.memory_space<vmem_shared>> -> memref<1048576xf32, #tpu.memory_space<vmem_shared>>
      tpu.enqueue_indirect_dma source(%dma_start3A_282 : memref<128xf32, #tpu.memory_space<vmem>>) target(%dma_start3A_291 : memref<1048576xf32, #tpu.memory_space<vmem_shared>>) offsets(%dma_start3A_289 : memref<128xi32, #tpu.memory_space<vmem>>) semaphore(%arg16 : memref<!tpu.dma_semaphore, #tpu.memory_space<semaphore_mem>>) {add = true}
      %dma_start3A_292 = arith.constant 0 : i32
      %dma_start3A_293 = arith.constant 0 : i32
      %dma_start3A_294 = arith.constant 11 : i32
      %dma_start3A_295 = arith.constant 0 : i32
      %dma_start3A_296 = tpu.memref_slice %arg12[%dma_start3A_292, %dma_start3A_295] : memref<2x4096xf32, #tpu.memory_space<vmem>> -> memref<1x4096xf32, #tpu.memory_space<vmem>>
      %dma_start3A_297 = tpu.memref_squeeze %dma_start3A_296 : memref<1x4096xf32, #tpu.memory_space<vmem>> -> memref<4096xf32, #tpu.memory_space<vmem>>
      %dma_start3A_298 = arith.constant 1408 : i32
      %dma_start3A_299 = tpu.memref_slice %dma_start3A_297[%dma_start3A_298] : memref<4096xf32, #tpu.memory_space<vmem>> -> memref<128xf32, #tpu.memory_space<vmem>>
      %dma_start3A_300 = arith.constant 0 : i32
      %dma_start3A_301 = arith.constant 0 : i32
      %dma_start3A_302 = tpu.memref_slice %arg11[%dma_start3A_293, %dma_start3A_300, %dma_start3A_301] : memref<2x32x128xi32, #tpu.memory_space<vmem>> -> memref<1x32x128xi32, #tpu.memory_space<vmem>>
      %dma_start3A_303 = tpu.memref_squeeze %dma_start3A_302 : memref<1x32x128xi32, #tpu.memory_space<vmem>> -> memref<32x128xi32, #tpu.memory_space<vmem>>
      %dma_start3A_304 = arith.constant 0 : i32
      %dma_start3A_305 = tpu.memref_slice %dma_start3A_303[%dma_start3A_294, %dma_start3A_304] : memref<32x128xi32, #tpu.memory_space<vmem>> -> memref<1x128xi32, #tpu.memory_space<vmem>>
      %dma_start3A_306 = tpu.memref_squeeze %dma_start3A_305 : memref<1x128xi32, #tpu.memory_space<vmem>> -> memref<128xi32, #tpu.memory_space<vmem>>
      %dma_start3A_307 = arith.constant 0 : i32
      %dma_start3A_308 = tpu.memref_slice %arg10[%dma_start3A_307] : memref<1048576xf32, #tpu.memory_space<vmem_shared>> -> memref<1048576xf32, #tpu.memory_space<vmem_shared>>
      tpu.enqueue_indirect_dma source(%dma_start3A_299 : memref<128xf32, #tpu.memory_space<vmem>>) target(%dma_start3A_308 : memref<1048576xf32, #tpu.memory_space<vmem_shared>>) offsets(%dma_start3A_306 : memref<128xi32, #tpu.memory_space<vmem>>) semaphore(%arg16 : memref<!tpu.dma_semaphore, #tpu.memory_space<semaphore_mem>>) {add = true}
      %dma_start3A_309 = arith.constant 0 : i32
      %dma_start3A_310 = arith.constant 0 : i32
      %dma_start3A_311 = arith.constant 12 : i32
      %dma_start3A_312 = arith.constant 0 : i32
      %dma_start3A_313 = tpu.memref_slice %arg12[%dma_start3A_309, %dma_start3A_312] : memref<2x4096xf32, #tpu.memory_space<vmem>> -> memref<1x4096xf32, #tpu.memory_space<vmem>>
      %dma_start3A_314 = tpu.memref_squeeze %dma_start3A_313 : memref<1x4096xf32, #tpu.memory_space<vmem>> -> memref<4096xf32, #tpu.memory_space<vmem>>
      %dma_start3A_315 = arith.constant 1536 : i32
      %dma_start3A_316 = tpu.memref_slice %dma_start3A_314[%dma_start3A_315] : memref<4096xf32, #tpu.memory_space<vmem>> -> memref<128xf32, #tpu.memory_space<vmem>>
      %dma_start3A_317 = arith.constant 0 : i32
      %dma_start3A_318 = arith.constant 0 : i32
      %dma_start3A_319 = tpu.memref_slice %arg11[%dma_start3A_310, %dma_start3A_317, %dma_start3A_318] : memref<2x32x128xi32, #tpu.memory_space<vmem>> -> memref<1x32x128xi32, #tpu.memory_space<vmem>>
      %dma_start3A_320 = tpu.memref_squeeze %dma_start3A_319 : memref<1x32x128xi32, #tpu.memory_space<vmem>> -> memref<32x128xi32, #tpu.memory_space<vmem>>
      %dma_start3A_321 = arith.constant 0 : i32
      %dma_start3A_322 = tpu.memref_slice %dma_start3A_320[%dma_start3A_311, %dma_start3A_321] : memref<32x128xi32, #tpu.memory_space<vmem>> -> memref<1x128xi32, #tpu.memory_space<vmem>>
      %dma_start3A_323 = tpu.memref_squeeze %dma_start3A_322 : memref<1x128xi32, #tpu.memory_space<vmem>> -> memref<128xi32, #tpu.memory_space<vmem>>
      %dma_start3A_324 = arith.constant 0 : i32
      %dma_start3A_325 = tpu.memref_slice %arg10[%dma_start3A_324] : memref<1048576xf32, #tpu.memory_space<vmem_shared>> -> memref<1048576xf32, #tpu.memory_space<vmem_shared>>
      tpu.enqueue_indirect_dma source(%dma_start3A_316 : memref<128xf32, #tpu.memory_space<vmem>>) target(%dma_start3A_325 : memref<1048576xf32, #tpu.memory_space<vmem_shared>>) offsets(%dma_start3A_323 : memref<128xi32, #tpu.memory_space<vmem>>) semaphore(%arg16 : memref<!tpu.dma_semaphore, #tpu.memory_space<semaphore_mem>>) {add = true}
      %dma_start3A_326 = arith.constant 0 : i32
      %dma_start3A_327 = arith.constant 0 : i32
      %dma_start3A_328 = arith.constant 13 : i32
      %dma_start3A_329 = arith.constant 0 : i32
      %dma_start3A_330 = tpu.memref_slice %arg12[%dma_start3A_326, %dma_start3A_329] : memref<2x4096xf32, #tpu.memory_space<vmem>> -> memref<1x4096xf32, #tpu.memory_space<vmem>>
      %dma_start3A_331 = tpu.memref_squeeze %dma_start3A_330 : memref<1x4096xf32, #tpu.memory_space<vmem>> -> memref<4096xf32, #tpu.memory_space<vmem>>
      %dma_start3A_332 = arith.constant 1664 : i32
      %dma_start3A_333 = tpu.memref_slice %dma_start3A_331[%dma_start3A_332] : memref<4096xf32, #tpu.memory_space<vmem>> -> memref<128xf32, #tpu.memory_space<vmem>>
      %dma_start3A_334 = arith.constant 0 : i32
      %dma_start3A_335 = arith.constant 0 : i32
      %dma_start3A_336 = tpu.memref_slice %arg11[%dma_start3A_327, %dma_start3A_334, %dma_start3A_335] : memref<2x32x128xi32, #tpu.memory_space<vmem>> -> memref<1x32x128xi32, #tpu.memory_space<vmem>>
      %dma_start3A_337 = tpu.memref_squeeze %dma_start3A_336 : memref<1x32x128xi32, #tpu.memory_space<vmem>> -> memref<32x128xi32, #tpu.memory_space<vmem>>
      %dma_start3A_338 = arith.constant 0 : i32
      %dma_start3A_339 = tpu.memref_slice %dma_start3A_337[%dma_start3A_328, %dma_start3A_338] : memref<32x128xi32, #tpu.memory_space<vmem>> -> memref<1x128xi32, #tpu.memory_space<vmem>>
      %dma_start3A_340 = tpu.memref_squeeze %dma_start3A_339 : memref<1x128xi32, #tpu.memory_space<vmem>> -> memref<128xi32, #tpu.memory_space<vmem>>
      %dma_start3A_341 = arith.constant 0 : i32
      %dma_start3A_342 = tpu.memref_slice %arg10[%dma_start3A_341] : memref<1048576xf32, #tpu.memory_space<vmem_shared>> -> memref<1048576xf32, #tpu.memory_space<vmem_shared>>
      tpu.enqueue_indirect_dma source(%dma_start3A_333 : memref<128xf32, #tpu.memory_space<vmem>>) target(%dma_start3A_342 : memref<1048576xf32, #tpu.memory_space<vmem_shared>>) offsets(%dma_start3A_340 : memref<128xi32, #tpu.memory_space<vmem>>) semaphore(%arg16 : memref<!tpu.dma_semaphore, #tpu.memory_space<semaphore_mem>>) {add = true}
      %dma_start3A_343 = arith.constant 0 : i32
      %dma_start3A_344 = arith.constant 0 : i32
      %dma_start3A_345 = arith.constant 14 : i32
      %dma_start3A_346 = arith.constant 0 : i32
      %dma_start3A_347 = tpu.memref_slice %arg12[%dma_start3A_343, %dma_start3A_346] : memref<2x4096xf32, #tpu.memory_space<vmem>> -> memref<1x4096xf32, #tpu.memory_space<vmem>>
      %dma_start3A_348 = tpu.memref_squeeze %dma_start3A_347 : memref<1x4096xf32, #tpu.memory_space<vmem>> -> memref<4096xf32, #tpu.memory_space<vmem>>
      %dma_start3A_349 = arith.constant 1792 : i32
      %dma_start3A_350 = tpu.memref_slice %dma_start3A_348[%dma_start3A_349] : memref<4096xf32, #tpu.memory_space<vmem>> -> memref<128xf32, #tpu.memory_space<vmem>>
      %dma_start3A_351 = arith.constant 0 : i32
      %dma_start3A_352 = arith.constant 0 : i32
      %dma_start3A_353 = tpu.memref_slice %arg11[%dma_start3A_344, %dma_start3A_351, %dma_start3A_352] : memref<2x32x128xi32, #tpu.memory_space<vmem>> -> memref<1x32x128xi32, #tpu.memory_space<vmem>>
      %dma_start3A_354 = tpu.memref_squeeze %dma_start3A_353 : memref<1x32x128xi32, #tpu.memory_space<vmem>> -> memref<32x128xi32, #tpu.memory_space<vmem>>
      %dma_start3A_355 = arith.constant 0 : i32
      %dma_start3A_356 = tpu.memref_slice %dma_start3A_354[%dma_start3A_345, %dma_start3A_355] : memref<32x128xi32, #tpu.memory_space<vmem>> -> memref<1x128xi32, #tpu.memory_space<vmem>>
      %dma_start3A_357 = tpu.memref_squeeze %dma_start3A_356 : memref<1x128xi32, #tpu.memory_space<vmem>> -> memref<128xi32, #tpu.memory_space<vmem>>
      %dma_start3A_358 = arith.constant 0 : i32
      %dma_start3A_359 = tpu.memref_slice %arg10[%dma_start3A_358] : memref<1048576xf32, #tpu.memory_space<vmem_shared>> -> memref<1048576xf32, #tpu.memory_space<vmem_shared>>
      tpu.enqueue_indirect_dma source(%dma_start3A_350 : memref<128xf32, #tpu.memory_space<vmem>>) target(%dma_start3A_359 : memref<1048576xf32, #tpu.memory_space<vmem_shared>>) offsets(%dma_start3A_357 : memref<128xi32, #tpu.memory_space<vmem>>) semaphore(%arg16 : memref<!tpu.dma_semaphore, #tpu.memory_space<semaphore_mem>>) {add = true}
      %dma_start3A_360 = arith.constant 0 : i32
      %dma_start3A_361 = arith.constant 0 : i32
      %dma_start3A_362 = arith.constant 15 : i32
      %dma_start3A_363 = arith.constant 0 : i32
      %dma_start3A_364 = tpu.memref_slice %arg12[%dma_start3A_360, %dma_start3A_363] : memref<2x4096xf32, #tpu.memory_space<vmem>> -> memref<1x4096xf32, #tpu.memory_space<vmem>>
      %dma_start3A_365 = tpu.memref_squeeze %dma_start3A_364 : memref<1x4096xf32, #tpu.memory_space<vmem>> -> memref<4096xf32, #tpu.memory_space<vmem>>
      %dma_start3A_366 = arith.constant 1920 : i32
      %dma_start3A_367 = tpu.memref_slice %dma_start3A_365[%dma_start3A_366] : memref<4096xf32, #tpu.memory_space<vmem>> -> memref<128xf32, #tpu.memory_space<vmem>>
      %dma_start3A_368 = arith.constant 0 : i32
      %dma_start3A_369 = arith.constant 0 : i32
      %dma_start3A_370 = tpu.memref_slice %arg11[%dma_start3A_361, %dma_start3A_368, %dma_start3A_369] : memref<2x32x128xi32, #tpu.memory_space<vmem>> -> memref<1x32x128xi32, #tpu.memory_space<vmem>>
      %dma_start3A_371 = tpu.memref_squeeze %dma_start3A_370 : memref<1x32x128xi32, #tpu.memory_space<vmem>> -> memref<32x128xi32, #tpu.memory_space<vmem>>
      %dma_start3A_372 = arith.constant 0 : i32
      %dma_start3A_373 = tpu.memref_slice %dma_start3A_371[%dma_start3A_362, %dma_start3A_372] : memref<32x128xi32, #tpu.memory_space<vmem>> -> memref<1x128xi32, #tpu.memory_space<vmem>>
      %dma_start3A_374 = tpu.memref_squeeze %dma_start3A_373 : memref<1x128xi32, #tpu.memory_space<vmem>> -> memref<128xi32, #tpu.memory_space<vmem>>
      %dma_start3A_375 = arith.constant 0 : i32
      %dma_start3A_376 = tpu.memref_slice %arg10[%dma_start3A_375] : memref<1048576xf32, #tpu.memory_space<vmem_shared>> -> memref<1048576xf32, #tpu.memory_space<vmem_shared>>
      tpu.enqueue_indirect_dma source(%dma_start3A_367 : memref<128xf32, #tpu.memory_space<vmem>>) target(%dma_start3A_376 : memref<1048576xf32, #tpu.memory_space<vmem_shared>>) offsets(%dma_start3A_374 : memref<128xi32, #tpu.memory_space<vmem>>) semaphore(%arg16 : memref<!tpu.dma_semaphore, #tpu.memory_space<semaphore_mem>>) {add = true}
      %dma_start3A_377 = arith.constant 0 : i32
      %dma_start3A_378 = arith.constant 0 : i32
      %dma_start3A_379 = arith.constant 16 : i32
      %dma_start3A_380 = arith.constant 0 : i32
      %dma_start3A_381 = tpu.memref_slice %arg12[%dma_start3A_377, %dma_start3A_380] : memref<2x4096xf32, #tpu.memory_space<vmem>> -> memref<1x4096xf32, #tpu.memory_space<vmem>>
      %dma_start3A_382 = tpu.memref_squeeze %dma_start3A_381 : memref<1x4096xf32, #tpu.memory_space<vmem>> -> memref<4096xf32, #tpu.memory_space<vmem>>
      %dma_start3A_383 = arith.constant 2048 : i32
      %dma_start3A_384 = tpu.memref_slice %dma_start3A_382[%dma_start3A_383] : memref<4096xf32, #tpu.memory_space<vmem>> -> memref<128xf32, #tpu.memory_space<vmem>>
      %dma_start3A_385 = arith.constant 0 : i32
      %dma_start3A_386 = arith.constant 0 : i32
      %dma_start3A_387 = tpu.memref_slice %arg11[%dma_start3A_378, %dma_start3A_385, %dma_start3A_386] : memref<2x32x128xi32, #tpu.memory_space<vmem>> -> memref<1x32x128xi32, #tpu.memory_space<vmem>>
      %dma_start3A_388 = tpu.memref_squeeze %dma_start3A_387 : memref<1x32x128xi32, #tpu.memory_space<vmem>> -> memref<32x128xi32, #tpu.memory_space<vmem>>
      %dma_start3A_389 = arith.constant 0 : i32
      %dma_start3A_390 = tpu.memref_slice %dma_start3A_388[%dma_start3A_379, %dma_start3A_389] : memref<32x128xi32, #tpu.memory_space<vmem>> -> memref<1x128xi32, #tpu.memory_space<vmem>>
      %dma_start3A_391 = tpu.memref_squeeze %dma_start3A_390 : memref<1x128xi32, #tpu.memory_space<vmem>> -> memref<128xi32, #tpu.memory_space<vmem>>
      %dma_start3A_392 = arith.constant 0 : i32
      %dma_start3A_393 = tpu.memref_slice %arg10[%dma_start3A_392] : memref<1048576xf32, #tpu.memory_space<vmem_shared>> -> memref<1048576xf32, #tpu.memory_space<vmem_shared>>
      tpu.enqueue_indirect_dma source(%dma_start3A_384 : memref<128xf32, #tpu.memory_space<vmem>>) target(%dma_start3A_393 : memref<1048576xf32, #tpu.memory_space<vmem_shared>>) offsets(%dma_start3A_391 : memref<128xi32, #tpu.memory_space<vmem>>) semaphore(%arg16 : memref<!tpu.dma_semaphore, #tpu.memory_space<semaphore_mem>>) {add = true}
      %dma_start3A_394 = arith.constant 0 : i32
      %dma_start3A_395 = arith.constant 0 : i32
      %dma_start3A_396 = arith.constant 17 : i32
      %dma_start3A_397 = arith.constant 0 : i32
      %dma_start3A_398 = tpu.memref_slice %arg12[%dma_start3A_394, %dma_start3A_397] : memref<2x4096xf32, #tpu.memory_space<vmem>> -> memref<1x4096xf32, #tpu.memory_space<vmem>>
      %dma_start3A_399 = tpu.memref_squeeze %dma_start3A_398 : memref<1x4096xf32, #tpu.memory_space<vmem>> -> memref<4096xf32, #tpu.memory_space<vmem>>
      %dma_start3A_400 = arith.constant 2176 : i32
      %dma_start3A_401 = tpu.memref_slice %dma_start3A_399[%dma_start3A_400] : memref<4096xf32, #tpu.memory_space<vmem>> -> memref<128xf32, #tpu.memory_space<vmem>>
      %dma_start3A_402 = arith.constant 0 : i32
      %dma_start3A_403 = arith.constant 0 : i32
      %dma_start3A_404 = tpu.memref_slice %arg11[%dma_start3A_395, %dma_start3A_402, %dma_start3A_403] : memref<2x32x128xi32, #tpu.memory_space<vmem>> -> memref<1x32x128xi32, #tpu.memory_space<vmem>>
      %dma_start3A_405 = tpu.memref_squeeze %dma_start3A_404 : memref<1x32x128xi32, #tpu.memory_space<vmem>> -> memref<32x128xi32, #tpu.memory_space<vmem>>
      %dma_start3A_406 = arith.constant 0 : i32
      %dma_start3A_407 = tpu.memref_slice %dma_start3A_405[%dma_start3A_396, %dma_start3A_406] : memref<32x128xi32, #tpu.memory_space<vmem>> -> memref<1x128xi32, #tpu.memory_space<vmem>>
      %dma_start3A_408 = tpu.memref_squeeze %dma_start3A_407 : memref<1x128xi32, #tpu.memory_space<vmem>> -> memref<128xi32, #tpu.memory_space<vmem>>
      %dma_start3A_409 = arith.constant 0 : i32
      %dma_start3A_410 = tpu.memref_slice %arg10[%dma_start3A_409] : memref<1048576xf32, #tpu.memory_space<vmem_shared>> -> memref<1048576xf32, #tpu.memory_space<vmem_shared>>
      tpu.enqueue_indirect_dma source(%dma_start3A_401 : memref<128xf32, #tpu.memory_space<vmem>>) target(%dma_start3A_410 : memref<1048576xf32, #tpu.memory_space<vmem_shared>>) offsets(%dma_start3A_408 : memref<128xi32, #tpu.memory_space<vmem>>) semaphore(%arg16 : memref<!tpu.dma_semaphore, #tpu.memory_space<semaphore_mem>>) {add = true}
      %dma_start3A_411 = arith.constant 0 : i32
      %dma_start3A_412 = arith.constant 0 : i32
      %dma_start3A_413 = arith.constant 18 : i32
      %dma_start3A_414 = arith.constant 0 : i32
      %dma_start3A_415 = tpu.memref_slice %arg12[%dma_start3A_411, %dma_start3A_414] : memref<2x4096xf32, #tpu.memory_space<vmem>> -> memref<1x4096xf32, #tpu.memory_space<vmem>>
      %dma_start3A_416 = tpu.memref_squeeze %dma_start3A_415 : memref<1x4096xf32, #tpu.memory_space<vmem>> -> memref<4096xf32, #tpu.memory_space<vmem>>
      %dma_start3A_417 = arith.constant 2304 : i32
      %dma_start3A_418 = tpu.memref_slice %dma_start3A_416[%dma_start3A_417] : memref<4096xf32, #tpu.memory_space<vmem>> -> memref<128xf32, #tpu.memory_space<vmem>>
      %dma_start3A_419 = arith.constant 0 : i32
      %dma_start3A_420 = arith.constant 0 : i32
      %dma_start3A_421 = tpu.memref_slice %arg11[%dma_start3A_412, %dma_start3A_419, %dma_start3A_420] : memref<2x32x128xi32, #tpu.memory_space<vmem>> -> memref<1x32x128xi32, #tpu.memory_space<vmem>>
      %dma_start3A_422 = tpu.memref_squeeze %dma_start3A_421 : memref<1x32x128xi32, #tpu.memory_space<vmem>> -> memref<32x128xi32, #tpu.memory_space<vmem>>
      %dma_start3A_423 = arith.constant 0 : i32
      %dma_start3A_424 = tpu.memref_slice %dma_start3A_422[%dma_start3A_413, %dma_start3A_423] : memref<32x128xi32, #tpu.memory_space<vmem>> -> memref<1x128xi32, #tpu.memory_space<vmem>>
      %dma_start3A_425 = tpu.memref_squeeze %dma_start3A_424 : memref<1x128xi32, #tpu.memory_space<vmem>> -> memref<128xi32, #tpu.memory_space<vmem>>
      %dma_start3A_426 = arith.constant 0 : i32
      %dma_start3A_427 = tpu.memref_slice %arg10[%dma_start3A_426] : memref<1048576xf32, #tpu.memory_space<vmem_shared>> -> memref<1048576xf32, #tpu.memory_space<vmem_shared>>
      tpu.enqueue_indirect_dma source(%dma_start3A_418 : memref<128xf32, #tpu.memory_space<vmem>>) target(%dma_start3A_427 : memref<1048576xf32, #tpu.memory_space<vmem_shared>>) offsets(%dma_start3A_425 : memref<128xi32, #tpu.memory_space<vmem>>) semaphore(%arg16 : memref<!tpu.dma_semaphore, #tpu.memory_space<semaphore_mem>>) {add = true}
      %dma_start3A_428 = arith.constant 0 : i32
      %dma_start3A_429 = arith.constant 0 : i32
      %dma_start3A_430 = arith.constant 19 : i32
      %dma_start3A_431 = arith.constant 0 : i32
      %dma_start3A_432 = tpu.memref_slice %arg12[%dma_start3A_428, %dma_start3A_431] : memref<2x4096xf32, #tpu.memory_space<vmem>> -> memref<1x4096xf32, #tpu.memory_space<vmem>>
      %dma_start3A_433 = tpu.memref_squeeze %dma_start3A_432 : memref<1x4096xf32, #tpu.memory_space<vmem>> -> memref<4096xf32, #tpu.memory_space<vmem>>
      %dma_start3A_434 = arith.constant 2432 : i32
      %dma_start3A_435 = tpu.memref_slice %dma_start3A_433[%dma_start3A_434] : memref<4096xf32, #tpu.memory_space<vmem>> -> memref<128xf32, #tpu.memory_space<vmem>>
      %dma_start3A_436 = arith.constant 0 : i32
      %dma_start3A_437 = arith.constant 0 : i32
      %dma_start3A_438 = tpu.memref_slice %arg11[%dma_start3A_429, %dma_start3A_436, %dma_start3A_437] : memref<2x32x128xi32, #tpu.memory_space<vmem>> -> memref<1x32x128xi32, #tpu.memory_space<vmem>>
      %dma_start3A_439 = tpu.memref_squeeze %dma_start3A_438 : memref<1x32x128xi32, #tpu.memory_space<vmem>> -> memref<32x128xi32, #tpu.memory_space<vmem>>
      %dma_start3A_440 = arith.constant 0 : i32
      %dma_start3A_441 = tpu.memref_slice %dma_start3A_439[%dma_start3A_430, %dma_start3A_440] : memref<32x128xi32, #tpu.memory_space<vmem>> -> memref<1x128xi32, #tpu.memory_space<vmem>>
      %dma_start3A_442 = tpu.memref_squeeze %dma_start3A_441 : memref<1x128xi32, #tpu.memory_space<vmem>> -> memref<128xi32, #tpu.memory_space<vmem>>
      %dma_start3A_443 = arith.constant 0 : i32
      %dma_start3A_444 = tpu.memref_slice %arg10[%dma_start3A_443] : memref<1048576xf32, #tpu.memory_space<vmem_shared>> -> memref<1048576xf32, #tpu.memory_space<vmem_shared>>
      tpu.enqueue_indirect_dma source(%dma_start3A_435 : memref<128xf32, #tpu.memory_space<vmem>>) target(%dma_start3A_444 : memref<1048576xf32, #tpu.memory_space<vmem_shared>>) offsets(%dma_start3A_442 : memref<128xi32, #tpu.memory_space<vmem>>) semaphore(%arg16 : memref<!tpu.dma_semaphore, #tpu.memory_space<semaphore_mem>>) {add = true}
      %dma_start3A_445 = arith.constant 0 : i32
      %dma_start3A_446 = arith.constant 0 : i32
      %dma_start3A_447 = arith.constant 20 : i32
      %dma_start3A_448 = arith.constant 0 : i32
      %dma_start3A_449 = tpu.memref_slice %arg12[%dma_start3A_445, %dma_start3A_448] : memref<2x4096xf32, #tpu.memory_space<vmem>> -> memref<1x4096xf32, #tpu.memory_space<vmem>>
      %dma_start3A_450 = tpu.memref_squeeze %dma_start3A_449 : memref<1x4096xf32, #tpu.memory_space<vmem>> -> memref<4096xf32, #tpu.memory_space<vmem>>
      %dma_start3A_451 = arith.constant 2560 : i32
      %dma_start3A_452 = tpu.memref_slice %dma_start3A_450[%dma_start3A_451] : memref<4096xf32, #tpu.memory_space<vmem>> -> memref<128xf32, #tpu.memory_space<vmem>>
      %dma_start3A_453 = arith.constant 0 : i32
      %dma_start3A_454 = arith.constant 0 : i32
      %dma_start3A_455 = tpu.memref_slice %arg11[%dma_start3A_446, %dma_start3A_453, %dma_start3A_454] : memref<2x32x128xi32, #tpu.memory_space<vmem>> -> memref<1x32x128xi32, #tpu.memory_space<vmem>>
      %dma_start3A_456 = tpu.memref_squeeze %dma_start3A_455 : memref<1x32x128xi32, #tpu.memory_space<vmem>> -> memref<32x128xi32, #tpu.memory_space<vmem>>
      %dma_start3A_457 = arith.constant 0 : i32
      %dma_start3A_458 = tpu.memref_slice %dma_start3A_456[%dma_start3A_447, %dma_start3A_457] : memref<32x128xi32, #tpu.memory_space<vmem>> -> memref<1x128xi32, #tpu.memory_space<vmem>>
      %dma_start3A_459 = tpu.memref_squeeze %dma_start3A_458 : memref<1x128xi32, #tpu.memory_space<vmem>> -> memref<128xi32, #tpu.memory_space<vmem>>
      %dma_start3A_460 = arith.constant 0 : i32
      %dma_start3A_461 = tpu.memref_slice %arg10[%dma_start3A_460] : memref<1048576xf32, #tpu.memory_space<vmem_shared>> -> memref<1048576xf32, #tpu.memory_space<vmem_shared>>
      tpu.enqueue_indirect_dma source(%dma_start3A_452 : memref<128xf32, #tpu.memory_space<vmem>>) target(%dma_start3A_461 : memref<1048576xf32, #tpu.memory_space<vmem_shared>>) offsets(%dma_start3A_459 : memref<128xi32, #tpu.memory_space<vmem>>) semaphore(%arg16 : memref<!tpu.dma_semaphore, #tpu.memory_space<semaphore_mem>>) {add = true}
      %dma_start3A_462 = arith.constant 0 : i32
      %dma_start3A_463 = arith.constant 0 : i32
      %dma_start3A_464 = arith.constant 21 : i32
      %dma_start3A_465 = arith.constant 0 : i32
      %dma_start3A_466 = tpu.memref_slice %arg12[%dma_start3A_462, %dma_start3A_465] : memref<2x4096xf32, #tpu.memory_space<vmem>> -> memref<1x4096xf32, #tpu.memory_space<vmem>>
      %dma_start3A_467 = tpu.memref_squeeze %dma_start3A_466 : memref<1x4096xf32, #tpu.memory_space<vmem>> -> memref<4096xf32, #tpu.memory_space<vmem>>
      %dma_start3A_468 = arith.constant 2688 : i32
      %dma_start3A_469 = tpu.memref_slice %dma_start3A_467[%dma_start3A_468] : memref<4096xf32, #tpu.memory_space<vmem>> -> memref<128xf32, #tpu.memory_space<vmem>>
      %dma_start3A_470 = arith.constant 0 : i32
      %dma_start3A_471 = arith.constant 0 : i32
      %dma_start3A_472 = tpu.memref_slice %arg11[%dma_start3A_463, %dma_start3A_470, %dma_start3A_471] : memref<2x32x128xi32, #tpu.memory_space<vmem>> -> memref<1x32x128xi32, #tpu.memory_space<vmem>>
      %dma_start3A_473 = tpu.memref_squeeze %dma_start3A_472 : memref<1x32x128xi32, #tpu.memory_space<vmem>> -> memref<32x128xi32, #tpu.memory_space<vmem>>
      %dma_start3A_474 = arith.constant 0 : i32
      %dma_start3A_475 = tpu.memref_slice %dma_start3A_473[%dma_start3A_464, %dma_start3A_474] : memref<32x128xi32, #tpu.memory_space<vmem>> -> memref<1x128xi32, #tpu.memory_space<vmem>>
      %dma_start3A_476 = tpu.memref_squeeze %dma_start3A_475 : memref<1x128xi32, #tpu.memory_space<vmem>> -> memref<128xi32, #tpu.memory_space<vmem>>
      %dma_start3A_477 = arith.constant 0 : i32
      %dma_start3A_478 = tpu.memref_slice %arg10[%dma_start3A_477] : memref<1048576xf32, #tpu.memory_space<vmem_shared>> -> memref<1048576xf32, #tpu.memory_space<vmem_shared>>
      tpu.enqueue_indirect_dma source(%dma_start3A_469 : memref<128xf32, #tpu.memory_space<vmem>>) target(%dma_start3A_478 : memref<1048576xf32, #tpu.memory_space<vmem_shared>>) offsets(%dma_start3A_476 : memref<128xi32, #tpu.memory_space<vmem>>) semaphore(%arg16 : memref<!tpu.dma_semaphore, #tpu.memory_space<semaphore_mem>>) {add = true}
      %dma_start3A_479 = arith.constant 0 : i32
      %dma_start3A_480 = arith.constant 0 : i32
      %dma_start3A_481 = arith.constant 22 : i32
      %dma_start3A_482 = arith.constant 0 : i32
      %dma_start3A_483 = tpu.memref_slice %arg12[%dma_start3A_479, %dma_start3A_482] : memref<2x4096xf32, #tpu.memory_space<vmem>> -> memref<1x4096xf32, #tpu.memory_space<vmem>>
      %dma_start3A_484 = tpu.memref_squeeze %dma_start3A_483 : memref<1x4096xf32, #tpu.memory_space<vmem>> -> memref<4096xf32, #tpu.memory_space<vmem>>
      %dma_start3A_485 = arith.constant 2816 : i32
      %dma_start3A_486 = tpu.memref_slice %dma_start3A_484[%dma_start3A_485] : memref<4096xf32, #tpu.memory_space<vmem>> -> memref<128xf32, #tpu.memory_space<vmem>>
      %dma_start3A_487 = arith.constant 0 : i32
      %dma_start3A_488 = arith.constant 0 : i32
      %dma_start3A_489 = tpu.memref_slice %arg11[%dma_start3A_480, %dma_start3A_487, %dma_start3A_488] : memref<2x32x128xi32, #tpu.memory_space<vmem>> -> memref<1x32x128xi32, #tpu.memory_space<vmem>>
      %dma_start3A_490 = tpu.memref_squeeze %dma_start3A_489 : memref<1x32x128xi32, #tpu.memory_space<vmem>> -> memref<32x128xi32, #tpu.memory_space<vmem>>
      %dma_start3A_491 = arith.constant 0 : i32
      %dma_start3A_492 = tpu.memref_slice %dma_start3A_490[%dma_start3A_481, %dma_start3A_491] : memref<32x128xi32, #tpu.memory_space<vmem>> -> memref<1x128xi32, #tpu.memory_space<vmem>>
      %dma_start3A_493 = tpu.memref_squeeze %dma_start3A_492 : memref<1x128xi32, #tpu.memory_space<vmem>> -> memref<128xi32, #tpu.memory_space<vmem>>
      %dma_start3A_494 = arith.constant 0 : i32
      %dma_start3A_495 = tpu.memref_slice %arg10[%dma_start3A_494] : memref<1048576xf32, #tpu.memory_space<vmem_shared>> -> memref<1048576xf32, #tpu.memory_space<vmem_shared>>
      tpu.enqueue_indirect_dma source(%dma_start3A_486 : memref<128xf32, #tpu.memory_space<vmem>>) target(%dma_start3A_495 : memref<1048576xf32, #tpu.memory_space<vmem_shared>>) offsets(%dma_start3A_493 : memref<128xi32, #tpu.memory_space<vmem>>) semaphore(%arg16 : memref<!tpu.dma_semaphore, #tpu.memory_space<semaphore_mem>>) {add = true}
      %dma_start3A_496 = arith.constant 0 : i32
      %dma_start3A_497 = arith.constant 0 : i32
      %dma_start3A_498 = arith.constant 23 : i32
      %dma_start3A_499 = arith.constant 0 : i32
      %dma_start3A_500 = tpu.memref_slice %arg12[%dma_start3A_496, %dma_start3A_499] : memref<2x4096xf32, #tpu.memory_space<vmem>> -> memref<1x4096xf32, #tpu.memory_space<vmem>>
      %dma_start3A_501 = tpu.memref_squeeze %dma_start3A_500 : memref<1x4096xf32, #tpu.memory_space<vmem>> -> memref<4096xf32, #tpu.memory_space<vmem>>
      %dma_start3A_502 = arith.constant 2944 : i32
      %dma_start3A_503 = tpu.memref_slice %dma_start3A_501[%dma_start3A_502] : memref<4096xf32, #tpu.memory_space<vmem>> -> memref<128xf32, #tpu.memory_space<vmem>>
      %dma_start3A_504 = arith.constant 0 : i32
      %dma_start3A_505 = arith.constant 0 : i32
      %dma_start3A_506 = tpu.memref_slice %arg11[%dma_start3A_497, %dma_start3A_504, %dma_start3A_505] : memref<2x32x128xi32, #tpu.memory_space<vmem>> -> memref<1x32x128xi32, #tpu.memory_space<vmem>>
      %dma_start3A_507 = tpu.memref_squeeze %dma_start3A_506 : memref<1x32x128xi32, #tpu.memory_space<vmem>> -> memref<32x128xi32, #tpu.memory_space<vmem>>
      %dma_start3A_508 = arith.constant 0 : i32
      %dma_start3A_509 = tpu.memref_slice %dma_start3A_507[%dma_start3A_498, %dma_start3A_508] : memref<32x128xi32, #tpu.memory_space<vmem>> -> memref<1x128xi32, #tpu.memory_space<vmem>>
      %dma_start3A_510 = tpu.memref_squeeze %dma_start3A_509 : memref<1x128xi32, #tpu.memory_space<vmem>> -> memref<128xi32, #tpu.memory_space<vmem>>
      %dma_start3A_511 = arith.constant 0 : i32
      %dma_start3A_512 = tpu.memref_slice %arg10[%dma_start3A_511] : memref<1048576xf32, #tpu.memory_space<vmem_shared>> -> memref<1048576xf32, #tpu.memory_space<vmem_shared>>
      tpu.enqueue_indirect_dma source(%dma_start3A_503 : memref<128xf32, #tpu.memory_space<vmem>>) target(%dma_start3A_512 : memref<1048576xf32, #tpu.memory_space<vmem_shared>>) offsets(%dma_start3A_510 : memref<128xi32, #tpu.memory_space<vmem>>) semaphore(%arg16 : memref<!tpu.dma_semaphore, #tpu.memory_space<semaphore_mem>>) {add = true}
      %dma_start3A_513 = arith.constant 0 : i32
      %dma_start3A_514 = arith.constant 0 : i32
      %dma_start3A_515 = arith.constant 24 : i32
      %dma_start3A_516 = arith.constant 0 : i32
      %dma_start3A_517 = tpu.memref_slice %arg12[%dma_start3A_513, %dma_start3A_516] : memref<2x4096xf32, #tpu.memory_space<vmem>> -> memref<1x4096xf32, #tpu.memory_space<vmem>>
      %dma_start3A_518 = tpu.memref_squeeze %dma_start3A_517 : memref<1x4096xf32, #tpu.memory_space<vmem>> -> memref<4096xf32, #tpu.memory_space<vmem>>
      %dma_start3A_519 = arith.constant 3072 : i32
      %dma_start3A_520 = tpu.memref_slice %dma_start3A_518[%dma_start3A_519] : memref<4096xf32, #tpu.memory_space<vmem>> -> memref<128xf32, #tpu.memory_space<vmem>>
      %dma_start3A_521 = arith.constant 0 : i32
      %dma_start3A_522 = arith.constant 0 : i32
      %dma_start3A_523 = tpu.memref_slice %arg11[%dma_start3A_514, %dma_start3A_521, %dma_start3A_522] : memref<2x32x128xi32, #tpu.memory_space<vmem>> -> memref<1x32x128xi32, #tpu.memory_space<vmem>>
      %dma_start3A_524 = tpu.memref_squeeze %dma_start3A_523 : memref<1x32x128xi32, #tpu.memory_space<vmem>> -> memref<32x128xi32, #tpu.memory_space<vmem>>
      %dma_start3A_525 = arith.constant 0 : i32
      %dma_start3A_526 = tpu.memref_slice %dma_start3A_524[%dma_start3A_515, %dma_start3A_525] : memref<32x128xi32, #tpu.memory_space<vmem>> -> memref<1x128xi32, #tpu.memory_space<vmem>>
      %dma_start3A_527 = tpu.memref_squeeze %dma_start3A_526 : memref<1x128xi32, #tpu.memory_space<vmem>> -> memref<128xi32, #tpu.memory_space<vmem>>
      %dma_start3A_528 = arith.constant 0 : i32
      %dma_start3A_529 = tpu.memref_slice %arg10[%dma_start3A_528] : memref<1048576xf32, #tpu.memory_space<vmem_shared>> -> memref<1048576xf32, #tpu.memory_space<vmem_shared>>
      tpu.enqueue_indirect_dma source(%dma_start3A_520 : memref<128xf32, #tpu.memory_space<vmem>>) target(%dma_start3A_529 : memref<1048576xf32, #tpu.memory_space<vmem_shared>>) offsets(%dma_start3A_527 : memref<128xi32, #tpu.memory_space<vmem>>) semaphore(%arg16 : memref<!tpu.dma_semaphore, #tpu.memory_space<semaphore_mem>>) {add = true}
      %dma_start3A_530 = arith.constant 0 : i32
      %dma_start3A_531 = arith.constant 0 : i32
      %dma_start3A_532 = arith.constant 25 : i32
      %dma_start3A_533 = arith.constant 0 : i32
      %dma_start3A_534 = tpu.memref_slice %arg12[%dma_start3A_530, %dma_start3A_533] : memref<2x4096xf32, #tpu.memory_space<vmem>> -> memref<1x4096xf32, #tpu.memory_space<vmem>>
      %dma_start3A_535 = tpu.memref_squeeze %dma_start3A_534 : memref<1x4096xf32, #tpu.memory_space<vmem>> -> memref<4096xf32, #tpu.memory_space<vmem>>
      %dma_start3A_536 = arith.constant 3200 : i32
      %dma_start3A_537 = tpu.memref_slice %dma_start3A_535[%dma_start3A_536] : memref<4096xf32, #tpu.memory_space<vmem>> -> memref<128xf32, #tpu.memory_space<vmem>>
      %dma_start3A_538 = arith.constant 0 : i32
      %dma_start3A_539 = arith.constant 0 : i32
      %dma_start3A_540 = tpu.memref_slice %arg11[%dma_start3A_531, %dma_start3A_538, %dma_start3A_539] : memref<2x32x128xi32, #tpu.memory_space<vmem>> -> memref<1x32x128xi32, #tpu.memory_space<vmem>>
      %dma_start3A_541 = tpu.memref_squeeze %dma_start3A_540 : memref<1x32x128xi32, #tpu.memory_space<vmem>> -> memref<32x128xi32, #tpu.memory_space<vmem>>
      %dma_start3A_542 = arith.constant 0 : i32
      %dma_start3A_543 = tpu.memref_slice %dma_start3A_541[%dma_start3A_532, %dma_start3A_542] : memref<32x128xi32, #tpu.memory_space<vmem>> -> memref<1x128xi32, #tpu.memory_space<vmem>>
      %dma_start3A_544 = tpu.memref_squeeze %dma_start3A_543 : memref<1x128xi32, #tpu.memory_space<vmem>> -> memref<128xi32, #tpu.memory_space<vmem>>
      %dma_start3A_545 = arith.constant 0 : i32
      %dma_start3A_546 = tpu.memref_slice %arg10[%dma_start3A_545] : memref<1048576xf32, #tpu.memory_space<vmem_shared>> -> memref<1048576xf32, #tpu.memory_space<vmem_shared>>
      tpu.enqueue_indirect_dma source(%dma_start3A_537 : memref<128xf32, #tpu.memory_space<vmem>>) target(%dma_start3A_546 : memref<1048576xf32, #tpu.memory_space<vmem_shared>>) offsets(%dma_start3A_544 : memref<128xi32, #tpu.memory_space<vmem>>) semaphore(%arg16 : memref<!tpu.dma_semaphore, #tpu.memory_space<semaphore_mem>>) {add = true}
      %dma_start3A_547 = arith.constant 0 : i32
      %dma_start3A_548 = arith.constant 0 : i32
      %dma_start3A_549 = arith.constant 26 : i32
      %dma_start3A_550 = arith.constant 0 : i32
      %dma_start3A_551 = tpu.memref_slice %arg12[%dma_start3A_547, %dma_start3A_550] : memref<2x4096xf32, #tpu.memory_space<vmem>> -> memref<1x4096xf32, #tpu.memory_space<vmem>>
      %dma_start3A_552 = tpu.memref_squeeze %dma_start3A_551 : memref<1x4096xf32, #tpu.memory_space<vmem>> -> memref<4096xf32, #tpu.memory_space<vmem>>
      %dma_start3A_553 = arith.constant 3328 : i32
      %dma_start3A_554 = tpu.memref_slice %dma_start3A_552[%dma_start3A_553] : memref<4096xf32, #tpu.memory_space<vmem>> -> memref<128xf32, #tpu.memory_space<vmem>>
      %dma_start3A_555 = arith.constant 0 : i32
      %dma_start3A_556 = arith.constant 0 : i32
      %dma_start3A_557 = tpu.memref_slice %arg11[%dma_start3A_548, %dma_start3A_555, %dma_start3A_556] : memref<2x32x128xi32, #tpu.memory_space<vmem>> -> memref<1x32x128xi32, #tpu.memory_space<vmem>>
      %dma_start3A_558 = tpu.memref_squeeze %dma_start3A_557 : memref<1x32x128xi32, #tpu.memory_space<vmem>> -> memref<32x128xi32, #tpu.memory_space<vmem>>
      %dma_start3A_559 = arith.constant 0 : i32
      %dma_start3A_560 = tpu.memref_slice %dma_start3A_558[%dma_start3A_549, %dma_start3A_559] : memref<32x128xi32, #tpu.memory_space<vmem>> -> memref<1x128xi32, #tpu.memory_space<vmem>>
      %dma_start3A_561 = tpu.memref_squeeze %dma_start3A_560 : memref<1x128xi32, #tpu.memory_space<vmem>> -> memref<128xi32, #tpu.memory_space<vmem>>
      %dma_start3A_562 = arith.constant 0 : i32
      %dma_start3A_563 = tpu.memref_slice %arg10[%dma_start3A_562] : memref<1048576xf32, #tpu.memory_space<vmem_shared>> -> memref<1048576xf32, #tpu.memory_space<vmem_shared>>
      tpu.enqueue_indirect_dma source(%dma_start3A_554 : memref<128xf32, #tpu.memory_space<vmem>>) target(%dma_start3A_563 : memref<1048576xf32, #tpu.memory_space<vmem_shared>>) offsets(%dma_start3A_561 : memref<128xi32, #tpu.memory_space<vmem>>) semaphore(%arg16 : memref<!tpu.dma_semaphore, #tpu.memory_space<semaphore_mem>>) {add = true}
      %dma_start3A_564 = arith.constant 0 : i32
      %dma_start3A_565 = arith.constant 0 : i32
      %dma_start3A_566 = arith.constant 27 : i32
      %dma_start3A_567 = arith.constant 0 : i32
      %dma_start3A_568 = tpu.memref_slice %arg12[%dma_start3A_564, %dma_start3A_567] : memref<2x4096xf32, #tpu.memory_space<vmem>> -> memref<1x4096xf32, #tpu.memory_space<vmem>>
      %dma_start3A_569 = tpu.memref_squeeze %dma_start3A_568 : memref<1x4096xf32, #tpu.memory_space<vmem>> -> memref<4096xf32, #tpu.memory_space<vmem>>
      %dma_start3A_570 = arith.constant 3456 : i32
      %dma_start3A_571 = tpu.memref_slice %dma_start3A_569[%dma_start3A_570] : memref<4096xf32, #tpu.memory_space<vmem>> -> memref<128xf32, #tpu.memory_space<vmem>>
      %dma_start3A_572 = arith.constant 0 : i32
      %dma_start3A_573 = arith.constant 0 : i32
      %dma_start3A_574 = tpu.memref_slice %arg11[%dma_start3A_565, %dma_start3A_572, %dma_start3A_573] : memref<2x32x128xi32, #tpu.memory_space<vmem>> -> memref<1x32x128xi32, #tpu.memory_space<vmem>>
      %dma_start3A_575 = tpu.memref_squeeze %dma_start3A_574 : memref<1x32x128xi32, #tpu.memory_space<vmem>> -> memref<32x128xi32, #tpu.memory_space<vmem>>
      %dma_start3A_576 = arith.constant 0 : i32
      %dma_start3A_577 = tpu.memref_slice %dma_start3A_575[%dma_start3A_566, %dma_start3A_576] : memref<32x128xi32, #tpu.memory_space<vmem>> -> memref<1x128xi32, #tpu.memory_space<vmem>>
      %dma_start3A_578 = tpu.memref_squeeze %dma_start3A_577 : memref<1x128xi32, #tpu.memory_space<vmem>> -> memref<128xi32, #tpu.memory_space<vmem>>
      %dma_start3A_579 = arith.constant 0 : i32
      %dma_start3A_580 = tpu.memref_slice %arg10[%dma_start3A_579] : memref<1048576xf32, #tpu.memory_space<vmem_shared>> -> memref<1048576xf32, #tpu.memory_space<vmem_shared>>
      tpu.enqueue_indirect_dma source(%dma_start3A_571 : memref<128xf32, #tpu.memory_space<vmem>>) target(%dma_start3A_580 : memref<1048576xf32, #tpu.memory_space<vmem_shared>>) offsets(%dma_start3A_578 : memref<128xi32, #tpu.memory_space<vmem>>) semaphore(%arg16 : memref<!tpu.dma_semaphore, #tpu.memory_space<semaphore_mem>>) {add = true}
      %dma_start3A_581 = arith.constant 0 : i32
      %dma_start3A_582 = arith.constant 0 : i32
      %dma_start3A_583 = arith.constant 28 : i32
      %dma_start3A_584 = arith.constant 0 : i32
      %dma_start3A_585 = tpu.memref_slice %arg12[%dma_start3A_581, %dma_start3A_584] : memref<2x4096xf32, #tpu.memory_space<vmem>> -> memref<1x4096xf32, #tpu.memory_space<vmem>>
      %dma_start3A_586 = tpu.memref_squeeze %dma_start3A_585 : memref<1x4096xf32, #tpu.memory_space<vmem>> -> memref<4096xf32, #tpu.memory_space<vmem>>
      %dma_start3A_587 = arith.constant 3584 : i32
      %dma_start3A_588 = tpu.memref_slice %dma_start3A_586[%dma_start3A_587] : memref<4096xf32, #tpu.memory_space<vmem>> -> memref<128xf32, #tpu.memory_space<vmem>>
      %dma_start3A_589 = arith.constant 0 : i32
      %dma_start3A_590 = arith.constant 0 : i32
      %dma_start3A_591 = tpu.memref_slice %arg11[%dma_start3A_582, %dma_start3A_589, %dma_start3A_590] : memref<2x32x128xi32, #tpu.memory_space<vmem>> -> memref<1x32x128xi32, #tpu.memory_space<vmem>>
      %dma_start3A_592 = tpu.memref_squeeze %dma_start3A_591 : memref<1x32x128xi32, #tpu.memory_space<vmem>> -> memref<32x128xi32, #tpu.memory_space<vmem>>
      %dma_start3A_593 = arith.constant 0 : i32
      %dma_start3A_594 = tpu.memref_slice %dma_start3A_592[%dma_start3A_583, %dma_start3A_593] : memref<32x128xi32, #tpu.memory_space<vmem>> -> memref<1x128xi32, #tpu.memory_space<vmem>>
      %dma_start3A_595 = tpu.memref_squeeze %dma_start3A_594 : memref<1x128xi32, #tpu.memory_space<vmem>> -> memref<128xi32, #tpu.memory_space<vmem>>
      %dma_start3A_596 = arith.constant 0 : i32
      %dma_start3A_597 = tpu.memref_slice %arg10[%dma_start3A_596] : memref<1048576xf32, #tpu.memory_space<vmem_shared>> -> memref<1048576xf32, #tpu.memory_space<vmem_shared>>
      tpu.enqueue_indirect_dma source(%dma_start3A_588 : memref<128xf32, #tpu.memory_space<vmem>>) target(%dma_start3A_597 : memref<1048576xf32, #tpu.memory_space<vmem_shared>>) offsets(%dma_start3A_595 : memref<128xi32, #tpu.memory_space<vmem>>) semaphore(%arg16 : memref<!tpu.dma_semaphore, #tpu.memory_space<semaphore_mem>>) {add = true}
      %dma_start3A_598 = arith.constant 0 : i32
      %dma_start3A_599 = arith.constant 0 : i32
      %dma_start3A_600 = arith.constant 29 : i32
      %dma_start3A_601 = arith.constant 0 : i32
      %dma_start3A_602 = tpu.memref_slice %arg12[%dma_start3A_598, %dma_start3A_601] : memref<2x4096xf32, #tpu.memory_space<vmem>> -> memref<1x4096xf32, #tpu.memory_space<vmem>>
      %dma_start3A_603 = tpu.memref_squeeze %dma_start3A_602 : memref<1x4096xf32, #tpu.memory_space<vmem>> -> memref<4096xf32, #tpu.memory_space<vmem>>
      %dma_start3A_604 = arith.constant 3712 : i32
      %dma_start3A_605 = tpu.memref_slice %dma_start3A_603[%dma_start3A_604] : memref<4096xf32, #tpu.memory_space<vmem>> -> memref<128xf32, #tpu.memory_space<vmem>>
      %dma_start3A_606 = arith.constant 0 : i32
      %dma_start3A_607 = arith.constant 0 : i32
      %dma_start3A_608 = tpu.memref_slice %arg11[%dma_start3A_599, %dma_start3A_606, %dma_start3A_607] : memref<2x32x128xi32, #tpu.memory_space<vmem>> -> memref<1x32x128xi32, #tpu.memory_space<vmem>>
      %dma_start3A_609 = tpu.memref_squeeze %dma_start3A_608 : memref<1x32x128xi32, #tpu.memory_space<vmem>> -> memref<32x128xi32, #tpu.memory_space<vmem>>
      %dma_start3A_610 = arith.constant 0 : i32
      %dma_start3A_611 = tpu.memref_slice %dma_start3A_609[%dma_start3A_600, %dma_start3A_610] : memref<32x128xi32, #tpu.memory_space<vmem>> -> memref<1x128xi32, #tpu.memory_space<vmem>>
      %dma_start3A_612 = tpu.memref_squeeze %dma_start3A_611 : memref<1x128xi32, #tpu.memory_space<vmem>> -> memref<128xi32, #tpu.memory_space<vmem>>
      %dma_start3A_613 = arith.constant 0 : i32
      %dma_start3A_614 = tpu.memref_slice %arg10[%dma_start3A_613] : memref<1048576xf32, #tpu.memory_space<vmem_shared>> -> memref<1048576xf32, #tpu.memory_space<vmem_shared>>
      tpu.enqueue_indirect_dma source(%dma_start3A_605 : memref<128xf32, #tpu.memory_space<vmem>>) target(%dma_start3A_614 : memref<1048576xf32, #tpu.memory_space<vmem_shared>>) offsets(%dma_start3A_612 : memref<128xi32, #tpu.memory_space<vmem>>) semaphore(%arg16 : memref<!tpu.dma_semaphore, #tpu.memory_space<semaphore_mem>>) {add = true}
      %dma_start3A_615 = arith.constant 0 : i32
      %dma_start3A_616 = arith.constant 0 : i32
      %dma_start3A_617 = arith.constant 30 : i32
      %dma_start3A_618 = arith.constant 0 : i32
      %dma_start3A_619 = tpu.memref_slice %arg12[%dma_start3A_615, %dma_start3A_618] : memref<2x4096xf32, #tpu.memory_space<vmem>> -> memref<1x4096xf32, #tpu.memory_space<vmem>>
      %dma_start3A_620 = tpu.memref_squeeze %dma_start3A_619 : memref<1x4096xf32, #tpu.memory_space<vmem>> -> memref<4096xf32, #tpu.memory_space<vmem>>
      %dma_start3A_621 = arith.constant 3840 : i32
      %dma_start3A_622 = tpu.memref_slice %dma_start3A_620[%dma_start3A_621] : memref<4096xf32, #tpu.memory_space<vmem>> -> memref<128xf32, #tpu.memory_space<vmem>>
      %dma_start3A_623 = arith.constant 0 : i32
      %dma_start3A_624 = arith.constant 0 : i32
      %dma_start3A_625 = tpu.memref_slice %arg11[%dma_start3A_616, %dma_start3A_623, %dma_start3A_624] : memref<2x32x128xi32, #tpu.memory_space<vmem>> -> memref<1x32x128xi32, #tpu.memory_space<vmem>>
      %dma_start3A_626 = tpu.memref_squeeze %dma_start3A_625 : memref<1x32x128xi32, #tpu.memory_space<vmem>> -> memref<32x128xi32, #tpu.memory_space<vmem>>
      %dma_start3A_627 = arith.constant 0 : i32
      %dma_start3A_628 = tpu.memref_slice %dma_start3A_626[%dma_start3A_617, %dma_start3A_627] : memref<32x128xi32, #tpu.memory_space<vmem>> -> memref<1x128xi32, #tpu.memory_space<vmem>>
      %dma_start3A_629 = tpu.memref_squeeze %dma_start3A_628 : memref<1x128xi32, #tpu.memory_space<vmem>> -> memref<128xi32, #tpu.memory_space<vmem>>
      %dma_start3A_630 = arith.constant 0 : i32
      %dma_start3A_631 = tpu.memref_slice %arg10[%dma_start3A_630] : memref<1048576xf32, #tpu.memory_space<vmem_shared>> -> memref<1048576xf32, #tpu.memory_space<vmem_shared>>
      tpu.enqueue_indirect_dma source(%dma_start3A_622 : memref<128xf32, #tpu.memory_space<vmem>>) target(%dma_start3A_631 : memref<1048576xf32, #tpu.memory_space<vmem_shared>>) offsets(%dma_start3A_629 : memref<128xi32, #tpu.memory_space<vmem>>) semaphore(%arg16 : memref<!tpu.dma_semaphore, #tpu.memory_space<semaphore_mem>>) {add = true}
      %dma_start3A_632 = arith.constant 0 : i32
      %dma_start3A_633 = arith.constant 0 : i32
      %dma_start3A_634 = arith.constant 31 : i32
      %dma_start3A_635 = arith.constant 0 : i32
      %dma_start3A_636 = tpu.memref_slice %arg12[%dma_start3A_632, %dma_start3A_635] : memref<2x4096xf32, #tpu.memory_space<vmem>> -> memref<1x4096xf32, #tpu.memory_space<vmem>>
      %dma_start3A_637 = tpu.memref_squeeze %dma_start3A_636 : memref<1x4096xf32, #tpu.memory_space<vmem>> -> memref<4096xf32, #tpu.memory_space<vmem>>
      %dma_start3A_638 = arith.constant 3968 : i32
      %dma_start3A_639 = tpu.memref_slice %dma_start3A_637[%dma_start3A_638] : memref<4096xf32, #tpu.memory_space<vmem>> -> memref<128xf32, #tpu.memory_space<vmem>>
      %dma_start3A_640 = arith.constant 0 : i32
      %dma_start3A_641 = arith.constant 0 : i32
      %dma_start3A_642 = tpu.memref_slice %arg11[%dma_start3A_633, %dma_start3A_640, %dma_start3A_641] : memref<2x32x128xi32, #tpu.memory_space<vmem>> -> memref<1x32x128xi32, #tpu.memory_space<vmem>>
      %dma_start3A_643 = tpu.memref_squeeze %dma_start3A_642 : memref<1x32x128xi32, #tpu.memory_space<vmem>> -> memref<32x128xi32, #tpu.memory_space<vmem>>
      %dma_start3A_644 = arith.constant 0 : i32
      %dma_start3A_645 = tpu.memref_slice %dma_start3A_643[%dma_start3A_634, %dma_start3A_644] : memref<32x128xi32, #tpu.memory_space<vmem>> -> memref<1x128xi32, #tpu.memory_space<vmem>>
      %dma_start3A_646 = tpu.memref_squeeze %dma_start3A_645 : memref<1x128xi32, #tpu.memory_space<vmem>> -> memref<128xi32, #tpu.memory_space<vmem>>
      %dma_start3A_647 = arith.constant 0 : i32
      %dma_start3A_648 = tpu.memref_slice %arg10[%dma_start3A_647] : memref<1048576xf32, #tpu.memory_space<vmem_shared>> -> memref<1048576xf32, #tpu.memory_space<vmem_shared>>
      tpu.enqueue_indirect_dma source(%dma_start3A_639 : memref<128xf32, #tpu.memory_space<vmem>>) target(%dma_start3A_648 : memref<1048576xf32, #tpu.memory_space<vmem_shared>>) offsets(%dma_start3A_646 : memref<128xi32, #tpu.memory_space<vmem>>) semaphore(%arg16 : memref<!tpu.dma_semaphore, #tpu.memory_space<semaphore_mem>>) {add = true}
      %dma_wait3A_649 = arith.constant 0 : i32
      %dma_wait3A_650 = arith.constant 0 : i32
      %dma_wait3A_651 = arith.constant 0 : i32
      %dma_wait3A_652 = arith.constant 0 : i32
      %dma_wait3A_653 = tpu.memref_slice %arg12[%dma_wait3A_649, %dma_wait3A_652] : memref<2x4096xf32, #tpu.memory_space<vmem>> -> memref<1x4096xf32, #tpu.memory_space<vmem>>
      %dma_wait3A_654 = tpu.memref_squeeze %dma_wait3A_653 : memref<1x4096xf32, #tpu.memory_space<vmem>> -> memref<4096xf32, #tpu.memory_space<vmem>>
      %dma_wait3A_655 = arith.constant 0 : i32
      %dma_wait3A_656 = tpu.memref_slice %dma_wait3A_654[%dma_wait3A_655] : memref<4096xf32, #tpu.memory_space<vmem>> -> memref<128xf32, #tpu.memory_space<vmem>>
      %dma_wait3A_657 = arith.constant 0 : i32
      %dma_wait3A_658 = arith.constant 0 : i32
      %dma_wait3A_659 = tpu.memref_slice %arg11[%dma_wait3A_650, %dma_wait3A_657, %dma_wait3A_658] : memref<2x32x128xi32, #tpu.memory_space<vmem>> -> memref<1x32x128xi32, #tpu.memory_space<vmem>>
      %dma_wait3A_660 = tpu.memref_squeeze %dma_wait3A_659 : memref<1x32x128xi32, #tpu.memory_space<vmem>> -> memref<32x128xi32, #tpu.memory_space<vmem>>
      %dma_wait3A_661 = arith.constant 0 : i32
      %dma_wait3A_662 = tpu.memref_slice %dma_wait3A_660[%dma_wait3A_651, %dma_wait3A_661] : memref<32x128xi32, #tpu.memory_space<vmem>> -> memref<1x128xi32, #tpu.memory_space<vmem>>
      %dma_wait3A_663 = tpu.memref_squeeze %dma_wait3A_662 : memref<1x128xi32, #tpu.memory_space<vmem>> -> memref<128xi32, #tpu.memory_space<vmem>>
      %dma_wait3A_664 = arith.constant 0 : i32
      %dma_wait3A_665 = tpu.memref_slice %arg10[%dma_wait3A_664] : memref<1048576xf32, #tpu.memory_space<vmem_shared>> -> memref<1048576xf32, #tpu.memory_space<vmem_shared>>
      tpu.wait_indirect_dma semaphore(%arg16 : memref<!tpu.dma_semaphore, #tpu.memory_space<semaphore_mem>>) src(%dma_wait3A_656 : memref<128xf32, #tpu.memory_space<vmem>>) dst(%dma_wait3A_665 : memref<1048576xf32, #tpu.memory_space<vmem_shared>>)
      %dma_wait3A_666 = arith.constant 0 : i32
      %dma_wait3A_667 = arith.constant 0 : i32
      %dma_wait3A_668 = arith.constant 1 : i32
      %dma_wait3A_669 = arith.constant 0 : i32
      %dma_wait3A_670 = tpu.memref_slice %arg12[%dma_wait3A_666, %dma_wait3A_669] : memref<2x4096xf32, #tpu.memory_space<vmem>> -> memref<1x4096xf32, #tpu.memory_space<vmem>>
      %dma_wait3A_671 = tpu.memref_squeeze %dma_wait3A_670 : memref<1x4096xf32, #tpu.memory_space<vmem>> -> memref<4096xf32, #tpu.memory_space<vmem>>
      %dma_wait3A_672 = arith.constant 128 : i32
      %dma_wait3A_673 = tpu.memref_slice %dma_wait3A_671[%dma_wait3A_672] : memref<4096xf32, #tpu.memory_space<vmem>> -> memref<128xf32, #tpu.memory_space<vmem>>
      %dma_wait3A_674 = arith.constant 0 : i32
      %dma_wait3A_675 = arith.constant 0 : i32
      %dma_wait3A_676 = tpu.memref_slice %arg11[%dma_wait3A_667, %dma_wait3A_674, %dma_wait3A_675] : memref<2x32x128xi32, #tpu.memory_space<vmem>> -> memref<1x32x128xi32, #tpu.memory_space<vmem>>
      %dma_wait3A_677 = tpu.memref_squeeze %dma_wait3A_676 : memref<1x32x128xi32, #tpu.memory_space<vmem>> -> memref<32x128xi32, #tpu.memory_space<vmem>>
      %dma_wait3A_678 = arith.constant 0 : i32
      %dma_wait3A_679 = tpu.memref_slice %dma_wait3A_677[%dma_wait3A_668, %dma_wait3A_678] : memref<32x128xi32, #tpu.memory_space<vmem>> -> memref<1x128xi32, #tpu.memory_space<vmem>>
      %dma_wait3A_680 = tpu.memref_squeeze %dma_wait3A_679 : memref<1x128xi32, #tpu.memory_space<vmem>> -> memref<128xi32, #tpu.memory_space<vmem>>
      %dma_wait3A_681 = arith.constant 0 : i32
      %dma_wait3A_682 = tpu.memref_slice %arg10[%dma_wait3A_681] : memref<1048576xf32, #tpu.memory_space<vmem_shared>> -> memref<1048576xf32, #tpu.memory_space<vmem_shared>>
      tpu.wait_indirect_dma semaphore(%arg16 : memref<!tpu.dma_semaphore, #tpu.memory_space<semaphore_mem>>) src(%dma_wait3A_673 : memref<128xf32, #tpu.memory_space<vmem>>) dst(%dma_wait3A_682 : memref<1048576xf32, #tpu.memory_space<vmem_shared>>)
      %dma_wait3A_683 = arith.constant 0 : i32
      %dma_wait3A_684 = arith.constant 0 : i32
      %dma_wait3A_685 = arith.constant 2 : i32
      %dma_wait3A_686 = arith.constant 0 : i32
      %dma_wait3A_687 = tpu.memref_slice %arg12[%dma_wait3A_683, %dma_wait3A_686] : memref<2x4096xf32, #tpu.memory_space<vmem>> -> memref<1x4096xf32, #tpu.memory_space<vmem>>
      %dma_wait3A_688 = tpu.memref_squeeze %dma_wait3A_687 : memref<1x4096xf32, #tpu.memory_space<vmem>> -> memref<4096xf32, #tpu.memory_space<vmem>>
      %dma_wait3A_689 = arith.constant 256 : i32
      %dma_wait3A_690 = tpu.memref_slice %dma_wait3A_688[%dma_wait3A_689] : memref<4096xf32, #tpu.memory_space<vmem>> -> memref<128xf32, #tpu.memory_space<vmem>>
      %dma_wait3A_691 = arith.constant 0 : i32
      %dma_wait3A_692 = arith.constant 0 : i32
      %dma_wait3A_693 = tpu.memref_slice %arg11[%dma_wait3A_684, %dma_wait3A_691, %dma_wait3A_692] : memref<2x32x128xi32, #tpu.memory_space<vmem>> -> memref<1x32x128xi32, #tpu.memory_space<vmem>>
      %dma_wait3A_694 = tpu.memref_squeeze %dma_wait3A_693 : memref<1x32x128xi32, #tpu.memory_space<vmem>> -> memref<32x128xi32, #tpu.memory_space<vmem>>
      %dma_wait3A_695 = arith.constant 0 : i32
      %dma_wait3A_696 = tpu.memref_slice %dma_wait3A_694[%dma_wait3A_685, %dma_wait3A_695] : memref<32x128xi32, #tpu.memory_space<vmem>> -> memref<1x128xi32, #tpu.memory_space<vmem>>
      %dma_wait3A_697 = tpu.memref_squeeze %dma_wait3A_696 : memref<1x128xi32, #tpu.memory_space<vmem>> -> memref<128xi32, #tpu.memory_space<vmem>>
      %dma_wait3A_698 = arith.constant 0 : i32
      %dma_wait3A_699 = tpu.memref_slice %arg10[%dma_wait3A_698] : memref<1048576xf32, #tpu.memory_space<vmem_shared>> -> memref<1048576xf32, #tpu.memory_space<vmem_shared>>
      tpu.wait_indirect_dma semaphore(%arg16 : memref<!tpu.dma_semaphore, #tpu.memory_space<semaphore_mem>>) src(%dma_wait3A_690 : memref<128xf32, #tpu.memory_space<vmem>>) dst(%dma_wait3A_699 : memref<1048576xf32, #tpu.memory_space<vmem_shared>>)
      %dma_wait3A_700 = arith.constant 0 : i32
      %dma_wait3A_701 = arith.constant 0 : i32
      %dma_wait3A_702 = arith.constant 3 : i32
      %dma_wait3A_703 = arith.constant 0 : i32
      %dma_wait3A_704 = tpu.memref_slice %arg12[%dma_wait3A_700, %dma_wait3A_703] : memref<2x4096xf32, #tpu.memory_space<vmem>> -> memref<1x4096xf32, #tpu.memory_space<vmem>>
      %dma_wait3A_705 = tpu.memref_squeeze %dma_wait3A_704 : memref<1x4096xf32, #tpu.memory_space<vmem>> -> memref<4096xf32, #tpu.memory_space<vmem>>
      %dma_wait3A_706 = arith.constant 384 : i32
      %dma_wait3A_707 = tpu.memref_slice %dma_wait3A_705[%dma_wait3A_706] : memref<4096xf32, #tpu.memory_space<vmem>> -> memref<128xf32, #tpu.memory_space<vmem>>
      %dma_wait3A_708 = arith.constant 0 : i32
      %dma_wait3A_709 = arith.constant 0 : i32
      %dma_wait3A_710 = tpu.memref_slice %arg11[%dma_wait3A_701, %dma_wait3A_708, %dma_wait3A_709] : memref<2x32x128xi32, #tpu.memory_space<vmem>> -> memref<1x32x128xi32, #tpu.memory_space<vmem>>
      %dma_wait3A_711 = tpu.memref_squeeze %dma_wait3A_710 : memref<1x32x128xi32, #tpu.memory_space<vmem>> -> memref<32x128xi32, #tpu.memory_space<vmem>>
      %dma_wait3A_712 = arith.constant 0 : i32
      %dma_wait3A_713 = tpu.memref_slice %dma_wait3A_711[%dma_wait3A_702, %dma_wait3A_712] : memref<32x128xi32, #tpu.memory_space<vmem>> -> memref<1x128xi32, #tpu.memory_space<vmem>>
      %dma_wait3A_714 = tpu.memref_squeeze %dma_wait3A_713 : memref<1x128xi32, #tpu.memory_space<vmem>> -> memref<128xi32, #tpu.memory_space<vmem>>
      %dma_wait3A_715 = arith.constant 0 : i32
      %dma_wait3A_716 = tpu.memref_slice %arg10[%dma_wait3A_715] : memref<1048576xf32, #tpu.memory_space<vmem_shared>> -> memref<1048576xf32, #tpu.memory_space<vmem_shared>>
      tpu.wait_indirect_dma semaphore(%arg16 : memref<!tpu.dma_semaphore, #tpu.memory_space<semaphore_mem>>) src(%dma_wait3A_707 : memref<128xf32, #tpu.memory_space<vmem>>) dst(%dma_wait3A_716 : memref<1048576xf32, #tpu.memory_space<vmem_shared>>)
      %dma_wait3A_717 = arith.constant 0 : i32
      %dma_wait3A_718 = arith.constant 0 : i32
      %dma_wait3A_719 = arith.constant 4 : i32
      %dma_wait3A_720 = arith.constant 0 : i32
      %dma_wait3A_721 = tpu.memref_slice %arg12[%dma_wait3A_717, %dma_wait3A_720] : memref<2x4096xf32, #tpu.memory_space<vmem>> -> memref<1x4096xf32, #tpu.memory_space<vmem>>
      %dma_wait3A_722 = tpu.memref_squeeze %dma_wait3A_721 : memref<1x4096xf32, #tpu.memory_space<vmem>> -> memref<4096xf32, #tpu.memory_space<vmem>>
      %dma_wait3A_723 = arith.constant 512 : i32
      %dma_wait3A_724 = tpu.memref_slice %dma_wait3A_722[%dma_wait3A_723] : memref<4096xf32, #tpu.memory_space<vmem>> -> memref<128xf32, #tpu.memory_space<vmem>>
      %dma_wait3A_725 = arith.constant 0 : i32
      %dma_wait3A_726 = arith.constant 0 : i32
      %dma_wait3A_727 = tpu.memref_slice %arg11[%dma_wait3A_718, %dma_wait3A_725, %dma_wait3A_726] : memref<2x32x128xi32, #tpu.memory_space<vmem>> -> memref<1x32x128xi32, #tpu.memory_space<vmem>>
      %dma_wait3A_728 = tpu.memref_squeeze %dma_wait3A_727 : memref<1x32x128xi32, #tpu.memory_space<vmem>> -> memref<32x128xi32, #tpu.memory_space<vmem>>
      %dma_wait3A_729 = arith.constant 0 : i32
      %dma_wait3A_730 = tpu.memref_slice %dma_wait3A_728[%dma_wait3A_719, %dma_wait3A_729] : memref<32x128xi32, #tpu.memory_space<vmem>> -> memref<1x128xi32, #tpu.memory_space<vmem>>
      %dma_wait3A_731 = tpu.memref_squeeze %dma_wait3A_730 : memref<1x128xi32, #tpu.memory_space<vmem>> -> memref<128xi32, #tpu.memory_space<vmem>>
      %dma_wait3A_732 = arith.constant 0 : i32
      %dma_wait3A_733 = tpu.memref_slice %arg10[%dma_wait3A_732] : memref<1048576xf32, #tpu.memory_space<vmem_shared>> -> memref<1048576xf32, #tpu.memory_space<vmem_shared>>
      tpu.wait_indirect_dma semaphore(%arg16 : memref<!tpu.dma_semaphore, #tpu.memory_space<semaphore_mem>>) src(%dma_wait3A_724 : memref<128xf32, #tpu.memory_space<vmem>>) dst(%dma_wait3A_733 : memref<1048576xf32, #tpu.memory_space<vmem_shared>>)
      %dma_wait3A_734 = arith.constant 0 : i32
      %dma_wait3A_735 = arith.constant 0 : i32
      %dma_wait3A_736 = arith.constant 5 : i32
      %dma_wait3A_737 = arith.constant 0 : i32
      %dma_wait3A_738 = tpu.memref_slice %arg12[%dma_wait3A_734, %dma_wait3A_737] : memref<2x4096xf32, #tpu.memory_space<vmem>> -> memref<1x4096xf32, #tpu.memory_space<vmem>>
      %dma_wait3A_739 = tpu.memref_squeeze %dma_wait3A_738 : memref<1x4096xf32, #tpu.memory_space<vmem>> -> memref<4096xf32, #tpu.memory_space<vmem>>
      %dma_wait3A_740 = arith.constant 640 : i32
      %dma_wait3A_741 = tpu.memref_slice %dma_wait3A_739[%dma_wait3A_740] : memref<4096xf32, #tpu.memory_space<vmem>> -> memref<128xf32, #tpu.memory_space<vmem>>
      %dma_wait3A_742 = arith.constant 0 : i32
      %dma_wait3A_743 = arith.constant 0 : i32
      %dma_wait3A_744 = tpu.memref_slice %arg11[%dma_wait3A_735, %dma_wait3A_742, %dma_wait3A_743] : memref<2x32x128xi32, #tpu.memory_space<vmem>> -> memref<1x32x128xi32, #tpu.memory_space<vmem>>
      %dma_wait3A_745 = tpu.memref_squeeze %dma_wait3A_744 : memref<1x32x128xi32, #tpu.memory_space<vmem>> -> memref<32x128xi32, #tpu.memory_space<vmem>>
      %dma_wait3A_746 = arith.constant 0 : i32
      %dma_wait3A_747 = tpu.memref_slice %dma_wait3A_745[%dma_wait3A_736, %dma_wait3A_746] : memref<32x128xi32, #tpu.memory_space<vmem>> -> memref<1x128xi32, #tpu.memory_space<vmem>>
      %dma_wait3A_748 = tpu.memref_squeeze %dma_wait3A_747 : memref<1x128xi32, #tpu.memory_space<vmem>> -> memref<128xi32, #tpu.memory_space<vmem>>
      %dma_wait3A_749 = arith.constant 0 : i32
      %dma_wait3A_750 = tpu.memref_slice %arg10[%dma_wait3A_749] : memref<1048576xf32, #tpu.memory_space<vmem_shared>> -> memref<1048576xf32, #tpu.memory_space<vmem_shared>>
      tpu.wait_indirect_dma semaphore(%arg16 : memref<!tpu.dma_semaphore, #tpu.memory_space<semaphore_mem>>) src(%dma_wait3A_741 : memref<128xf32, #tpu.memory_space<vmem>>) dst(%dma_wait3A_750 : memref<1048576xf32, #tpu.memory_space<vmem_shared>>)
      %dma_wait3A_751 = arith.constant 0 : i32
      %dma_wait3A_752 = arith.constant 0 : i32
      %dma_wait3A_753 = arith.constant 6 : i32
      %dma_wait3A_754 = arith.constant 0 : i32
      %dma_wait3A_755 = tpu.memref_slice %arg12[%dma_wait3A_751, %dma_wait3A_754] : memref<2x4096xf32, #tpu.memory_space<vmem>> -> memref<1x4096xf32, #tpu.memory_space<vmem>>
      %dma_wait3A_756 = tpu.memref_squeeze %dma_wait3A_755 : memref<1x4096xf32, #tpu.memory_space<vmem>> -> memref<4096xf32, #tpu.memory_space<vmem>>
      %dma_wait3A_757 = arith.constant 768 : i32
      %dma_wait3A_758 = tpu.memref_slice %dma_wait3A_756[%dma_wait3A_757] : memref<4096xf32, #tpu.memory_space<vmem>> -> memref<128xf32, #tpu.memory_space<vmem>>
      %dma_wait3A_759 = arith.constant 0 : i32
      %dma_wait3A_760 = arith.constant 0 : i32
      %dma_wait3A_761 = tpu.memref_slice %arg11[%dma_wait3A_752, %dma_wait3A_759, %dma_wait3A_760] : memref<2x32x128xi32, #tpu.memory_space<vmem>> -> memref<1x32x128xi32, #tpu.memory_space<vmem>>
      %dma_wait3A_762 = tpu.memref_squeeze %dma_wait3A_761 : memref<1x32x128xi32, #tpu.memory_space<vmem>> -> memref<32x128xi32, #tpu.memory_space<vmem>>
      %dma_wait3A_763 = arith.constant 0 : i32
      %dma_wait3A_764 = tpu.memref_slice %dma_wait3A_762[%dma_wait3A_753, %dma_wait3A_763] : memref<32x128xi32, #tpu.memory_space<vmem>> -> memref<1x128xi32, #tpu.memory_space<vmem>>
      %dma_wait3A_765 = tpu.memref_squeeze %dma_wait3A_764 : memref<1x128xi32, #tpu.memory_space<vmem>> -> memref<128xi32, #tpu.memory_space<vmem>>
      %dma_wait3A_766 = arith.constant 0 : i32
      %dma_wait3A_767 = tpu.memref_slice %arg10[%dma_wait3A_766] : memref<1048576xf32, #tpu.memory_space<vmem_shared>> -> memref<1048576xf32, #tpu.memory_space<vmem_shared>>
      tpu.wait_indirect_dma semaphore(%arg16 : memref<!tpu.dma_semaphore, #tpu.memory_space<semaphore_mem>>) src(%dma_wait3A_758 : memref<128xf32, #tpu.memory_space<vmem>>) dst(%dma_wait3A_767 : memref<1048576xf32, #tpu.memory_space<vmem_shared>>)
      %dma_wait3A_768 = arith.constant 0 : i32
      %dma_wait3A_769 = arith.constant 0 : i32
      %dma_wait3A_770 = arith.constant 7 : i32
      %dma_wait3A_771 = arith.constant 0 : i32
      %dma_wait3A_772 = tpu.memref_slice %arg12[%dma_wait3A_768, %dma_wait3A_771] : memref<2x4096xf32, #tpu.memory_space<vmem>> -> memref<1x4096xf32, #tpu.memory_space<vmem>>
      %dma_wait3A_773 = tpu.memref_squeeze %dma_wait3A_772 : memref<1x4096xf32, #tpu.memory_space<vmem>> -> memref<4096xf32, #tpu.memory_space<vmem>>
      %dma_wait3A_774 = arith.constant 896 : i32
      %dma_wait3A_775 = tpu.memref_slice %dma_wait3A_773[%dma_wait3A_774] : memref<4096xf32, #tpu.memory_space<vmem>> -> memref<128xf32, #tpu.memory_space<vmem>>
      %dma_wait3A_776 = arith.constant 0 : i32
      %dma_wait3A_777 = arith.constant 0 : i32
      %dma_wait3A_778 = tpu.memref_slice %arg11[%dma_wait3A_769, %dma_wait3A_776, %dma_wait3A_777] : memref<2x32x128xi32, #tpu.memory_space<vmem>> -> memref<1x32x128xi32, #tpu.memory_space<vmem>>
      %dma_wait3A_779 = tpu.memref_squeeze %dma_wait3A_778 : memref<1x32x128xi32, #tpu.memory_space<vmem>> -> memref<32x128xi32, #tpu.memory_space<vmem>>
      %dma_wait3A_780 = arith.constant 0 : i32
      %dma_wait3A_781 = tpu.memref_slice %dma_wait3A_779[%dma_wait3A_770, %dma_wait3A_780] : memref<32x128xi32, #tpu.memory_space<vmem>> -> memref<1x128xi32, #tpu.memory_space<vmem>>
      %dma_wait3A_782 = tpu.memref_squeeze %dma_wait3A_781 : memref<1x128xi32, #tpu.memory_space<vmem>> -> memref<128xi32, #tpu.memory_space<vmem>>
      %dma_wait3A_783 = arith.constant 0 : i32
      %dma_wait3A_784 = tpu.memref_slice %arg10[%dma_wait3A_783] : memref<1048576xf32, #tpu.memory_space<vmem_shared>> -> memref<1048576xf32, #tpu.memory_space<vmem_shared>>
      tpu.wait_indirect_dma semaphore(%arg16 : memref<!tpu.dma_semaphore, #tpu.memory_space<semaphore_mem>>) src(%dma_wait3A_775 : memref<128xf32, #tpu.memory_space<vmem>>) dst(%dma_wait3A_784 : memref<1048576xf32, #tpu.memory_space<vmem_shared>>)
      %dma_wait3A_785 = arith.constant 0 : i32
      %dma_wait3A_786 = arith.constant 0 : i32
      %dma_wait3A_787 = arith.constant 8 : i32
      %dma_wait3A_788 = arith.constant 0 : i32
      %dma_wait3A_789 = tpu.memref_slice %arg12[%dma_wait3A_785, %dma_wait3A_788] : memref<2x4096xf32, #tpu.memory_space<vmem>> -> memref<1x4096xf32, #tpu.memory_space<vmem>>
      %dma_wait3A_790 = tpu.memref_squeeze %dma_wait3A_789 : memref<1x4096xf32, #tpu.memory_space<vmem>> -> memref<4096xf32, #tpu.memory_space<vmem>>
      %dma_wait3A_791 = arith.constant 1024 : i32
      %dma_wait3A_792 = tpu.memref_slice %dma_wait3A_790[%dma_wait3A_791] : memref<4096xf32, #tpu.memory_space<vmem>> -> memref<128xf32, #tpu.memory_space<vmem>>
      %dma_wait3A_793 = arith.constant 0 : i32
      %dma_wait3A_794 = arith.constant 0 : i32
      %dma_wait3A_795 = tpu.memref_slice %arg11[%dma_wait3A_786, %dma_wait3A_793, %dma_wait3A_794] : memref<2x32x128xi32, #tpu.memory_space<vmem>> -> memref<1x32x128xi32, #tpu.memory_space<vmem>>
      %dma_wait3A_796 = tpu.memref_squeeze %dma_wait3A_795 : memref<1x32x128xi32, #tpu.memory_space<vmem>> -> memref<32x128xi32, #tpu.memory_space<vmem>>
      %dma_wait3A_797 = arith.constant 0 : i32
      %dma_wait3A_798 = tpu.memref_slice %dma_wait3A_796[%dma_wait3A_787, %dma_wait3A_797] : memref<32x128xi32, #tpu.memory_space<vmem>> -> memref<1x128xi32, #tpu.memory_space<vmem>>
      %dma_wait3A_799 = tpu.memref_squeeze %dma_wait3A_798 : memref<1x128xi32, #tpu.memory_space<vmem>> -> memref<128xi32, #tpu.memory_space<vmem>>
      %dma_wait3A_800 = arith.constant 0 : i32
      %dma_wait3A_801 = tpu.memref_slice %arg10[%dma_wait3A_800] : memref<1048576xf32, #tpu.memory_space<vmem_shared>> -> memref<1048576xf32, #tpu.memory_space<vmem_shared>>
      tpu.wait_indirect_dma semaphore(%arg16 : memref<!tpu.dma_semaphore, #tpu.memory_space<semaphore_mem>>) src(%dma_wait3A_792 : memref<128xf32, #tpu.memory_space<vmem>>) dst(%dma_wait3A_801 : memref<1048576xf32, #tpu.memory_space<vmem_shared>>)
      %dma_wait3A_802 = arith.constant 0 : i32
      %dma_wait3A_803 = arith.constant 0 : i32
      %dma_wait3A_804 = arith.constant 9 : i32
      %dma_wait3A_805 = arith.constant 0 : i32
      %dma_wait3A_806 = tpu.memref_slice %arg12[%dma_wait3A_802, %dma_wait3A_805] : memref<2x4096xf32, #tpu.memory_space<vmem>> -> memref<1x4096xf32, #tpu.memory_space<vmem>>
      %dma_wait3A_807 = tpu.memref_squeeze %dma_wait3A_806 : memref<1x4096xf32, #tpu.memory_space<vmem>> -> memref<4096xf32, #tpu.memory_space<vmem>>
      %dma_wait3A_808 = arith.constant 1152 : i32
      %dma_wait3A_809 = tpu.memref_slice %dma_wait3A_807[%dma_wait3A_808] : memref<4096xf32, #tpu.memory_space<vmem>> -> memref<128xf32, #tpu.memory_space<vmem>>
      %dma_wait3A_810 = arith.constant 0 : i32
      %dma_wait3A_811 = arith.constant 0 : i32
      %dma_wait3A_812 = tpu.memref_slice %arg11[%dma_wait3A_803, %dma_wait3A_810, %dma_wait3A_811] : memref<2x32x128xi32, #tpu.memory_space<vmem>> -> memref<1x32x128xi32, #tpu.memory_space<vmem>>
      %dma_wait3A_813 = tpu.memref_squeeze %dma_wait3A_812 : memref<1x32x128xi32, #tpu.memory_space<vmem>> -> memref<32x128xi32, #tpu.memory_space<vmem>>
      %dma_wait3A_814 = arith.constant 0 : i32
      %dma_wait3A_815 = tpu.memref_slice %dma_wait3A_813[%dma_wait3A_804, %dma_wait3A_814] : memref<32x128xi32, #tpu.memory_space<vmem>> -> memref<1x128xi32, #tpu.memory_space<vmem>>
      %dma_wait3A_816 = tpu.memref_squeeze %dma_wait3A_815 : memref<1x128xi32, #tpu.memory_space<vmem>> -> memref<128xi32, #tpu.memory_space<vmem>>
      %dma_wait3A_817 = arith.constant 0 : i32
      %dma_wait3A_818 = tpu.memref_slice %arg10[%dma_wait3A_817] : memref<1048576xf32, #tpu.memory_space<vmem_shared>> -> memref<1048576xf32, #tpu.memory_space<vmem_shared>>
      tpu.wait_indirect_dma semaphore(%arg16 : memref<!tpu.dma_semaphore, #tpu.memory_space<semaphore_mem>>) src(%dma_wait3A_809 : memref<128xf32, #tpu.memory_space<vmem>>) dst(%dma_wait3A_818 : memref<1048576xf32, #tpu.memory_space<vmem_shared>>)
      %dma_wait3A_819 = arith.constant 0 : i32
      %dma_wait3A_820 = arith.constant 0 : i32
      %dma_wait3A_821 = arith.constant 10 : i32
      %dma_wait3A_822 = arith.constant 0 : i32
      %dma_wait3A_823 = tpu.memref_slice %arg12[%dma_wait3A_819, %dma_wait3A_822] : memref<2x4096xf32, #tpu.memory_space<vmem>> -> memref<1x4096xf32, #tpu.memory_space<vmem>>
      %dma_wait3A_824 = tpu.memref_squeeze %dma_wait3A_823 : memref<1x4096xf32, #tpu.memory_space<vmem>> -> memref<4096xf32, #tpu.memory_space<vmem>>
      %dma_wait3A_825 = arith.constant 1280 : i32
      %dma_wait3A_826 = tpu.memref_slice %dma_wait3A_824[%dma_wait3A_825] : memref<4096xf32, #tpu.memory_space<vmem>> -> memref<128xf32, #tpu.memory_space<vmem>>
      %dma_wait3A_827 = arith.constant 0 : i32
      %dma_wait3A_828 = arith.constant 0 : i32
      %dma_wait3A_829 = tpu.memref_slice %arg11[%dma_wait3A_820, %dma_wait3A_827, %dma_wait3A_828] : memref<2x32x128xi32, #tpu.memory_space<vmem>> -> memref<1x32x128xi32, #tpu.memory_space<vmem>>
      %dma_wait3A_830 = tpu.memref_squeeze %dma_wait3A_829 : memref<1x32x128xi32, #tpu.memory_space<vmem>> -> memref<32x128xi32, #tpu.memory_space<vmem>>
      %dma_wait3A_831 = arith.constant 0 : i32
      %dma_wait3A_832 = tpu.memref_slice %dma_wait3A_830[%dma_wait3A_821, %dma_wait3A_831] : memref<32x128xi32, #tpu.memory_space<vmem>> -> memref<1x128xi32, #tpu.memory_space<vmem>>
      %dma_wait3A_833 = tpu.memref_squeeze %dma_wait3A_832 : memref<1x128xi32, #tpu.memory_space<vmem>> -> memref<128xi32, #tpu.memory_space<vmem>>
      %dma_wait3A_834 = arith.constant 0 : i32
      %dma_wait3A_835 = tpu.memref_slice %arg10[%dma_wait3A_834] : memref<1048576xf32, #tpu.memory_space<vmem_shared>> -> memref<1048576xf32, #tpu.memory_space<vmem_shared>>
      tpu.wait_indirect_dma semaphore(%arg16 : memref<!tpu.dma_semaphore, #tpu.memory_space<semaphore_mem>>) src(%dma_wait3A_826 : memref<128xf32, #tpu.memory_space<vmem>>) dst(%dma_wait3A_835 : memref<1048576xf32, #tpu.memory_space<vmem_shared>>)
      %dma_wait3A_836 = arith.constant 0 : i32
      %dma_wait3A_837 = arith.constant 0 : i32
      %dma_wait3A_838 = arith.constant 11 : i32
      %dma_wait3A_839 = arith.constant 0 : i32
      %dma_wait3A_840 = tpu.memref_slice %arg12[%dma_wait3A_836, %dma_wait3A_839] : memref<2x4096xf32, #tpu.memory_space<vmem>> -> memref<1x4096xf32, #tpu.memory_space<vmem>>
      %dma_wait3A_841 = tpu.memref_squeeze %dma_wait3A_840 : memref<1x4096xf32, #tpu.memory_space<vmem>> -> memref<4096xf32, #tpu.memory_space<vmem>>
      %dma_wait3A_842 = arith.constant 1408 : i32
      %dma_wait3A_843 = tpu.memref_slice %dma_wait3A_841[%dma_wait3A_842] : memref<4096xf32, #tpu.memory_space<vmem>> -> memref<128xf32, #tpu.memory_space<vmem>>
      %dma_wait3A_844 = arith.constant 0 : i32
      %dma_wait3A_845 = arith.constant 0 : i32
      %dma_wait3A_846 = tpu.memref_slice %arg11[%dma_wait3A_837, %dma_wait3A_844, %dma_wait3A_845] : memref<2x32x128xi32, #tpu.memory_space<vmem>> -> memref<1x32x128xi32, #tpu.memory_space<vmem>>
      %dma_wait3A_847 = tpu.memref_squeeze %dma_wait3A_846 : memref<1x32x128xi32, #tpu.memory_space<vmem>> -> memref<32x128xi32, #tpu.memory_space<vmem>>
      %dma_wait3A_848 = arith.constant 0 : i32
      %dma_wait3A_849 = tpu.memref_slice %dma_wait3A_847[%dma_wait3A_838, %dma_wait3A_848] : memref<32x128xi32, #tpu.memory_space<vmem>> -> memref<1x128xi32, #tpu.memory_space<vmem>>
      %dma_wait3A_850 = tpu.memref_squeeze %dma_wait3A_849 : memref<1x128xi32, #tpu.memory_space<vmem>> -> memref<128xi32, #tpu.memory_space<vmem>>
      %dma_wait3A_851 = arith.constant 0 : i32
      %dma_wait3A_852 = tpu.memref_slice %arg10[%dma_wait3A_851] : memref<1048576xf32, #tpu.memory_space<vmem_shared>> -> memref<1048576xf32, #tpu.memory_space<vmem_shared>>
      tpu.wait_indirect_dma semaphore(%arg16 : memref<!tpu.dma_semaphore, #tpu.memory_space<semaphore_mem>>) src(%dma_wait3A_843 : memref<128xf32, #tpu.memory_space<vmem>>) dst(%dma_wait3A_852 : memref<1048576xf32, #tpu.memory_space<vmem_shared>>)
      %dma_wait3A_853 = arith.constant 0 : i32
      %dma_wait3A_854 = arith.constant 0 : i32
      %dma_wait3A_855 = arith.constant 12 : i32
      %dma_wait3A_856 = arith.constant 0 : i32
      %dma_wait3A_857 = tpu.memref_slice %arg12[%dma_wait3A_853, %dma_wait3A_856] : memref<2x4096xf32, #tpu.memory_space<vmem>> -> memref<1x4096xf32, #tpu.memory_space<vmem>>
      %dma_wait3A_858 = tpu.memref_squeeze %dma_wait3A_857 : memref<1x4096xf32, #tpu.memory_space<vmem>> -> memref<4096xf32, #tpu.memory_space<vmem>>
      %dma_wait3A_859 = arith.constant 1536 : i32
      %dma_wait3A_860 = tpu.memref_slice %dma_wait3A_858[%dma_wait3A_859] : memref<4096xf32, #tpu.memory_space<vmem>> -> memref<128xf32, #tpu.memory_space<vmem>>
      %dma_wait3A_861 = arith.constant 0 : i32
      %dma_wait3A_862 = arith.constant 0 : i32
      %dma_wait3A_863 = tpu.memref_slice %arg11[%dma_wait3A_854, %dma_wait3A_861, %dma_wait3A_862] : memref<2x32x128xi32, #tpu.memory_space<vmem>> -> memref<1x32x128xi32, #tpu.memory_space<vmem>>
      %dma_wait3A_864 = tpu.memref_squeeze %dma_wait3A_863 : memref<1x32x128xi32, #tpu.memory_space<vmem>> -> memref<32x128xi32, #tpu.memory_space<vmem>>
      %dma_wait3A_865 = arith.constant 0 : i32
      %dma_wait3A_866 = tpu.memref_slice %dma_wait3A_864[%dma_wait3A_855, %dma_wait3A_865] : memref<32x128xi32, #tpu.memory_space<vmem>> -> memref<1x128xi32, #tpu.memory_space<vmem>>
      %dma_wait3A_867 = tpu.memref_squeeze %dma_wait3A_866 : memref<1x128xi32, #tpu.memory_space<vmem>> -> memref<128xi32, #tpu.memory_space<vmem>>
      %dma_wait3A_868 = arith.constant 0 : i32
      %dma_wait3A_869 = tpu.memref_slice %arg10[%dma_wait3A_868] : memref<1048576xf32, #tpu.memory_space<vmem_shared>> -> memref<1048576xf32, #tpu.memory_space<vmem_shared>>
      tpu.wait_indirect_dma semaphore(%arg16 : memref<!tpu.dma_semaphore, #tpu.memory_space<semaphore_mem>>) src(%dma_wait3A_860 : memref<128xf32, #tpu.memory_space<vmem>>) dst(%dma_wait3A_869 : memref<1048576xf32, #tpu.memory_space<vmem_shared>>)
      %dma_wait3A_870 = arith.constant 0 : i32
      %dma_wait3A_871 = arith.constant 0 : i32
      %dma_wait3A_872 = arith.constant 13 : i32
      %dma_wait3A_873 = arith.constant 0 : i32
      %dma_wait3A_874 = tpu.memref_slice %arg12[%dma_wait3A_870, %dma_wait3A_873] : memref<2x4096xf32, #tpu.memory_space<vmem>> -> memref<1x4096xf32, #tpu.memory_space<vmem>>
      %dma_wait3A_875 = tpu.memref_squeeze %dma_wait3A_874 : memref<1x4096xf32, #tpu.memory_space<vmem>> -> memref<4096xf32, #tpu.memory_space<vmem>>
      %dma_wait3A_876 = arith.constant 1664 : i32
      %dma_wait3A_877 = tpu.memref_slice %dma_wait3A_875[%dma_wait3A_876] : memref<4096xf32, #tpu.memory_space<vmem>> -> memref<128xf32, #tpu.memory_space<vmem>>
      %dma_wait3A_878 = arith.constant 0 : i32
      %dma_wait3A_879 = arith.constant 0 : i32
      %dma_wait3A_880 = tpu.memref_slice %arg11[%dma_wait3A_871, %dma_wait3A_878, %dma_wait3A_879] : memref<2x32x128xi32, #tpu.memory_space<vmem>> -> memref<1x32x128xi32, #tpu.memory_space<vmem>>
      %dma_wait3A_881 = tpu.memref_squeeze %dma_wait3A_880 : memref<1x32x128xi32, #tpu.memory_space<vmem>> -> memref<32x128xi32, #tpu.memory_space<vmem>>
      %dma_wait3A_882 = arith.constant 0 : i32
      %dma_wait3A_883 = tpu.memref_slice %dma_wait3A_881[%dma_wait3A_872, %dma_wait3A_882] : memref<32x128xi32, #tpu.memory_space<vmem>> -> memref<1x128xi32, #tpu.memory_space<vmem>>
      %dma_wait3A_884 = tpu.memref_squeeze %dma_wait3A_883 : memref<1x128xi32, #tpu.memory_space<vmem>> -> memref<128xi32, #tpu.memory_space<vmem>>
      %dma_wait3A_885 = arith.constant 0 : i32
      %dma_wait3A_886 = tpu.memref_slice %arg10[%dma_wait3A_885] : memref<1048576xf32, #tpu.memory_space<vmem_shared>> -> memref<1048576xf32, #tpu.memory_space<vmem_shared>>
      tpu.wait_indirect_dma semaphore(%arg16 : memref<!tpu.dma_semaphore, #tpu.memory_space<semaphore_mem>>) src(%dma_wait3A_877 : memref<128xf32, #tpu.memory_space<vmem>>) dst(%dma_wait3A_886 : memref<1048576xf32, #tpu.memory_space<vmem_shared>>)
      %dma_wait3A_887 = arith.constant 0 : i32
      %dma_wait3A_888 = arith.constant 0 : i32
      %dma_wait3A_889 = arith.constant 14 : i32
      %dma_wait3A_890 = arith.constant 0 : i32
      %dma_wait3A_891 = tpu.memref_slice %arg12[%dma_wait3A_887, %dma_wait3A_890] : memref<2x4096xf32, #tpu.memory_space<vmem>> -> memref<1x4096xf32, #tpu.memory_space<vmem>>
      %dma_wait3A_892 = tpu.memref_squeeze %dma_wait3A_891 : memref<1x4096xf32, #tpu.memory_space<vmem>> -> memref<4096xf32, #tpu.memory_space<vmem>>
      %dma_wait3A_893 = arith.constant 1792 : i32
      %dma_wait3A_894 = tpu.memref_slice %dma_wait3A_892[%dma_wait3A_893] : memref<4096xf32, #tpu.memory_space<vmem>> -> memref<128xf32, #tpu.memory_space<vmem>>
      %dma_wait3A_895 = arith.constant 0 : i32
      %dma_wait3A_896 = arith.constant 0 : i32
      %dma_wait3A_897 = tpu.memref_slice %arg11[%dma_wait3A_888, %dma_wait3A_895, %dma_wait3A_896] : memref<2x32x128xi32, #tpu.memory_space<vmem>> -> memref<1x32x128xi32, #tpu.memory_space<vmem>>
      %dma_wait3A_898 = tpu.memref_squeeze %dma_wait3A_897 : memref<1x32x128xi32, #tpu.memory_space<vmem>> -> memref<32x128xi32, #tpu.memory_space<vmem>>
      %dma_wait3A_899 = arith.constant 0 : i32
      %dma_wait3A_900 = tpu.memref_slice %dma_wait3A_898[%dma_wait3A_889, %dma_wait3A_899] : memref<32x128xi32, #tpu.memory_space<vmem>> -> memref<1x128xi32, #tpu.memory_space<vmem>>
      %dma_wait3A_901 = tpu.memref_squeeze %dma_wait3A_900 : memref<1x128xi32, #tpu.memory_space<vmem>> -> memref<128xi32, #tpu.memory_space<vmem>>
      %dma_wait3A_902 = arith.constant 0 : i32
      %dma_wait3A_903 = tpu.memref_slice %arg10[%dma_wait3A_902] : memref<1048576xf32, #tpu.memory_space<vmem_shared>> -> memref<1048576xf32, #tpu.memory_space<vmem_shared>>
      tpu.wait_indirect_dma semaphore(%arg16 : memref<!tpu.dma_semaphore, #tpu.memory_space<semaphore_mem>>) src(%dma_wait3A_894 : memref<128xf32, #tpu.memory_space<vmem>>) dst(%dma_wait3A_903 : memref<1048576xf32, #tpu.memory_space<vmem_shared>>)
      %dma_wait3A_904 = arith.constant 0 : i32
      %dma_wait3A_905 = arith.constant 0 : i32
      %dma_wait3A_906 = arith.constant 15 : i32
      %dma_wait3A_907 = arith.constant 0 : i32
      %dma_wait3A_908 = tpu.memref_slice %arg12[%dma_wait3A_904, %dma_wait3A_907] : memref<2x4096xf32, #tpu.memory_space<vmem>> -> memref<1x4096xf32, #tpu.memory_space<vmem>>
      %dma_wait3A_909 = tpu.memref_squeeze %dma_wait3A_908 : memref<1x4096xf32, #tpu.memory_space<vmem>> -> memref<4096xf32, #tpu.memory_space<vmem>>
      %dma_wait3A_910 = arith.constant 1920 : i32
      %dma_wait3A_911 = tpu.memref_slice %dma_wait3A_909[%dma_wait3A_910] : memref<4096xf32, #tpu.memory_space<vmem>> -> memref<128xf32, #tpu.memory_space<vmem>>
      %dma_wait3A_912 = arith.constant 0 : i32
      %dma_wait3A_913 = arith.constant 0 : i32
      %dma_wait3A_914 = tpu.memref_slice %arg11[%dma_wait3A_905, %dma_wait3A_912, %dma_wait3A_913] : memref<2x32x128xi32, #tpu.memory_space<vmem>> -> memref<1x32x128xi32, #tpu.memory_space<vmem>>
      %dma_wait3A_915 = tpu.memref_squeeze %dma_wait3A_914 : memref<1x32x128xi32, #tpu.memory_space<vmem>> -> memref<32x128xi32, #tpu.memory_space<vmem>>
      %dma_wait3A_916 = arith.constant 0 : i32
      %dma_wait3A_917 = tpu.memref_slice %dma_wait3A_915[%dma_wait3A_906, %dma_wait3A_916] : memref<32x128xi32, #tpu.memory_space<vmem>> -> memref<1x128xi32, #tpu.memory_space<vmem>>
      %dma_wait3A_918 = tpu.memref_squeeze %dma_wait3A_917 : memref<1x128xi32, #tpu.memory_space<vmem>> -> memref<128xi32, #tpu.memory_space<vmem>>
      %dma_wait3A_919 = arith.constant 0 : i32
      %dma_wait3A_920 = tpu.memref_slice %arg10[%dma_wait3A_919] : memref<1048576xf32, #tpu.memory_space<vmem_shared>> -> memref<1048576xf32, #tpu.memory_space<vmem_shared>>
      tpu.wait_indirect_dma semaphore(%arg16 : memref<!tpu.dma_semaphore, #tpu.memory_space<semaphore_mem>>) src(%dma_wait3A_911 : memref<128xf32, #tpu.memory_space<vmem>>) dst(%dma_wait3A_920 : memref<1048576xf32, #tpu.memory_space<vmem_shared>>)
      %dma_wait3A_921 = arith.constant 0 : i32
      %dma_wait3A_922 = arith.constant 0 : i32
      %dma_wait3A_923 = arith.constant 16 : i32
      %dma_wait3A_924 = arith.constant 0 : i32
      %dma_wait3A_925 = tpu.memref_slice %arg12[%dma_wait3A_921, %dma_wait3A_924] : memref<2x4096xf32, #tpu.memory_space<vmem>> -> memref<1x4096xf32, #tpu.memory_space<vmem>>
      %dma_wait3A_926 = tpu.memref_squeeze %dma_wait3A_925 : memref<1x4096xf32, #tpu.memory_space<vmem>> -> memref<4096xf32, #tpu.memory_space<vmem>>
      %dma_wait3A_927 = arith.constant 2048 : i32
      %dma_wait3A_928 = tpu.memref_slice %dma_wait3A_926[%dma_wait3A_927] : memref<4096xf32, #tpu.memory_space<vmem>> -> memref<128xf32, #tpu.memory_space<vmem>>
      %dma_wait3A_929 = arith.constant 0 : i32
      %dma_wait3A_930 = arith.constant 0 : i32
      %dma_wait3A_931 = tpu.memref_slice %arg11[%dma_wait3A_922, %dma_wait3A_929, %dma_wait3A_930] : memref<2x32x128xi32, #tpu.memory_space<vmem>> -> memref<1x32x128xi32, #tpu.memory_space<vmem>>
      %dma_wait3A_932 = tpu.memref_squeeze %dma_wait3A_931 : memref<1x32x128xi32, #tpu.memory_space<vmem>> -> memref<32x128xi32, #tpu.memory_space<vmem>>
      %dma_wait3A_933 = arith.constant 0 : i32
      %dma_wait3A_934 = tpu.memref_slice %dma_wait3A_932[%dma_wait3A_923, %dma_wait3A_933] : memref<32x128xi32, #tpu.memory_space<vmem>> -> memref<1x128xi32, #tpu.memory_space<vmem>>
      %dma_wait3A_935 = tpu.memref_squeeze %dma_wait3A_934 : memref<1x128xi32, #tpu.memory_space<vmem>> -> memref<128xi32, #tpu.memory_space<vmem>>
      %dma_wait3A_936 = arith.constant 0 : i32
      %dma_wait3A_937 = tpu.memref_slice %arg10[%dma_wait3A_936] : memref<1048576xf32, #tpu.memory_space<vmem_shared>> -> memref<1048576xf32, #tpu.memory_space<vmem_shared>>
      tpu.wait_indirect_dma semaphore(%arg16 : memref<!tpu.dma_semaphore, #tpu.memory_space<semaphore_mem>>) src(%dma_wait3A_928 : memref<128xf32, #tpu.memory_space<vmem>>) dst(%dma_wait3A_937 : memref<1048576xf32, #tpu.memory_space<vmem_shared>>)
      %dma_wait3A_938 = arith.constant 0 : i32
      %dma_wait3A_939 = arith.constant 0 : i32
      %dma_wait3A_940 = arith.constant 17 : i32
      %dma_wait3A_941 = arith.constant 0 : i32
      %dma_wait3A_942 = tpu.memref_slice %arg12[%dma_wait3A_938, %dma_wait3A_941] : memref<2x4096xf32, #tpu.memory_space<vmem>> -> memref<1x4096xf32, #tpu.memory_space<vmem>>
      %dma_wait3A_943 = tpu.memref_squeeze %dma_wait3A_942 : memref<1x4096xf32, #tpu.memory_space<vmem>> -> memref<4096xf32, #tpu.memory_space<vmem>>
      %dma_wait3A_944 = arith.constant 2176 : i32
      %dma_wait3A_945 = tpu.memref_slice %dma_wait3A_943[%dma_wait3A_944] : memref<4096xf32, #tpu.memory_space<vmem>> -> memref<128xf32, #tpu.memory_space<vmem>>
      %dma_wait3A_946 = arith.constant 0 : i32
      %dma_wait3A_947 = arith.constant 0 : i32
      %dma_wait3A_948 = tpu.memref_slice %arg11[%dma_wait3A_939, %dma_wait3A_946, %dma_wait3A_947] : memref<2x32x128xi32, #tpu.memory_space<vmem>> -> memref<1x32x128xi32, #tpu.memory_space<vmem>>
      %dma_wait3A_949 = tpu.memref_squeeze %dma_wait3A_948 : memref<1x32x128xi32, #tpu.memory_space<vmem>> -> memref<32x128xi32, #tpu.memory_space<vmem>>
      %dma_wait3A_950 = arith.constant 0 : i32
      %dma_wait3A_951 = tpu.memref_slice %dma_wait3A_949[%dma_wait3A_940, %dma_wait3A_950] : memref<32x128xi32, #tpu.memory_space<vmem>> -> memref<1x128xi32, #tpu.memory_space<vmem>>
      %dma_wait3A_952 = tpu.memref_squeeze %dma_wait3A_951 : memref<1x128xi32, #tpu.memory_space<vmem>> -> memref<128xi32, #tpu.memory_space<vmem>>
      %dma_wait3A_953 = arith.constant 0 : i32
      %dma_wait3A_954 = tpu.memref_slice %arg10[%dma_wait3A_953] : memref<1048576xf32, #tpu.memory_space<vmem_shared>> -> memref<1048576xf32, #tpu.memory_space<vmem_shared>>
      tpu.wait_indirect_dma semaphore(%arg16 : memref<!tpu.dma_semaphore, #tpu.memory_space<semaphore_mem>>) src(%dma_wait3A_945 : memref<128xf32, #tpu.memory_space<vmem>>) dst(%dma_wait3A_954 : memref<1048576xf32, #tpu.memory_space<vmem_shared>>)
      %dma_wait3A_955 = arith.constant 0 : i32
      %dma_wait3A_956 = arith.constant 0 : i32
      %dma_wait3A_957 = arith.constant 18 : i32
      %dma_wait3A_958 = arith.constant 0 : i32
      %dma_wait3A_959 = tpu.memref_slice %arg12[%dma_wait3A_955, %dma_wait3A_958] : memref<2x4096xf32, #tpu.memory_space<vmem>> -> memref<1x4096xf32, #tpu.memory_space<vmem>>
      %dma_wait3A_960 = tpu.memref_squeeze %dma_wait3A_959 : memref<1x4096xf32, #tpu.memory_space<vmem>> -> memref<4096xf32, #tpu.memory_space<vmem>>
      %dma_wait3A_961 = arith.constant 2304 : i32
      %dma_wait3A_962 = tpu.memref_slice %dma_wait3A_960[%dma_wait3A_961] : memref<4096xf32, #tpu.memory_space<vmem>> -> memref<128xf32, #tpu.memory_space<vmem>>
      %dma_wait3A_963 = arith.constant 0 : i32
      %dma_wait3A_964 = arith.constant 0 : i32
      %dma_wait3A_965 = tpu.memref_slice %arg11[%dma_wait3A_956, %dma_wait3A_963, %dma_wait3A_964] : memref<2x32x128xi32, #tpu.memory_space<vmem>> -> memref<1x32x128xi32, #tpu.memory_space<vmem>>
      %dma_wait3A_966 = tpu.memref_squeeze %dma_wait3A_965 : memref<1x32x128xi32, #tpu.memory_space<vmem>> -> memref<32x128xi32, #tpu.memory_space<vmem>>
      %dma_wait3A_967 = arith.constant 0 : i32
      %dma_wait3A_968 = tpu.memref_slice %dma_wait3A_966[%dma_wait3A_957, %dma_wait3A_967] : memref<32x128xi32, #tpu.memory_space<vmem>> -> memref<1x128xi32, #tpu.memory_space<vmem>>
      %dma_wait3A_969 = tpu.memref_squeeze %dma_wait3A_968 : memref<1x128xi32, #tpu.memory_space<vmem>> -> memref<128xi32, #tpu.memory_space<vmem>>
      %dma_wait3A_970 = arith.constant 0 : i32
      %dma_wait3A_971 = tpu.memref_slice %arg10[%dma_wait3A_970] : memref<1048576xf32, #tpu.memory_space<vmem_shared>> -> memref<1048576xf32, #tpu.memory_space<vmem_shared>>
      tpu.wait_indirect_dma semaphore(%arg16 : memref<!tpu.dma_semaphore, #tpu.memory_space<semaphore_mem>>) src(%dma_wait3A_962 : memref<128xf32, #tpu.memory_space<vmem>>) dst(%dma_wait3A_971 : memref<1048576xf32, #tpu.memory_space<vmem_shared>>)
      %dma_wait3A_972 = arith.constant 0 : i32
      %dma_wait3A_973 = arith.constant 0 : i32
      %dma_wait3A_974 = arith.constant 19 : i32
      %dma_wait3A_975 = arith.constant 0 : i32
      %dma_wait3A_976 = tpu.memref_slice %arg12[%dma_wait3A_972, %dma_wait3A_975] : memref<2x4096xf32, #tpu.memory_space<vmem>> -> memref<1x4096xf32, #tpu.memory_space<vmem>>
      %dma_wait3A_977 = tpu.memref_squeeze %dma_wait3A_976 : memref<1x4096xf32, #tpu.memory_space<vmem>> -> memref<4096xf32, #tpu.memory_space<vmem>>
      %dma_wait3A_978 = arith.constant 2432 : i32
      %dma_wait3A_979 = tpu.memref_slice %dma_wait3A_977[%dma_wait3A_978] : memref<4096xf32, #tpu.memory_space<vmem>> -> memref<128xf32, #tpu.memory_space<vmem>>
      %dma_wait3A_980 = arith.constant 0 : i32
      %dma_wait3A_981 = arith.constant 0 : i32
      %dma_wait3A_982 = tpu.memref_slice %arg11[%dma_wait3A_973, %dma_wait3A_980, %dma_wait3A_981] : memref<2x32x128xi32, #tpu.memory_space<vmem>> -> memref<1x32x128xi32, #tpu.memory_space<vmem>>
      %dma_wait3A_983 = tpu.memref_squeeze %dma_wait3A_982 : memref<1x32x128xi32, #tpu.memory_space<vmem>> -> memref<32x128xi32, #tpu.memory_space<vmem>>
      %dma_wait3A_984 = arith.constant 0 : i32
      %dma_wait3A_985 = tpu.memref_slice %dma_wait3A_983[%dma_wait3A_974, %dma_wait3A_984] : memref<32x128xi32, #tpu.memory_space<vmem>> -> memref<1x128xi32, #tpu.memory_space<vmem>>
      %dma_wait3A_986 = tpu.memref_squeeze %dma_wait3A_985 : memref<1x128xi32, #tpu.memory_space<vmem>> -> memref<128xi32, #tpu.memory_space<vmem>>
      %dma_wait3A_987 = arith.constant 0 : i32
      %dma_wait3A_988 = tpu.memref_slice %arg10[%dma_wait3A_987] : memref<1048576xf32, #tpu.memory_space<vmem_shared>> -> memref<1048576xf32, #tpu.memory_space<vmem_shared>>
      tpu.wait_indirect_dma semaphore(%arg16 : memref<!tpu.dma_semaphore, #tpu.memory_space<semaphore_mem>>) src(%dma_wait3A_979 : memref<128xf32, #tpu.memory_space<vmem>>) dst(%dma_wait3A_988 : memref<1048576xf32, #tpu.memory_space<vmem_shared>>)
      %dma_wait3A_989 = arith.constant 0 : i32
      %dma_wait3A_990 = arith.constant 0 : i32
      %dma_wait3A_991 = arith.constant 20 : i32
      %dma_wait3A_992 = arith.constant 0 : i32
      %dma_wait3A_993 = tpu.memref_slice %arg12[%dma_wait3A_989, %dma_wait3A_992] : memref<2x4096xf32, #tpu.memory_space<vmem>> -> memref<1x4096xf32, #tpu.memory_space<vmem>>
      %dma_wait3A_994 = tpu.memref_squeeze %dma_wait3A_993 : memref<1x4096xf32, #tpu.memory_space<vmem>> -> memref<4096xf32, #tpu.memory_space<vmem>>
      %dma_wait3A_995 = arith.constant 2560 : i32
      %dma_wait3A_996 = tpu.memref_slice %dma_wait3A_994[%dma_wait3A_995] : memref<4096xf32, #tpu.memory_space<vmem>> -> memref<128xf32, #tpu.memory_space<vmem>>
      %dma_wait3A_997 = arith.constant 0 : i32
      %dma_wait3A_998 = arith.constant 0 : i32
      %dma_wait3A_999 = tpu.memref_slice %arg11[%dma_wait3A_990, %dma_wait3A_997, %dma_wait3A_998] : memref<2x32x128xi32, #tpu.memory_space<vmem>> -> memref<1x32x128xi32, #tpu.memory_space<vmem>>
      %dma_wait3A_1000 = tpu.memref_squeeze %dma_wait3A_999 : memref<1x32x128xi32, #tpu.memory_space<vmem>> -> memref<32x128xi32, #tpu.memory_space<vmem>>
      %dma_wait3A_1001 = arith.constant 0 : i32
      %dma_wait3A_1002 = tpu.memref_slice %dma_wait3A_1000[%dma_wait3A_991, %dma_wait3A_1001] : memref<32x128xi32, #tpu.memory_space<vmem>> -> memref<1x128xi32, #tpu.memory_space<vmem>>
      %dma_wait3A_1003 = tpu.memref_squeeze %dma_wait3A_1002 : memref<1x128xi32, #tpu.memory_space<vmem>> -> memref<128xi32, #tpu.memory_space<vmem>>
      %dma_wait3A_1004 = arith.constant 0 : i32
      %dma_wait3A_1005 = tpu.memref_slice %arg10[%dma_wait3A_1004] : memref<1048576xf32, #tpu.memory_space<vmem_shared>> -> memref<1048576xf32, #tpu.memory_space<vmem_shared>>
      tpu.wait_indirect_dma semaphore(%arg16 : memref<!tpu.dma_semaphore, #tpu.memory_space<semaphore_mem>>) src(%dma_wait3A_996 : memref<128xf32, #tpu.memory_space<vmem>>) dst(%dma_wait3A_1005 : memref<1048576xf32, #tpu.memory_space<vmem_shared>>)
      %dma_wait3A_1006 = arith.constant 0 : i32
      %dma_wait3A_1007 = arith.constant 0 : i32
      %dma_wait3A_1008 = arith.constant 21 : i32
      %dma_wait3A_1009 = arith.constant 0 : i32
      %dma_wait3A_1010 = tpu.memref_slice %arg12[%dma_wait3A_1006, %dma_wait3A_1009] : memref<2x4096xf32, #tpu.memory_space<vmem>> -> memref<1x4096xf32, #tpu.memory_space<vmem>>
      %dma_wait3A_1011 = tpu.memref_squeeze %dma_wait3A_1010 : memref<1x4096xf32, #tpu.memory_space<vmem>> -> memref<4096xf32, #tpu.memory_space<vmem>>
      %dma_wait3A_1012 = arith.constant 2688 : i32
      %dma_wait3A_1013 = tpu.memref_slice %dma_wait3A_1011[%dma_wait3A_1012] : memref<4096xf32, #tpu.memory_space<vmem>> -> memref<128xf32, #tpu.memory_space<vmem>>
      %dma_wait3A_1014 = arith.constant 0 : i32
      %dma_wait3A_1015 = arith.constant 0 : i32
      %dma_wait3A_1016 = tpu.memref_slice %arg11[%dma_wait3A_1007, %dma_wait3A_1014, %dma_wait3A_1015] : memref<2x32x128xi32, #tpu.memory_space<vmem>> -> memref<1x32x128xi32, #tpu.memory_space<vmem>>
      %dma_wait3A_1017 = tpu.memref_squeeze %dma_wait3A_1016 : memref<1x32x128xi32, #tpu.memory_space<vmem>> -> memref<32x128xi32, #tpu.memory_space<vmem>>
      %dma_wait3A_1018 = arith.constant 0 : i32
      %dma_wait3A_1019 = tpu.memref_slice %dma_wait3A_1017[%dma_wait3A_1008, %dma_wait3A_1018] : memref<32x128xi32, #tpu.memory_space<vmem>> -> memref<1x128xi32, #tpu.memory_space<vmem>>
      %dma_wait3A_1020 = tpu.memref_squeeze %dma_wait3A_1019 : memref<1x128xi32, #tpu.memory_space<vmem>> -> memref<128xi32, #tpu.memory_space<vmem>>
      %dma_wait3A_1021 = arith.constant 0 : i32
      %dma_wait3A_1022 = tpu.memref_slice %arg10[%dma_wait3A_1021] : memref<1048576xf32, #tpu.memory_space<vmem_shared>> -> memref<1048576xf32, #tpu.memory_space<vmem_shared>>
      tpu.wait_indirect_dma semaphore(%arg16 : memref<!tpu.dma_semaphore, #tpu.memory_space<semaphore_mem>>) src(%dma_wait3A_1013 : memref<128xf32, #tpu.memory_space<vmem>>) dst(%dma_wait3A_1022 : memref<1048576xf32, #tpu.memory_space<vmem_shared>>)
      %dma_wait3A_1023 = arith.constant 0 : i32
      %dma_wait3A_1024 = arith.constant 0 : i32
      %dma_wait3A_1025 = arith.constant 22 : i32
      %dma_wait3A_1026 = arith.constant 0 : i32
      %dma_wait3A_1027 = tpu.memref_slice %arg12[%dma_wait3A_1023, %dma_wait3A_1026] : memref<2x4096xf32, #tpu.memory_space<vmem>> -> memref<1x4096xf32, #tpu.memory_space<vmem>>
      %dma_wait3A_1028 = tpu.memref_squeeze %dma_wait3A_1027 : memref<1x4096xf32, #tpu.memory_space<vmem>> -> memref<4096xf32, #tpu.memory_space<vmem>>
      %dma_wait3A_1029 = arith.constant 2816 : i32
      %dma_wait3A_1030 = tpu.memref_slice %dma_wait3A_1028[%dma_wait3A_1029] : memref<4096xf32, #tpu.memory_space<vmem>> -> memref<128xf32, #tpu.memory_space<vmem>>
      %dma_wait3A_1031 = arith.constant 0 : i32
      %dma_wait3A_1032 = arith.constant 0 : i32
      %dma_wait3A_1033 = tpu.memref_slice %arg11[%dma_wait3A_1024, %dma_wait3A_1031, %dma_wait3A_1032] : memref<2x32x128xi32, #tpu.memory_space<vmem>> -> memref<1x32x128xi32, #tpu.memory_space<vmem>>
      %dma_wait3A_1034 = tpu.memref_squeeze %dma_wait3A_1033 : memref<1x32x128xi32, #tpu.memory_space<vmem>> -> memref<32x128xi32, #tpu.memory_space<vmem>>
      %dma_wait3A_1035 = arith.constant 0 : i32
      %dma_wait3A_1036 = tpu.memref_slice %dma_wait3A_1034[%dma_wait3A_1025, %dma_wait3A_1035] : memref<32x128xi32, #tpu.memory_space<vmem>> -> memref<1x128xi32, #tpu.memory_space<vmem>>
      %dma_wait3A_1037 = tpu.memref_squeeze %dma_wait3A_1036 : memref<1x128xi32, #tpu.memory_space<vmem>> -> memref<128xi32, #tpu.memory_space<vmem>>
      %dma_wait3A_1038 = arith.constant 0 : i32
      %dma_wait3A_1039 = tpu.memref_slice %arg10[%dma_wait3A_1038] : memref<1048576xf32, #tpu.memory_space<vmem_shared>> -> memref<1048576xf32, #tpu.memory_space<vmem_shared>>
      tpu.wait_indirect_dma semaphore(%arg16 : memref<!tpu.dma_semaphore, #tpu.memory_space<semaphore_mem>>) src(%dma_wait3A_1030 : memref<128xf32, #tpu.memory_space<vmem>>) dst(%dma_wait3A_1039 : memref<1048576xf32, #tpu.memory_space<vmem_shared>>)
      %dma_wait3A_1040 = arith.constant 0 : i32
      %dma_wait3A_1041 = arith.constant 0 : i32
      %dma_wait3A_1042 = arith.constant 23 : i32
      %dma_wait3A_1043 = arith.constant 0 : i32
      %dma_wait3A_1044 = tpu.memref_slice %arg12[%dma_wait3A_1040, %dma_wait3A_1043] : memref<2x4096xf32, #tpu.memory_space<vmem>> -> memref<1x4096xf32, #tpu.memory_space<vmem>>
      %dma_wait3A_1045 = tpu.memref_squeeze %dma_wait3A_1044 : memref<1x4096xf32, #tpu.memory_space<vmem>> -> memref<4096xf32, #tpu.memory_space<vmem>>
      %dma_wait3A_1046 = arith.constant 2944 : i32
      %dma_wait3A_1047 = tpu.memref_slice %dma_wait3A_1045[%dma_wait3A_1046] : memref<4096xf32, #tpu.memory_space<vmem>> -> memref<128xf32, #tpu.memory_space<vmem>>
      %dma_wait3A_1048 = arith.constant 0 : i32
      %dma_wait3A_1049 = arith.constant 0 : i32
      %dma_wait3A_1050 = tpu.memref_slice %arg11[%dma_wait3A_1041, %dma_wait3A_1048, %dma_wait3A_1049] : memref<2x32x128xi32, #tpu.memory_space<vmem>> -> memref<1x32x128xi32, #tpu.memory_space<vmem>>
      %dma_wait3A_1051 = tpu.memref_squeeze %dma_wait3A_1050 : memref<1x32x128xi32, #tpu.memory_space<vmem>> -> memref<32x128xi32, #tpu.memory_space<vmem>>
      %dma_wait3A_1052 = arith.constant 0 : i32
      %dma_wait3A_1053 = tpu.memref_slice %dma_wait3A_1051[%dma_wait3A_1042, %dma_wait3A_1052] : memref<32x128xi32, #tpu.memory_space<vmem>> -> memref<1x128xi32, #tpu.memory_space<vmem>>
      %dma_wait3A_1054 = tpu.memref_squeeze %dma_wait3A_1053 : memref<1x128xi32, #tpu.memory_space<vmem>> -> memref<128xi32, #tpu.memory_space<vmem>>
      %dma_wait3A_1055 = arith.constant 0 : i32
      %dma_wait3A_1056 = tpu.memref_slice %arg10[%dma_wait3A_1055] : memref<1048576xf32, #tpu.memory_space<vmem_shared>> -> memref<1048576xf32, #tpu.memory_space<vmem_shared>>
      tpu.wait_indirect_dma semaphore(%arg16 : memref<!tpu.dma_semaphore, #tpu.memory_space<semaphore_mem>>) src(%dma_wait3A_1047 : memref<128xf32, #tpu.memory_space<vmem>>) dst(%dma_wait3A_1056 : memref<1048576xf32, #tpu.memory_space<vmem_shared>>)
      %dma_wait3A_1057 = arith.constant 0 : i32
      %dma_wait3A_1058 = arith.constant 0 : i32
      %dma_wait3A_1059 = arith.constant 24 : i32
      %dma_wait3A_1060 = arith.constant 0 : i32
      %dma_wait3A_1061 = tpu.memref_slice %arg12[%dma_wait3A_1057, %dma_wait3A_1060] : memref<2x4096xf32, #tpu.memory_space<vmem>> -> memref<1x4096xf32, #tpu.memory_space<vmem>>
      %dma_wait3A_1062 = tpu.memref_squeeze %dma_wait3A_1061 : memref<1x4096xf32, #tpu.memory_space<vmem>> -> memref<4096xf32, #tpu.memory_space<vmem>>
      %dma_wait3A_1063 = arith.constant 3072 : i32
      %dma_wait3A_1064 = tpu.memref_slice %dma_wait3A_1062[%dma_wait3A_1063] : memref<4096xf32, #tpu.memory_space<vmem>> -> memref<128xf32, #tpu.memory_space<vmem>>
      %dma_wait3A_1065 = arith.constant 0 : i32
      %dma_wait3A_1066 = arith.constant 0 : i32
      %dma_wait3A_1067 = tpu.memref_slice %arg11[%dma_wait3A_1058, %dma_wait3A_1065, %dma_wait3A_1066] : memref<2x32x128xi32, #tpu.memory_space<vmem>> -> memref<1x32x128xi32, #tpu.memory_space<vmem>>
      %dma_wait3A_1068 = tpu.memref_squeeze %dma_wait3A_1067 : memref<1x32x128xi32, #tpu.memory_space<vmem>> -> memref<32x128xi32, #tpu.memory_space<vmem>>
      %dma_wait3A_1069 = arith.constant 0 : i32
      %dma_wait3A_1070 = tpu.memref_slice %dma_wait3A_1068[%dma_wait3A_1059, %dma_wait3A_1069] : memref<32x128xi32, #tpu.memory_space<vmem>> -> memref<1x128xi32, #tpu.memory_space<vmem>>
      %dma_wait3A_1071 = tpu.memref_squeeze %dma_wait3A_1070 : memref<1x128xi32, #tpu.memory_space<vmem>> -> memref<128xi32, #tpu.memory_space<vmem>>
      %dma_wait3A_1072 = arith.constant 0 : i32
      %dma_wait3A_1073 = tpu.memref_slice %arg10[%dma_wait3A_1072] : memref<1048576xf32, #tpu.memory_space<vmem_shared>> -> memref<1048576xf32, #tpu.memory_space<vmem_shared>>
      tpu.wait_indirect_dma semaphore(%arg16 : memref<!tpu.dma_semaphore, #tpu.memory_space<semaphore_mem>>) src(%dma_wait3A_1064 : memref<128xf32, #tpu.memory_space<vmem>>) dst(%dma_wait3A_1073 : memref<1048576xf32, #tpu.memory_space<vmem_shared>>)
      %dma_wait3A_1074 = arith.constant 0 : i32
      %dma_wait3A_1075 = arith.constant 0 : i32
      %dma_wait3A_1076 = arith.constant 25 : i32
      %dma_wait3A_1077 = arith.constant 0 : i32
      %dma_wait3A_1078 = tpu.memref_slice %arg12[%dma_wait3A_1074, %dma_wait3A_1077] : memref<2x4096xf32, #tpu.memory_space<vmem>> -> memref<1x4096xf32, #tpu.memory_space<vmem>>
      %dma_wait3A_1079 = tpu.memref_squeeze %dma_wait3A_1078 : memref<1x4096xf32, #tpu.memory_space<vmem>> -> memref<4096xf32, #tpu.memory_space<vmem>>
      %dma_wait3A_1080 = arith.constant 3200 : i32
      %dma_wait3A_1081 = tpu.memref_slice %dma_wait3A_1079[%dma_wait3A_1080] : memref<4096xf32, #tpu.memory_space<vmem>> -> memref<128xf32, #tpu.memory_space<vmem>>
      %dma_wait3A_1082 = arith.constant 0 : i32
      %dma_wait3A_1083 = arith.constant 0 : i32
      %dma_wait3A_1084 = tpu.memref_slice %arg11[%dma_wait3A_1075, %dma_wait3A_1082, %dma_wait3A_1083] : memref<2x32x128xi32, #tpu.memory_space<vmem>> -> memref<1x32x128xi32, #tpu.memory_space<vmem>>
      %dma_wait3A_1085 = tpu.memref_squeeze %dma_wait3A_1084 : memref<1x32x128xi32, #tpu.memory_space<vmem>> -> memref<32x128xi32, #tpu.memory_space<vmem>>
      %dma_wait3A_1086 = arith.constant 0 : i32
      %dma_wait3A_1087 = tpu.memref_slice %dma_wait3A_1085[%dma_wait3A_1076, %dma_wait3A_1086] : memref<32x128xi32, #tpu.memory_space<vmem>> -> memref<1x128xi32, #tpu.memory_space<vmem>>
      %dma_wait3A_1088 = tpu.memref_squeeze %dma_wait3A_1087 : memref<1x128xi32, #tpu.memory_space<vmem>> -> memref<128xi32, #tpu.memory_space<vmem>>
      %dma_wait3A_1089 = arith.constant 0 : i32
      %dma_wait3A_1090 = tpu.memref_slice %arg10[%dma_wait3A_1089] : memref<1048576xf32, #tpu.memory_space<vmem_shared>> -> memref<1048576xf32, #tpu.memory_space<vmem_shared>>
      tpu.wait_indirect_dma semaphore(%arg16 : memref<!tpu.dma_semaphore, #tpu.memory_space<semaphore_mem>>) src(%dma_wait3A_1081 : memref<128xf32, #tpu.memory_space<vmem>>) dst(%dma_wait3A_1090 : memref<1048576xf32, #tpu.memory_space<vmem_shared>>)
      %dma_wait3A_1091 = arith.constant 0 : i32
      %dma_wait3A_1092 = arith.constant 0 : i32
      %dma_wait3A_1093 = arith.constant 26 : i32
      %dma_wait3A_1094 = arith.constant 0 : i32
      %dma_wait3A_1095 = tpu.memref_slice %arg12[%dma_wait3A_1091, %dma_wait3A_1094] : memref<2x4096xf32, #tpu.memory_space<vmem>> -> memref<1x4096xf32, #tpu.memory_space<vmem>>
      %dma_wait3A_1096 = tpu.memref_squeeze %dma_wait3A_1095 : memref<1x4096xf32, #tpu.memory_space<vmem>> -> memref<4096xf32, #tpu.memory_space<vmem>>
      %dma_wait3A_1097 = arith.constant 3328 : i32
      %dma_wait3A_1098 = tpu.memref_slice %dma_wait3A_1096[%dma_wait3A_1097] : memref<4096xf32, #tpu.memory_space<vmem>> -> memref<128xf32, #tpu.memory_space<vmem>>
      %dma_wait3A_1099 = arith.constant 0 : i32
      %dma_wait3A_1100 = arith.constant 0 : i32
      %dma_wait3A_1101 = tpu.memref_slice %arg11[%dma_wait3A_1092, %dma_wait3A_1099, %dma_wait3A_1100] : memref<2x32x128xi32, #tpu.memory_space<vmem>> -> memref<1x32x128xi32, #tpu.memory_space<vmem>>
      %dma_wait3A_1102 = tpu.memref_squeeze %dma_wait3A_1101 : memref<1x32x128xi32, #tpu.memory_space<vmem>> -> memref<32x128xi32, #tpu.memory_space<vmem>>
      %dma_wait3A_1103 = arith.constant 0 : i32
      %dma_wait3A_1104 = tpu.memref_slice %dma_wait3A_1102[%dma_wait3A_1093, %dma_wait3A_1103] : memref<32x128xi32, #tpu.memory_space<vmem>> -> memref<1x128xi32, #tpu.memory_space<vmem>>
      %dma_wait3A_1105 = tpu.memref_squeeze %dma_wait3A_1104 : memref<1x128xi32, #tpu.memory_space<vmem>> -> memref<128xi32, #tpu.memory_space<vmem>>
      %dma_wait3A_1106 = arith.constant 0 : i32
      %dma_wait3A_1107 = tpu.memref_slice %arg10[%dma_wait3A_1106] : memref<1048576xf32, #tpu.memory_space<vmem_shared>> -> memref<1048576xf32, #tpu.memory_space<vmem_shared>>
      tpu.wait_indirect_dma semaphore(%arg16 : memref<!tpu.dma_semaphore, #tpu.memory_space<semaphore_mem>>) src(%dma_wait3A_1098 : memref<128xf32, #tpu.memory_space<vmem>>) dst(%dma_wait3A_1107 : memref<1048576xf32, #tpu.memory_space<vmem_shared>>)
      %dma_wait3A_1108 = arith.constant 0 : i32
      %dma_wait3A_1109 = arith.constant 0 : i32
      %dma_wait3A_1110 = arith.constant 27 : i32
      %dma_wait3A_1111 = arith.constant 0 : i32
      %dma_wait3A_1112 = tpu.memref_slice %arg12[%dma_wait3A_1108, %dma_wait3A_1111] : memref<2x4096xf32, #tpu.memory_space<vmem>> -> memref<1x4096xf32, #tpu.memory_space<vmem>>
      %dma_wait3A_1113 = tpu.memref_squeeze %dma_wait3A_1112 : memref<1x4096xf32, #tpu.memory_space<vmem>> -> memref<4096xf32, #tpu.memory_space<vmem>>
      %dma_wait3A_1114 = arith.constant 3456 : i32
      %dma_wait3A_1115 = tpu.memref_slice %dma_wait3A_1113[%dma_wait3A_1114] : memref<4096xf32, #tpu.memory_space<vmem>> -> memref<128xf32, #tpu.memory_space<vmem>>
      %dma_wait3A_1116 = arith.constant 0 : i32
      %dma_wait3A_1117 = arith.constant 0 : i32
      %dma_wait3A_1118 = tpu.memref_slice %arg11[%dma_wait3A_1109, %dma_wait3A_1116, %dma_wait3A_1117] : memref<2x32x128xi32, #tpu.memory_space<vmem>> -> memref<1x32x128xi32, #tpu.memory_space<vmem>>
      %dma_wait3A_1119 = tpu.memref_squeeze %dma_wait3A_1118 : memref<1x32x128xi32, #tpu.memory_space<vmem>> -> memref<32x128xi32, #tpu.memory_space<vmem>>
      %dma_wait3A_1120 = arith.constant 0 : i32
      %dma_wait3A_1121 = tpu.memref_slice %dma_wait3A_1119[%dma_wait3A_1110, %dma_wait3A_1120] : memref<32x128xi32, #tpu.memory_space<vmem>> -> memref<1x128xi32, #tpu.memory_space<vmem>>
      %dma_wait3A_1122 = tpu.memref_squeeze %dma_wait3A_1121 : memref<1x128xi32, #tpu.memory_space<vmem>> -> memref<128xi32, #tpu.memory_space<vmem>>
      %dma_wait3A_1123 = arith.constant 0 : i32
      %dma_wait3A_1124 = tpu.memref_slice %arg10[%dma_wait3A_1123] : memref<1048576xf32, #tpu.memory_space<vmem_shared>> -> memref<1048576xf32, #tpu.memory_space<vmem_shared>>
      tpu.wait_indirect_dma semaphore(%arg16 : memref<!tpu.dma_semaphore, #tpu.memory_space<semaphore_mem>>) src(%dma_wait3A_1115 : memref<128xf32, #tpu.memory_space<vmem>>) dst(%dma_wait3A_1124 : memref<1048576xf32, #tpu.memory_space<vmem_shared>>)
      %dma_wait3A_1125 = arith.constant 0 : i32
      %dma_wait3A_1126 = arith.constant 0 : i32
      %dma_wait3A_1127 = arith.constant 28 : i32
      %dma_wait3A_1128 = arith.constant 0 : i32
      %dma_wait3A_1129 = tpu.memref_slice %arg12[%dma_wait3A_1125, %dma_wait3A_1128] : memref<2x4096xf32, #tpu.memory_space<vmem>> -> memref<1x4096xf32, #tpu.memory_space<vmem>>
      %dma_wait3A_1130 = tpu.memref_squeeze %dma_wait3A_1129 : memref<1x4096xf32, #tpu.memory_space<vmem>> -> memref<4096xf32, #tpu.memory_space<vmem>>
      %dma_wait3A_1131 = arith.constant 3584 : i32
      %dma_wait3A_1132 = tpu.memref_slice %dma_wait3A_1130[%dma_wait3A_1131] : memref<4096xf32, #tpu.memory_space<vmem>> -> memref<128xf32, #tpu.memory_space<vmem>>
      %dma_wait3A_1133 = arith.constant 0 : i32
      %dma_wait3A_1134 = arith.constant 0 : i32
      %dma_wait3A_1135 = tpu.memref_slice %arg11[%dma_wait3A_1126, %dma_wait3A_1133, %dma_wait3A_1134] : memref<2x32x128xi32, #tpu.memory_space<vmem>> -> memref<1x32x128xi32, #tpu.memory_space<vmem>>
      %dma_wait3A_1136 = tpu.memref_squeeze %dma_wait3A_1135 : memref<1x32x128xi32, #tpu.memory_space<vmem>> -> memref<32x128xi32, #tpu.memory_space<vmem>>
      %dma_wait3A_1137 = arith.constant 0 : i32
      %dma_wait3A_1138 = tpu.memref_slice %dma_wait3A_1136[%dma_wait3A_1127, %dma_wait3A_1137] : memref<32x128xi32, #tpu.memory_space<vmem>> -> memref<1x128xi32, #tpu.memory_space<vmem>>
      %dma_wait3A_1139 = tpu.memref_squeeze %dma_wait3A_1138 : memref<1x128xi32, #tpu.memory_space<vmem>> -> memref<128xi32, #tpu.memory_space<vmem>>
      %dma_wait3A_1140 = arith.constant 0 : i32
      %dma_wait3A_1141 = tpu.memref_slice %arg10[%dma_wait3A_1140] : memref<1048576xf32, #tpu.memory_space<vmem_shared>> -> memref<1048576xf32, #tpu.memory_space<vmem_shared>>
      tpu.wait_indirect_dma semaphore(%arg16 : memref<!tpu.dma_semaphore, #tpu.memory_space<semaphore_mem>>) src(%dma_wait3A_1132 : memref<128xf32, #tpu.memory_space<vmem>>) dst(%dma_wait3A_1141 : memref<1048576xf32, #tpu.memory_space<vmem_shared>>)
      %dma_wait3A_1142 = arith.constant 0 : i32
      %dma_wait3A_1143 = arith.constant 0 : i32
      %dma_wait3A_1144 = arith.constant 29 : i32
      %dma_wait3A_1145 = arith.constant 0 : i32
      %dma_wait3A_1146 = tpu.memref_slice %arg12[%dma_wait3A_1142, %dma_wait3A_1145] : memref<2x4096xf32, #tpu.memory_space<vmem>> -> memref<1x4096xf32, #tpu.memory_space<vmem>>
      %dma_wait3A_1147 = tpu.memref_squeeze %dma_wait3A_1146 : memref<1x4096xf32, #tpu.memory_space<vmem>> -> memref<4096xf32, #tpu.memory_space<vmem>>
      %dma_wait3A_1148 = arith.constant 3712 : i32
      %dma_wait3A_1149 = tpu.memref_slice %dma_wait3A_1147[%dma_wait3A_1148] : memref<4096xf32, #tpu.memory_space<vmem>> -> memref<128xf32, #tpu.memory_space<vmem>>
      %dma_wait3A_1150 = arith.constant 0 : i32
      %dma_wait3A_1151 = arith.constant 0 : i32
      %dma_wait3A_1152 = tpu.memref_slice %arg11[%dma_wait3A_1143, %dma_wait3A_1150, %dma_wait3A_1151] : memref<2x32x128xi32, #tpu.memory_space<vmem>> -> memref<1x32x128xi32, #tpu.memory_space<vmem>>
      %dma_wait3A_1153 = tpu.memref_squeeze %dma_wait3A_1152 : memref<1x32x128xi32, #tpu.memory_space<vmem>> -> memref<32x128xi32, #tpu.memory_space<vmem>>
      %dma_wait3A_1154 = arith.constant 0 : i32
      %dma_wait3A_1155 = tpu.memref_slice %dma_wait3A_1153[%dma_wait3A_1144, %dma_wait3A_1154] : memref<32x128xi32, #tpu.memory_space<vmem>> -> memref<1x128xi32, #tpu.memory_space<vmem>>
      %dma_wait3A_1156 = tpu.memref_squeeze %dma_wait3A_1155 : memref<1x128xi32, #tpu.memory_space<vmem>> -> memref<128xi32, #tpu.memory_space<vmem>>
      %dma_wait3A_1157 = arith.constant 0 : i32
      %dma_wait3A_1158 = tpu.memref_slice %arg10[%dma_wait3A_1157] : memref<1048576xf32, #tpu.memory_space<vmem_shared>> -> memref<1048576xf32, #tpu.memory_space<vmem_shared>>
      tpu.wait_indirect_dma semaphore(%arg16 : memref<!tpu.dma_semaphore, #tpu.memory_space<semaphore_mem>>) src(%dma_wait3A_1149 : memref<128xf32, #tpu.memory_space<vmem>>) dst(%dma_wait3A_1158 : memref<1048576xf32, #tpu.memory_space<vmem_shared>>)
      %dma_wait3A_1159 = arith.constant 0 : i32
      %dma_wait3A_1160 = arith.constant 0 : i32
      %dma_wait3A_1161 = arith.constant 30 : i32
      %dma_wait3A_1162 = arith.constant 0 : i32
      %dma_wait3A_1163 = tpu.memref_slice %arg12[%dma_wait3A_1159, %dma_wait3A_1162] : memref<2x4096xf32, #tpu.memory_space<vmem>> -> memref<1x4096xf32, #tpu.memory_space<vmem>>
      %dma_wait3A_1164 = tpu.memref_squeeze %dma_wait3A_1163 : memref<1x4096xf32, #tpu.memory_space<vmem>> -> memref<4096xf32, #tpu.memory_space<vmem>>
      %dma_wait3A_1165 = arith.constant 3840 : i32
      %dma_wait3A_1166 = tpu.memref_slice %dma_wait3A_1164[%dma_wait3A_1165] : memref<4096xf32, #tpu.memory_space<vmem>> -> memref<128xf32, #tpu.memory_space<vmem>>
      %dma_wait3A_1167 = arith.constant 0 : i32
      %dma_wait3A_1168 = arith.constant 0 : i32
      %dma_wait3A_1169 = tpu.memref_slice %arg11[%dma_wait3A_1160, %dma_wait3A_1167, %dma_wait3A_1168] : memref<2x32x128xi32, #tpu.memory_space<vmem>> -> memref<1x32x128xi32, #tpu.memory_space<vmem>>
      %dma_wait3A_1170 = tpu.memref_squeeze %dma_wait3A_1169 : memref<1x32x128xi32, #tpu.memory_space<vmem>> -> memref<32x128xi32, #tpu.memory_space<vmem>>
      %dma_wait3A_1171 = arith.constant 0 : i32
      %dma_wait3A_1172 = tpu.memref_slice %dma_wait3A_1170[%dma_wait3A_1161, %dma_wait3A_1171] : memref<32x128xi32, #tpu.memory_space<vmem>> -> memref<1x128xi32, #tpu.memory_space<vmem>>
      %dma_wait3A_1173 = tpu.memref_squeeze %dma_wait3A_1172 : memref<1x128xi32, #tpu.memory_space<vmem>> -> memref<128xi32, #tpu.memory_space<vmem>>
      %dma_wait3A_1174 = arith.constant 0 : i32
      %dma_wait3A_1175 = tpu.memref_slice %arg10[%dma_wait3A_1174] : memref<1048576xf32, #tpu.memory_space<vmem_shared>> -> memref<1048576xf32, #tpu.memory_space<vmem_shared>>
      tpu.wait_indirect_dma semaphore(%arg16 : memref<!tpu.dma_semaphore, #tpu.memory_space<semaphore_mem>>) src(%dma_wait3A_1166 : memref<128xf32, #tpu.memory_space<vmem>>) dst(%dma_wait3A_1175 : memref<1048576xf32, #tpu.memory_space<vmem_shared>>)
      %dma_wait3A_1176 = arith.constant 0 : i32
      %dma_wait3A_1177 = arith.constant 0 : i32
      %dma_wait3A_1178 = arith.constant 31 : i32
      %dma_wait3A_1179 = arith.constant 0 : i32
      %dma_wait3A_1180 = tpu.memref_slice %arg12[%dma_wait3A_1176, %dma_wait3A_1179] : memref<2x4096xf32, #tpu.memory_space<vmem>> -> memref<1x4096xf32, #tpu.memory_space<vmem>>
      %dma_wait3A_1181 = tpu.memref_squeeze %dma_wait3A_1180 : memref<1x4096xf32, #tpu.memory_space<vmem>> -> memref<4096xf32, #tpu.memory_space<vmem>>
      %dma_wait3A_1182 = arith.constant 3968 : i32
      %dma_wait3A_1183 = tpu.memref_slice %dma_wait3A_1181[%dma_wait3A_1182] : memref<4096xf32, #tpu.memory_space<vmem>> -> memref<128xf32, #tpu.memory_space<vmem>>
      %dma_wait3A_1184 = arith.constant 0 : i32
      %dma_wait3A_1185 = arith.constant 0 : i32
      %dma_wait3A_1186 = tpu.memref_slice %arg11[%dma_wait3A_1177, %dma_wait3A_1184, %dma_wait3A_1185] : memref<2x32x128xi32, #tpu.memory_space<vmem>> -> memref<1x32x128xi32, #tpu.memory_space<vmem>>
      %dma_wait3A_1187 = tpu.memref_squeeze %dma_wait3A_1186 : memref<1x32x128xi32, #tpu.memory_space<vmem>> -> memref<32x128xi32, #tpu.memory_space<vmem>>
      %dma_wait3A_1188 = arith.constant 0 : i32
      %dma_wait3A_1189 = tpu.memref_slice %dma_wait3A_1187[%dma_wait3A_1178, %dma_wait3A_1188] : memref<32x128xi32, #tpu.memory_space<vmem>> -> memref<1x128xi32, #tpu.memory_space<vmem>>
      %dma_wait3A_1190 = tpu.memref_squeeze %dma_wait3A_1189 : memref<1x128xi32, #tpu.memory_space<vmem>> -> memref<128xi32, #tpu.memory_space<vmem>>
      %dma_wait3A_1191 = arith.constant 0 : i32
      %dma_wait3A_1192 = tpu.memref_slice %arg10[%dma_wait3A_1191] : memref<1048576xf32, #tpu.memory_space<vmem_shared>> -> memref<1048576xf32, #tpu.memory_space<vmem_shared>>
      tpu.wait_indirect_dma semaphore(%arg16 : memref<!tpu.dma_semaphore, #tpu.memory_space<semaphore_mem>>) src(%dma_wait3A_1183 : memref<128xf32, #tpu.memory_space<vmem>>) dst(%dma_wait3A_1192 : memref<1048576xf32, #tpu.memory_space<vmem_shared>>)
      %mul3A_1193 = arith.constant 2 : i32
      %mul3A_1194 = arith.muli %scan3A_72, %mul3A_1193 : i32
      %add3A_1195 = arith.constant 1 : i32
      %add3A_1196 = arith.addi %mul3A_1194, %add3A_1195 : i32
      %mul3A_1197 = arith.constant 32 : i32
      %mul3A_1198 = arith.muli %add3A_1196, %mul3A_1197 : i32
      %add3A_1199 = arith.addi %mul3A_0, %mul3A_1198 : i32
      %dma_wait3A_1200 = arith.constant 1 : i32
      %dma_wait3A_1201 = arith.constant 0 : i32
      %dma_wait3A_1202 = arith.constant 0 : i32
      %dma_wait3A_1203 = tpu.memref_slice %arg11[%dma_wait3A_1200, %dma_wait3A_1201, %dma_wait3A_1202] : memref<2x32x128xi32, #tpu.memory_space<vmem>> -> memref<1x32x128xi32, #tpu.memory_space<vmem>>
      %dma_wait3A_1204 = tpu.memref_squeeze %dma_wait3A_1203 : memref<1x32x128xi32, #tpu.memory_space<vmem>> -> memref<32x128xi32, #tpu.memory_space<vmem>>
      %dma_wait3A_1205 = arith.constant 0 : i32
      %dma_wait3A_1206 = tpu.memref_slice %arg2[%add3A_1199, %dma_wait3A_1205] : memref<25600x128xi32, #tpu.memory_space<hbm>> -> memref<32x128xi32, #tpu.memory_space<hbm>>
      %dma_wait3A_1207 = arith.constant 0 : i32
      %dma_wait3A_1208 = arith.constant 0 : i32
      %dma_wait3A_1209 = tpu.memref_slice %arg11[%dma_wait3A_1200, %dma_wait3A_1207, %dma_wait3A_1208] : memref<2x32x128xi32, #tpu.memory_space<vmem>> -> memref<1x32x128xi32, #tpu.memory_space<vmem>>
      %dma_wait3A_1210 = tpu.memref_squeeze %dma_wait3A_1209 : memref<1x32x128xi32, #tpu.memory_space<vmem>> -> memref<32x128xi32, #tpu.memory_space<vmem>>
      %dma_wait3A_1211 = arith.constant 0 : i32
      %dma_wait3A_1212 = tpu.memref_slice %arg2[%add3A_1199, %dma_wait3A_1211] : memref<25600x128xi32, #tpu.memory_space<hbm>> -> memref<32x128xi32, #tpu.memory_space<hbm>>
      tpu.wait_dma2 semaphore(%arg15 : memref<!tpu.dma_semaphore, #tpu.memory_space<semaphore_mem>>) src(%dma_wait3A_1212 : memref<32x128xi32, #tpu.memory_space<hbm>>) dst(%dma_wait3A_1210 : memref<32x128xi32, #tpu.memory_space<vmem>>)
      %mul3A_1213 = arith.constant 128 : i32
      %mul3A_1214 = arith.muli %add3A_1199, %mul3A_1213 : i32
      %eq3A_1215 = arith.constant 0 : i32
      %eq3A_1216 = arith.cmpi eq, %arg0, %eq3A_1215 : i32
      %convert_element_type3A_1217 = arith.extui %eq3A_1216 : i1 to i32
      %cond3A_1218 = arith.constant 1 : i32
      %cond3A_1219 = arith.constant 0 : i32
      %cond3A_1220 = arith.cmpi ne, %convert_element_type3A_1217, %cond3A_1219 : i32
      scf.if %cond3A_1220 {
        %dma_wait3A_2317 = arith.constant 0 : i32
        %dma_wait3A_2318 = tpu.memref_slice %arg12[%cond3A_1218, %dma_wait3A_2317] : memref<2x4096xf32, #tpu.memory_space<vmem>> -> memref<1x4096xf32, #tpu.memory_space<vmem>>
        %dma_wait3A_2319 = tpu.memref_squeeze %dma_wait3A_2318 : memref<1x4096xf32, #tpu.memory_space<vmem>> -> memref<4096xf32, #tpu.memory_space<vmem>>
        %dma_wait3A_2320 = tpu.memref_slice %arg3[%mul3A_1214] : memref<3276800xf32, #tpu.memory_space<hbm>> -> memref<4096xf32, #tpu.memory_space<hbm>>
        %dma_wait3A_2321 = arith.constant 0 : i32
        %dma_wait3A_2322 = tpu.memref_slice %arg12[%cond3A_1218, %dma_wait3A_2321] : memref<2x4096xf32, #tpu.memory_space<vmem>> -> memref<1x4096xf32, #tpu.memory_space<vmem>>
        %dma_wait3A_2323 = tpu.memref_squeeze %dma_wait3A_2322 : memref<1x4096xf32, #tpu.memory_space<vmem>> -> memref<4096xf32, #tpu.memory_space<vmem>>
        %dma_wait3A_2324 = tpu.memref_slice %arg3[%mul3A_1214] : memref<3276800xf32, #tpu.memory_space<hbm>> -> memref<4096xf32, #tpu.memory_space<hbm>>
        tpu.wait_dma2 semaphore(%arg15 : memref<!tpu.dma_semaphore, #tpu.memory_space<semaphore_mem>>) src(%dma_wait3A_2324 : memref<4096xf32, #tpu.memory_space<hbm>>) dst(%dma_wait3A_2323 : memref<4096xf32, #tpu.memory_space<vmem>>)
      } else {
      }
      %add3A_1221 = arith.constant 1 : i32
      %add3A_1222 = arith.addi %add3A_1196, %add3A_1221 : i32
      %lt3A_1223 = arith.constant 50 : i32
      %lt3A_1224 = arith.cmpi slt, %add3A_1222, %lt3A_1223 : i32
      %convert_element_type3A_1225 = arith.extui %lt3A_1224 : i1 to i32
      %cond3A_1226 = arith.constant 0 : i32
      %cond3A_1227 = arith.cmpi ne, %convert_element_type3A_1225, %cond3A_1226 : i32
      scf.if %cond3A_1227 {
        %add3A_2317 = arith.constant 1 : i32
        %add3A_2318 = arith.addi %add3A_1196, %add3A_2317 : i32
        %mul3A_2319 = arith.constant 32 : i32
        %mul3A_2320 = arith.muli %add3A_2318, %mul3A_2319 : i32
        %add3A_2321 = arith.addi %mul3A_0, %mul3A_2320 : i32
        %dma_start3A_2322 = arith.constant 0 : i32
        %dma_start3A_2323 = arith.constant 0 : i32
        %dma_start3A_2324 = arith.constant 0 : i32
        %dma_start3A_2325 = tpu.memref_slice %arg11[%dma_start3A_2322, %dma_start3A_2323, %dma_start3A_2324] : memref<2x32x128xi32, #tpu.memory_space<vmem>> -> memref<1x32x128xi32, #tpu.memory_space<vmem>>
        %dma_start3A_2326 = tpu.memref_squeeze %dma_start3A_2325 : memref<1x32x128xi32, #tpu.memory_space<vmem>> -> memref<32x128xi32, #tpu.memory_space<vmem>>
        %dma_start3A_2327 = arith.constant 0 : i32
        %dma_start3A_2328 = tpu.memref_slice %arg2[%add3A_2321, %dma_start3A_2327] : memref<25600x128xi32, #tpu.memory_space<hbm>> -> memref<32x128xi32, #tpu.memory_space<hbm>>
        %dma_start3A_2329 = arith.constant 0 : i32
        %dma_start3A_2330 = arith.constant 0 : i32
        %dma_start3A_2331 = tpu.memref_slice %arg11[%dma_start3A_2322, %dma_start3A_2329, %dma_start3A_2330] : memref<2x32x128xi32, #tpu.memory_space<vmem>> -> memref<1x32x128xi32, #tpu.memory_space<vmem>>
        %dma_start3A_2332 = tpu.memref_squeeze %dma_start3A_2331 : memref<1x32x128xi32, #tpu.memory_space<vmem>> -> memref<32x128xi32, #tpu.memory_space<vmem>>
        %dma_start3A_2333 = arith.constant 0 : i32
        %dma_start3A_2334 = tpu.memref_slice %arg2[%add3A_2321, %dma_start3A_2333] : memref<25600x128xi32, #tpu.memory_space<hbm>> -> memref<32x128xi32, #tpu.memory_space<hbm>>
        tpu.enqueue_dma source(%dma_start3A_2334 : memref<32x128xi32, #tpu.memory_space<hbm>>) target(%dma_start3A_2332 : memref<32x128xi32, #tpu.memory_space<vmem>>) target_semaphore(%arg15 : memref<!tpu.dma_semaphore, #tpu.memory_space<semaphore_mem>>)
        %mul3A_2335 = arith.constant 128 : i32
        %mul3A_2336 = arith.muli %add3A_2321, %mul3A_2335 : i32
        %eq3A_2337 = arith.constant 0 : i32
        %eq3A_2338 = arith.cmpi eq, %arg0, %eq3A_2337 : i32
        %convert_element_type3A_2339 = arith.extui %eq3A_2338 : i1 to i32
        %cond3A_2340 = arith.constant 0 : i32
        %cond3A_2341 = arith.constant 0 : i32
        %cond3A_2342 = arith.cmpi ne, %convert_element_type3A_2339, %cond3A_2341 : i32
        scf.if %cond3A_2342 {
          %dma_start3A_2343 = arith.constant 0 : i32
          %dma_start3A_2344 = tpu.memref_slice %arg12[%cond3A_2340, %dma_start3A_2343] : memref<2x4096xf32, #tpu.memory_space<vmem>> -> memref<1x4096xf32, #tpu.memory_space<vmem>>
          %dma_start3A_2345 = tpu.memref_squeeze %dma_start3A_2344 : memref<1x4096xf32, #tpu.memory_space<vmem>> -> memref<4096xf32, #tpu.memory_space<vmem>>
          %dma_start3A_2346 = tpu.memref_slice %arg3[%mul3A_2336] : memref<3276800xf32, #tpu.memory_space<hbm>> -> memref<4096xf32, #tpu.memory_space<hbm>>
          %dma_start3A_2347 = arith.constant 0 : i32
          %dma_start3A_2348 = tpu.memref_slice %arg12[%cond3A_2340, %dma_start3A_2347] : memref<2x4096xf32, #tpu.memory_space<vmem>> -> memref<1x4096xf32, #tpu.memory_space<vmem>>
          %dma_start3A_2349 = tpu.memref_squeeze %dma_start3A_2348 : memref<1x4096xf32, #tpu.memory_space<vmem>> -> memref<4096xf32, #tpu.memory_space<vmem>>
          %dma_start3A_2350 = tpu.memref_slice %arg3[%mul3A_2336] : memref<3276800xf32, #tpu.memory_space<hbm>> -> memref<4096xf32, #tpu.memory_space<hbm>>
          tpu.enqueue_dma source(%dma_start3A_2350 : memref<4096xf32, #tpu.memory_space<hbm>>) target(%dma_start3A_2349 : memref<4096xf32, #tpu.memory_space<vmem>>) target_semaphore(%arg15 : memref<!tpu.dma_semaphore, #tpu.memory_space<semaphore_mem>>)
        } else {
        }
      } else {
      }
      %dma_start3A_1228 = arith.constant 1 : i32
      %dma_start3A_1229 = arith.constant 1 : i32
      %dma_start3A_1230 = arith.constant 0 : i32
      %dma_start3A_1231 = arith.constant 0 : i32
      %dma_start3A_1232 = tpu.memref_slice %arg12[%dma_start3A_1228, %dma_start3A_1231] : memref<2x4096xf32, #tpu.memory_space<vmem>> -> memref<1x4096xf32, #tpu.memory_space<vmem>>
      %dma_start3A_1233 = tpu.memref_squeeze %dma_start3A_1232 : memref<1x4096xf32, #tpu.memory_space<vmem>> -> memref<4096xf32, #tpu.memory_space<vmem>>
      %dma_start3A_1234 = arith.constant 0 : i32
      %dma_start3A_1235 = tpu.memref_slice %dma_start3A_1233[%dma_start3A_1234] : memref<4096xf32, #tpu.memory_space<vmem>> -> memref<128xf32, #tpu.memory_space<vmem>>
      %dma_start3A_1236 = arith.constant 0 : i32
      %dma_start3A_1237 = arith.constant 0 : i32
      %dma_start3A_1238 = tpu.memref_slice %arg11[%dma_start3A_1229, %dma_start3A_1236, %dma_start3A_1237] : memref<2x32x128xi32, #tpu.memory_space<vmem>> -> memref<1x32x128xi32, #tpu.memory_space<vmem>>
      %dma_start3A_1239 = tpu.memref_squeeze %dma_start3A_1238 : memref<1x32x128xi32, #tpu.memory_space<vmem>> -> memref<32x128xi32, #tpu.memory_space<vmem>>
      %dma_start3A_1240 = arith.constant 0 : i32
      %dma_start3A_1241 = tpu.memref_slice %dma_start3A_1239[%dma_start3A_1230, %dma_start3A_1240] : memref<32x128xi32, #tpu.memory_space<vmem>> -> memref<1x128xi32, #tpu.memory_space<vmem>>
      %dma_start3A_1242 = tpu.memref_squeeze %dma_start3A_1241 : memref<1x128xi32, #tpu.memory_space<vmem>> -> memref<128xi32, #tpu.memory_space<vmem>>
      %dma_start3A_1243 = arith.constant 0 : i32
      %dma_start3A_1244 = tpu.memref_slice %arg10[%dma_start3A_1243] : memref<1048576xf32, #tpu.memory_space<vmem_shared>> -> memref<1048576xf32, #tpu.memory_space<vmem_shared>>
      tpu.enqueue_indirect_dma source(%dma_start3A_1235 : memref<128xf32, #tpu.memory_space<vmem>>) target(%dma_start3A_1244 : memref<1048576xf32, #tpu.memory_space<vmem_shared>>) offsets(%dma_start3A_1242 : memref<128xi32, #tpu.memory_space<vmem>>) semaphore(%arg16 : memref<!tpu.dma_semaphore, #tpu.memory_space<semaphore_mem>>) {add = true}
      %dma_start3A_1245 = arith.constant 1 : i32
      %dma_start3A_1246 = arith.constant 1 : i32
      %dma_start3A_1247 = arith.constant 1 : i32
      %dma_start3A_1248 = arith.constant 0 : i32
      %dma_start3A_1249 = tpu.memref_slice %arg12[%dma_start3A_1245, %dma_start3A_1248] : memref<2x4096xf32, #tpu.memory_space<vmem>> -> memref<1x4096xf32, #tpu.memory_space<vmem>>
      %dma_start3A_1250 = tpu.memref_squeeze %dma_start3A_1249 : memref<1x4096xf32, #tpu.memory_space<vmem>> -> memref<4096xf32, #tpu.memory_space<vmem>>
      %dma_start3A_1251 = arith.constant 128 : i32
      %dma_start3A_1252 = tpu.memref_slice %dma_start3A_1250[%dma_start3A_1251] : memref<4096xf32, #tpu.memory_space<vmem>> -> memref<128xf32, #tpu.memory_space<vmem>>
      %dma_start3A_1253 = arith.constant 0 : i32
      %dma_start3A_1254 = arith.constant 0 : i32
      %dma_start3A_1255 = tpu.memref_slice %arg11[%dma_start3A_1246, %dma_start3A_1253, %dma_start3A_1254] : memref<2x32x128xi32, #tpu.memory_space<vmem>> -> memref<1x32x128xi32, #tpu.memory_space<vmem>>
      %dma_start3A_1256 = tpu.memref_squeeze %dma_start3A_1255 : memref<1x32x128xi32, #tpu.memory_space<vmem>> -> memref<32x128xi32, #tpu.memory_space<vmem>>
      %dma_start3A_1257 = arith.constant 0 : i32
      %dma_start3A_1258 = tpu.memref_slice %dma_start3A_1256[%dma_start3A_1247, %dma_start3A_1257] : memref<32x128xi32, #tpu.memory_space<vmem>> -> memref<1x128xi32, #tpu.memory_space<vmem>>
      %dma_start3A_1259 = tpu.memref_squeeze %dma_start3A_1258 : memref<1x128xi32, #tpu.memory_space<vmem>> -> memref<128xi32, #tpu.memory_space<vmem>>
      %dma_start3A_1260 = arith.constant 0 : i32
      %dma_start3A_1261 = tpu.memref_slice %arg10[%dma_start3A_1260] : memref<1048576xf32, #tpu.memory_space<vmem_shared>> -> memref<1048576xf32, #tpu.memory_space<vmem_shared>>
      tpu.enqueue_indirect_dma source(%dma_start3A_1252 : memref<128xf32, #tpu.memory_space<vmem>>) target(%dma_start3A_1261 : memref<1048576xf32, #tpu.memory_space<vmem_shared>>) offsets(%dma_start3A_1259 : memref<128xi32, #tpu.memory_space<vmem>>) semaphore(%arg16 : memref<!tpu.dma_semaphore, #tpu.memory_space<semaphore_mem>>) {add = true}
      %dma_start3A_1262 = arith.constant 1 : i32
      %dma_start3A_1263 = arith.constant 1 : i32
      %dma_start3A_1264 = arith.constant 2 : i32
      %dma_start3A_1265 = arith.constant 0 : i32
      %dma_start3A_1266 = tpu.memref_slice %arg12[%dma_start3A_1262, %dma_start3A_1265] : memref<2x4096xf32, #tpu.memory_space<vmem>> -> memref<1x4096xf32, #tpu.memory_space<vmem>>
      %dma_start3A_1267 = tpu.memref_squeeze %dma_start3A_1266 : memref<1x4096xf32, #tpu.memory_space<vmem>> -> memref<4096xf32, #tpu.memory_space<vmem>>
      %dma_start3A_1268 = arith.constant 256 : i32
      %dma_start3A_1269 = tpu.memref_slice %dma_start3A_1267[%dma_start3A_1268] : memref<4096xf32, #tpu.memory_space<vmem>> -> memref<128xf32, #tpu.memory_space<vmem>>
      %dma_start3A_1270 = arith.constant 0 : i32
      %dma_start3A_1271 = arith.constant 0 : i32
      %dma_start3A_1272 = tpu.memref_slice %arg11[%dma_start3A_1263, %dma_start3A_1270, %dma_start3A_1271] : memref<2x32x128xi32, #tpu.memory_space<vmem>> -> memref<1x32x128xi32, #tpu.memory_space<vmem>>
      %dma_start3A_1273 = tpu.memref_squeeze %dma_start3A_1272 : memref<1x32x128xi32, #tpu.memory_space<vmem>> -> memref<32x128xi32, #tpu.memory_space<vmem>>
      %dma_start3A_1274 = arith.constant 0 : i32
      %dma_start3A_1275 = tpu.memref_slice %dma_start3A_1273[%dma_start3A_1264, %dma_start3A_1274] : memref<32x128xi32, #tpu.memory_space<vmem>> -> memref<1x128xi32, #tpu.memory_space<vmem>>
      %dma_start3A_1276 = tpu.memref_squeeze %dma_start3A_1275 : memref<1x128xi32, #tpu.memory_space<vmem>> -> memref<128xi32, #tpu.memory_space<vmem>>
      %dma_start3A_1277 = arith.constant 0 : i32
      %dma_start3A_1278 = tpu.memref_slice %arg10[%dma_start3A_1277] : memref<1048576xf32, #tpu.memory_space<vmem_shared>> -> memref<1048576xf32, #tpu.memory_space<vmem_shared>>
      tpu.enqueue_indirect_dma source(%dma_start3A_1269 : memref<128xf32, #tpu.memory_space<vmem>>) target(%dma_start3A_1278 : memref<1048576xf32, #tpu.memory_space<vmem_shared>>) offsets(%dma_start3A_1276 : memref<128xi32, #tpu.memory_space<vmem>>) semaphore(%arg16 : memref<!tpu.dma_semaphore, #tpu.memory_space<semaphore_mem>>) {add = true}
      %dma_start3A_1279 = arith.constant 1 : i32
      %dma_start3A_1280 = arith.constant 1 : i32
      %dma_start3A_1281 = arith.constant 3 : i32
      %dma_start3A_1282 = arith.constant 0 : i32
      %dma_start3A_1283 = tpu.memref_slice %arg12[%dma_start3A_1279, %dma_start3A_1282] : memref<2x4096xf32, #tpu.memory_space<vmem>> -> memref<1x4096xf32, #tpu.memory_space<vmem>>
      %dma_start3A_1284 = tpu.memref_squeeze %dma_start3A_1283 : memref<1x4096xf32, #tpu.memory_space<vmem>> -> memref<4096xf32, #tpu.memory_space<vmem>>
      %dma_start3A_1285 = arith.constant 384 : i32
      %dma_start3A_1286 = tpu.memref_slice %dma_start3A_1284[%dma_start3A_1285] : memref<4096xf32, #tpu.memory_space<vmem>> -> memref<128xf32, #tpu.memory_space<vmem>>
      %dma_start3A_1287 = arith.constant 0 : i32
      %dma_start3A_1288 = arith.constant 0 : i32
      %dma_start3A_1289 = tpu.memref_slice %arg11[%dma_start3A_1280, %dma_start3A_1287, %dma_start3A_1288] : memref<2x32x128xi32, #tpu.memory_space<vmem>> -> memref<1x32x128xi32, #tpu.memory_space<vmem>>
      %dma_start3A_1290 = tpu.memref_squeeze %dma_start3A_1289 : memref<1x32x128xi32, #tpu.memory_space<vmem>> -> memref<32x128xi32, #tpu.memory_space<vmem>>
      %dma_start3A_1291 = arith.constant 0 : i32
      %dma_start3A_1292 = tpu.memref_slice %dma_start3A_1290[%dma_start3A_1281, %dma_start3A_1291] : memref<32x128xi32, #tpu.memory_space<vmem>> -> memref<1x128xi32, #tpu.memory_space<vmem>>
      %dma_start3A_1293 = tpu.memref_squeeze %dma_start3A_1292 : memref<1x128xi32, #tpu.memory_space<vmem>> -> memref<128xi32, #tpu.memory_space<vmem>>
      %dma_start3A_1294 = arith.constant 0 : i32
      %dma_start3A_1295 = tpu.memref_slice %arg10[%dma_start3A_1294] : memref<1048576xf32, #tpu.memory_space<vmem_shared>> -> memref<1048576xf32, #tpu.memory_space<vmem_shared>>
      tpu.enqueue_indirect_dma source(%dma_start3A_1286 : memref<128xf32, #tpu.memory_space<vmem>>) target(%dma_start3A_1295 : memref<1048576xf32, #tpu.memory_space<vmem_shared>>) offsets(%dma_start3A_1293 : memref<128xi32, #tpu.memory_space<vmem>>) semaphore(%arg16 : memref<!tpu.dma_semaphore, #tpu.memory_space<semaphore_mem>>) {add = true}
      %dma_start3A_1296 = arith.constant 1 : i32
      %dma_start3A_1297 = arith.constant 1 : i32
      %dma_start3A_1298 = arith.constant 4 : i32
      %dma_start3A_1299 = arith.constant 0 : i32
      %dma_start3A_1300 = tpu.memref_slice %arg12[%dma_start3A_1296, %dma_start3A_1299] : memref<2x4096xf32, #tpu.memory_space<vmem>> -> memref<1x4096xf32, #tpu.memory_space<vmem>>
      %dma_start3A_1301 = tpu.memref_squeeze %dma_start3A_1300 : memref<1x4096xf32, #tpu.memory_space<vmem>> -> memref<4096xf32, #tpu.memory_space<vmem>>
      %dma_start3A_1302 = arith.constant 512 : i32
      %dma_start3A_1303 = tpu.memref_slice %dma_start3A_1301[%dma_start3A_1302] : memref<4096xf32, #tpu.memory_space<vmem>> -> memref<128xf32, #tpu.memory_space<vmem>>
      %dma_start3A_1304 = arith.constant 0 : i32
      %dma_start3A_1305 = arith.constant 0 : i32
      %dma_start3A_1306 = tpu.memref_slice %arg11[%dma_start3A_1297, %dma_start3A_1304, %dma_start3A_1305] : memref<2x32x128xi32, #tpu.memory_space<vmem>> -> memref<1x32x128xi32, #tpu.memory_space<vmem>>
      %dma_start3A_1307 = tpu.memref_squeeze %dma_start3A_1306 : memref<1x32x128xi32, #tpu.memory_space<vmem>> -> memref<32x128xi32, #tpu.memory_space<vmem>>
      %dma_start3A_1308 = arith.constant 0 : i32
      %dma_start3A_1309 = tpu.memref_slice %dma_start3A_1307[%dma_start3A_1298, %dma_start3A_1308] : memref<32x128xi32, #tpu.memory_space<vmem>> -> memref<1x128xi32, #tpu.memory_space<vmem>>
      %dma_start3A_1310 = tpu.memref_squeeze %dma_start3A_1309 : memref<1x128xi32, #tpu.memory_space<vmem>> -> memref<128xi32, #tpu.memory_space<vmem>>
      %dma_start3A_1311 = arith.constant 0 : i32
      %dma_start3A_1312 = tpu.memref_slice %arg10[%dma_start3A_1311] : memref<1048576xf32, #tpu.memory_space<vmem_shared>> -> memref<1048576xf32, #tpu.memory_space<vmem_shared>>
      tpu.enqueue_indirect_dma source(%dma_start3A_1303 : memref<128xf32, #tpu.memory_space<vmem>>) target(%dma_start3A_1312 : memref<1048576xf32, #tpu.memory_space<vmem_shared>>) offsets(%dma_start3A_1310 : memref<128xi32, #tpu.memory_space<vmem>>) semaphore(%arg16 : memref<!tpu.dma_semaphore, #tpu.memory_space<semaphore_mem>>) {add = true}
      %dma_start3A_1313 = arith.constant 1 : i32
      %dma_start3A_1314 = arith.constant 1 : i32
      %dma_start3A_1315 = arith.constant 5 : i32
      %dma_start3A_1316 = arith.constant 0 : i32
      %dma_start3A_1317 = tpu.memref_slice %arg12[%dma_start3A_1313, %dma_start3A_1316] : memref<2x4096xf32, #tpu.memory_space<vmem>> -> memref<1x4096xf32, #tpu.memory_space<vmem>>
      %dma_start3A_1318 = tpu.memref_squeeze %dma_start3A_1317 : memref<1x4096xf32, #tpu.memory_space<vmem>> -> memref<4096xf32, #tpu.memory_space<vmem>>
      %dma_start3A_1319 = arith.constant 640 : i32
      %dma_start3A_1320 = tpu.memref_slice %dma_start3A_1318[%dma_start3A_1319] : memref<4096xf32, #tpu.memory_space<vmem>> -> memref<128xf32, #tpu.memory_space<vmem>>
      %dma_start3A_1321 = arith.constant 0 : i32
      %dma_start3A_1322 = arith.constant 0 : i32
      %dma_start3A_1323 = tpu.memref_slice %arg11[%dma_start3A_1314, %dma_start3A_1321, %dma_start3A_1322] : memref<2x32x128xi32, #tpu.memory_space<vmem>> -> memref<1x32x128xi32, #tpu.memory_space<vmem>>
      %dma_start3A_1324 = tpu.memref_squeeze %dma_start3A_1323 : memref<1x32x128xi32, #tpu.memory_space<vmem>> -> memref<32x128xi32, #tpu.memory_space<vmem>>
      %dma_start3A_1325 = arith.constant 0 : i32
      %dma_start3A_1326 = tpu.memref_slice %dma_start3A_1324[%dma_start3A_1315, %dma_start3A_1325] : memref<32x128xi32, #tpu.memory_space<vmem>> -> memref<1x128xi32, #tpu.memory_space<vmem>>
      %dma_start3A_1327 = tpu.memref_squeeze %dma_start3A_1326 : memref<1x128xi32, #tpu.memory_space<vmem>> -> memref<128xi32, #tpu.memory_space<vmem>>
      %dma_start3A_1328 = arith.constant 0 : i32
      %dma_start3A_1329 = tpu.memref_slice %arg10[%dma_start3A_1328] : memref<1048576xf32, #tpu.memory_space<vmem_shared>> -> memref<1048576xf32, #tpu.memory_space<vmem_shared>>
      tpu.enqueue_indirect_dma source(%dma_start3A_1320 : memref<128xf32, #tpu.memory_space<vmem>>) target(%dma_start3A_1329 : memref<1048576xf32, #tpu.memory_space<vmem_shared>>) offsets(%dma_start3A_1327 : memref<128xi32, #tpu.memory_space<vmem>>) semaphore(%arg16 : memref<!tpu.dma_semaphore, #tpu.memory_space<semaphore_mem>>) {add = true}
      %dma_start3A_1330 = arith.constant 1 : i32
      %dma_start3A_1331 = arith.constant 1 : i32
      %dma_start3A_1332 = arith.constant 6 : i32
      %dma_start3A_1333 = arith.constant 0 : i32
      %dma_start3A_1334 = tpu.memref_slice %arg12[%dma_start3A_1330, %dma_start3A_1333] : memref<2x4096xf32, #tpu.memory_space<vmem>> -> memref<1x4096xf32, #tpu.memory_space<vmem>>
      %dma_start3A_1335 = tpu.memref_squeeze %dma_start3A_1334 : memref<1x4096xf32, #tpu.memory_space<vmem>> -> memref<4096xf32, #tpu.memory_space<vmem>>
      %dma_start3A_1336 = arith.constant 768 : i32
      %dma_start3A_1337 = tpu.memref_slice %dma_start3A_1335[%dma_start3A_1336] : memref<4096xf32, #tpu.memory_space<vmem>> -> memref<128xf32, #tpu.memory_space<vmem>>
      %dma_start3A_1338 = arith.constant 0 : i32
      %dma_start3A_1339 = arith.constant 0 : i32
      %dma_start3A_1340 = tpu.memref_slice %arg11[%dma_start3A_1331, %dma_start3A_1338, %dma_start3A_1339] : memref<2x32x128xi32, #tpu.memory_space<vmem>> -> memref<1x32x128xi32, #tpu.memory_space<vmem>>
      %dma_start3A_1341 = tpu.memref_squeeze %dma_start3A_1340 : memref<1x32x128xi32, #tpu.memory_space<vmem>> -> memref<32x128xi32, #tpu.memory_space<vmem>>
      %dma_start3A_1342 = arith.constant 0 : i32
      %dma_start3A_1343 = tpu.memref_slice %dma_start3A_1341[%dma_start3A_1332, %dma_start3A_1342] : memref<32x128xi32, #tpu.memory_space<vmem>> -> memref<1x128xi32, #tpu.memory_space<vmem>>
      %dma_start3A_1344 = tpu.memref_squeeze %dma_start3A_1343 : memref<1x128xi32, #tpu.memory_space<vmem>> -> memref<128xi32, #tpu.memory_space<vmem>>
      %dma_start3A_1345 = arith.constant 0 : i32
      %dma_start3A_1346 = tpu.memref_slice %arg10[%dma_start3A_1345] : memref<1048576xf32, #tpu.memory_space<vmem_shared>> -> memref<1048576xf32, #tpu.memory_space<vmem_shared>>
      tpu.enqueue_indirect_dma source(%dma_start3A_1337 : memref<128xf32, #tpu.memory_space<vmem>>) target(%dma_start3A_1346 : memref<1048576xf32, #tpu.memory_space<vmem_shared>>) offsets(%dma_start3A_1344 : memref<128xi32, #tpu.memory_space<vmem>>) semaphore(%arg16 : memref<!tpu.dma_semaphore, #tpu.memory_space<semaphore_mem>>) {add = true}
      %dma_start3A_1347 = arith.constant 1 : i32
      %dma_start3A_1348 = arith.constant 1 : i32
      %dma_start3A_1349 = arith.constant 7 : i32
      %dma_start3A_1350 = arith.constant 0 : i32
      %dma_start3A_1351 = tpu.memref_slice %arg12[%dma_start3A_1347, %dma_start3A_1350] : memref<2x4096xf32, #tpu.memory_space<vmem>> -> memref<1x4096xf32, #tpu.memory_space<vmem>>
      %dma_start3A_1352 = tpu.memref_squeeze %dma_start3A_1351 : memref<1x4096xf32, #tpu.memory_space<vmem>> -> memref<4096xf32, #tpu.memory_space<vmem>>
      %dma_start3A_1353 = arith.constant 896 : i32
      %dma_start3A_1354 = tpu.memref_slice %dma_start3A_1352[%dma_start3A_1353] : memref<4096xf32, #tpu.memory_space<vmem>> -> memref<128xf32, #tpu.memory_space<vmem>>
      %dma_start3A_1355 = arith.constant 0 : i32
      %dma_start3A_1356 = arith.constant 0 : i32
      %dma_start3A_1357 = tpu.memref_slice %arg11[%dma_start3A_1348, %dma_start3A_1355, %dma_start3A_1356] : memref<2x32x128xi32, #tpu.memory_space<vmem>> -> memref<1x32x128xi32, #tpu.memory_space<vmem>>
      %dma_start3A_1358 = tpu.memref_squeeze %dma_start3A_1357 : memref<1x32x128xi32, #tpu.memory_space<vmem>> -> memref<32x128xi32, #tpu.memory_space<vmem>>
      %dma_start3A_1359 = arith.constant 0 : i32
      %dma_start3A_1360 = tpu.memref_slice %dma_start3A_1358[%dma_start3A_1349, %dma_start3A_1359] : memref<32x128xi32, #tpu.memory_space<vmem>> -> memref<1x128xi32, #tpu.memory_space<vmem>>
      %dma_start3A_1361 = tpu.memref_squeeze %dma_start3A_1360 : memref<1x128xi32, #tpu.memory_space<vmem>> -> memref<128xi32, #tpu.memory_space<vmem>>
      %dma_start3A_1362 = arith.constant 0 : i32
      %dma_start3A_1363 = tpu.memref_slice %arg10[%dma_start3A_1362] : memref<1048576xf32, #tpu.memory_space<vmem_shared>> -> memref<1048576xf32, #tpu.memory_space<vmem_shared>>
      tpu.enqueue_indirect_dma source(%dma_start3A_1354 : memref<128xf32, #tpu.memory_space<vmem>>) target(%dma_start3A_1363 : memref<1048576xf32, #tpu.memory_space<vmem_shared>>) offsets(%dma_start3A_1361 : memref<128xi32, #tpu.memory_space<vmem>>) semaphore(%arg16 : memref<!tpu.dma_semaphore, #tpu.memory_space<semaphore_mem>>) {add = true}
      %dma_start3A_1364 = arith.constant 1 : i32
      %dma_start3A_1365 = arith.constant 1 : i32
      %dma_start3A_1366 = arith.constant 8 : i32
      %dma_start3A_1367 = arith.constant 0 : i32
      %dma_start3A_1368 = tpu.memref_slice %arg12[%dma_start3A_1364, %dma_start3A_1367] : memref<2x4096xf32, #tpu.memory_space<vmem>> -> memref<1x4096xf32, #tpu.memory_space<vmem>>
      %dma_start3A_1369 = tpu.memref_squeeze %dma_start3A_1368 : memref<1x4096xf32, #tpu.memory_space<vmem>> -> memref<4096xf32, #tpu.memory_space<vmem>>
      %dma_start3A_1370 = arith.constant 1024 : i32
      %dma_start3A_1371 = tpu.memref_slice %dma_start3A_1369[%dma_start3A_1370] : memref<4096xf32, #tpu.memory_space<vmem>> -> memref<128xf32, #tpu.memory_space<vmem>>
      %dma_start3A_1372 = arith.constant 0 : i32
      %dma_start3A_1373 = arith.constant 0 : i32
      %dma_start3A_1374 = tpu.memref_slice %arg11[%dma_start3A_1365, %dma_start3A_1372, %dma_start3A_1373] : memref<2x32x128xi32, #tpu.memory_space<vmem>> -> memref<1x32x128xi32, #tpu.memory_space<vmem>>
      %dma_start3A_1375 = tpu.memref_squeeze %dma_start3A_1374 : memref<1x32x128xi32, #tpu.memory_space<vmem>> -> memref<32x128xi32, #tpu.memory_space<vmem>>
      %dma_start3A_1376 = arith.constant 0 : i32
      %dma_start3A_1377 = tpu.memref_slice %dma_start3A_1375[%dma_start3A_1366, %dma_start3A_1376] : memref<32x128xi32, #tpu.memory_space<vmem>> -> memref<1x128xi32, #tpu.memory_space<vmem>>
      %dma_start3A_1378 = tpu.memref_squeeze %dma_start3A_1377 : memref<1x128xi32, #tpu.memory_space<vmem>> -> memref<128xi32, #tpu.memory_space<vmem>>
      %dma_start3A_1379 = arith.constant 0 : i32
      %dma_start3A_1380 = tpu.memref_slice %arg10[%dma_start3A_1379] : memref<1048576xf32, #tpu.memory_space<vmem_shared>> -> memref<1048576xf32, #tpu.memory_space<vmem_shared>>
      tpu.enqueue_indirect_dma source(%dma_start3A_1371 : memref<128xf32, #tpu.memory_space<vmem>>) target(%dma_start3A_1380 : memref<1048576xf32, #tpu.memory_space<vmem_shared>>) offsets(%dma_start3A_1378 : memref<128xi32, #tpu.memory_space<vmem>>) semaphore(%arg16 : memref<!tpu.dma_semaphore, #tpu.memory_space<semaphore_mem>>) {add = true}
      %dma_start3A_1381 = arith.constant 1 : i32
      %dma_start3A_1382 = arith.constant 1 : i32
      %dma_start3A_1383 = arith.constant 9 : i32
      %dma_start3A_1384 = arith.constant 0 : i32
      %dma_start3A_1385 = tpu.memref_slice %arg12[%dma_start3A_1381, %dma_start3A_1384] : memref<2x4096xf32, #tpu.memory_space<vmem>> -> memref<1x4096xf32, #tpu.memory_space<vmem>>
      %dma_start3A_1386 = tpu.memref_squeeze %dma_start3A_1385 : memref<1x4096xf32, #tpu.memory_space<vmem>> -> memref<4096xf32, #tpu.memory_space<vmem>>
      %dma_start3A_1387 = arith.constant 1152 : i32
      %dma_start3A_1388 = tpu.memref_slice %dma_start3A_1386[%dma_start3A_1387] : memref<4096xf32, #tpu.memory_space<vmem>> -> memref<128xf32, #tpu.memory_space<vmem>>
      %dma_start3A_1389 = arith.constant 0 : i32
      %dma_start3A_1390 = arith.constant 0 : i32
      %dma_start3A_1391 = tpu.memref_slice %arg11[%dma_start3A_1382, %dma_start3A_1389, %dma_start3A_1390] : memref<2x32x128xi32, #tpu.memory_space<vmem>> -> memref<1x32x128xi32, #tpu.memory_space<vmem>>
      %dma_start3A_1392 = tpu.memref_squeeze %dma_start3A_1391 : memref<1x32x128xi32, #tpu.memory_space<vmem>> -> memref<32x128xi32, #tpu.memory_space<vmem>>
      %dma_start3A_1393 = arith.constant 0 : i32
      %dma_start3A_1394 = tpu.memref_slice %dma_start3A_1392[%dma_start3A_1383, %dma_start3A_1393] : memref<32x128xi32, #tpu.memory_space<vmem>> -> memref<1x128xi32, #tpu.memory_space<vmem>>
      %dma_start3A_1395 = tpu.memref_squeeze %dma_start3A_1394 : memref<1x128xi32, #tpu.memory_space<vmem>> -> memref<128xi32, #tpu.memory_space<vmem>>
      %dma_start3A_1396 = arith.constant 0 : i32
      %dma_start3A_1397 = tpu.memref_slice %arg10[%dma_start3A_1396] : memref<1048576xf32, #tpu.memory_space<vmem_shared>> -> memref<1048576xf32, #tpu.memory_space<vmem_shared>>
      tpu.enqueue_indirect_dma source(%dma_start3A_1388 : memref<128xf32, #tpu.memory_space<vmem>>) target(%dma_start3A_1397 : memref<1048576xf32, #tpu.memory_space<vmem_shared>>) offsets(%dma_start3A_1395 : memref<128xi32, #tpu.memory_space<vmem>>) semaphore(%arg16 : memref<!tpu.dma_semaphore, #tpu.memory_space<semaphore_mem>>) {add = true}
      %dma_start3A_1398 = arith.constant 1 : i32
      %dma_start3A_1399 = arith.constant 1 : i32
      %dma_start3A_1400 = arith.constant 10 : i32
      %dma_start3A_1401 = arith.constant 0 : i32
      %dma_start3A_1402 = tpu.memref_slice %arg12[%dma_start3A_1398, %dma_start3A_1401] : memref<2x4096xf32, #tpu.memory_space<vmem>> -> memref<1x4096xf32, #tpu.memory_space<vmem>>
      %dma_start3A_1403 = tpu.memref_squeeze %dma_start3A_1402 : memref<1x4096xf32, #tpu.memory_space<vmem>> -> memref<4096xf32, #tpu.memory_space<vmem>>
      %dma_start3A_1404 = arith.constant 1280 : i32
      %dma_start3A_1405 = tpu.memref_slice %dma_start3A_1403[%dma_start3A_1404] : memref<4096xf32, #tpu.memory_space<vmem>> -> memref<128xf32, #tpu.memory_space<vmem>>
      %dma_start3A_1406 = arith.constant 0 : i32
      %dma_start3A_1407 = arith.constant 0 : i32
      %dma_start3A_1408 = tpu.memref_slice %arg11[%dma_start3A_1399, %dma_start3A_1406, %dma_start3A_1407] : memref<2x32x128xi32, #tpu.memory_space<vmem>> -> memref<1x32x128xi32, #tpu.memory_space<vmem>>
      %dma_start3A_1409 = tpu.memref_squeeze %dma_start3A_1408 : memref<1x32x128xi32, #tpu.memory_space<vmem>> -> memref<32x128xi32, #tpu.memory_space<vmem>>
      %dma_start3A_1410 = arith.constant 0 : i32
      %dma_start3A_1411 = tpu.memref_slice %dma_start3A_1409[%dma_start3A_1400, %dma_start3A_1410] : memref<32x128xi32, #tpu.memory_space<vmem>> -> memref<1x128xi32, #tpu.memory_space<vmem>>
      %dma_start3A_1412 = tpu.memref_squeeze %dma_start3A_1411 : memref<1x128xi32, #tpu.memory_space<vmem>> -> memref<128xi32, #tpu.memory_space<vmem>>
      %dma_start3A_1413 = arith.constant 0 : i32
      %dma_start3A_1414 = tpu.memref_slice %arg10[%dma_start3A_1413] : memref<1048576xf32, #tpu.memory_space<vmem_shared>> -> memref<1048576xf32, #tpu.memory_space<vmem_shared>>
      tpu.enqueue_indirect_dma source(%dma_start3A_1405 : memref<128xf32, #tpu.memory_space<vmem>>) target(%dma_start3A_1414 : memref<1048576xf32, #tpu.memory_space<vmem_shared>>) offsets(%dma_start3A_1412 : memref<128xi32, #tpu.memory_space<vmem>>) semaphore(%arg16 : memref<!tpu.dma_semaphore, #tpu.memory_space<semaphore_mem>>) {add = true}
      %dma_start3A_1415 = arith.constant 1 : i32
      %dma_start3A_1416 = arith.constant 1 : i32
      %dma_start3A_1417 = arith.constant 11 : i32
      %dma_start3A_1418 = arith.constant 0 : i32
      %dma_start3A_1419 = tpu.memref_slice %arg12[%dma_start3A_1415, %dma_start3A_1418] : memref<2x4096xf32, #tpu.memory_space<vmem>> -> memref<1x4096xf32, #tpu.memory_space<vmem>>
      %dma_start3A_1420 = tpu.memref_squeeze %dma_start3A_1419 : memref<1x4096xf32, #tpu.memory_space<vmem>> -> memref<4096xf32, #tpu.memory_space<vmem>>
      %dma_start3A_1421 = arith.constant 1408 : i32
      %dma_start3A_1422 = tpu.memref_slice %dma_start3A_1420[%dma_start3A_1421] : memref<4096xf32, #tpu.memory_space<vmem>> -> memref<128xf32, #tpu.memory_space<vmem>>
      %dma_start3A_1423 = arith.constant 0 : i32
      %dma_start3A_1424 = arith.constant 0 : i32
      %dma_start3A_1425 = tpu.memref_slice %arg11[%dma_start3A_1416, %dma_start3A_1423, %dma_start3A_1424] : memref<2x32x128xi32, #tpu.memory_space<vmem>> -> memref<1x32x128xi32, #tpu.memory_space<vmem>>
      %dma_start3A_1426 = tpu.memref_squeeze %dma_start3A_1425 : memref<1x32x128xi32, #tpu.memory_space<vmem>> -> memref<32x128xi32, #tpu.memory_space<vmem>>
      %dma_start3A_1427 = arith.constant 0 : i32
      %dma_start3A_1428 = tpu.memref_slice %dma_start3A_1426[%dma_start3A_1417, %dma_start3A_1427] : memref<32x128xi32, #tpu.memory_space<vmem>> -> memref<1x128xi32, #tpu.memory_space<vmem>>
      %dma_start3A_1429 = tpu.memref_squeeze %dma_start3A_1428 : memref<1x128xi32, #tpu.memory_space<vmem>> -> memref<128xi32, #tpu.memory_space<vmem>>
      %dma_start3A_1430 = arith.constant 0 : i32
      %dma_start3A_1431 = tpu.memref_slice %arg10[%dma_start3A_1430] : memref<1048576xf32, #tpu.memory_space<vmem_shared>> -> memref<1048576xf32, #tpu.memory_space<vmem_shared>>
      tpu.enqueue_indirect_dma source(%dma_start3A_1422 : memref<128xf32, #tpu.memory_space<vmem>>) target(%dma_start3A_1431 : memref<1048576xf32, #tpu.memory_space<vmem_shared>>) offsets(%dma_start3A_1429 : memref<128xi32, #tpu.memory_space<vmem>>) semaphore(%arg16 : memref<!tpu.dma_semaphore, #tpu.memory_space<semaphore_mem>>) {add = true}
      %dma_start3A_1432 = arith.constant 1 : i32
      %dma_start3A_1433 = arith.constant 1 : i32
      %dma_start3A_1434 = arith.constant 12 : i32
      %dma_start3A_1435 = arith.constant 0 : i32
      %dma_start3A_1436 = tpu.memref_slice %arg12[%dma_start3A_1432, %dma_start3A_1435] : memref<2x4096xf32, #tpu.memory_space<vmem>> -> memref<1x4096xf32, #tpu.memory_space<vmem>>
      %dma_start3A_1437 = tpu.memref_squeeze %dma_start3A_1436 : memref<1x4096xf32, #tpu.memory_space<vmem>> -> memref<4096xf32, #tpu.memory_space<vmem>>
      %dma_start3A_1438 = arith.constant 1536 : i32
      %dma_start3A_1439 = tpu.memref_slice %dma_start3A_1437[%dma_start3A_1438] : memref<4096xf32, #tpu.memory_space<vmem>> -> memref<128xf32, #tpu.memory_space<vmem>>
      %dma_start3A_1440 = arith.constant 0 : i32
      %dma_start3A_1441 = arith.constant 0 : i32
      %dma_start3A_1442 = tpu.memref_slice %arg11[%dma_start3A_1433, %dma_start3A_1440, %dma_start3A_1441] : memref<2x32x128xi32, #tpu.memory_space<vmem>> -> memref<1x32x128xi32, #tpu.memory_space<vmem>>
      %dma_start3A_1443 = tpu.memref_squeeze %dma_start3A_1442 : memref<1x32x128xi32, #tpu.memory_space<vmem>> -> memref<32x128xi32, #tpu.memory_space<vmem>>
      %dma_start3A_1444 = arith.constant 0 : i32
      %dma_start3A_1445 = tpu.memref_slice %dma_start3A_1443[%dma_start3A_1434, %dma_start3A_1444] : memref<32x128xi32, #tpu.memory_space<vmem>> -> memref<1x128xi32, #tpu.memory_space<vmem>>
      %dma_start3A_1446 = tpu.memref_squeeze %dma_start3A_1445 : memref<1x128xi32, #tpu.memory_space<vmem>> -> memref<128xi32, #tpu.memory_space<vmem>>
      %dma_start3A_1447 = arith.constant 0 : i32
      %dma_start3A_1448 = tpu.memref_slice %arg10[%dma_start3A_1447] : memref<1048576xf32, #tpu.memory_space<vmem_shared>> -> memref<1048576xf32, #tpu.memory_space<vmem_shared>>
      tpu.enqueue_indirect_dma source(%dma_start3A_1439 : memref<128xf32, #tpu.memory_space<vmem>>) target(%dma_start3A_1448 : memref<1048576xf32, #tpu.memory_space<vmem_shared>>) offsets(%dma_start3A_1446 : memref<128xi32, #tpu.memory_space<vmem>>) semaphore(%arg16 : memref<!tpu.dma_semaphore, #tpu.memory_space<semaphore_mem>>) {add = true}
      %dma_start3A_1449 = arith.constant 1 : i32
      %dma_start3A_1450 = arith.constant 1 : i32
      %dma_start3A_1451 = arith.constant 13 : i32
      %dma_start3A_1452 = arith.constant 0 : i32
      %dma_start3A_1453 = tpu.memref_slice %arg12[%dma_start3A_1449, %dma_start3A_1452] : memref<2x4096xf32, #tpu.memory_space<vmem>> -> memref<1x4096xf32, #tpu.memory_space<vmem>>
      %dma_start3A_1454 = tpu.memref_squeeze %dma_start3A_1453 : memref<1x4096xf32, #tpu.memory_space<vmem>> -> memref<4096xf32, #tpu.memory_space<vmem>>
      %dma_start3A_1455 = arith.constant 1664 : i32
      %dma_start3A_1456 = tpu.memref_slice %dma_start3A_1454[%dma_start3A_1455] : memref<4096xf32, #tpu.memory_space<vmem>> -> memref<128xf32, #tpu.memory_space<vmem>>
      %dma_start3A_1457 = arith.constant 0 : i32
      %dma_start3A_1458 = arith.constant 0 : i32
      %dma_start3A_1459 = tpu.memref_slice %arg11[%dma_start3A_1450, %dma_start3A_1457, %dma_start3A_1458] : memref<2x32x128xi32, #tpu.memory_space<vmem>> -> memref<1x32x128xi32, #tpu.memory_space<vmem>>
      %dma_start3A_1460 = tpu.memref_squeeze %dma_start3A_1459 : memref<1x32x128xi32, #tpu.memory_space<vmem>> -> memref<32x128xi32, #tpu.memory_space<vmem>>
      %dma_start3A_1461 = arith.constant 0 : i32
      %dma_start3A_1462 = tpu.memref_slice %dma_start3A_1460[%dma_start3A_1451, %dma_start3A_1461] : memref<32x128xi32, #tpu.memory_space<vmem>> -> memref<1x128xi32, #tpu.memory_space<vmem>>
      %dma_start3A_1463 = tpu.memref_squeeze %dma_start3A_1462 : memref<1x128xi32, #tpu.memory_space<vmem>> -> memref<128xi32, #tpu.memory_space<vmem>>
      %dma_start3A_1464 = arith.constant 0 : i32
      %dma_start3A_1465 = tpu.memref_slice %arg10[%dma_start3A_1464] : memref<1048576xf32, #tpu.memory_space<vmem_shared>> -> memref<1048576xf32, #tpu.memory_space<vmem_shared>>
      tpu.enqueue_indirect_dma source(%dma_start3A_1456 : memref<128xf32, #tpu.memory_space<vmem>>) target(%dma_start3A_1465 : memref<1048576xf32, #tpu.memory_space<vmem_shared>>) offsets(%dma_start3A_1463 : memref<128xi32, #tpu.memory_space<vmem>>) semaphore(%arg16 : memref<!tpu.dma_semaphore, #tpu.memory_space<semaphore_mem>>) {add = true}
      %dma_start3A_1466 = arith.constant 1 : i32
      %dma_start3A_1467 = arith.constant 1 : i32
      %dma_start3A_1468 = arith.constant 14 : i32
      %dma_start3A_1469 = arith.constant 0 : i32
      %dma_start3A_1470 = tpu.memref_slice %arg12[%dma_start3A_1466, %dma_start3A_1469] : memref<2x4096xf32, #tpu.memory_space<vmem>> -> memref<1x4096xf32, #tpu.memory_space<vmem>>
      %dma_start3A_1471 = tpu.memref_squeeze %dma_start3A_1470 : memref<1x4096xf32, #tpu.memory_space<vmem>> -> memref<4096xf32, #tpu.memory_space<vmem>>
      %dma_start3A_1472 = arith.constant 1792 : i32
      %dma_start3A_1473 = tpu.memref_slice %dma_start3A_1471[%dma_start3A_1472] : memref<4096xf32, #tpu.memory_space<vmem>> -> memref<128xf32, #tpu.memory_space<vmem>>
      %dma_start3A_1474 = arith.constant 0 : i32
      %dma_start3A_1475 = arith.constant 0 : i32
      %dma_start3A_1476 = tpu.memref_slice %arg11[%dma_start3A_1467, %dma_start3A_1474, %dma_start3A_1475] : memref<2x32x128xi32, #tpu.memory_space<vmem>> -> memref<1x32x128xi32, #tpu.memory_space<vmem>>
      %dma_start3A_1477 = tpu.memref_squeeze %dma_start3A_1476 : memref<1x32x128xi32, #tpu.memory_space<vmem>> -> memref<32x128xi32, #tpu.memory_space<vmem>>
      %dma_start3A_1478 = arith.constant 0 : i32
      %dma_start3A_1479 = tpu.memref_slice %dma_start3A_1477[%dma_start3A_1468, %dma_start3A_1478] : memref<32x128xi32, #tpu.memory_space<vmem>> -> memref<1x128xi32, #tpu.memory_space<vmem>>
      %dma_start3A_1480 = tpu.memref_squeeze %dma_start3A_1479 : memref<1x128xi32, #tpu.memory_space<vmem>> -> memref<128xi32, #tpu.memory_space<vmem>>
      %dma_start3A_1481 = arith.constant 0 : i32
      %dma_start3A_1482 = tpu.memref_slice %arg10[%dma_start3A_1481] : memref<1048576xf32, #tpu.memory_space<vmem_shared>> -> memref<1048576xf32, #tpu.memory_space<vmem_shared>>
      tpu.enqueue_indirect_dma source(%dma_start3A_1473 : memref<128xf32, #tpu.memory_space<vmem>>) target(%dma_start3A_1482 : memref<1048576xf32, #tpu.memory_space<vmem_shared>>) offsets(%dma_start3A_1480 : memref<128xi32, #tpu.memory_space<vmem>>) semaphore(%arg16 : memref<!tpu.dma_semaphore, #tpu.memory_space<semaphore_mem>>) {add = true}
      %dma_start3A_1483 = arith.constant 1 : i32
      %dma_start3A_1484 = arith.constant 1 : i32
      %dma_start3A_1485 = arith.constant 15 : i32
      %dma_start3A_1486 = arith.constant 0 : i32
      %dma_start3A_1487 = tpu.memref_slice %arg12[%dma_start3A_1483, %dma_start3A_1486] : memref<2x4096xf32, #tpu.memory_space<vmem>> -> memref<1x4096xf32, #tpu.memory_space<vmem>>
      %dma_start3A_1488 = tpu.memref_squeeze %dma_start3A_1487 : memref<1x4096xf32, #tpu.memory_space<vmem>> -> memref<4096xf32, #tpu.memory_space<vmem>>
      %dma_start3A_1489 = arith.constant 1920 : i32
      %dma_start3A_1490 = tpu.memref_slice %dma_start3A_1488[%dma_start3A_1489] : memref<4096xf32, #tpu.memory_space<vmem>> -> memref<128xf32, #tpu.memory_space<vmem>>
      %dma_start3A_1491 = arith.constant 0 : i32
      %dma_start3A_1492 = arith.constant 0 : i32
      %dma_start3A_1493 = tpu.memref_slice %arg11[%dma_start3A_1484, %dma_start3A_1491, %dma_start3A_1492] : memref<2x32x128xi32, #tpu.memory_space<vmem>> -> memref<1x32x128xi32, #tpu.memory_space<vmem>>
      %dma_start3A_1494 = tpu.memref_squeeze %dma_start3A_1493 : memref<1x32x128xi32, #tpu.memory_space<vmem>> -> memref<32x128xi32, #tpu.memory_space<vmem>>
      %dma_start3A_1495 = arith.constant 0 : i32
      %dma_start3A_1496 = tpu.memref_slice %dma_start3A_1494[%dma_start3A_1485, %dma_start3A_1495] : memref<32x128xi32, #tpu.memory_space<vmem>> -> memref<1x128xi32, #tpu.memory_space<vmem>>
      %dma_start3A_1497 = tpu.memref_squeeze %dma_start3A_1496 : memref<1x128xi32, #tpu.memory_space<vmem>> -> memref<128xi32, #tpu.memory_space<vmem>>
      %dma_start3A_1498 = arith.constant 0 : i32
      %dma_start3A_1499 = tpu.memref_slice %arg10[%dma_start3A_1498] : memref<1048576xf32, #tpu.memory_space<vmem_shared>> -> memref<1048576xf32, #tpu.memory_space<vmem_shared>>
      tpu.enqueue_indirect_dma source(%dma_start3A_1490 : memref<128xf32, #tpu.memory_space<vmem>>) target(%dma_start3A_1499 : memref<1048576xf32, #tpu.memory_space<vmem_shared>>) offsets(%dma_start3A_1497 : memref<128xi32, #tpu.memory_space<vmem>>) semaphore(%arg16 : memref<!tpu.dma_semaphore, #tpu.memory_space<semaphore_mem>>) {add = true}
      %dma_start3A_1500 = arith.constant 1 : i32
      %dma_start3A_1501 = arith.constant 1 : i32
      %dma_start3A_1502 = arith.constant 16 : i32
      %dma_start3A_1503 = arith.constant 0 : i32
      %dma_start3A_1504 = tpu.memref_slice %arg12[%dma_start3A_1500, %dma_start3A_1503] : memref<2x4096xf32, #tpu.memory_space<vmem>> -> memref<1x4096xf32, #tpu.memory_space<vmem>>
      %dma_start3A_1505 = tpu.memref_squeeze %dma_start3A_1504 : memref<1x4096xf32, #tpu.memory_space<vmem>> -> memref<4096xf32, #tpu.memory_space<vmem>>
      %dma_start3A_1506 = arith.constant 2048 : i32
      %dma_start3A_1507 = tpu.memref_slice %dma_start3A_1505[%dma_start3A_1506] : memref<4096xf32, #tpu.memory_space<vmem>> -> memref<128xf32, #tpu.memory_space<vmem>>
      %dma_start3A_1508 = arith.constant 0 : i32
      %dma_start3A_1509 = arith.constant 0 : i32
      %dma_start3A_1510 = tpu.memref_slice %arg11[%dma_start3A_1501, %dma_start3A_1508, %dma_start3A_1509] : memref<2x32x128xi32, #tpu.memory_space<vmem>> -> memref<1x32x128xi32, #tpu.memory_space<vmem>>
      %dma_start3A_1511 = tpu.memref_squeeze %dma_start3A_1510 : memref<1x32x128xi32, #tpu.memory_space<vmem>> -> memref<32x128xi32, #tpu.memory_space<vmem>>
      %dma_start3A_1512 = arith.constant 0 : i32
      %dma_start3A_1513 = tpu.memref_slice %dma_start3A_1511[%dma_start3A_1502, %dma_start3A_1512] : memref<32x128xi32, #tpu.memory_space<vmem>> -> memref<1x128xi32, #tpu.memory_space<vmem>>
      %dma_start3A_1514 = tpu.memref_squeeze %dma_start3A_1513 : memref<1x128xi32, #tpu.memory_space<vmem>> -> memref<128xi32, #tpu.memory_space<vmem>>
      %dma_start3A_1515 = arith.constant 0 : i32
      %dma_start3A_1516 = tpu.memref_slice %arg10[%dma_start3A_1515] : memref<1048576xf32, #tpu.memory_space<vmem_shared>> -> memref<1048576xf32, #tpu.memory_space<vmem_shared>>
      tpu.enqueue_indirect_dma source(%dma_start3A_1507 : memref<128xf32, #tpu.memory_space<vmem>>) target(%dma_start3A_1516 : memref<1048576xf32, #tpu.memory_space<vmem_shared>>) offsets(%dma_start3A_1514 : memref<128xi32, #tpu.memory_space<vmem>>) semaphore(%arg16 : memref<!tpu.dma_semaphore, #tpu.memory_space<semaphore_mem>>) {add = true}
      %dma_start3A_1517 = arith.constant 1 : i32
      %dma_start3A_1518 = arith.constant 1 : i32
      %dma_start3A_1519 = arith.constant 17 : i32
      %dma_start3A_1520 = arith.constant 0 : i32
      %dma_start3A_1521 = tpu.memref_slice %arg12[%dma_start3A_1517, %dma_start3A_1520] : memref<2x4096xf32, #tpu.memory_space<vmem>> -> memref<1x4096xf32, #tpu.memory_space<vmem>>
      %dma_start3A_1522 = tpu.memref_squeeze %dma_start3A_1521 : memref<1x4096xf32, #tpu.memory_space<vmem>> -> memref<4096xf32, #tpu.memory_space<vmem>>
      %dma_start3A_1523 = arith.constant 2176 : i32
      %dma_start3A_1524 = tpu.memref_slice %dma_start3A_1522[%dma_start3A_1523] : memref<4096xf32, #tpu.memory_space<vmem>> -> memref<128xf32, #tpu.memory_space<vmem>>
      %dma_start3A_1525 = arith.constant 0 : i32
      %dma_start3A_1526 = arith.constant 0 : i32
      %dma_start3A_1527 = tpu.memref_slice %arg11[%dma_start3A_1518, %dma_start3A_1525, %dma_start3A_1526] : memref<2x32x128xi32, #tpu.memory_space<vmem>> -> memref<1x32x128xi32, #tpu.memory_space<vmem>>
      %dma_start3A_1528 = tpu.memref_squeeze %dma_start3A_1527 : memref<1x32x128xi32, #tpu.memory_space<vmem>> -> memref<32x128xi32, #tpu.memory_space<vmem>>
      %dma_start3A_1529 = arith.constant 0 : i32
      %dma_start3A_1530 = tpu.memref_slice %dma_start3A_1528[%dma_start3A_1519, %dma_start3A_1529] : memref<32x128xi32, #tpu.memory_space<vmem>> -> memref<1x128xi32, #tpu.memory_space<vmem>>
      %dma_start3A_1531 = tpu.memref_squeeze %dma_start3A_1530 : memref<1x128xi32, #tpu.memory_space<vmem>> -> memref<128xi32, #tpu.memory_space<vmem>>
      %dma_start3A_1532 = arith.constant 0 : i32
      %dma_start3A_1533 = tpu.memref_slice %arg10[%dma_start3A_1532] : memref<1048576xf32, #tpu.memory_space<vmem_shared>> -> memref<1048576xf32, #tpu.memory_space<vmem_shared>>
      tpu.enqueue_indirect_dma source(%dma_start3A_1524 : memref<128xf32, #tpu.memory_space<vmem>>) target(%dma_start3A_1533 : memref<1048576xf32, #tpu.memory_space<vmem_shared>>) offsets(%dma_start3A_1531 : memref<128xi32, #tpu.memory_space<vmem>>) semaphore(%arg16 : memref<!tpu.dma_semaphore, #tpu.memory_space<semaphore_mem>>) {add = true}
      %dma_start3A_1534 = arith.constant 1 : i32
      %dma_start3A_1535 = arith.constant 1 : i32
      %dma_start3A_1536 = arith.constant 18 : i32
      %dma_start3A_1537 = arith.constant 0 : i32
      %dma_start3A_1538 = tpu.memref_slice %arg12[%dma_start3A_1534, %dma_start3A_1537] : memref<2x4096xf32, #tpu.memory_space<vmem>> -> memref<1x4096xf32, #tpu.memory_space<vmem>>
      %dma_start3A_1539 = tpu.memref_squeeze %dma_start3A_1538 : memref<1x4096xf32, #tpu.memory_space<vmem>> -> memref<4096xf32, #tpu.memory_space<vmem>>
      %dma_start3A_1540 = arith.constant 2304 : i32
      %dma_start3A_1541 = tpu.memref_slice %dma_start3A_1539[%dma_start3A_1540] : memref<4096xf32, #tpu.memory_space<vmem>> -> memref<128xf32, #tpu.memory_space<vmem>>
      %dma_start3A_1542 = arith.constant 0 : i32
      %dma_start3A_1543 = arith.constant 0 : i32
      %dma_start3A_1544 = tpu.memref_slice %arg11[%dma_start3A_1535, %dma_start3A_1542, %dma_start3A_1543] : memref<2x32x128xi32, #tpu.memory_space<vmem>> -> memref<1x32x128xi32, #tpu.memory_space<vmem>>
      %dma_start3A_1545 = tpu.memref_squeeze %dma_start3A_1544 : memref<1x32x128xi32, #tpu.memory_space<vmem>> -> memref<32x128xi32, #tpu.memory_space<vmem>>
      %dma_start3A_1546 = arith.constant 0 : i32
      %dma_start3A_1547 = tpu.memref_slice %dma_start3A_1545[%dma_start3A_1536, %dma_start3A_1546] : memref<32x128xi32, #tpu.memory_space<vmem>> -> memref<1x128xi32, #tpu.memory_space<vmem>>
      %dma_start3A_1548 = tpu.memref_squeeze %dma_start3A_1547 : memref<1x128xi32, #tpu.memory_space<vmem>> -> memref<128xi32, #tpu.memory_space<vmem>>
      %dma_start3A_1549 = arith.constant 0 : i32
      %dma_start3A_1550 = tpu.memref_slice %arg10[%dma_start3A_1549] : memref<1048576xf32, #tpu.memory_space<vmem_shared>> -> memref<1048576xf32, #tpu.memory_space<vmem_shared>>
      tpu.enqueue_indirect_dma source(%dma_start3A_1541 : memref<128xf32, #tpu.memory_space<vmem>>) target(%dma_start3A_1550 : memref<1048576xf32, #tpu.memory_space<vmem_shared>>) offsets(%dma_start3A_1548 : memref<128xi32, #tpu.memory_space<vmem>>) semaphore(%arg16 : memref<!tpu.dma_semaphore, #tpu.memory_space<semaphore_mem>>) {add = true}
      %dma_start3A_1551 = arith.constant 1 : i32
      %dma_start3A_1552 = arith.constant 1 : i32
      %dma_start3A_1553 = arith.constant 19 : i32
      %dma_start3A_1554 = arith.constant 0 : i32
      %dma_start3A_1555 = tpu.memref_slice %arg12[%dma_start3A_1551, %dma_start3A_1554] : memref<2x4096xf32, #tpu.memory_space<vmem>> -> memref<1x4096xf32, #tpu.memory_space<vmem>>
      %dma_start3A_1556 = tpu.memref_squeeze %dma_start3A_1555 : memref<1x4096xf32, #tpu.memory_space<vmem>> -> memref<4096xf32, #tpu.memory_space<vmem>>
      %dma_start3A_1557 = arith.constant 2432 : i32
      %dma_start3A_1558 = tpu.memref_slice %dma_start3A_1556[%dma_start3A_1557] : memref<4096xf32, #tpu.memory_space<vmem>> -> memref<128xf32, #tpu.memory_space<vmem>>
      %dma_start3A_1559 = arith.constant 0 : i32
      %dma_start3A_1560 = arith.constant 0 : i32
      %dma_start3A_1561 = tpu.memref_slice %arg11[%dma_start3A_1552, %dma_start3A_1559, %dma_start3A_1560] : memref<2x32x128xi32, #tpu.memory_space<vmem>> -> memref<1x32x128xi32, #tpu.memory_space<vmem>>
      %dma_start3A_1562 = tpu.memref_squeeze %dma_start3A_1561 : memref<1x32x128xi32, #tpu.memory_space<vmem>> -> memref<32x128xi32, #tpu.memory_space<vmem>>
      %dma_start3A_1563 = arith.constant 0 : i32
      %dma_start3A_1564 = tpu.memref_slice %dma_start3A_1562[%dma_start3A_1553, %dma_start3A_1563] : memref<32x128xi32, #tpu.memory_space<vmem>> -> memref<1x128xi32, #tpu.memory_space<vmem>>
      %dma_start3A_1565 = tpu.memref_squeeze %dma_start3A_1564 : memref<1x128xi32, #tpu.memory_space<vmem>> -> memref<128xi32, #tpu.memory_space<vmem>>
      %dma_start3A_1566 = arith.constant 0 : i32
      %dma_start3A_1567 = tpu.memref_slice %arg10[%dma_start3A_1566] : memref<1048576xf32, #tpu.memory_space<vmem_shared>> -> memref<1048576xf32, #tpu.memory_space<vmem_shared>>
      tpu.enqueue_indirect_dma source(%dma_start3A_1558 : memref<128xf32, #tpu.memory_space<vmem>>) target(%dma_start3A_1567 : memref<1048576xf32, #tpu.memory_space<vmem_shared>>) offsets(%dma_start3A_1565 : memref<128xi32, #tpu.memory_space<vmem>>) semaphore(%arg16 : memref<!tpu.dma_semaphore, #tpu.memory_space<semaphore_mem>>) {add = true}
      %dma_start3A_1568 = arith.constant 1 : i32
      %dma_start3A_1569 = arith.constant 1 : i32
      %dma_start3A_1570 = arith.constant 20 : i32
      %dma_start3A_1571 = arith.constant 0 : i32
      %dma_start3A_1572 = tpu.memref_slice %arg12[%dma_start3A_1568, %dma_start3A_1571] : memref<2x4096xf32, #tpu.memory_space<vmem>> -> memref<1x4096xf32, #tpu.memory_space<vmem>>
      %dma_start3A_1573 = tpu.memref_squeeze %dma_start3A_1572 : memref<1x4096xf32, #tpu.memory_space<vmem>> -> memref<4096xf32, #tpu.memory_space<vmem>>
      %dma_start3A_1574 = arith.constant 2560 : i32
      %dma_start3A_1575 = tpu.memref_slice %dma_start3A_1573[%dma_start3A_1574] : memref<4096xf32, #tpu.memory_space<vmem>> -> memref<128xf32, #tpu.memory_space<vmem>>
      %dma_start3A_1576 = arith.constant 0 : i32
      %dma_start3A_1577 = arith.constant 0 : i32
      %dma_start3A_1578 = tpu.memref_slice %arg11[%dma_start3A_1569, %dma_start3A_1576, %dma_start3A_1577] : memref<2x32x128xi32, #tpu.memory_space<vmem>> -> memref<1x32x128xi32, #tpu.memory_space<vmem>>
      %dma_start3A_1579 = tpu.memref_squeeze %dma_start3A_1578 : memref<1x32x128xi32, #tpu.memory_space<vmem>> -> memref<32x128xi32, #tpu.memory_space<vmem>>
      %dma_start3A_1580 = arith.constant 0 : i32
      %dma_start3A_1581 = tpu.memref_slice %dma_start3A_1579[%dma_start3A_1570, %dma_start3A_1580] : memref<32x128xi32, #tpu.memory_space<vmem>> -> memref<1x128xi32, #tpu.memory_space<vmem>>
      %dma_start3A_1582 = tpu.memref_squeeze %dma_start3A_1581 : memref<1x128xi32, #tpu.memory_space<vmem>> -> memref<128xi32, #tpu.memory_space<vmem>>
      %dma_start3A_1583 = arith.constant 0 : i32
      %dma_start3A_1584 = tpu.memref_slice %arg10[%dma_start3A_1583] : memref<1048576xf32, #tpu.memory_space<vmem_shared>> -> memref<1048576xf32, #tpu.memory_space<vmem_shared>>
      tpu.enqueue_indirect_dma source(%dma_start3A_1575 : memref<128xf32, #tpu.memory_space<vmem>>) target(%dma_start3A_1584 : memref<1048576xf32, #tpu.memory_space<vmem_shared>>) offsets(%dma_start3A_1582 : memref<128xi32, #tpu.memory_space<vmem>>) semaphore(%arg16 : memref<!tpu.dma_semaphore, #tpu.memory_space<semaphore_mem>>) {add = true}
      %dma_start3A_1585 = arith.constant 1 : i32
      %dma_start3A_1586 = arith.constant 1 : i32
      %dma_start3A_1587 = arith.constant 21 : i32
      %dma_start3A_1588 = arith.constant 0 : i32
      %dma_start3A_1589 = tpu.memref_slice %arg12[%dma_start3A_1585, %dma_start3A_1588] : memref<2x4096xf32, #tpu.memory_space<vmem>> -> memref<1x4096xf32, #tpu.memory_space<vmem>>
      %dma_start3A_1590 = tpu.memref_squeeze %dma_start3A_1589 : memref<1x4096xf32, #tpu.memory_space<vmem>> -> memref<4096xf32, #tpu.memory_space<vmem>>
      %dma_start3A_1591 = arith.constant 2688 : i32
      %dma_start3A_1592 = tpu.memref_slice %dma_start3A_1590[%dma_start3A_1591] : memref<4096xf32, #tpu.memory_space<vmem>> -> memref<128xf32, #tpu.memory_space<vmem>>
      %dma_start3A_1593 = arith.constant 0 : i32
      %dma_start3A_1594 = arith.constant 0 : i32
      %dma_start3A_1595 = tpu.memref_slice %arg11[%dma_start3A_1586, %dma_start3A_1593, %dma_start3A_1594] : memref<2x32x128xi32, #tpu.memory_space<vmem>> -> memref<1x32x128xi32, #tpu.memory_space<vmem>>
      %dma_start3A_1596 = tpu.memref_squeeze %dma_start3A_1595 : memref<1x32x128xi32, #tpu.memory_space<vmem>> -> memref<32x128xi32, #tpu.memory_space<vmem>>
      %dma_start3A_1597 = arith.constant 0 : i32
      %dma_start3A_1598 = tpu.memref_slice %dma_start3A_1596[%dma_start3A_1587, %dma_start3A_1597] : memref<32x128xi32, #tpu.memory_space<vmem>> -> memref<1x128xi32, #tpu.memory_space<vmem>>
      %dma_start3A_1599 = tpu.memref_squeeze %dma_start3A_1598 : memref<1x128xi32, #tpu.memory_space<vmem>> -> memref<128xi32, #tpu.memory_space<vmem>>
      %dma_start3A_1600 = arith.constant 0 : i32
      %dma_start3A_1601 = tpu.memref_slice %arg10[%dma_start3A_1600] : memref<1048576xf32, #tpu.memory_space<vmem_shared>> -> memref<1048576xf32, #tpu.memory_space<vmem_shared>>
      tpu.enqueue_indirect_dma source(%dma_start3A_1592 : memref<128xf32, #tpu.memory_space<vmem>>) target(%dma_start3A_1601 : memref<1048576xf32, #tpu.memory_space<vmem_shared>>) offsets(%dma_start3A_1599 : memref<128xi32, #tpu.memory_space<vmem>>) semaphore(%arg16 : memref<!tpu.dma_semaphore, #tpu.memory_space<semaphore_mem>>) {add = true}
      %dma_start3A_1602 = arith.constant 1 : i32
      %dma_start3A_1603 = arith.constant 1 : i32
      %dma_start3A_1604 = arith.constant 22 : i32
      %dma_start3A_1605 = arith.constant 0 : i32
      %dma_start3A_1606 = tpu.memref_slice %arg12[%dma_start3A_1602, %dma_start3A_1605] : memref<2x4096xf32, #tpu.memory_space<vmem>> -> memref<1x4096xf32, #tpu.memory_space<vmem>>
      %dma_start3A_1607 = tpu.memref_squeeze %dma_start3A_1606 : memref<1x4096xf32, #tpu.memory_space<vmem>> -> memref<4096xf32, #tpu.memory_space<vmem>>
      %dma_start3A_1608 = arith.constant 2816 : i32
      %dma_start3A_1609 = tpu.memref_slice %dma_start3A_1607[%dma_start3A_1608] : memref<4096xf32, #tpu.memory_space<vmem>> -> memref<128xf32, #tpu.memory_space<vmem>>
      %dma_start3A_1610 = arith.constant 0 : i32
      %dma_start3A_1611 = arith.constant 0 : i32
      %dma_start3A_1612 = tpu.memref_slice %arg11[%dma_start3A_1603, %dma_start3A_1610, %dma_start3A_1611] : memref<2x32x128xi32, #tpu.memory_space<vmem>> -> memref<1x32x128xi32, #tpu.memory_space<vmem>>
      %dma_start3A_1613 = tpu.memref_squeeze %dma_start3A_1612 : memref<1x32x128xi32, #tpu.memory_space<vmem>> -> memref<32x128xi32, #tpu.memory_space<vmem>>
      %dma_start3A_1614 = arith.constant 0 : i32
      %dma_start3A_1615 = tpu.memref_slice %dma_start3A_1613[%dma_start3A_1604, %dma_start3A_1614] : memref<32x128xi32, #tpu.memory_space<vmem>> -> memref<1x128xi32, #tpu.memory_space<vmem>>
      %dma_start3A_1616 = tpu.memref_squeeze %dma_start3A_1615 : memref<1x128xi32, #tpu.memory_space<vmem>> -> memref<128xi32, #tpu.memory_space<vmem>>
      %dma_start3A_1617 = arith.constant 0 : i32
      %dma_start3A_1618 = tpu.memref_slice %arg10[%dma_start3A_1617] : memref<1048576xf32, #tpu.memory_space<vmem_shared>> -> memref<1048576xf32, #tpu.memory_space<vmem_shared>>
      tpu.enqueue_indirect_dma source(%dma_start3A_1609 : memref<128xf32, #tpu.memory_space<vmem>>) target(%dma_start3A_1618 : memref<1048576xf32, #tpu.memory_space<vmem_shared>>) offsets(%dma_start3A_1616 : memref<128xi32, #tpu.memory_space<vmem>>) semaphore(%arg16 : memref<!tpu.dma_semaphore, #tpu.memory_space<semaphore_mem>>) {add = true}
      %dma_start3A_1619 = arith.constant 1 : i32
      %dma_start3A_1620 = arith.constant 1 : i32
      %dma_start3A_1621 = arith.constant 23 : i32
      %dma_start3A_1622 = arith.constant 0 : i32
      %dma_start3A_1623 = tpu.memref_slice %arg12[%dma_start3A_1619, %dma_start3A_1622] : memref<2x4096xf32, #tpu.memory_space<vmem>> -> memref<1x4096xf32, #tpu.memory_space<vmem>>
      %dma_start3A_1624 = tpu.memref_squeeze %dma_start3A_1623 : memref<1x4096xf32, #tpu.memory_space<vmem>> -> memref<4096xf32, #tpu.memory_space<vmem>>
      %dma_start3A_1625 = arith.constant 2944 : i32
      %dma_start3A_1626 = tpu.memref_slice %dma_start3A_1624[%dma_start3A_1625] : memref<4096xf32, #tpu.memory_space<vmem>> -> memref<128xf32, #tpu.memory_space<vmem>>
      %dma_start3A_1627 = arith.constant 0 : i32
      %dma_start3A_1628 = arith.constant 0 : i32
      %dma_start3A_1629 = tpu.memref_slice %arg11[%dma_start3A_1620, %dma_start3A_1627, %dma_start3A_1628] : memref<2x32x128xi32, #tpu.memory_space<vmem>> -> memref<1x32x128xi32, #tpu.memory_space<vmem>>
      %dma_start3A_1630 = tpu.memref_squeeze %dma_start3A_1629 : memref<1x32x128xi32, #tpu.memory_space<vmem>> -> memref<32x128xi32, #tpu.memory_space<vmem>>
      %dma_start3A_1631 = arith.constant 0 : i32
      %dma_start3A_1632 = tpu.memref_slice %dma_start3A_1630[%dma_start3A_1621, %dma_start3A_1631] : memref<32x128xi32, #tpu.memory_space<vmem>> -> memref<1x128xi32, #tpu.memory_space<vmem>>
      %dma_start3A_1633 = tpu.memref_squeeze %dma_start3A_1632 : memref<1x128xi32, #tpu.memory_space<vmem>> -> memref<128xi32, #tpu.memory_space<vmem>>
      %dma_start3A_1634 = arith.constant 0 : i32
      %dma_start3A_1635 = tpu.memref_slice %arg10[%dma_start3A_1634] : memref<1048576xf32, #tpu.memory_space<vmem_shared>> -> memref<1048576xf32, #tpu.memory_space<vmem_shared>>
      tpu.enqueue_indirect_dma source(%dma_start3A_1626 : memref<128xf32, #tpu.memory_space<vmem>>) target(%dma_start3A_1635 : memref<1048576xf32, #tpu.memory_space<vmem_shared>>) offsets(%dma_start3A_1633 : memref<128xi32, #tpu.memory_space<vmem>>) semaphore(%arg16 : memref<!tpu.dma_semaphore, #tpu.memory_space<semaphore_mem>>) {add = true}
      %dma_start3A_1636 = arith.constant 1 : i32
      %dma_start3A_1637 = arith.constant 1 : i32
      %dma_start3A_1638 = arith.constant 24 : i32
      %dma_start3A_1639 = arith.constant 0 : i32
      %dma_start3A_1640 = tpu.memref_slice %arg12[%dma_start3A_1636, %dma_start3A_1639] : memref<2x4096xf32, #tpu.memory_space<vmem>> -> memref<1x4096xf32, #tpu.memory_space<vmem>>
      %dma_start3A_1641 = tpu.memref_squeeze %dma_start3A_1640 : memref<1x4096xf32, #tpu.memory_space<vmem>> -> memref<4096xf32, #tpu.memory_space<vmem>>
      %dma_start3A_1642 = arith.constant 3072 : i32
      %dma_start3A_1643 = tpu.memref_slice %dma_start3A_1641[%dma_start3A_1642] : memref<4096xf32, #tpu.memory_space<vmem>> -> memref<128xf32, #tpu.memory_space<vmem>>
      %dma_start3A_1644 = arith.constant 0 : i32
      %dma_start3A_1645 = arith.constant 0 : i32
      %dma_start3A_1646 = tpu.memref_slice %arg11[%dma_start3A_1637, %dma_start3A_1644, %dma_start3A_1645] : memref<2x32x128xi32, #tpu.memory_space<vmem>> -> memref<1x32x128xi32, #tpu.memory_space<vmem>>
      %dma_start3A_1647 = tpu.memref_squeeze %dma_start3A_1646 : memref<1x32x128xi32, #tpu.memory_space<vmem>> -> memref<32x128xi32, #tpu.memory_space<vmem>>
      %dma_start3A_1648 = arith.constant 0 : i32
      %dma_start3A_1649 = tpu.memref_slice %dma_start3A_1647[%dma_start3A_1638, %dma_start3A_1648] : memref<32x128xi32, #tpu.memory_space<vmem>> -> memref<1x128xi32, #tpu.memory_space<vmem>>
      %dma_start3A_1650 = tpu.memref_squeeze %dma_start3A_1649 : memref<1x128xi32, #tpu.memory_space<vmem>> -> memref<128xi32, #tpu.memory_space<vmem>>
      %dma_start3A_1651 = arith.constant 0 : i32
      %dma_start3A_1652 = tpu.memref_slice %arg10[%dma_start3A_1651] : memref<1048576xf32, #tpu.memory_space<vmem_shared>> -> memref<1048576xf32, #tpu.memory_space<vmem_shared>>
      tpu.enqueue_indirect_dma source(%dma_start3A_1643 : memref<128xf32, #tpu.memory_space<vmem>>) target(%dma_start3A_1652 : memref<1048576xf32, #tpu.memory_space<vmem_shared>>) offsets(%dma_start3A_1650 : memref<128xi32, #tpu.memory_space<vmem>>) semaphore(%arg16 : memref<!tpu.dma_semaphore, #tpu.memory_space<semaphore_mem>>) {add = true}
      %dma_start3A_1653 = arith.constant 1 : i32
      %dma_start3A_1654 = arith.constant 1 : i32
      %dma_start3A_1655 = arith.constant 25 : i32
      %dma_start3A_1656 = arith.constant 0 : i32
      %dma_start3A_1657 = tpu.memref_slice %arg12[%dma_start3A_1653, %dma_start3A_1656] : memref<2x4096xf32, #tpu.memory_space<vmem>> -> memref<1x4096xf32, #tpu.memory_space<vmem>>
      %dma_start3A_1658 = tpu.memref_squeeze %dma_start3A_1657 : memref<1x4096xf32, #tpu.memory_space<vmem>> -> memref<4096xf32, #tpu.memory_space<vmem>>
      %dma_start3A_1659 = arith.constant 3200 : i32
      %dma_start3A_1660 = tpu.memref_slice %dma_start3A_1658[%dma_start3A_1659] : memref<4096xf32, #tpu.memory_space<vmem>> -> memref<128xf32, #tpu.memory_space<vmem>>
      %dma_start3A_1661 = arith.constant 0 : i32
      %dma_start3A_1662 = arith.constant 0 : i32
      %dma_start3A_1663 = tpu.memref_slice %arg11[%dma_start3A_1654, %dma_start3A_1661, %dma_start3A_1662] : memref<2x32x128xi32, #tpu.memory_space<vmem>> -> memref<1x32x128xi32, #tpu.memory_space<vmem>>
      %dma_start3A_1664 = tpu.memref_squeeze %dma_start3A_1663 : memref<1x32x128xi32, #tpu.memory_space<vmem>> -> memref<32x128xi32, #tpu.memory_space<vmem>>
      %dma_start3A_1665 = arith.constant 0 : i32
      %dma_start3A_1666 = tpu.memref_slice %dma_start3A_1664[%dma_start3A_1655, %dma_start3A_1665] : memref<32x128xi32, #tpu.memory_space<vmem>> -> memref<1x128xi32, #tpu.memory_space<vmem>>
      %dma_start3A_1667 = tpu.memref_squeeze %dma_start3A_1666 : memref<1x128xi32, #tpu.memory_space<vmem>> -> memref<128xi32, #tpu.memory_space<vmem>>
      %dma_start3A_1668 = arith.constant 0 : i32
      %dma_start3A_1669 = tpu.memref_slice %arg10[%dma_start3A_1668] : memref<1048576xf32, #tpu.memory_space<vmem_shared>> -> memref<1048576xf32, #tpu.memory_space<vmem_shared>>
      tpu.enqueue_indirect_dma source(%dma_start3A_1660 : memref<128xf32, #tpu.memory_space<vmem>>) target(%dma_start3A_1669 : memref<1048576xf32, #tpu.memory_space<vmem_shared>>) offsets(%dma_start3A_1667 : memref<128xi32, #tpu.memory_space<vmem>>) semaphore(%arg16 : memref<!tpu.dma_semaphore, #tpu.memory_space<semaphore_mem>>) {add = true}
      %dma_start3A_1670 = arith.constant 1 : i32
      %dma_start3A_1671 = arith.constant 1 : i32
      %dma_start3A_1672 = arith.constant 26 : i32
      %dma_start3A_1673 = arith.constant 0 : i32
      %dma_start3A_1674 = tpu.memref_slice %arg12[%dma_start3A_1670, %dma_start3A_1673] : memref<2x4096xf32, #tpu.memory_space<vmem>> -> memref<1x4096xf32, #tpu.memory_space<vmem>>
      %dma_start3A_1675 = tpu.memref_squeeze %dma_start3A_1674 : memref<1x4096xf32, #tpu.memory_space<vmem>> -> memref<4096xf32, #tpu.memory_space<vmem>>
      %dma_start3A_1676 = arith.constant 3328 : i32
      %dma_start3A_1677 = tpu.memref_slice %dma_start3A_1675[%dma_start3A_1676] : memref<4096xf32, #tpu.memory_space<vmem>> -> memref<128xf32, #tpu.memory_space<vmem>>
      %dma_start3A_1678 = arith.constant 0 : i32
      %dma_start3A_1679 = arith.constant 0 : i32
      %dma_start3A_1680 = tpu.memref_slice %arg11[%dma_start3A_1671, %dma_start3A_1678, %dma_start3A_1679] : memref<2x32x128xi32, #tpu.memory_space<vmem>> -> memref<1x32x128xi32, #tpu.memory_space<vmem>>
      %dma_start3A_1681 = tpu.memref_squeeze %dma_start3A_1680 : memref<1x32x128xi32, #tpu.memory_space<vmem>> -> memref<32x128xi32, #tpu.memory_space<vmem>>
      %dma_start3A_1682 = arith.constant 0 : i32
      %dma_start3A_1683 = tpu.memref_slice %dma_start3A_1681[%dma_start3A_1672, %dma_start3A_1682] : memref<32x128xi32, #tpu.memory_space<vmem>> -> memref<1x128xi32, #tpu.memory_space<vmem>>
      %dma_start3A_1684 = tpu.memref_squeeze %dma_start3A_1683 : memref<1x128xi32, #tpu.memory_space<vmem>> -> memref<128xi32, #tpu.memory_space<vmem>>
      %dma_start3A_1685 = arith.constant 0 : i32
      %dma_start3A_1686 = tpu.memref_slice %arg10[%dma_start3A_1685] : memref<1048576xf32, #tpu.memory_space<vmem_shared>> -> memref<1048576xf32, #tpu.memory_space<vmem_shared>>
      tpu.enqueue_indirect_dma source(%dma_start3A_1677 : memref<128xf32, #tpu.memory_space<vmem>>) target(%dma_start3A_1686 : memref<1048576xf32, #tpu.memory_space<vmem_shared>>) offsets(%dma_start3A_1684 : memref<128xi32, #tpu.memory_space<vmem>>) semaphore(%arg16 : memref<!tpu.dma_semaphore, #tpu.memory_space<semaphore_mem>>) {add = true}
      %dma_start3A_1687 = arith.constant 1 : i32
      %dma_start3A_1688 = arith.constant 1 : i32
      %dma_start3A_1689 = arith.constant 27 : i32
      %dma_start3A_1690 = arith.constant 0 : i32
      %dma_start3A_1691 = tpu.memref_slice %arg12[%dma_start3A_1687, %dma_start3A_1690] : memref<2x4096xf32, #tpu.memory_space<vmem>> -> memref<1x4096xf32, #tpu.memory_space<vmem>>
      %dma_start3A_1692 = tpu.memref_squeeze %dma_start3A_1691 : memref<1x4096xf32, #tpu.memory_space<vmem>> -> memref<4096xf32, #tpu.memory_space<vmem>>
      %dma_start3A_1693 = arith.constant 3456 : i32
      %dma_start3A_1694 = tpu.memref_slice %dma_start3A_1692[%dma_start3A_1693] : memref<4096xf32, #tpu.memory_space<vmem>> -> memref<128xf32, #tpu.memory_space<vmem>>
      %dma_start3A_1695 = arith.constant 0 : i32
      %dma_start3A_1696 = arith.constant 0 : i32
      %dma_start3A_1697 = tpu.memref_slice %arg11[%dma_start3A_1688, %dma_start3A_1695, %dma_start3A_1696] : memref<2x32x128xi32, #tpu.memory_space<vmem>> -> memref<1x32x128xi32, #tpu.memory_space<vmem>>
      %dma_start3A_1698 = tpu.memref_squeeze %dma_start3A_1697 : memref<1x32x128xi32, #tpu.memory_space<vmem>> -> memref<32x128xi32, #tpu.memory_space<vmem>>
      %dma_start3A_1699 = arith.constant 0 : i32
      %dma_start3A_1700 = tpu.memref_slice %dma_start3A_1698[%dma_start3A_1689, %dma_start3A_1699] : memref<32x128xi32, #tpu.memory_space<vmem>> -> memref<1x128xi32, #tpu.memory_space<vmem>>
      %dma_start3A_1701 = tpu.memref_squeeze %dma_start3A_1700 : memref<1x128xi32, #tpu.memory_space<vmem>> -> memref<128xi32, #tpu.memory_space<vmem>>
      %dma_start3A_1702 = arith.constant 0 : i32
      %dma_start3A_1703 = tpu.memref_slice %arg10[%dma_start3A_1702] : memref<1048576xf32, #tpu.memory_space<vmem_shared>> -> memref<1048576xf32, #tpu.memory_space<vmem_shared>>
      tpu.enqueue_indirect_dma source(%dma_start3A_1694 : memref<128xf32, #tpu.memory_space<vmem>>) target(%dma_start3A_1703 : memref<1048576xf32, #tpu.memory_space<vmem_shared>>) offsets(%dma_start3A_1701 : memref<128xi32, #tpu.memory_space<vmem>>) semaphore(%arg16 : memref<!tpu.dma_semaphore, #tpu.memory_space<semaphore_mem>>) {add = true}
      %dma_start3A_1704 = arith.constant 1 : i32
      %dma_start3A_1705 = arith.constant 1 : i32
      %dma_start3A_1706 = arith.constant 28 : i32
      %dma_start3A_1707 = arith.constant 0 : i32
      %dma_start3A_1708 = tpu.memref_slice %arg12[%dma_start3A_1704, %dma_start3A_1707] : memref<2x4096xf32, #tpu.memory_space<vmem>> -> memref<1x4096xf32, #tpu.memory_space<vmem>>
      %dma_start3A_1709 = tpu.memref_squeeze %dma_start3A_1708 : memref<1x4096xf32, #tpu.memory_space<vmem>> -> memref<4096xf32, #tpu.memory_space<vmem>>
      %dma_start3A_1710 = arith.constant 3584 : i32
      %dma_start3A_1711 = tpu.memref_slice %dma_start3A_1709[%dma_start3A_1710] : memref<4096xf32, #tpu.memory_space<vmem>> -> memref<128xf32, #tpu.memory_space<vmem>>
      %dma_start3A_1712 = arith.constant 0 : i32
      %dma_start3A_1713 = arith.constant 0 : i32
      %dma_start3A_1714 = tpu.memref_slice %arg11[%dma_start3A_1705, %dma_start3A_1712, %dma_start3A_1713] : memref<2x32x128xi32, #tpu.memory_space<vmem>> -> memref<1x32x128xi32, #tpu.memory_space<vmem>>
      %dma_start3A_1715 = tpu.memref_squeeze %dma_start3A_1714 : memref<1x32x128xi32, #tpu.memory_space<vmem>> -> memref<32x128xi32, #tpu.memory_space<vmem>>
      %dma_start3A_1716 = arith.constant 0 : i32
      %dma_start3A_1717 = tpu.memref_slice %dma_start3A_1715[%dma_start3A_1706, %dma_start3A_1716] : memref<32x128xi32, #tpu.memory_space<vmem>> -> memref<1x128xi32, #tpu.memory_space<vmem>>
      %dma_start3A_1718 = tpu.memref_squeeze %dma_start3A_1717 : memref<1x128xi32, #tpu.memory_space<vmem>> -> memref<128xi32, #tpu.memory_space<vmem>>
      %dma_start3A_1719 = arith.constant 0 : i32
      %dma_start3A_1720 = tpu.memref_slice %arg10[%dma_start3A_1719] : memref<1048576xf32, #tpu.memory_space<vmem_shared>> -> memref<1048576xf32, #tpu.memory_space<vmem_shared>>
      tpu.enqueue_indirect_dma source(%dma_start3A_1711 : memref<128xf32, #tpu.memory_space<vmem>>) target(%dma_start3A_1720 : memref<1048576xf32, #tpu.memory_space<vmem_shared>>) offsets(%dma_start3A_1718 : memref<128xi32, #tpu.memory_space<vmem>>) semaphore(%arg16 : memref<!tpu.dma_semaphore, #tpu.memory_space<semaphore_mem>>) {add = true}
      %dma_start3A_1721 = arith.constant 1 : i32
      %dma_start3A_1722 = arith.constant 1 : i32
      %dma_start3A_1723 = arith.constant 29 : i32
      %dma_start3A_1724 = arith.constant 0 : i32
      %dma_start3A_1725 = tpu.memref_slice %arg12[%dma_start3A_1721, %dma_start3A_1724] : memref<2x4096xf32, #tpu.memory_space<vmem>> -> memref<1x4096xf32, #tpu.memory_space<vmem>>
      %dma_start3A_1726 = tpu.memref_squeeze %dma_start3A_1725 : memref<1x4096xf32, #tpu.memory_space<vmem>> -> memref<4096xf32, #tpu.memory_space<vmem>>
      %dma_start3A_1727 = arith.constant 3712 : i32
      %dma_start3A_1728 = tpu.memref_slice %dma_start3A_1726[%dma_start3A_1727] : memref<4096xf32, #tpu.memory_space<vmem>> -> memref<128xf32, #tpu.memory_space<vmem>>
      %dma_start3A_1729 = arith.constant 0 : i32
      %dma_start3A_1730 = arith.constant 0 : i32
      %dma_start3A_1731 = tpu.memref_slice %arg11[%dma_start3A_1722, %dma_start3A_1729, %dma_start3A_1730] : memref<2x32x128xi32, #tpu.memory_space<vmem>> -> memref<1x32x128xi32, #tpu.memory_space<vmem>>
      %dma_start3A_1732 = tpu.memref_squeeze %dma_start3A_1731 : memref<1x32x128xi32, #tpu.memory_space<vmem>> -> memref<32x128xi32, #tpu.memory_space<vmem>>
      %dma_start3A_1733 = arith.constant 0 : i32
      %dma_start3A_1734 = tpu.memref_slice %dma_start3A_1732[%dma_start3A_1723, %dma_start3A_1733] : memref<32x128xi32, #tpu.memory_space<vmem>> -> memref<1x128xi32, #tpu.memory_space<vmem>>
      %dma_start3A_1735 = tpu.memref_squeeze %dma_start3A_1734 : memref<1x128xi32, #tpu.memory_space<vmem>> -> memref<128xi32, #tpu.memory_space<vmem>>
      %dma_start3A_1736 = arith.constant 0 : i32
      %dma_start3A_1737 = tpu.memref_slice %arg10[%dma_start3A_1736] : memref<1048576xf32, #tpu.memory_space<vmem_shared>> -> memref<1048576xf32, #tpu.memory_space<vmem_shared>>
      tpu.enqueue_indirect_dma source(%dma_start3A_1728 : memref<128xf32, #tpu.memory_space<vmem>>) target(%dma_start3A_1737 : memref<1048576xf32, #tpu.memory_space<vmem_shared>>) offsets(%dma_start3A_1735 : memref<128xi32, #tpu.memory_space<vmem>>) semaphore(%arg16 : memref<!tpu.dma_semaphore, #tpu.memory_space<semaphore_mem>>) {add = true}
      %dma_start3A_1738 = arith.constant 1 : i32
      %dma_start3A_1739 = arith.constant 1 : i32
      %dma_start3A_1740 = arith.constant 30 : i32
      %dma_start3A_1741 = arith.constant 0 : i32
      %dma_start3A_1742 = tpu.memref_slice %arg12[%dma_start3A_1738, %dma_start3A_1741] : memref<2x4096xf32, #tpu.memory_space<vmem>> -> memref<1x4096xf32, #tpu.memory_space<vmem>>
      %dma_start3A_1743 = tpu.memref_squeeze %dma_start3A_1742 : memref<1x4096xf32, #tpu.memory_space<vmem>> -> memref<4096xf32, #tpu.memory_space<vmem>>
      %dma_start3A_1744 = arith.constant 3840 : i32
      %dma_start3A_1745 = tpu.memref_slice %dma_start3A_1743[%dma_start3A_1744] : memref<4096xf32, #tpu.memory_space<vmem>> -> memref<128xf32, #tpu.memory_space<vmem>>
      %dma_start3A_1746 = arith.constant 0 : i32
      %dma_start3A_1747 = arith.constant 0 : i32
      %dma_start3A_1748 = tpu.memref_slice %arg11[%dma_start3A_1739, %dma_start3A_1746, %dma_start3A_1747] : memref<2x32x128xi32, #tpu.memory_space<vmem>> -> memref<1x32x128xi32, #tpu.memory_space<vmem>>
      %dma_start3A_1749 = tpu.memref_squeeze %dma_start3A_1748 : memref<1x32x128xi32, #tpu.memory_space<vmem>> -> memref<32x128xi32, #tpu.memory_space<vmem>>
      %dma_start3A_1750 = arith.constant 0 : i32
      %dma_start3A_1751 = tpu.memref_slice %dma_start3A_1749[%dma_start3A_1740, %dma_start3A_1750] : memref<32x128xi32, #tpu.memory_space<vmem>> -> memref<1x128xi32, #tpu.memory_space<vmem>>
      %dma_start3A_1752 = tpu.memref_squeeze %dma_start3A_1751 : memref<1x128xi32, #tpu.memory_space<vmem>> -> memref<128xi32, #tpu.memory_space<vmem>>
      %dma_start3A_1753 = arith.constant 0 : i32
      %dma_start3A_1754 = tpu.memref_slice %arg10[%dma_start3A_1753] : memref<1048576xf32, #tpu.memory_space<vmem_shared>> -> memref<1048576xf32, #tpu.memory_space<vmem_shared>>
      tpu.enqueue_indirect_dma source(%dma_start3A_1745 : memref<128xf32, #tpu.memory_space<vmem>>) target(%dma_start3A_1754 : memref<1048576xf32, #tpu.memory_space<vmem_shared>>) offsets(%dma_start3A_1752 : memref<128xi32, #tpu.memory_space<vmem>>) semaphore(%arg16 : memref<!tpu.dma_semaphore, #tpu.memory_space<semaphore_mem>>) {add = true}
      %dma_start3A_1755 = arith.constant 1 : i32
      %dma_start3A_1756 = arith.constant 1 : i32
      %dma_start3A_1757 = arith.constant 31 : i32
      %dma_start3A_1758 = arith.constant 0 : i32
      %dma_start3A_1759 = tpu.memref_slice %arg12[%dma_start3A_1755, %dma_start3A_1758] : memref<2x4096xf32, #tpu.memory_space<vmem>> -> memref<1x4096xf32, #tpu.memory_space<vmem>>
      %dma_start3A_1760 = tpu.memref_squeeze %dma_start3A_1759 : memref<1x4096xf32, #tpu.memory_space<vmem>> -> memref<4096xf32, #tpu.memory_space<vmem>>
      %dma_start3A_1761 = arith.constant 3968 : i32
      %dma_start3A_1762 = tpu.memref_slice %dma_start3A_1760[%dma_start3A_1761] : memref<4096xf32, #tpu.memory_space<vmem>> -> memref<128xf32, #tpu.memory_space<vmem>>
      %dma_start3A_1763 = arith.constant 0 : i32
      %dma_start3A_1764 = arith.constant 0 : i32
      %dma_start3A_1765 = tpu.memref_slice %arg11[%dma_start3A_1756, %dma_start3A_1763, %dma_start3A_1764] : memref<2x32x128xi32, #tpu.memory_space<vmem>> -> memref<1x32x128xi32, #tpu.memory_space<vmem>>
      %dma_start3A_1766 = tpu.memref_squeeze %dma_start3A_1765 : memref<1x32x128xi32, #tpu.memory_space<vmem>> -> memref<32x128xi32, #tpu.memory_space<vmem>>
      %dma_start3A_1767 = arith.constant 0 : i32
      %dma_start3A_1768 = tpu.memref_slice %dma_start3A_1766[%dma_start3A_1757, %dma_start3A_1767] : memref<32x128xi32, #tpu.memory_space<vmem>> -> memref<1x128xi32, #tpu.memory_space<vmem>>
      %dma_start3A_1769 = tpu.memref_squeeze %dma_start3A_1768 : memref<1x128xi32, #tpu.memory_space<vmem>> -> memref<128xi32, #tpu.memory_space<vmem>>
      %dma_start3A_1770 = arith.constant 0 : i32
      %dma_start3A_1771 = tpu.memref_slice %arg10[%dma_start3A_1770] : memref<1048576xf32, #tpu.memory_space<vmem_shared>> -> memref<1048576xf32, #tpu.memory_space<vmem_shared>>
      tpu.enqueue_indirect_dma source(%dma_start3A_1762 : memref<128xf32, #tpu.memory_space<vmem>>) target(%dma_start3A_1771 : memref<1048576xf32, #tpu.memory_space<vmem_shared>>) offsets(%dma_start3A_1769 : memref<128xi32, #tpu.memory_space<vmem>>) semaphore(%arg16 : memref<!tpu.dma_semaphore, #tpu.memory_space<semaphore_mem>>) {add = true}
      %dma_wait3A_1772 = arith.constant 1 : i32
      %dma_wait3A_1773 = arith.constant 1 : i32
      %dma_wait3A_1774 = arith.constant 0 : i32
      %dma_wait3A_1775 = arith.constant 0 : i32
      %dma_wait3A_1776 = tpu.memref_slice %arg12[%dma_wait3A_1772, %dma_wait3A_1775] : memref<2x4096xf32, #tpu.memory_space<vmem>> -> memref<1x4096xf32, #tpu.memory_space<vmem>>
      %dma_wait3A_1777 = tpu.memref_squeeze %dma_wait3A_1776 : memref<1x4096xf32, #tpu.memory_space<vmem>> -> memref<4096xf32, #tpu.memory_space<vmem>>
      %dma_wait3A_1778 = arith.constant 0 : i32
      %dma_wait3A_1779 = tpu.memref_slice %dma_wait3A_1777[%dma_wait3A_1778] : memref<4096xf32, #tpu.memory_space<vmem>> -> memref<128xf32, #tpu.memory_space<vmem>>
      %dma_wait3A_1780 = arith.constant 0 : i32
      %dma_wait3A_1781 = arith.constant 0 : i32
      %dma_wait3A_1782 = tpu.memref_slice %arg11[%dma_wait3A_1773, %dma_wait3A_1780, %dma_wait3A_1781] : memref<2x32x128xi32, #tpu.memory_space<vmem>> -> memref<1x32x128xi32, #tpu.memory_space<vmem>>
      %dma_wait3A_1783 = tpu.memref_squeeze %dma_wait3A_1782 : memref<1x32x128xi32, #tpu.memory_space<vmem>> -> memref<32x128xi32, #tpu.memory_space<vmem>>
      %dma_wait3A_1784 = arith.constant 0 : i32
      %dma_wait3A_1785 = tpu.memref_slice %dma_wait3A_1783[%dma_wait3A_1774, %dma_wait3A_1784] : memref<32x128xi32, #tpu.memory_space<vmem>> -> memref<1x128xi32, #tpu.memory_space<vmem>>
      %dma_wait3A_1786 = tpu.memref_squeeze %dma_wait3A_1785 : memref<1x128xi32, #tpu.memory_space<vmem>> -> memref<128xi32, #tpu.memory_space<vmem>>
      %dma_wait3A_1787 = arith.constant 0 : i32
      %dma_wait3A_1788 = tpu.memref_slice %arg10[%dma_wait3A_1787] : memref<1048576xf32, #tpu.memory_space<vmem_shared>> -> memref<1048576xf32, #tpu.memory_space<vmem_shared>>
      tpu.wait_indirect_dma semaphore(%arg16 : memref<!tpu.dma_semaphore, #tpu.memory_space<semaphore_mem>>) src(%dma_wait3A_1779 : memref<128xf32, #tpu.memory_space<vmem>>) dst(%dma_wait3A_1788 : memref<1048576xf32, #tpu.memory_space<vmem_shared>>)
      %dma_wait3A_1789 = arith.constant 1 : i32
      %dma_wait3A_1790 = arith.constant 1 : i32
      %dma_wait3A_1791 = arith.constant 1 : i32
      %dma_wait3A_1792 = arith.constant 0 : i32
      %dma_wait3A_1793 = tpu.memref_slice %arg12[%dma_wait3A_1789, %dma_wait3A_1792] : memref<2x4096xf32, #tpu.memory_space<vmem>> -> memref<1x4096xf32, #tpu.memory_space<vmem>>
      %dma_wait3A_1794 = tpu.memref_squeeze %dma_wait3A_1793 : memref<1x4096xf32, #tpu.memory_space<vmem>> -> memref<4096xf32, #tpu.memory_space<vmem>>
      %dma_wait3A_1795 = arith.constant 128 : i32
      %dma_wait3A_1796 = tpu.memref_slice %dma_wait3A_1794[%dma_wait3A_1795] : memref<4096xf32, #tpu.memory_space<vmem>> -> memref<128xf32, #tpu.memory_space<vmem>>
      %dma_wait3A_1797 = arith.constant 0 : i32
      %dma_wait3A_1798 = arith.constant 0 : i32
      %dma_wait3A_1799 = tpu.memref_slice %arg11[%dma_wait3A_1790, %dma_wait3A_1797, %dma_wait3A_1798] : memref<2x32x128xi32, #tpu.memory_space<vmem>> -> memref<1x32x128xi32, #tpu.memory_space<vmem>>
      %dma_wait3A_1800 = tpu.memref_squeeze %dma_wait3A_1799 : memref<1x32x128xi32, #tpu.memory_space<vmem>> -> memref<32x128xi32, #tpu.memory_space<vmem>>
      %dma_wait3A_1801 = arith.constant 0 : i32
      %dma_wait3A_1802 = tpu.memref_slice %dma_wait3A_1800[%dma_wait3A_1791, %dma_wait3A_1801] : memref<32x128xi32, #tpu.memory_space<vmem>> -> memref<1x128xi32, #tpu.memory_space<vmem>>
      %dma_wait3A_1803 = tpu.memref_squeeze %dma_wait3A_1802 : memref<1x128xi32, #tpu.memory_space<vmem>> -> memref<128xi32, #tpu.memory_space<vmem>>
      %dma_wait3A_1804 = arith.constant 0 : i32
      %dma_wait3A_1805 = tpu.memref_slice %arg10[%dma_wait3A_1804] : memref<1048576xf32, #tpu.memory_space<vmem_shared>> -> memref<1048576xf32, #tpu.memory_space<vmem_shared>>
      tpu.wait_indirect_dma semaphore(%arg16 : memref<!tpu.dma_semaphore, #tpu.memory_space<semaphore_mem>>) src(%dma_wait3A_1796 : memref<128xf32, #tpu.memory_space<vmem>>) dst(%dma_wait3A_1805 : memref<1048576xf32, #tpu.memory_space<vmem_shared>>)
      %dma_wait3A_1806 = arith.constant 1 : i32
      %dma_wait3A_1807 = arith.constant 1 : i32
      %dma_wait3A_1808 = arith.constant 2 : i32
      %dma_wait3A_1809 = arith.constant 0 : i32
      %dma_wait3A_1810 = tpu.memref_slice %arg12[%dma_wait3A_1806, %dma_wait3A_1809] : memref<2x4096xf32, #tpu.memory_space<vmem>> -> memref<1x4096xf32, #tpu.memory_space<vmem>>
      %dma_wait3A_1811 = tpu.memref_squeeze %dma_wait3A_1810 : memref<1x4096xf32, #tpu.memory_space<vmem>> -> memref<4096xf32, #tpu.memory_space<vmem>>
      %dma_wait3A_1812 = arith.constant 256 : i32
      %dma_wait3A_1813 = tpu.memref_slice %dma_wait3A_1811[%dma_wait3A_1812] : memref<4096xf32, #tpu.memory_space<vmem>> -> memref<128xf32, #tpu.memory_space<vmem>>
      %dma_wait3A_1814 = arith.constant 0 : i32
      %dma_wait3A_1815 = arith.constant 0 : i32
      %dma_wait3A_1816 = tpu.memref_slice %arg11[%dma_wait3A_1807, %dma_wait3A_1814, %dma_wait3A_1815] : memref<2x32x128xi32, #tpu.memory_space<vmem>> -> memref<1x32x128xi32, #tpu.memory_space<vmem>>
      %dma_wait3A_1817 = tpu.memref_squeeze %dma_wait3A_1816 : memref<1x32x128xi32, #tpu.memory_space<vmem>> -> memref<32x128xi32, #tpu.memory_space<vmem>>
      %dma_wait3A_1818 = arith.constant 0 : i32
      %dma_wait3A_1819 = tpu.memref_slice %dma_wait3A_1817[%dma_wait3A_1808, %dma_wait3A_1818] : memref<32x128xi32, #tpu.memory_space<vmem>> -> memref<1x128xi32, #tpu.memory_space<vmem>>
      %dma_wait3A_1820 = tpu.memref_squeeze %dma_wait3A_1819 : memref<1x128xi32, #tpu.memory_space<vmem>> -> memref<128xi32, #tpu.memory_space<vmem>>
      %dma_wait3A_1821 = arith.constant 0 : i32
      %dma_wait3A_1822 = tpu.memref_slice %arg10[%dma_wait3A_1821] : memref<1048576xf32, #tpu.memory_space<vmem_shared>> -> memref<1048576xf32, #tpu.memory_space<vmem_shared>>
      tpu.wait_indirect_dma semaphore(%arg16 : memref<!tpu.dma_semaphore, #tpu.memory_space<semaphore_mem>>) src(%dma_wait3A_1813 : memref<128xf32, #tpu.memory_space<vmem>>) dst(%dma_wait3A_1822 : memref<1048576xf32, #tpu.memory_space<vmem_shared>>)
      %dma_wait3A_1823 = arith.constant 1 : i32
      %dma_wait3A_1824 = arith.constant 1 : i32
      %dma_wait3A_1825 = arith.constant 3 : i32
      %dma_wait3A_1826 = arith.constant 0 : i32
      %dma_wait3A_1827 = tpu.memref_slice %arg12[%dma_wait3A_1823, %dma_wait3A_1826] : memref<2x4096xf32, #tpu.memory_space<vmem>> -> memref<1x4096xf32, #tpu.memory_space<vmem>>
      %dma_wait3A_1828 = tpu.memref_squeeze %dma_wait3A_1827 : memref<1x4096xf32, #tpu.memory_space<vmem>> -> memref<4096xf32, #tpu.memory_space<vmem>>
      %dma_wait3A_1829 = arith.constant 384 : i32
      %dma_wait3A_1830 = tpu.memref_slice %dma_wait3A_1828[%dma_wait3A_1829] : memref<4096xf32, #tpu.memory_space<vmem>> -> memref<128xf32, #tpu.memory_space<vmem>>
      %dma_wait3A_1831 = arith.constant 0 : i32
      %dma_wait3A_1832 = arith.constant 0 : i32
      %dma_wait3A_1833 = tpu.memref_slice %arg11[%dma_wait3A_1824, %dma_wait3A_1831, %dma_wait3A_1832] : memref<2x32x128xi32, #tpu.memory_space<vmem>> -> memref<1x32x128xi32, #tpu.memory_space<vmem>>
      %dma_wait3A_1834 = tpu.memref_squeeze %dma_wait3A_1833 : memref<1x32x128xi32, #tpu.memory_space<vmem>> -> memref<32x128xi32, #tpu.memory_space<vmem>>
      %dma_wait3A_1835 = arith.constant 0 : i32
      %dma_wait3A_1836 = tpu.memref_slice %dma_wait3A_1834[%dma_wait3A_1825, %dma_wait3A_1835] : memref<32x128xi32, #tpu.memory_space<vmem>> -> memref<1x128xi32, #tpu.memory_space<vmem>>
      %dma_wait3A_1837 = tpu.memref_squeeze %dma_wait3A_1836 : memref<1x128xi32, #tpu.memory_space<vmem>> -> memref<128xi32, #tpu.memory_space<vmem>>
      %dma_wait3A_1838 = arith.constant 0 : i32
      %dma_wait3A_1839 = tpu.memref_slice %arg10[%dma_wait3A_1838] : memref<1048576xf32, #tpu.memory_space<vmem_shared>> -> memref<1048576xf32, #tpu.memory_space<vmem_shared>>
      tpu.wait_indirect_dma semaphore(%arg16 : memref<!tpu.dma_semaphore, #tpu.memory_space<semaphore_mem>>) src(%dma_wait3A_1830 : memref<128xf32, #tpu.memory_space<vmem>>) dst(%dma_wait3A_1839 : memref<1048576xf32, #tpu.memory_space<vmem_shared>>)
      %dma_wait3A_1840 = arith.constant 1 : i32
      %dma_wait3A_1841 = arith.constant 1 : i32
      %dma_wait3A_1842 = arith.constant 4 : i32
      %dma_wait3A_1843 = arith.constant 0 : i32
      %dma_wait3A_1844 = tpu.memref_slice %arg12[%dma_wait3A_1840, %dma_wait3A_1843] : memref<2x4096xf32, #tpu.memory_space<vmem>> -> memref<1x4096xf32, #tpu.memory_space<vmem>>
      %dma_wait3A_1845 = tpu.memref_squeeze %dma_wait3A_1844 : memref<1x4096xf32, #tpu.memory_space<vmem>> -> memref<4096xf32, #tpu.memory_space<vmem>>
      %dma_wait3A_1846 = arith.constant 512 : i32
      %dma_wait3A_1847 = tpu.memref_slice %dma_wait3A_1845[%dma_wait3A_1846] : memref<4096xf32, #tpu.memory_space<vmem>> -> memref<128xf32, #tpu.memory_space<vmem>>
      %dma_wait3A_1848 = arith.constant 0 : i32
      %dma_wait3A_1849 = arith.constant 0 : i32
      %dma_wait3A_1850 = tpu.memref_slice %arg11[%dma_wait3A_1841, %dma_wait3A_1848, %dma_wait3A_1849] : memref<2x32x128xi32, #tpu.memory_space<vmem>> -> memref<1x32x128xi32, #tpu.memory_space<vmem>>
      %dma_wait3A_1851 = tpu.memref_squeeze %dma_wait3A_1850 : memref<1x32x128xi32, #tpu.memory_space<vmem>> -> memref<32x128xi32, #tpu.memory_space<vmem>>
      %dma_wait3A_1852 = arith.constant 0 : i32
      %dma_wait3A_1853 = tpu.memref_slice %dma_wait3A_1851[%dma_wait3A_1842, %dma_wait3A_1852] : memref<32x128xi32, #tpu.memory_space<vmem>> -> memref<1x128xi32, #tpu.memory_space<vmem>>
      %dma_wait3A_1854 = tpu.memref_squeeze %dma_wait3A_1853 : memref<1x128xi32, #tpu.memory_space<vmem>> -> memref<128xi32, #tpu.memory_space<vmem>>
      %dma_wait3A_1855 = arith.constant 0 : i32
      %dma_wait3A_1856 = tpu.memref_slice %arg10[%dma_wait3A_1855] : memref<1048576xf32, #tpu.memory_space<vmem_shared>> -> memref<1048576xf32, #tpu.memory_space<vmem_shared>>
      tpu.wait_indirect_dma semaphore(%arg16 : memref<!tpu.dma_semaphore, #tpu.memory_space<semaphore_mem>>) src(%dma_wait3A_1847 : memref<128xf32, #tpu.memory_space<vmem>>) dst(%dma_wait3A_1856 : memref<1048576xf32, #tpu.memory_space<vmem_shared>>)
      %dma_wait3A_1857 = arith.constant 1 : i32
      %dma_wait3A_1858 = arith.constant 1 : i32
      %dma_wait3A_1859 = arith.constant 5 : i32
      %dma_wait3A_1860 = arith.constant 0 : i32
      %dma_wait3A_1861 = tpu.memref_slice %arg12[%dma_wait3A_1857, %dma_wait3A_1860] : memref<2x4096xf32, #tpu.memory_space<vmem>> -> memref<1x4096xf32, #tpu.memory_space<vmem>>
      %dma_wait3A_1862 = tpu.memref_squeeze %dma_wait3A_1861 : memref<1x4096xf32, #tpu.memory_space<vmem>> -> memref<4096xf32, #tpu.memory_space<vmem>>
      %dma_wait3A_1863 = arith.constant 640 : i32
      %dma_wait3A_1864 = tpu.memref_slice %dma_wait3A_1862[%dma_wait3A_1863] : memref<4096xf32, #tpu.memory_space<vmem>> -> memref<128xf32, #tpu.memory_space<vmem>>
      %dma_wait3A_1865 = arith.constant 0 : i32
      %dma_wait3A_1866 = arith.constant 0 : i32
      %dma_wait3A_1867 = tpu.memref_slice %arg11[%dma_wait3A_1858, %dma_wait3A_1865, %dma_wait3A_1866] : memref<2x32x128xi32, #tpu.memory_space<vmem>> -> memref<1x32x128xi32, #tpu.memory_space<vmem>>
      %dma_wait3A_1868 = tpu.memref_squeeze %dma_wait3A_1867 : memref<1x32x128xi32, #tpu.memory_space<vmem>> -> memref<32x128xi32, #tpu.memory_space<vmem>>
      %dma_wait3A_1869 = arith.constant 0 : i32
      %dma_wait3A_1870 = tpu.memref_slice %dma_wait3A_1868[%dma_wait3A_1859, %dma_wait3A_1869] : memref<32x128xi32, #tpu.memory_space<vmem>> -> memref<1x128xi32, #tpu.memory_space<vmem>>
      %dma_wait3A_1871 = tpu.memref_squeeze %dma_wait3A_1870 : memref<1x128xi32, #tpu.memory_space<vmem>> -> memref<128xi32, #tpu.memory_space<vmem>>
      %dma_wait3A_1872 = arith.constant 0 : i32
      %dma_wait3A_1873 = tpu.memref_slice %arg10[%dma_wait3A_1872] : memref<1048576xf32, #tpu.memory_space<vmem_shared>> -> memref<1048576xf32, #tpu.memory_space<vmem_shared>>
      tpu.wait_indirect_dma semaphore(%arg16 : memref<!tpu.dma_semaphore, #tpu.memory_space<semaphore_mem>>) src(%dma_wait3A_1864 : memref<128xf32, #tpu.memory_space<vmem>>) dst(%dma_wait3A_1873 : memref<1048576xf32, #tpu.memory_space<vmem_shared>>)
      %dma_wait3A_1874 = arith.constant 1 : i32
      %dma_wait3A_1875 = arith.constant 1 : i32
      %dma_wait3A_1876 = arith.constant 6 : i32
      %dma_wait3A_1877 = arith.constant 0 : i32
      %dma_wait3A_1878 = tpu.memref_slice %arg12[%dma_wait3A_1874, %dma_wait3A_1877] : memref<2x4096xf32, #tpu.memory_space<vmem>> -> memref<1x4096xf32, #tpu.memory_space<vmem>>
      %dma_wait3A_1879 = tpu.memref_squeeze %dma_wait3A_1878 : memref<1x4096xf32, #tpu.memory_space<vmem>> -> memref<4096xf32, #tpu.memory_space<vmem>>
      %dma_wait3A_1880 = arith.constant 768 : i32
      %dma_wait3A_1881 = tpu.memref_slice %dma_wait3A_1879[%dma_wait3A_1880] : memref<4096xf32, #tpu.memory_space<vmem>> -> memref<128xf32, #tpu.memory_space<vmem>>
      %dma_wait3A_1882 = arith.constant 0 : i32
      %dma_wait3A_1883 = arith.constant 0 : i32
      %dma_wait3A_1884 = tpu.memref_slice %arg11[%dma_wait3A_1875, %dma_wait3A_1882, %dma_wait3A_1883] : memref<2x32x128xi32, #tpu.memory_space<vmem>> -> memref<1x32x128xi32, #tpu.memory_space<vmem>>
      %dma_wait3A_1885 = tpu.memref_squeeze %dma_wait3A_1884 : memref<1x32x128xi32, #tpu.memory_space<vmem>> -> memref<32x128xi32, #tpu.memory_space<vmem>>
      %dma_wait3A_1886 = arith.constant 0 : i32
      %dma_wait3A_1887 = tpu.memref_slice %dma_wait3A_1885[%dma_wait3A_1876, %dma_wait3A_1886] : memref<32x128xi32, #tpu.memory_space<vmem>> -> memref<1x128xi32, #tpu.memory_space<vmem>>
      %dma_wait3A_1888 = tpu.memref_squeeze %dma_wait3A_1887 : memref<1x128xi32, #tpu.memory_space<vmem>> -> memref<128xi32, #tpu.memory_space<vmem>>
      %dma_wait3A_1889 = arith.constant 0 : i32
      %dma_wait3A_1890 = tpu.memref_slice %arg10[%dma_wait3A_1889] : memref<1048576xf32, #tpu.memory_space<vmem_shared>> -> memref<1048576xf32, #tpu.memory_space<vmem_shared>>
      tpu.wait_indirect_dma semaphore(%arg16 : memref<!tpu.dma_semaphore, #tpu.memory_space<semaphore_mem>>) src(%dma_wait3A_1881 : memref<128xf32, #tpu.memory_space<vmem>>) dst(%dma_wait3A_1890 : memref<1048576xf32, #tpu.memory_space<vmem_shared>>)
      %dma_wait3A_1891 = arith.constant 1 : i32
      %dma_wait3A_1892 = arith.constant 1 : i32
      %dma_wait3A_1893 = arith.constant 7 : i32
      %dma_wait3A_1894 = arith.constant 0 : i32
      %dma_wait3A_1895 = tpu.memref_slice %arg12[%dma_wait3A_1891, %dma_wait3A_1894] : memref<2x4096xf32, #tpu.memory_space<vmem>> -> memref<1x4096xf32, #tpu.memory_space<vmem>>
      %dma_wait3A_1896 = tpu.memref_squeeze %dma_wait3A_1895 : memref<1x4096xf32, #tpu.memory_space<vmem>> -> memref<4096xf32, #tpu.memory_space<vmem>>
      %dma_wait3A_1897 = arith.constant 896 : i32
      %dma_wait3A_1898 = tpu.memref_slice %dma_wait3A_1896[%dma_wait3A_1897] : memref<4096xf32, #tpu.memory_space<vmem>> -> memref<128xf32, #tpu.memory_space<vmem>>
      %dma_wait3A_1899 = arith.constant 0 : i32
      %dma_wait3A_1900 = arith.constant 0 : i32
      %dma_wait3A_1901 = tpu.memref_slice %arg11[%dma_wait3A_1892, %dma_wait3A_1899, %dma_wait3A_1900] : memref<2x32x128xi32, #tpu.memory_space<vmem>> -> memref<1x32x128xi32, #tpu.memory_space<vmem>>
      %dma_wait3A_1902 = tpu.memref_squeeze %dma_wait3A_1901 : memref<1x32x128xi32, #tpu.memory_space<vmem>> -> memref<32x128xi32, #tpu.memory_space<vmem>>
      %dma_wait3A_1903 = arith.constant 0 : i32
      %dma_wait3A_1904 = tpu.memref_slice %dma_wait3A_1902[%dma_wait3A_1893, %dma_wait3A_1903] : memref<32x128xi32, #tpu.memory_space<vmem>> -> memref<1x128xi32, #tpu.memory_space<vmem>>
      %dma_wait3A_1905 = tpu.memref_squeeze %dma_wait3A_1904 : memref<1x128xi32, #tpu.memory_space<vmem>> -> memref<128xi32, #tpu.memory_space<vmem>>
      %dma_wait3A_1906 = arith.constant 0 : i32
      %dma_wait3A_1907 = tpu.memref_slice %arg10[%dma_wait3A_1906] : memref<1048576xf32, #tpu.memory_space<vmem_shared>> -> memref<1048576xf32, #tpu.memory_space<vmem_shared>>
      tpu.wait_indirect_dma semaphore(%arg16 : memref<!tpu.dma_semaphore, #tpu.memory_space<semaphore_mem>>) src(%dma_wait3A_1898 : memref<128xf32, #tpu.memory_space<vmem>>) dst(%dma_wait3A_1907 : memref<1048576xf32, #tpu.memory_space<vmem_shared>>)
      %dma_wait3A_1908 = arith.constant 1 : i32
      %dma_wait3A_1909 = arith.constant 1 : i32
      %dma_wait3A_1910 = arith.constant 8 : i32
      %dma_wait3A_1911 = arith.constant 0 : i32
      %dma_wait3A_1912 = tpu.memref_slice %arg12[%dma_wait3A_1908, %dma_wait3A_1911] : memref<2x4096xf32, #tpu.memory_space<vmem>> -> memref<1x4096xf32, #tpu.memory_space<vmem>>
      %dma_wait3A_1913 = tpu.memref_squeeze %dma_wait3A_1912 : memref<1x4096xf32, #tpu.memory_space<vmem>> -> memref<4096xf32, #tpu.memory_space<vmem>>
      %dma_wait3A_1914 = arith.constant 1024 : i32
      %dma_wait3A_1915 = tpu.memref_slice %dma_wait3A_1913[%dma_wait3A_1914] : memref<4096xf32, #tpu.memory_space<vmem>> -> memref<128xf32, #tpu.memory_space<vmem>>
      %dma_wait3A_1916 = arith.constant 0 : i32
      %dma_wait3A_1917 = arith.constant 0 : i32
      %dma_wait3A_1918 = tpu.memref_slice %arg11[%dma_wait3A_1909, %dma_wait3A_1916, %dma_wait3A_1917] : memref<2x32x128xi32, #tpu.memory_space<vmem>> -> memref<1x32x128xi32, #tpu.memory_space<vmem>>
      %dma_wait3A_1919 = tpu.memref_squeeze %dma_wait3A_1918 : memref<1x32x128xi32, #tpu.memory_space<vmem>> -> memref<32x128xi32, #tpu.memory_space<vmem>>
      %dma_wait3A_1920 = arith.constant 0 : i32
      %dma_wait3A_1921 = tpu.memref_slice %dma_wait3A_1919[%dma_wait3A_1910, %dma_wait3A_1920] : memref<32x128xi32, #tpu.memory_space<vmem>> -> memref<1x128xi32, #tpu.memory_space<vmem>>
      %dma_wait3A_1922 = tpu.memref_squeeze %dma_wait3A_1921 : memref<1x128xi32, #tpu.memory_space<vmem>> -> memref<128xi32, #tpu.memory_space<vmem>>
      %dma_wait3A_1923 = arith.constant 0 : i32
      %dma_wait3A_1924 = tpu.memref_slice %arg10[%dma_wait3A_1923] : memref<1048576xf32, #tpu.memory_space<vmem_shared>> -> memref<1048576xf32, #tpu.memory_space<vmem_shared>>
      tpu.wait_indirect_dma semaphore(%arg16 : memref<!tpu.dma_semaphore, #tpu.memory_space<semaphore_mem>>) src(%dma_wait3A_1915 : memref<128xf32, #tpu.memory_space<vmem>>) dst(%dma_wait3A_1924 : memref<1048576xf32, #tpu.memory_space<vmem_shared>>)
      %dma_wait3A_1925 = arith.constant 1 : i32
      %dma_wait3A_1926 = arith.constant 1 : i32
      %dma_wait3A_1927 = arith.constant 9 : i32
      %dma_wait3A_1928 = arith.constant 0 : i32
      %dma_wait3A_1929 = tpu.memref_slice %arg12[%dma_wait3A_1925, %dma_wait3A_1928] : memref<2x4096xf32, #tpu.memory_space<vmem>> -> memref<1x4096xf32, #tpu.memory_space<vmem>>
      %dma_wait3A_1930 = tpu.memref_squeeze %dma_wait3A_1929 : memref<1x4096xf32, #tpu.memory_space<vmem>> -> memref<4096xf32, #tpu.memory_space<vmem>>
      %dma_wait3A_1931 = arith.constant 1152 : i32
      %dma_wait3A_1932 = tpu.memref_slice %dma_wait3A_1930[%dma_wait3A_1931] : memref<4096xf32, #tpu.memory_space<vmem>> -> memref<128xf32, #tpu.memory_space<vmem>>
      %dma_wait3A_1933 = arith.constant 0 : i32
      %dma_wait3A_1934 = arith.constant 0 : i32
      %dma_wait3A_1935 = tpu.memref_slice %arg11[%dma_wait3A_1926, %dma_wait3A_1933, %dma_wait3A_1934] : memref<2x32x128xi32, #tpu.memory_space<vmem>> -> memref<1x32x128xi32, #tpu.memory_space<vmem>>
      %dma_wait3A_1936 = tpu.memref_squeeze %dma_wait3A_1935 : memref<1x32x128xi32, #tpu.memory_space<vmem>> -> memref<32x128xi32, #tpu.memory_space<vmem>>
      %dma_wait3A_1937 = arith.constant 0 : i32
      %dma_wait3A_1938 = tpu.memref_slice %dma_wait3A_1936[%dma_wait3A_1927, %dma_wait3A_1937] : memref<32x128xi32, #tpu.memory_space<vmem>> -> memref<1x128xi32, #tpu.memory_space<vmem>>
      %dma_wait3A_1939 = tpu.memref_squeeze %dma_wait3A_1938 : memref<1x128xi32, #tpu.memory_space<vmem>> -> memref<128xi32, #tpu.memory_space<vmem>>
      %dma_wait3A_1940 = arith.constant 0 : i32
      %dma_wait3A_1941 = tpu.memref_slice %arg10[%dma_wait3A_1940] : memref<1048576xf32, #tpu.memory_space<vmem_shared>> -> memref<1048576xf32, #tpu.memory_space<vmem_shared>>
      tpu.wait_indirect_dma semaphore(%arg16 : memref<!tpu.dma_semaphore, #tpu.memory_space<semaphore_mem>>) src(%dma_wait3A_1932 : memref<128xf32, #tpu.memory_space<vmem>>) dst(%dma_wait3A_1941 : memref<1048576xf32, #tpu.memory_space<vmem_shared>>)
      %dma_wait3A_1942 = arith.constant 1 : i32
      %dma_wait3A_1943 = arith.constant 1 : i32
      %dma_wait3A_1944 = arith.constant 10 : i32
      %dma_wait3A_1945 = arith.constant 0 : i32
      %dma_wait3A_1946 = tpu.memref_slice %arg12[%dma_wait3A_1942, %dma_wait3A_1945] : memref<2x4096xf32, #tpu.memory_space<vmem>> -> memref<1x4096xf32, #tpu.memory_space<vmem>>
      %dma_wait3A_1947 = tpu.memref_squeeze %dma_wait3A_1946 : memref<1x4096xf32, #tpu.memory_space<vmem>> -> memref<4096xf32, #tpu.memory_space<vmem>>
      %dma_wait3A_1948 = arith.constant 1280 : i32
      %dma_wait3A_1949 = tpu.memref_slice %dma_wait3A_1947[%dma_wait3A_1948] : memref<4096xf32, #tpu.memory_space<vmem>> -> memref<128xf32, #tpu.memory_space<vmem>>
      %dma_wait3A_1950 = arith.constant 0 : i32
      %dma_wait3A_1951 = arith.constant 0 : i32
      %dma_wait3A_1952 = tpu.memref_slice %arg11[%dma_wait3A_1943, %dma_wait3A_1950, %dma_wait3A_1951] : memref<2x32x128xi32, #tpu.memory_space<vmem>> -> memref<1x32x128xi32, #tpu.memory_space<vmem>>
      %dma_wait3A_1953 = tpu.memref_squeeze %dma_wait3A_1952 : memref<1x32x128xi32, #tpu.memory_space<vmem>> -> memref<32x128xi32, #tpu.memory_space<vmem>>
      %dma_wait3A_1954 = arith.constant 0 : i32
      %dma_wait3A_1955 = tpu.memref_slice %dma_wait3A_1953[%dma_wait3A_1944, %dma_wait3A_1954] : memref<32x128xi32, #tpu.memory_space<vmem>> -> memref<1x128xi32, #tpu.memory_space<vmem>>
      %dma_wait3A_1956 = tpu.memref_squeeze %dma_wait3A_1955 : memref<1x128xi32, #tpu.memory_space<vmem>> -> memref<128xi32, #tpu.memory_space<vmem>>
      %dma_wait3A_1957 = arith.constant 0 : i32
      %dma_wait3A_1958 = tpu.memref_slice %arg10[%dma_wait3A_1957] : memref<1048576xf32, #tpu.memory_space<vmem_shared>> -> memref<1048576xf32, #tpu.memory_space<vmem_shared>>
      tpu.wait_indirect_dma semaphore(%arg16 : memref<!tpu.dma_semaphore, #tpu.memory_space<semaphore_mem>>) src(%dma_wait3A_1949 : memref<128xf32, #tpu.memory_space<vmem>>) dst(%dma_wait3A_1958 : memref<1048576xf32, #tpu.memory_space<vmem_shared>>)
      %dma_wait3A_1959 = arith.constant 1 : i32
      %dma_wait3A_1960 = arith.constant 1 : i32
      %dma_wait3A_1961 = arith.constant 11 : i32
      %dma_wait3A_1962 = arith.constant 0 : i32
      %dma_wait3A_1963 = tpu.memref_slice %arg12[%dma_wait3A_1959, %dma_wait3A_1962] : memref<2x4096xf32, #tpu.memory_space<vmem>> -> memref<1x4096xf32, #tpu.memory_space<vmem>>
      %dma_wait3A_1964 = tpu.memref_squeeze %dma_wait3A_1963 : memref<1x4096xf32, #tpu.memory_space<vmem>> -> memref<4096xf32, #tpu.memory_space<vmem>>
      %dma_wait3A_1965 = arith.constant 1408 : i32
      %dma_wait3A_1966 = tpu.memref_slice %dma_wait3A_1964[%dma_wait3A_1965] : memref<4096xf32, #tpu.memory_space<vmem>> -> memref<128xf32, #tpu.memory_space<vmem>>
      %dma_wait3A_1967 = arith.constant 0 : i32
      %dma_wait3A_1968 = arith.constant 0 : i32
      %dma_wait3A_1969 = tpu.memref_slice %arg11[%dma_wait3A_1960, %dma_wait3A_1967, %dma_wait3A_1968] : memref<2x32x128xi32, #tpu.memory_space<vmem>> -> memref<1x32x128xi32, #tpu.memory_space<vmem>>
      %dma_wait3A_1970 = tpu.memref_squeeze %dma_wait3A_1969 : memref<1x32x128xi32, #tpu.memory_space<vmem>> -> memref<32x128xi32, #tpu.memory_space<vmem>>
      %dma_wait3A_1971 = arith.constant 0 : i32
      %dma_wait3A_1972 = tpu.memref_slice %dma_wait3A_1970[%dma_wait3A_1961, %dma_wait3A_1971] : memref<32x128xi32, #tpu.memory_space<vmem>> -> memref<1x128xi32, #tpu.memory_space<vmem>>
      %dma_wait3A_1973 = tpu.memref_squeeze %dma_wait3A_1972 : memref<1x128xi32, #tpu.memory_space<vmem>> -> memref<128xi32, #tpu.memory_space<vmem>>
      %dma_wait3A_1974 = arith.constant 0 : i32
      %dma_wait3A_1975 = tpu.memref_slice %arg10[%dma_wait3A_1974] : memref<1048576xf32, #tpu.memory_space<vmem_shared>> -> memref<1048576xf32, #tpu.memory_space<vmem_shared>>
      tpu.wait_indirect_dma semaphore(%arg16 : memref<!tpu.dma_semaphore, #tpu.memory_space<semaphore_mem>>) src(%dma_wait3A_1966 : memref<128xf32, #tpu.memory_space<vmem>>) dst(%dma_wait3A_1975 : memref<1048576xf32, #tpu.memory_space<vmem_shared>>)
      %dma_wait3A_1976 = arith.constant 1 : i32
      %dma_wait3A_1977 = arith.constant 1 : i32
      %dma_wait3A_1978 = arith.constant 12 : i32
      %dma_wait3A_1979 = arith.constant 0 : i32
      %dma_wait3A_1980 = tpu.memref_slice %arg12[%dma_wait3A_1976, %dma_wait3A_1979] : memref<2x4096xf32, #tpu.memory_space<vmem>> -> memref<1x4096xf32, #tpu.memory_space<vmem>>
      %dma_wait3A_1981 = tpu.memref_squeeze %dma_wait3A_1980 : memref<1x4096xf32, #tpu.memory_space<vmem>> -> memref<4096xf32, #tpu.memory_space<vmem>>
      %dma_wait3A_1982 = arith.constant 1536 : i32
      %dma_wait3A_1983 = tpu.memref_slice %dma_wait3A_1981[%dma_wait3A_1982] : memref<4096xf32, #tpu.memory_space<vmem>> -> memref<128xf32, #tpu.memory_space<vmem>>
      %dma_wait3A_1984 = arith.constant 0 : i32
      %dma_wait3A_1985 = arith.constant 0 : i32
      %dma_wait3A_1986 = tpu.memref_slice %arg11[%dma_wait3A_1977, %dma_wait3A_1984, %dma_wait3A_1985] : memref<2x32x128xi32, #tpu.memory_space<vmem>> -> memref<1x32x128xi32, #tpu.memory_space<vmem>>
      %dma_wait3A_1987 = tpu.memref_squeeze %dma_wait3A_1986 : memref<1x32x128xi32, #tpu.memory_space<vmem>> -> memref<32x128xi32, #tpu.memory_space<vmem>>
      %dma_wait3A_1988 = arith.constant 0 : i32
      %dma_wait3A_1989 = tpu.memref_slice %dma_wait3A_1987[%dma_wait3A_1978, %dma_wait3A_1988] : memref<32x128xi32, #tpu.memory_space<vmem>> -> memref<1x128xi32, #tpu.memory_space<vmem>>
      %dma_wait3A_1990 = tpu.memref_squeeze %dma_wait3A_1989 : memref<1x128xi32, #tpu.memory_space<vmem>> -> memref<128xi32, #tpu.memory_space<vmem>>
      %dma_wait3A_1991 = arith.constant 0 : i32
      %dma_wait3A_1992 = tpu.memref_slice %arg10[%dma_wait3A_1991] : memref<1048576xf32, #tpu.memory_space<vmem_shared>> -> memref<1048576xf32, #tpu.memory_space<vmem_shared>>
      tpu.wait_indirect_dma semaphore(%arg16 : memref<!tpu.dma_semaphore, #tpu.memory_space<semaphore_mem>>) src(%dma_wait3A_1983 : memref<128xf32, #tpu.memory_space<vmem>>) dst(%dma_wait3A_1992 : memref<1048576xf32, #tpu.memory_space<vmem_shared>>)
      %dma_wait3A_1993 = arith.constant 1 : i32
      %dma_wait3A_1994 = arith.constant 1 : i32
      %dma_wait3A_1995 = arith.constant 13 : i32
      %dma_wait3A_1996 = arith.constant 0 : i32
      %dma_wait3A_1997 = tpu.memref_slice %arg12[%dma_wait3A_1993, %dma_wait3A_1996] : memref<2x4096xf32, #tpu.memory_space<vmem>> -> memref<1x4096xf32, #tpu.memory_space<vmem>>
      %dma_wait3A_1998 = tpu.memref_squeeze %dma_wait3A_1997 : memref<1x4096xf32, #tpu.memory_space<vmem>> -> memref<4096xf32, #tpu.memory_space<vmem>>
      %dma_wait3A_1999 = arith.constant 1664 : i32
      %dma_wait3A_2000 = tpu.memref_slice %dma_wait3A_1998[%dma_wait3A_1999] : memref<4096xf32, #tpu.memory_space<vmem>> -> memref<128xf32, #tpu.memory_space<vmem>>
      %dma_wait3A_2001 = arith.constant 0 : i32
      %dma_wait3A_2002 = arith.constant 0 : i32
      %dma_wait3A_2003 = tpu.memref_slice %arg11[%dma_wait3A_1994, %dma_wait3A_2001, %dma_wait3A_2002] : memref<2x32x128xi32, #tpu.memory_space<vmem>> -> memref<1x32x128xi32, #tpu.memory_space<vmem>>
      %dma_wait3A_2004 = tpu.memref_squeeze %dma_wait3A_2003 : memref<1x32x128xi32, #tpu.memory_space<vmem>> -> memref<32x128xi32, #tpu.memory_space<vmem>>
      %dma_wait3A_2005 = arith.constant 0 : i32
      %dma_wait3A_2006 = tpu.memref_slice %dma_wait3A_2004[%dma_wait3A_1995, %dma_wait3A_2005] : memref<32x128xi32, #tpu.memory_space<vmem>> -> memref<1x128xi32, #tpu.memory_space<vmem>>
      %dma_wait3A_2007 = tpu.memref_squeeze %dma_wait3A_2006 : memref<1x128xi32, #tpu.memory_space<vmem>> -> memref<128xi32, #tpu.memory_space<vmem>>
      %dma_wait3A_2008 = arith.constant 0 : i32
      %dma_wait3A_2009 = tpu.memref_slice %arg10[%dma_wait3A_2008] : memref<1048576xf32, #tpu.memory_space<vmem_shared>> -> memref<1048576xf32, #tpu.memory_space<vmem_shared>>
      tpu.wait_indirect_dma semaphore(%arg16 : memref<!tpu.dma_semaphore, #tpu.memory_space<semaphore_mem>>) src(%dma_wait3A_2000 : memref<128xf32, #tpu.memory_space<vmem>>) dst(%dma_wait3A_2009 : memref<1048576xf32, #tpu.memory_space<vmem_shared>>)
      %dma_wait3A_2010 = arith.constant 1 : i32
      %dma_wait3A_2011 = arith.constant 1 : i32
      %dma_wait3A_2012 = arith.constant 14 : i32
      %dma_wait3A_2013 = arith.constant 0 : i32
      %dma_wait3A_2014 = tpu.memref_slice %arg12[%dma_wait3A_2010, %dma_wait3A_2013] : memref<2x4096xf32, #tpu.memory_space<vmem>> -> memref<1x4096xf32, #tpu.memory_space<vmem>>
      %dma_wait3A_2015 = tpu.memref_squeeze %dma_wait3A_2014 : memref<1x4096xf32, #tpu.memory_space<vmem>> -> memref<4096xf32, #tpu.memory_space<vmem>>
      %dma_wait3A_2016 = arith.constant 1792 : i32
      %dma_wait3A_2017 = tpu.memref_slice %dma_wait3A_2015[%dma_wait3A_2016] : memref<4096xf32, #tpu.memory_space<vmem>> -> memref<128xf32, #tpu.memory_space<vmem>>
      %dma_wait3A_2018 = arith.constant 0 : i32
      %dma_wait3A_2019 = arith.constant 0 : i32
      %dma_wait3A_2020 = tpu.memref_slice %arg11[%dma_wait3A_2011, %dma_wait3A_2018, %dma_wait3A_2019] : memref<2x32x128xi32, #tpu.memory_space<vmem>> -> memref<1x32x128xi32, #tpu.memory_space<vmem>>
      %dma_wait3A_2021 = tpu.memref_squeeze %dma_wait3A_2020 : memref<1x32x128xi32, #tpu.memory_space<vmem>> -> memref<32x128xi32, #tpu.memory_space<vmem>>
      %dma_wait3A_2022 = arith.constant 0 : i32
      %dma_wait3A_2023 = tpu.memref_slice %dma_wait3A_2021[%dma_wait3A_2012, %dma_wait3A_2022] : memref<32x128xi32, #tpu.memory_space<vmem>> -> memref<1x128xi32, #tpu.memory_space<vmem>>
      %dma_wait3A_2024 = tpu.memref_squeeze %dma_wait3A_2023 : memref<1x128xi32, #tpu.memory_space<vmem>> -> memref<128xi32, #tpu.memory_space<vmem>>
      %dma_wait3A_2025 = arith.constant 0 : i32
      %dma_wait3A_2026 = tpu.memref_slice %arg10[%dma_wait3A_2025] : memref<1048576xf32, #tpu.memory_space<vmem_shared>> -> memref<1048576xf32, #tpu.memory_space<vmem_shared>>
      tpu.wait_indirect_dma semaphore(%arg16 : memref<!tpu.dma_semaphore, #tpu.memory_space<semaphore_mem>>) src(%dma_wait3A_2017 : memref<128xf32, #tpu.memory_space<vmem>>) dst(%dma_wait3A_2026 : memref<1048576xf32, #tpu.memory_space<vmem_shared>>)
      %dma_wait3A_2027 = arith.constant 1 : i32
      %dma_wait3A_2028 = arith.constant 1 : i32
      %dma_wait3A_2029 = arith.constant 15 : i32
      %dma_wait3A_2030 = arith.constant 0 : i32
      %dma_wait3A_2031 = tpu.memref_slice %arg12[%dma_wait3A_2027, %dma_wait3A_2030] : memref<2x4096xf32, #tpu.memory_space<vmem>> -> memref<1x4096xf32, #tpu.memory_space<vmem>>
      %dma_wait3A_2032 = tpu.memref_squeeze %dma_wait3A_2031 : memref<1x4096xf32, #tpu.memory_space<vmem>> -> memref<4096xf32, #tpu.memory_space<vmem>>
      %dma_wait3A_2033 = arith.constant 1920 : i32
      %dma_wait3A_2034 = tpu.memref_slice %dma_wait3A_2032[%dma_wait3A_2033] : memref<4096xf32, #tpu.memory_space<vmem>> -> memref<128xf32, #tpu.memory_space<vmem>>
      %dma_wait3A_2035 = arith.constant 0 : i32
      %dma_wait3A_2036 = arith.constant 0 : i32
      %dma_wait3A_2037 = tpu.memref_slice %arg11[%dma_wait3A_2028, %dma_wait3A_2035, %dma_wait3A_2036] : memref<2x32x128xi32, #tpu.memory_space<vmem>> -> memref<1x32x128xi32, #tpu.memory_space<vmem>>
      %dma_wait3A_2038 = tpu.memref_squeeze %dma_wait3A_2037 : memref<1x32x128xi32, #tpu.memory_space<vmem>> -> memref<32x128xi32, #tpu.memory_space<vmem>>
      %dma_wait3A_2039 = arith.constant 0 : i32
      %dma_wait3A_2040 = tpu.memref_slice %dma_wait3A_2038[%dma_wait3A_2029, %dma_wait3A_2039] : memref<32x128xi32, #tpu.memory_space<vmem>> -> memref<1x128xi32, #tpu.memory_space<vmem>>
      %dma_wait3A_2041 = tpu.memref_squeeze %dma_wait3A_2040 : memref<1x128xi32, #tpu.memory_space<vmem>> -> memref<128xi32, #tpu.memory_space<vmem>>
      %dma_wait3A_2042 = arith.constant 0 : i32
      %dma_wait3A_2043 = tpu.memref_slice %arg10[%dma_wait3A_2042] : memref<1048576xf32, #tpu.memory_space<vmem_shared>> -> memref<1048576xf32, #tpu.memory_space<vmem_shared>>
      tpu.wait_indirect_dma semaphore(%arg16 : memref<!tpu.dma_semaphore, #tpu.memory_space<semaphore_mem>>) src(%dma_wait3A_2034 : memref<128xf32, #tpu.memory_space<vmem>>) dst(%dma_wait3A_2043 : memref<1048576xf32, #tpu.memory_space<vmem_shared>>)
      %dma_wait3A_2044 = arith.constant 1 : i32
      %dma_wait3A_2045 = arith.constant 1 : i32
      %dma_wait3A_2046 = arith.constant 16 : i32
      %dma_wait3A_2047 = arith.constant 0 : i32
      %dma_wait3A_2048 = tpu.memref_slice %arg12[%dma_wait3A_2044, %dma_wait3A_2047] : memref<2x4096xf32, #tpu.memory_space<vmem>> -> memref<1x4096xf32, #tpu.memory_space<vmem>>
      %dma_wait3A_2049 = tpu.memref_squeeze %dma_wait3A_2048 : memref<1x4096xf32, #tpu.memory_space<vmem>> -> memref<4096xf32, #tpu.memory_space<vmem>>
      %dma_wait3A_2050 = arith.constant 2048 : i32
      %dma_wait3A_2051 = tpu.memref_slice %dma_wait3A_2049[%dma_wait3A_2050] : memref<4096xf32, #tpu.memory_space<vmem>> -> memref<128xf32, #tpu.memory_space<vmem>>
      %dma_wait3A_2052 = arith.constant 0 : i32
      %dma_wait3A_2053 = arith.constant 0 : i32
      %dma_wait3A_2054 = tpu.memref_slice %arg11[%dma_wait3A_2045, %dma_wait3A_2052, %dma_wait3A_2053] : memref<2x32x128xi32, #tpu.memory_space<vmem>> -> memref<1x32x128xi32, #tpu.memory_space<vmem>>
      %dma_wait3A_2055 = tpu.memref_squeeze %dma_wait3A_2054 : memref<1x32x128xi32, #tpu.memory_space<vmem>> -> memref<32x128xi32, #tpu.memory_space<vmem>>
      %dma_wait3A_2056 = arith.constant 0 : i32
      %dma_wait3A_2057 = tpu.memref_slice %dma_wait3A_2055[%dma_wait3A_2046, %dma_wait3A_2056] : memref<32x128xi32, #tpu.memory_space<vmem>> -> memref<1x128xi32, #tpu.memory_space<vmem>>
      %dma_wait3A_2058 = tpu.memref_squeeze %dma_wait3A_2057 : memref<1x128xi32, #tpu.memory_space<vmem>> -> memref<128xi32, #tpu.memory_space<vmem>>
      %dma_wait3A_2059 = arith.constant 0 : i32
      %dma_wait3A_2060 = tpu.memref_slice %arg10[%dma_wait3A_2059] : memref<1048576xf32, #tpu.memory_space<vmem_shared>> -> memref<1048576xf32, #tpu.memory_space<vmem_shared>>
      tpu.wait_indirect_dma semaphore(%arg16 : memref<!tpu.dma_semaphore, #tpu.memory_space<semaphore_mem>>) src(%dma_wait3A_2051 : memref<128xf32, #tpu.memory_space<vmem>>) dst(%dma_wait3A_2060 : memref<1048576xf32, #tpu.memory_space<vmem_shared>>)
      %dma_wait3A_2061 = arith.constant 1 : i32
      %dma_wait3A_2062 = arith.constant 1 : i32
      %dma_wait3A_2063 = arith.constant 17 : i32
      %dma_wait3A_2064 = arith.constant 0 : i32
      %dma_wait3A_2065 = tpu.memref_slice %arg12[%dma_wait3A_2061, %dma_wait3A_2064] : memref<2x4096xf32, #tpu.memory_space<vmem>> -> memref<1x4096xf32, #tpu.memory_space<vmem>>
      %dma_wait3A_2066 = tpu.memref_squeeze %dma_wait3A_2065 : memref<1x4096xf32, #tpu.memory_space<vmem>> -> memref<4096xf32, #tpu.memory_space<vmem>>
      %dma_wait3A_2067 = arith.constant 2176 : i32
      %dma_wait3A_2068 = tpu.memref_slice %dma_wait3A_2066[%dma_wait3A_2067] : memref<4096xf32, #tpu.memory_space<vmem>> -> memref<128xf32, #tpu.memory_space<vmem>>
      %dma_wait3A_2069 = arith.constant 0 : i32
      %dma_wait3A_2070 = arith.constant 0 : i32
      %dma_wait3A_2071 = tpu.memref_slice %arg11[%dma_wait3A_2062, %dma_wait3A_2069, %dma_wait3A_2070] : memref<2x32x128xi32, #tpu.memory_space<vmem>> -> memref<1x32x128xi32, #tpu.memory_space<vmem>>
      %dma_wait3A_2072 = tpu.memref_squeeze %dma_wait3A_2071 : memref<1x32x128xi32, #tpu.memory_space<vmem>> -> memref<32x128xi32, #tpu.memory_space<vmem>>
      %dma_wait3A_2073 = arith.constant 0 : i32
      %dma_wait3A_2074 = tpu.memref_slice %dma_wait3A_2072[%dma_wait3A_2063, %dma_wait3A_2073] : memref<32x128xi32, #tpu.memory_space<vmem>> -> memref<1x128xi32, #tpu.memory_space<vmem>>
      %dma_wait3A_2075 = tpu.memref_squeeze %dma_wait3A_2074 : memref<1x128xi32, #tpu.memory_space<vmem>> -> memref<128xi32, #tpu.memory_space<vmem>>
      %dma_wait3A_2076 = arith.constant 0 : i32
      %dma_wait3A_2077 = tpu.memref_slice %arg10[%dma_wait3A_2076] : memref<1048576xf32, #tpu.memory_space<vmem_shared>> -> memref<1048576xf32, #tpu.memory_space<vmem_shared>>
      tpu.wait_indirect_dma semaphore(%arg16 : memref<!tpu.dma_semaphore, #tpu.memory_space<semaphore_mem>>) src(%dma_wait3A_2068 : memref<128xf32, #tpu.memory_space<vmem>>) dst(%dma_wait3A_2077 : memref<1048576xf32, #tpu.memory_space<vmem_shared>>)
      %dma_wait3A_2078 = arith.constant 1 : i32
      %dma_wait3A_2079 = arith.constant 1 : i32
      %dma_wait3A_2080 = arith.constant 18 : i32
      %dma_wait3A_2081 = arith.constant 0 : i32
      %dma_wait3A_2082 = tpu.memref_slice %arg12[%dma_wait3A_2078, %dma_wait3A_2081] : memref<2x4096xf32, #tpu.memory_space<vmem>> -> memref<1x4096xf32, #tpu.memory_space<vmem>>
      %dma_wait3A_2083 = tpu.memref_squeeze %dma_wait3A_2082 : memref<1x4096xf32, #tpu.memory_space<vmem>> -> memref<4096xf32, #tpu.memory_space<vmem>>
      %dma_wait3A_2084 = arith.constant 2304 : i32
      %dma_wait3A_2085 = tpu.memref_slice %dma_wait3A_2083[%dma_wait3A_2084] : memref<4096xf32, #tpu.memory_space<vmem>> -> memref<128xf32, #tpu.memory_space<vmem>>
      %dma_wait3A_2086 = arith.constant 0 : i32
      %dma_wait3A_2087 = arith.constant 0 : i32
      %dma_wait3A_2088 = tpu.memref_slice %arg11[%dma_wait3A_2079, %dma_wait3A_2086, %dma_wait3A_2087] : memref<2x32x128xi32, #tpu.memory_space<vmem>> -> memref<1x32x128xi32, #tpu.memory_space<vmem>>
      %dma_wait3A_2089 = tpu.memref_squeeze %dma_wait3A_2088 : memref<1x32x128xi32, #tpu.memory_space<vmem>> -> memref<32x128xi32, #tpu.memory_space<vmem>>
      %dma_wait3A_2090 = arith.constant 0 : i32
      %dma_wait3A_2091 = tpu.memref_slice %dma_wait3A_2089[%dma_wait3A_2080, %dma_wait3A_2090] : memref<32x128xi32, #tpu.memory_space<vmem>> -> memref<1x128xi32, #tpu.memory_space<vmem>>
      %dma_wait3A_2092 = tpu.memref_squeeze %dma_wait3A_2091 : memref<1x128xi32, #tpu.memory_space<vmem>> -> memref<128xi32, #tpu.memory_space<vmem>>
      %dma_wait3A_2093 = arith.constant 0 : i32
      %dma_wait3A_2094 = tpu.memref_slice %arg10[%dma_wait3A_2093] : memref<1048576xf32, #tpu.memory_space<vmem_shared>> -> memref<1048576xf32, #tpu.memory_space<vmem_shared>>
      tpu.wait_indirect_dma semaphore(%arg16 : memref<!tpu.dma_semaphore, #tpu.memory_space<semaphore_mem>>) src(%dma_wait3A_2085 : memref<128xf32, #tpu.memory_space<vmem>>) dst(%dma_wait3A_2094 : memref<1048576xf32, #tpu.memory_space<vmem_shared>>)
      %dma_wait3A_2095 = arith.constant 1 : i32
      %dma_wait3A_2096 = arith.constant 1 : i32
      %dma_wait3A_2097 = arith.constant 19 : i32
      %dma_wait3A_2098 = arith.constant 0 : i32
      %dma_wait3A_2099 = tpu.memref_slice %arg12[%dma_wait3A_2095, %dma_wait3A_2098] : memref<2x4096xf32, #tpu.memory_space<vmem>> -> memref<1x4096xf32, #tpu.memory_space<vmem>>
      %dma_wait3A_2100 = tpu.memref_squeeze %dma_wait3A_2099 : memref<1x4096xf32, #tpu.memory_space<vmem>> -> memref<4096xf32, #tpu.memory_space<vmem>>
      %dma_wait3A_2101 = arith.constant 2432 : i32
      %dma_wait3A_2102 = tpu.memref_slice %dma_wait3A_2100[%dma_wait3A_2101] : memref<4096xf32, #tpu.memory_space<vmem>> -> memref<128xf32, #tpu.memory_space<vmem>>
      %dma_wait3A_2103 = arith.constant 0 : i32
      %dma_wait3A_2104 = arith.constant 0 : i32
      %dma_wait3A_2105 = tpu.memref_slice %arg11[%dma_wait3A_2096, %dma_wait3A_2103, %dma_wait3A_2104] : memref<2x32x128xi32, #tpu.memory_space<vmem>> -> memref<1x32x128xi32, #tpu.memory_space<vmem>>
      %dma_wait3A_2106 = tpu.memref_squeeze %dma_wait3A_2105 : memref<1x32x128xi32, #tpu.memory_space<vmem>> -> memref<32x128xi32, #tpu.memory_space<vmem>>
      %dma_wait3A_2107 = arith.constant 0 : i32
      %dma_wait3A_2108 = tpu.memref_slice %dma_wait3A_2106[%dma_wait3A_2097, %dma_wait3A_2107] : memref<32x128xi32, #tpu.memory_space<vmem>> -> memref<1x128xi32, #tpu.memory_space<vmem>>
      %dma_wait3A_2109 = tpu.memref_squeeze %dma_wait3A_2108 : memref<1x128xi32, #tpu.memory_space<vmem>> -> memref<128xi32, #tpu.memory_space<vmem>>
      %dma_wait3A_2110 = arith.constant 0 : i32
      %dma_wait3A_2111 = tpu.memref_slice %arg10[%dma_wait3A_2110] : memref<1048576xf32, #tpu.memory_space<vmem_shared>> -> memref<1048576xf32, #tpu.memory_space<vmem_shared>>
      tpu.wait_indirect_dma semaphore(%arg16 : memref<!tpu.dma_semaphore, #tpu.memory_space<semaphore_mem>>) src(%dma_wait3A_2102 : memref<128xf32, #tpu.memory_space<vmem>>) dst(%dma_wait3A_2111 : memref<1048576xf32, #tpu.memory_space<vmem_shared>>)
      %dma_wait3A_2112 = arith.constant 1 : i32
      %dma_wait3A_2113 = arith.constant 1 : i32
      %dma_wait3A_2114 = arith.constant 20 : i32
      %dma_wait3A_2115 = arith.constant 0 : i32
      %dma_wait3A_2116 = tpu.memref_slice %arg12[%dma_wait3A_2112, %dma_wait3A_2115] : memref<2x4096xf32, #tpu.memory_space<vmem>> -> memref<1x4096xf32, #tpu.memory_space<vmem>>
      %dma_wait3A_2117 = tpu.memref_squeeze %dma_wait3A_2116 : memref<1x4096xf32, #tpu.memory_space<vmem>> -> memref<4096xf32, #tpu.memory_space<vmem>>
      %dma_wait3A_2118 = arith.constant 2560 : i32
      %dma_wait3A_2119 = tpu.memref_slice %dma_wait3A_2117[%dma_wait3A_2118] : memref<4096xf32, #tpu.memory_space<vmem>> -> memref<128xf32, #tpu.memory_space<vmem>>
      %dma_wait3A_2120 = arith.constant 0 : i32
      %dma_wait3A_2121 = arith.constant 0 : i32
      %dma_wait3A_2122 = tpu.memref_slice %arg11[%dma_wait3A_2113, %dma_wait3A_2120, %dma_wait3A_2121] : memref<2x32x128xi32, #tpu.memory_space<vmem>> -> memref<1x32x128xi32, #tpu.memory_space<vmem>>
      %dma_wait3A_2123 = tpu.memref_squeeze %dma_wait3A_2122 : memref<1x32x128xi32, #tpu.memory_space<vmem>> -> memref<32x128xi32, #tpu.memory_space<vmem>>
      %dma_wait3A_2124 = arith.constant 0 : i32
      %dma_wait3A_2125 = tpu.memref_slice %dma_wait3A_2123[%dma_wait3A_2114, %dma_wait3A_2124] : memref<32x128xi32, #tpu.memory_space<vmem>> -> memref<1x128xi32, #tpu.memory_space<vmem>>
      %dma_wait3A_2126 = tpu.memref_squeeze %dma_wait3A_2125 : memref<1x128xi32, #tpu.memory_space<vmem>> -> memref<128xi32, #tpu.memory_space<vmem>>
      %dma_wait3A_2127 = arith.constant 0 : i32
      %dma_wait3A_2128 = tpu.memref_slice %arg10[%dma_wait3A_2127] : memref<1048576xf32, #tpu.memory_space<vmem_shared>> -> memref<1048576xf32, #tpu.memory_space<vmem_shared>>
      tpu.wait_indirect_dma semaphore(%arg16 : memref<!tpu.dma_semaphore, #tpu.memory_space<semaphore_mem>>) src(%dma_wait3A_2119 : memref<128xf32, #tpu.memory_space<vmem>>) dst(%dma_wait3A_2128 : memref<1048576xf32, #tpu.memory_space<vmem_shared>>)
      %dma_wait3A_2129 = arith.constant 1 : i32
      %dma_wait3A_2130 = arith.constant 1 : i32
      %dma_wait3A_2131 = arith.constant 21 : i32
      %dma_wait3A_2132 = arith.constant 0 : i32
      %dma_wait3A_2133 = tpu.memref_slice %arg12[%dma_wait3A_2129, %dma_wait3A_2132] : memref<2x4096xf32, #tpu.memory_space<vmem>> -> memref<1x4096xf32, #tpu.memory_space<vmem>>
      %dma_wait3A_2134 = tpu.memref_squeeze %dma_wait3A_2133 : memref<1x4096xf32, #tpu.memory_space<vmem>> -> memref<4096xf32, #tpu.memory_space<vmem>>
      %dma_wait3A_2135 = arith.constant 2688 : i32
      %dma_wait3A_2136 = tpu.memref_slice %dma_wait3A_2134[%dma_wait3A_2135] : memref<4096xf32, #tpu.memory_space<vmem>> -> memref<128xf32, #tpu.memory_space<vmem>>
      %dma_wait3A_2137 = arith.constant 0 : i32
      %dma_wait3A_2138 = arith.constant 0 : i32
      %dma_wait3A_2139 = tpu.memref_slice %arg11[%dma_wait3A_2130, %dma_wait3A_2137, %dma_wait3A_2138] : memref<2x32x128xi32, #tpu.memory_space<vmem>> -> memref<1x32x128xi32, #tpu.memory_space<vmem>>
      %dma_wait3A_2140 = tpu.memref_squeeze %dma_wait3A_2139 : memref<1x32x128xi32, #tpu.memory_space<vmem>> -> memref<32x128xi32, #tpu.memory_space<vmem>>
      %dma_wait3A_2141 = arith.constant 0 : i32
      %dma_wait3A_2142 = tpu.memref_slice %dma_wait3A_2140[%dma_wait3A_2131, %dma_wait3A_2141] : memref<32x128xi32, #tpu.memory_space<vmem>> -> memref<1x128xi32, #tpu.memory_space<vmem>>
      %dma_wait3A_2143 = tpu.memref_squeeze %dma_wait3A_2142 : memref<1x128xi32, #tpu.memory_space<vmem>> -> memref<128xi32, #tpu.memory_space<vmem>>
      %dma_wait3A_2144 = arith.constant 0 : i32
      %dma_wait3A_2145 = tpu.memref_slice %arg10[%dma_wait3A_2144] : memref<1048576xf32, #tpu.memory_space<vmem_shared>> -> memref<1048576xf32, #tpu.memory_space<vmem_shared>>
      tpu.wait_indirect_dma semaphore(%arg16 : memref<!tpu.dma_semaphore, #tpu.memory_space<semaphore_mem>>) src(%dma_wait3A_2136 : memref<128xf32, #tpu.memory_space<vmem>>) dst(%dma_wait3A_2145 : memref<1048576xf32, #tpu.memory_space<vmem_shared>>)
      %dma_wait3A_2146 = arith.constant 1 : i32
      %dma_wait3A_2147 = arith.constant 1 : i32
      %dma_wait3A_2148 = arith.constant 22 : i32
      %dma_wait3A_2149 = arith.constant 0 : i32
      %dma_wait3A_2150 = tpu.memref_slice %arg12[%dma_wait3A_2146, %dma_wait3A_2149] : memref<2x4096xf32, #tpu.memory_space<vmem>> -> memref<1x4096xf32, #tpu.memory_space<vmem>>
      %dma_wait3A_2151 = tpu.memref_squeeze %dma_wait3A_2150 : memref<1x4096xf32, #tpu.memory_space<vmem>> -> memref<4096xf32, #tpu.memory_space<vmem>>
      %dma_wait3A_2152 = arith.constant 2816 : i32
      %dma_wait3A_2153 = tpu.memref_slice %dma_wait3A_2151[%dma_wait3A_2152] : memref<4096xf32, #tpu.memory_space<vmem>> -> memref<128xf32, #tpu.memory_space<vmem>>
      %dma_wait3A_2154 = arith.constant 0 : i32
      %dma_wait3A_2155 = arith.constant 0 : i32
      %dma_wait3A_2156 = tpu.memref_slice %arg11[%dma_wait3A_2147, %dma_wait3A_2154, %dma_wait3A_2155] : memref<2x32x128xi32, #tpu.memory_space<vmem>> -> memref<1x32x128xi32, #tpu.memory_space<vmem>>
      %dma_wait3A_2157 = tpu.memref_squeeze %dma_wait3A_2156 : memref<1x32x128xi32, #tpu.memory_space<vmem>> -> memref<32x128xi32, #tpu.memory_space<vmem>>
      %dma_wait3A_2158 = arith.constant 0 : i32
      %dma_wait3A_2159 = tpu.memref_slice %dma_wait3A_2157[%dma_wait3A_2148, %dma_wait3A_2158] : memref<32x128xi32, #tpu.memory_space<vmem>> -> memref<1x128xi32, #tpu.memory_space<vmem>>
      %dma_wait3A_2160 = tpu.memref_squeeze %dma_wait3A_2159 : memref<1x128xi32, #tpu.memory_space<vmem>> -> memref<128xi32, #tpu.memory_space<vmem>>
      %dma_wait3A_2161 = arith.constant 0 : i32
      %dma_wait3A_2162 = tpu.memref_slice %arg10[%dma_wait3A_2161] : memref<1048576xf32, #tpu.memory_space<vmem_shared>> -> memref<1048576xf32, #tpu.memory_space<vmem_shared>>
      tpu.wait_indirect_dma semaphore(%arg16 : memref<!tpu.dma_semaphore, #tpu.memory_space<semaphore_mem>>) src(%dma_wait3A_2153 : memref<128xf32, #tpu.memory_space<vmem>>) dst(%dma_wait3A_2162 : memref<1048576xf32, #tpu.memory_space<vmem_shared>>)
      %dma_wait3A_2163 = arith.constant 1 : i32
      %dma_wait3A_2164 = arith.constant 1 : i32
      %dma_wait3A_2165 = arith.constant 23 : i32
      %dma_wait3A_2166 = arith.constant 0 : i32
      %dma_wait3A_2167 = tpu.memref_slice %arg12[%dma_wait3A_2163, %dma_wait3A_2166] : memref<2x4096xf32, #tpu.memory_space<vmem>> -> memref<1x4096xf32, #tpu.memory_space<vmem>>
      %dma_wait3A_2168 = tpu.memref_squeeze %dma_wait3A_2167 : memref<1x4096xf32, #tpu.memory_space<vmem>> -> memref<4096xf32, #tpu.memory_space<vmem>>
      %dma_wait3A_2169 = arith.constant 2944 : i32
      %dma_wait3A_2170 = tpu.memref_slice %dma_wait3A_2168[%dma_wait3A_2169] : memref<4096xf32, #tpu.memory_space<vmem>> -> memref<128xf32, #tpu.memory_space<vmem>>
      %dma_wait3A_2171 = arith.constant 0 : i32
      %dma_wait3A_2172 = arith.constant 0 : i32
      %dma_wait3A_2173 = tpu.memref_slice %arg11[%dma_wait3A_2164, %dma_wait3A_2171, %dma_wait3A_2172] : memref<2x32x128xi32, #tpu.memory_space<vmem>> -> memref<1x32x128xi32, #tpu.memory_space<vmem>>
      %dma_wait3A_2174 = tpu.memref_squeeze %dma_wait3A_2173 : memref<1x32x128xi32, #tpu.memory_space<vmem>> -> memref<32x128xi32, #tpu.memory_space<vmem>>
      %dma_wait3A_2175 = arith.constant 0 : i32
      %dma_wait3A_2176 = tpu.memref_slice %dma_wait3A_2174[%dma_wait3A_2165, %dma_wait3A_2175] : memref<32x128xi32, #tpu.memory_space<vmem>> -> memref<1x128xi32, #tpu.memory_space<vmem>>
      %dma_wait3A_2177 = tpu.memref_squeeze %dma_wait3A_2176 : memref<1x128xi32, #tpu.memory_space<vmem>> -> memref<128xi32, #tpu.memory_space<vmem>>
      %dma_wait3A_2178 = arith.constant 0 : i32
      %dma_wait3A_2179 = tpu.memref_slice %arg10[%dma_wait3A_2178] : memref<1048576xf32, #tpu.memory_space<vmem_shared>> -> memref<1048576xf32, #tpu.memory_space<vmem_shared>>
      tpu.wait_indirect_dma semaphore(%arg16 : memref<!tpu.dma_semaphore, #tpu.memory_space<semaphore_mem>>) src(%dma_wait3A_2170 : memref<128xf32, #tpu.memory_space<vmem>>) dst(%dma_wait3A_2179 : memref<1048576xf32, #tpu.memory_space<vmem_shared>>)
      %dma_wait3A_2180 = arith.constant 1 : i32
      %dma_wait3A_2181 = arith.constant 1 : i32
      %dma_wait3A_2182 = arith.constant 24 : i32
      %dma_wait3A_2183 = arith.constant 0 : i32
      %dma_wait3A_2184 = tpu.memref_slice %arg12[%dma_wait3A_2180, %dma_wait3A_2183] : memref<2x4096xf32, #tpu.memory_space<vmem>> -> memref<1x4096xf32, #tpu.memory_space<vmem>>
      %dma_wait3A_2185 = tpu.memref_squeeze %dma_wait3A_2184 : memref<1x4096xf32, #tpu.memory_space<vmem>> -> memref<4096xf32, #tpu.memory_space<vmem>>
      %dma_wait3A_2186 = arith.constant 3072 : i32
      %dma_wait3A_2187 = tpu.memref_slice %dma_wait3A_2185[%dma_wait3A_2186] : memref<4096xf32, #tpu.memory_space<vmem>> -> memref<128xf32, #tpu.memory_space<vmem>>
      %dma_wait3A_2188 = arith.constant 0 : i32
      %dma_wait3A_2189 = arith.constant 0 : i32
      %dma_wait3A_2190 = tpu.memref_slice %arg11[%dma_wait3A_2181, %dma_wait3A_2188, %dma_wait3A_2189] : memref<2x32x128xi32, #tpu.memory_space<vmem>> -> memref<1x32x128xi32, #tpu.memory_space<vmem>>
      %dma_wait3A_2191 = tpu.memref_squeeze %dma_wait3A_2190 : memref<1x32x128xi32, #tpu.memory_space<vmem>> -> memref<32x128xi32, #tpu.memory_space<vmem>>
      %dma_wait3A_2192 = arith.constant 0 : i32
      %dma_wait3A_2193 = tpu.memref_slice %dma_wait3A_2191[%dma_wait3A_2182, %dma_wait3A_2192] : memref<32x128xi32, #tpu.memory_space<vmem>> -> memref<1x128xi32, #tpu.memory_space<vmem>>
      %dma_wait3A_2194 = tpu.memref_squeeze %dma_wait3A_2193 : memref<1x128xi32, #tpu.memory_space<vmem>> -> memref<128xi32, #tpu.memory_space<vmem>>
      %dma_wait3A_2195 = arith.constant 0 : i32
      %dma_wait3A_2196 = tpu.memref_slice %arg10[%dma_wait3A_2195] : memref<1048576xf32, #tpu.memory_space<vmem_shared>> -> memref<1048576xf32, #tpu.memory_space<vmem_shared>>
      tpu.wait_indirect_dma semaphore(%arg16 : memref<!tpu.dma_semaphore, #tpu.memory_space<semaphore_mem>>) src(%dma_wait3A_2187 : memref<128xf32, #tpu.memory_space<vmem>>) dst(%dma_wait3A_2196 : memref<1048576xf32, #tpu.memory_space<vmem_shared>>)
      %dma_wait3A_2197 = arith.constant 1 : i32
      %dma_wait3A_2198 = arith.constant 1 : i32
      %dma_wait3A_2199 = arith.constant 25 : i32
      %dma_wait3A_2200 = arith.constant 0 : i32
      %dma_wait3A_2201 = tpu.memref_slice %arg12[%dma_wait3A_2197, %dma_wait3A_2200] : memref<2x4096xf32, #tpu.memory_space<vmem>> -> memref<1x4096xf32, #tpu.memory_space<vmem>>
      %dma_wait3A_2202 = tpu.memref_squeeze %dma_wait3A_2201 : memref<1x4096xf32, #tpu.memory_space<vmem>> -> memref<4096xf32, #tpu.memory_space<vmem>>
      %dma_wait3A_2203 = arith.constant 3200 : i32
      %dma_wait3A_2204 = tpu.memref_slice %dma_wait3A_2202[%dma_wait3A_2203] : memref<4096xf32, #tpu.memory_space<vmem>> -> memref<128xf32, #tpu.memory_space<vmem>>
      %dma_wait3A_2205 = arith.constant 0 : i32
      %dma_wait3A_2206 = arith.constant 0 : i32
      %dma_wait3A_2207 = tpu.memref_slice %arg11[%dma_wait3A_2198, %dma_wait3A_2205, %dma_wait3A_2206] : memref<2x32x128xi32, #tpu.memory_space<vmem>> -> memref<1x32x128xi32, #tpu.memory_space<vmem>>
      %dma_wait3A_2208 = tpu.memref_squeeze %dma_wait3A_2207 : memref<1x32x128xi32, #tpu.memory_space<vmem>> -> memref<32x128xi32, #tpu.memory_space<vmem>>
      %dma_wait3A_2209 = arith.constant 0 : i32
      %dma_wait3A_2210 = tpu.memref_slice %dma_wait3A_2208[%dma_wait3A_2199, %dma_wait3A_2209] : memref<32x128xi32, #tpu.memory_space<vmem>> -> memref<1x128xi32, #tpu.memory_space<vmem>>
      %dma_wait3A_2211 = tpu.memref_squeeze %dma_wait3A_2210 : memref<1x128xi32, #tpu.memory_space<vmem>> -> memref<128xi32, #tpu.memory_space<vmem>>
      %dma_wait3A_2212 = arith.constant 0 : i32
      %dma_wait3A_2213 = tpu.memref_slice %arg10[%dma_wait3A_2212] : memref<1048576xf32, #tpu.memory_space<vmem_shared>> -> memref<1048576xf32, #tpu.memory_space<vmem_shared>>
      tpu.wait_indirect_dma semaphore(%arg16 : memref<!tpu.dma_semaphore, #tpu.memory_space<semaphore_mem>>) src(%dma_wait3A_2204 : memref<128xf32, #tpu.memory_space<vmem>>) dst(%dma_wait3A_2213 : memref<1048576xf32, #tpu.memory_space<vmem_shared>>)
      %dma_wait3A_2214 = arith.constant 1 : i32
      %dma_wait3A_2215 = arith.constant 1 : i32
      %dma_wait3A_2216 = arith.constant 26 : i32
      %dma_wait3A_2217 = arith.constant 0 : i32
      %dma_wait3A_2218 = tpu.memref_slice %arg12[%dma_wait3A_2214, %dma_wait3A_2217] : memref<2x4096xf32, #tpu.memory_space<vmem>> -> memref<1x4096xf32, #tpu.memory_space<vmem>>
      %dma_wait3A_2219 = tpu.memref_squeeze %dma_wait3A_2218 : memref<1x4096xf32, #tpu.memory_space<vmem>> -> memref<4096xf32, #tpu.memory_space<vmem>>
      %dma_wait3A_2220 = arith.constant 3328 : i32
      %dma_wait3A_2221 = tpu.memref_slice %dma_wait3A_2219[%dma_wait3A_2220] : memref<4096xf32, #tpu.memory_space<vmem>> -> memref<128xf32, #tpu.memory_space<vmem>>
      %dma_wait3A_2222 = arith.constant 0 : i32
      %dma_wait3A_2223 = arith.constant 0 : i32
      %dma_wait3A_2224 = tpu.memref_slice %arg11[%dma_wait3A_2215, %dma_wait3A_2222, %dma_wait3A_2223] : memref<2x32x128xi32, #tpu.memory_space<vmem>> -> memref<1x32x128xi32, #tpu.memory_space<vmem>>
      %dma_wait3A_2225 = tpu.memref_squeeze %dma_wait3A_2224 : memref<1x32x128xi32, #tpu.memory_space<vmem>> -> memref<32x128xi32, #tpu.memory_space<vmem>>
      %dma_wait3A_2226 = arith.constant 0 : i32
      %dma_wait3A_2227 = tpu.memref_slice %dma_wait3A_2225[%dma_wait3A_2216, %dma_wait3A_2226] : memref<32x128xi32, #tpu.memory_space<vmem>> -> memref<1x128xi32, #tpu.memory_space<vmem>>
      %dma_wait3A_2228 = tpu.memref_squeeze %dma_wait3A_2227 : memref<1x128xi32, #tpu.memory_space<vmem>> -> memref<128xi32, #tpu.memory_space<vmem>>
      %dma_wait3A_2229 = arith.constant 0 : i32
      %dma_wait3A_2230 = tpu.memref_slice %arg10[%dma_wait3A_2229] : memref<1048576xf32, #tpu.memory_space<vmem_shared>> -> memref<1048576xf32, #tpu.memory_space<vmem_shared>>
      tpu.wait_indirect_dma semaphore(%arg16 : memref<!tpu.dma_semaphore, #tpu.memory_space<semaphore_mem>>) src(%dma_wait3A_2221 : memref<128xf32, #tpu.memory_space<vmem>>) dst(%dma_wait3A_2230 : memref<1048576xf32, #tpu.memory_space<vmem_shared>>)
      %dma_wait3A_2231 = arith.constant 1 : i32
      %dma_wait3A_2232 = arith.constant 1 : i32
      %dma_wait3A_2233 = arith.constant 27 : i32
      %dma_wait3A_2234 = arith.constant 0 : i32
      %dma_wait3A_2235 = tpu.memref_slice %arg12[%dma_wait3A_2231, %dma_wait3A_2234] : memref<2x4096xf32, #tpu.memory_space<vmem>> -> memref<1x4096xf32, #tpu.memory_space<vmem>>
      %dma_wait3A_2236 = tpu.memref_squeeze %dma_wait3A_2235 : memref<1x4096xf32, #tpu.memory_space<vmem>> -> memref<4096xf32, #tpu.memory_space<vmem>>
      %dma_wait3A_2237 = arith.constant 3456 : i32
      %dma_wait3A_2238 = tpu.memref_slice %dma_wait3A_2236[%dma_wait3A_2237] : memref<4096xf32, #tpu.memory_space<vmem>> -> memref<128xf32, #tpu.memory_space<vmem>>
      %dma_wait3A_2239 = arith.constant 0 : i32
      %dma_wait3A_2240 = arith.constant 0 : i32
      %dma_wait3A_2241 = tpu.memref_slice %arg11[%dma_wait3A_2232, %dma_wait3A_2239, %dma_wait3A_2240] : memref<2x32x128xi32, #tpu.memory_space<vmem>> -> memref<1x32x128xi32, #tpu.memory_space<vmem>>
      %dma_wait3A_2242 = tpu.memref_squeeze %dma_wait3A_2241 : memref<1x32x128xi32, #tpu.memory_space<vmem>> -> memref<32x128xi32, #tpu.memory_space<vmem>>
      %dma_wait3A_2243 = arith.constant 0 : i32
      %dma_wait3A_2244 = tpu.memref_slice %dma_wait3A_2242[%dma_wait3A_2233, %dma_wait3A_2243] : memref<32x128xi32, #tpu.memory_space<vmem>> -> memref<1x128xi32, #tpu.memory_space<vmem>>
      %dma_wait3A_2245 = tpu.memref_squeeze %dma_wait3A_2244 : memref<1x128xi32, #tpu.memory_space<vmem>> -> memref<128xi32, #tpu.memory_space<vmem>>
      %dma_wait3A_2246 = arith.constant 0 : i32
      %dma_wait3A_2247 = tpu.memref_slice %arg10[%dma_wait3A_2246] : memref<1048576xf32, #tpu.memory_space<vmem_shared>> -> memref<1048576xf32, #tpu.memory_space<vmem_shared>>
      tpu.wait_indirect_dma semaphore(%arg16 : memref<!tpu.dma_semaphore, #tpu.memory_space<semaphore_mem>>) src(%dma_wait3A_2238 : memref<128xf32, #tpu.memory_space<vmem>>) dst(%dma_wait3A_2247 : memref<1048576xf32, #tpu.memory_space<vmem_shared>>)
      %dma_wait3A_2248 = arith.constant 1 : i32
      %dma_wait3A_2249 = arith.constant 1 : i32
      %dma_wait3A_2250 = arith.constant 28 : i32
      %dma_wait3A_2251 = arith.constant 0 : i32
      %dma_wait3A_2252 = tpu.memref_slice %arg12[%dma_wait3A_2248, %dma_wait3A_2251] : memref<2x4096xf32, #tpu.memory_space<vmem>> -> memref<1x4096xf32, #tpu.memory_space<vmem>>
      %dma_wait3A_2253 = tpu.memref_squeeze %dma_wait3A_2252 : memref<1x4096xf32, #tpu.memory_space<vmem>> -> memref<4096xf32, #tpu.memory_space<vmem>>
      %dma_wait3A_2254 = arith.constant 3584 : i32
      %dma_wait3A_2255 = tpu.memref_slice %dma_wait3A_2253[%dma_wait3A_2254] : memref<4096xf32, #tpu.memory_space<vmem>> -> memref<128xf32, #tpu.memory_space<vmem>>
      %dma_wait3A_2256 = arith.constant 0 : i32
      %dma_wait3A_2257 = arith.constant 0 : i32
      %dma_wait3A_2258 = tpu.memref_slice %arg11[%dma_wait3A_2249, %dma_wait3A_2256, %dma_wait3A_2257] : memref<2x32x128xi32, #tpu.memory_space<vmem>> -> memref<1x32x128xi32, #tpu.memory_space<vmem>>
      %dma_wait3A_2259 = tpu.memref_squeeze %dma_wait3A_2258 : memref<1x32x128xi32, #tpu.memory_space<vmem>> -> memref<32x128xi32, #tpu.memory_space<vmem>>
      %dma_wait3A_2260 = arith.constant 0 : i32
      %dma_wait3A_2261 = tpu.memref_slice %dma_wait3A_2259[%dma_wait3A_2250, %dma_wait3A_2260] : memref<32x128xi32, #tpu.memory_space<vmem>> -> memref<1x128xi32, #tpu.memory_space<vmem>>
      %dma_wait3A_2262 = tpu.memref_squeeze %dma_wait3A_2261 : memref<1x128xi32, #tpu.memory_space<vmem>> -> memref<128xi32, #tpu.memory_space<vmem>>
      %dma_wait3A_2263 = arith.constant 0 : i32
      %dma_wait3A_2264 = tpu.memref_slice %arg10[%dma_wait3A_2263] : memref<1048576xf32, #tpu.memory_space<vmem_shared>> -> memref<1048576xf32, #tpu.memory_space<vmem_shared>>
      tpu.wait_indirect_dma semaphore(%arg16 : memref<!tpu.dma_semaphore, #tpu.memory_space<semaphore_mem>>) src(%dma_wait3A_2255 : memref<128xf32, #tpu.memory_space<vmem>>) dst(%dma_wait3A_2264 : memref<1048576xf32, #tpu.memory_space<vmem_shared>>)
      %dma_wait3A_2265 = arith.constant 1 : i32
      %dma_wait3A_2266 = arith.constant 1 : i32
      %dma_wait3A_2267 = arith.constant 29 : i32
      %dma_wait3A_2268 = arith.constant 0 : i32
      %dma_wait3A_2269 = tpu.memref_slice %arg12[%dma_wait3A_2265, %dma_wait3A_2268] : memref<2x4096xf32, #tpu.memory_space<vmem>> -> memref<1x4096xf32, #tpu.memory_space<vmem>>
      %dma_wait3A_2270 = tpu.memref_squeeze %dma_wait3A_2269 : memref<1x4096xf32, #tpu.memory_space<vmem>> -> memref<4096xf32, #tpu.memory_space<vmem>>
      %dma_wait3A_2271 = arith.constant 3712 : i32
      %dma_wait3A_2272 = tpu.memref_slice %dma_wait3A_2270[%dma_wait3A_2271] : memref<4096xf32, #tpu.memory_space<vmem>> -> memref<128xf32, #tpu.memory_space<vmem>>
      %dma_wait3A_2273 = arith.constant 0 : i32
      %dma_wait3A_2274 = arith.constant 0 : i32
      %dma_wait3A_2275 = tpu.memref_slice %arg11[%dma_wait3A_2266, %dma_wait3A_2273, %dma_wait3A_2274] : memref<2x32x128xi32, #tpu.memory_space<vmem>> -> memref<1x32x128xi32, #tpu.memory_space<vmem>>
      %dma_wait3A_2276 = tpu.memref_squeeze %dma_wait3A_2275 : memref<1x32x128xi32, #tpu.memory_space<vmem>> -> memref<32x128xi32, #tpu.memory_space<vmem>>
      %dma_wait3A_2277 = arith.constant 0 : i32
      %dma_wait3A_2278 = tpu.memref_slice %dma_wait3A_2276[%dma_wait3A_2267, %dma_wait3A_2277] : memref<32x128xi32, #tpu.memory_space<vmem>> -> memref<1x128xi32, #tpu.memory_space<vmem>>
      %dma_wait3A_2279 = tpu.memref_squeeze %dma_wait3A_2278 : memref<1x128xi32, #tpu.memory_space<vmem>> -> memref<128xi32, #tpu.memory_space<vmem>>
      %dma_wait3A_2280 = arith.constant 0 : i32
      %dma_wait3A_2281 = tpu.memref_slice %arg10[%dma_wait3A_2280] : memref<1048576xf32, #tpu.memory_space<vmem_shared>> -> memref<1048576xf32, #tpu.memory_space<vmem_shared>>
      tpu.wait_indirect_dma semaphore(%arg16 : memref<!tpu.dma_semaphore, #tpu.memory_space<semaphore_mem>>) src(%dma_wait3A_2272 : memref<128xf32, #tpu.memory_space<vmem>>) dst(%dma_wait3A_2281 : memref<1048576xf32, #tpu.memory_space<vmem_shared>>)
      %dma_wait3A_2282 = arith.constant 1 : i32
      %dma_wait3A_2283 = arith.constant 1 : i32
      %dma_wait3A_2284 = arith.constant 30 : i32
      %dma_wait3A_2285 = arith.constant 0 : i32
      %dma_wait3A_2286 = tpu.memref_slice %arg12[%dma_wait3A_2282, %dma_wait3A_2285] : memref<2x4096xf32, #tpu.memory_space<vmem>> -> memref<1x4096xf32, #tpu.memory_space<vmem>>
      %dma_wait3A_2287 = tpu.memref_squeeze %dma_wait3A_2286 : memref<1x4096xf32, #tpu.memory_space<vmem>> -> memref<4096xf32, #tpu.memory_space<vmem>>
      %dma_wait3A_2288 = arith.constant 3840 : i32
      %dma_wait3A_2289 = tpu.memref_slice %dma_wait3A_2287[%dma_wait3A_2288] : memref<4096xf32, #tpu.memory_space<vmem>> -> memref<128xf32, #tpu.memory_space<vmem>>
      %dma_wait3A_2290 = arith.constant 0 : i32
      %dma_wait3A_2291 = arith.constant 0 : i32
      %dma_wait3A_2292 = tpu.memref_slice %arg11[%dma_wait3A_2283, %dma_wait3A_2290, %dma_wait3A_2291] : memref<2x32x128xi32, #tpu.memory_space<vmem>> -> memref<1x32x128xi32, #tpu.memory_space<vmem>>
      %dma_wait3A_2293 = tpu.memref_squeeze %dma_wait3A_2292 : memref<1x32x128xi32, #tpu.memory_space<vmem>> -> memref<32x128xi32, #tpu.memory_space<vmem>>
      %dma_wait3A_2294 = arith.constant 0 : i32
      %dma_wait3A_2295 = tpu.memref_slice %dma_wait3A_2293[%dma_wait3A_2284, %dma_wait3A_2294] : memref<32x128xi32, #tpu.memory_space<vmem>> -> memref<1x128xi32, #tpu.memory_space<vmem>>
      %dma_wait3A_2296 = tpu.memref_squeeze %dma_wait3A_2295 : memref<1x128xi32, #tpu.memory_space<vmem>> -> memref<128xi32, #tpu.memory_space<vmem>>
      %dma_wait3A_2297 = arith.constant 0 : i32
      %dma_wait3A_2298 = tpu.memref_slice %arg10[%dma_wait3A_2297] : memref<1048576xf32, #tpu.memory_space<vmem_shared>> -> memref<1048576xf32, #tpu.memory_space<vmem_shared>>
      tpu.wait_indirect_dma semaphore(%arg16 : memref<!tpu.dma_semaphore, #tpu.memory_space<semaphore_mem>>) src(%dma_wait3A_2289 : memref<128xf32, #tpu.memory_space<vmem>>) dst(%dma_wait3A_2298 : memref<1048576xf32, #tpu.memory_space<vmem_shared>>)
      %dma_wait3A_2299 = arith.constant 1 : i32
      %dma_wait3A_2300 = arith.constant 1 : i32
      %dma_wait3A_2301 = arith.constant 31 : i32
      %dma_wait3A_2302 = arith.constant 0 : i32
      %dma_wait3A_2303 = tpu.memref_slice %arg12[%dma_wait3A_2299, %dma_wait3A_2302] : memref<2x4096xf32, #tpu.memory_space<vmem>> -> memref<1x4096xf32, #tpu.memory_space<vmem>>
      %dma_wait3A_2304 = tpu.memref_squeeze %dma_wait3A_2303 : memref<1x4096xf32, #tpu.memory_space<vmem>> -> memref<4096xf32, #tpu.memory_space<vmem>>
      %dma_wait3A_2305 = arith.constant 3968 : i32
      %dma_wait3A_2306 = tpu.memref_slice %dma_wait3A_2304[%dma_wait3A_2305] : memref<4096xf32, #tpu.memory_space<vmem>> -> memref<128xf32, #tpu.memory_space<vmem>>
      %dma_wait3A_2307 = arith.constant 0 : i32
      %dma_wait3A_2308 = arith.constant 0 : i32
      %dma_wait3A_2309 = tpu.memref_slice %arg11[%dma_wait3A_2300, %dma_wait3A_2307, %dma_wait3A_2308] : memref<2x32x128xi32, #tpu.memory_space<vmem>> -> memref<1x32x128xi32, #tpu.memory_space<vmem>>
      %dma_wait3A_2310 = tpu.memref_squeeze %dma_wait3A_2309 : memref<1x32x128xi32, #tpu.memory_space<vmem>> -> memref<32x128xi32, #tpu.memory_space<vmem>>
      %dma_wait3A_2311 = arith.constant 0 : i32
      %dma_wait3A_2312 = tpu.memref_slice %dma_wait3A_2310[%dma_wait3A_2301, %dma_wait3A_2311] : memref<32x128xi32, #tpu.memory_space<vmem>> -> memref<1x128xi32, #tpu.memory_space<vmem>>
      %dma_wait3A_2313 = tpu.memref_squeeze %dma_wait3A_2312 : memref<1x128xi32, #tpu.memory_space<vmem>> -> memref<128xi32, #tpu.memory_space<vmem>>
      %dma_wait3A_2314 = arith.constant 0 : i32
      %dma_wait3A_2315 = tpu.memref_slice %arg10[%dma_wait3A_2314] : memref<1048576xf32, #tpu.memory_space<vmem_shared>> -> memref<1048576xf32, #tpu.memory_space<vmem_shared>>
      tpu.wait_indirect_dma semaphore(%arg16 : memref<!tpu.dma_semaphore, #tpu.memory_space<semaphore_mem>>) src(%dma_wait3A_2306 : memref<128xf32, #tpu.memory_space<vmem>>) dst(%dma_wait3A_2315 : memref<1048576xf32, #tpu.memory_space<vmem_shared>>)
      %scan3A_2316 = arith.constant 0 : i32
      scf.yield %scan3A_2316 : i32
    }
    %scan3A_33 = arith.constant 25 : i32
    %barrier3A_34 = arith.constant 0 : index
    tpu.barrier barrier_id(%barrier3A_34)
    %eq3A_35 = arith.constant 0 : i32
    %eq3A_36 = arith.cmpi eq, %arg0, %eq3A_35 : i32
    %convert_element_type3A_37 = arith.extui %eq3A_36 : i1 to i32
    %cond3A_38 = arith.constant 0 : i32
    %cond3A_39 = arith.cmpi ne, %convert_element_type3A_37, %cond3A_38 : i32
    scf.if %cond3A_39 {
      %mul3A_72 = arith.constant 65536 : i32
      %mul3A_73 = arith.muli %arg1, %mul3A_72 : i32
      %mul3A_74 = arith.constant 65536 : i32
      %mul3A_75 = arith.muli %arg1, %mul3A_74 : i32
      "tpu.region"() ({
        %run_scoped3A_76 = tpu.sem_alloc : memref<!tpu.dma_semaphore, #tpu.memory_space<semaphore_mem>>
        %dma_start3A_77 = tpu.memref_slice %arg6[%mul3A_75] : memref<1048576xf32, #tpu.memory_space<hbm>> -> memref<65536xf32, #tpu.memory_space<hbm>>
        %dma_start3A_78 = tpu.memref_slice %arg10[%mul3A_73] : memref<1048576xf32, #tpu.memory_space<vmem_shared>> -> memref<65536xf32, #tpu.memory_space<vmem_shared>>
        tpu.enqueue_dma source(%dma_start3A_78 : memref<65536xf32, #tpu.memory_space<vmem_shared>>) target(%dma_start3A_77 : memref<65536xf32, #tpu.memory_space<hbm>>) target_semaphore(%run_scoped3A_76 : memref<!tpu.dma_semaphore, #tpu.memory_space<semaphore_mem>>)
        %dma_wait3A = tpu.memref_slice %arg6[%mul3A_75] : memref<1048576xf32, #tpu.memory_space<hbm>> -> memref<65536xf32, #tpu.memory_space<hbm>>
        %dma_wait3A_79 = tpu.memref_slice %arg10[%mul3A_73] : memref<1048576xf32, #tpu.memory_space<vmem_shared>> -> memref<65536xf32, #tpu.memory_space<vmem_shared>>
        tpu.wait_dma2 semaphore(%run_scoped3A_76 : memref<!tpu.dma_semaphore, #tpu.memory_space<semaphore_mem>>) src(%dma_wait3A_79 : memref<65536xf32, #tpu.memory_space<vmem_shared>>) dst(%dma_wait3A : memref<65536xf32, #tpu.memory_space<hbm>>)
        tpu.yield
      }) : () -> ()
    } else {
    }
    %eq3A_40 = arith.constant 1 : i32
    %eq3A_41 = arith.cmpi eq, %arg0, %eq3A_40 : i32
    %convert_element_type3A_42 = arith.extui %eq3A_41 : i1 to i32
    %cond3A_43 = arith.constant 0 : i32
    %cond3A_44 = arith.cmpi ne, %convert_element_type3A_42, %cond3A_43 : i32
    scf.if %cond3A_44 {
      %mul3A_72 = arith.constant 65536 : i32
      %mul3A_73 = arith.muli %arg1, %mul3A_72 : i32
      %mul3A_74 = arith.constant 65536 : i32
      %mul3A_75 = arith.muli %arg1, %mul3A_74 : i32
      "tpu.region"() ({
        %run_scoped3A_76 = tpu.sem_alloc : memref<!tpu.dma_semaphore, #tpu.memory_space<semaphore_mem>>
        %dma_start3A_77 = tpu.memref_slice %arg7[%mul3A_75] : memref<1048576xf32, #tpu.memory_space<hbm>> -> memref<65536xf32, #tpu.memory_space<hbm>>
        %dma_start3A_78 = tpu.memref_slice %arg10[%mul3A_73] : memref<1048576xf32, #tpu.memory_space<vmem_shared>> -> memref<65536xf32, #tpu.memory_space<vmem_shared>>
        tpu.enqueue_dma source(%dma_start3A_78 : memref<65536xf32, #tpu.memory_space<vmem_shared>>) target(%dma_start3A_77 : memref<65536xf32, #tpu.memory_space<hbm>>) target_semaphore(%run_scoped3A_76 : memref<!tpu.dma_semaphore, #tpu.memory_space<semaphore_mem>>)
        %dma_wait3A = tpu.memref_slice %arg7[%mul3A_75] : memref<1048576xf32, #tpu.memory_space<hbm>> -> memref<65536xf32, #tpu.memory_space<hbm>>
        %dma_wait3A_79 = tpu.memref_slice %arg10[%mul3A_73] : memref<1048576xf32, #tpu.memory_space<vmem_shared>> -> memref<65536xf32, #tpu.memory_space<vmem_shared>>
        tpu.wait_dma2 semaphore(%run_scoped3A_76 : memref<!tpu.dma_semaphore, #tpu.memory_space<semaphore_mem>>) src(%dma_wait3A_79 : memref<65536xf32, #tpu.memory_space<vmem_shared>>) dst(%dma_wait3A : memref<65536xf32, #tpu.memory_space<hbm>>)
        tpu.yield
      }) : () -> ()
    } else {
    }
    %mul3A_45 = arith.constant 8 : i32
    %mul3A_46 = arith.muli %arg1, %mul3A_45 : i32
    "tpu.region"() ({
      %run_scoped3A_72 = tpu.sem_alloc : memref<!tpu.dma_semaphore, #tpu.memory_space<semaphore_mem>>
      %dma_start3A_73 = arith.constant 0 : i32
      %dma_start3A_74 = tpu.memref_slice %arg4[%mul3A_46, %dma_start3A_73] : memref<128x128xi32, #tpu.memory_space<hbm>> -> memref<8x128xi32, #tpu.memory_space<hbm>>
      %dma_start3A_75 = arith.constant 0 : i32
      %dma_start3A_76 = tpu.memref_slice %arg4[%mul3A_46, %dma_start3A_75] : memref<128x128xi32, #tpu.memory_space<hbm>> -> memref<8x128xi32, #tpu.memory_space<hbm>>
      tpu.enqueue_dma source(%dma_start3A_76 : memref<8x128xi32, #tpu.memory_space<hbm>>) target(%arg13 : memref<8x128xi32, #tpu.memory_space<vmem>>) target_semaphore(%run_scoped3A_72 : memref<!tpu.dma_semaphore, #tpu.memory_space<semaphore_mem>>)
      %dma_wait3A = arith.constant 0 : i32
      %dma_wait3A_77 = tpu.memref_slice %arg4[%mul3A_46, %dma_wait3A] : memref<128x128xi32, #tpu.memory_space<hbm>> -> memref<8x128xi32, #tpu.memory_space<hbm>>
      %dma_wait3A_78 = arith.constant 0 : i32
      %dma_wait3A_79 = tpu.memref_slice %arg4[%mul3A_46, %dma_wait3A_78] : memref<128x128xi32, #tpu.memory_space<hbm>> -> memref<8x128xi32, #tpu.memory_space<hbm>>
      tpu.wait_dma2 semaphore(%run_scoped3A_72 : memref<!tpu.dma_semaphore, #tpu.memory_space<semaphore_mem>>) src(%dma_wait3A_79 : memref<8x128xi32, #tpu.memory_space<hbm>>) dst(%arg13 : memref<8x128xi32, #tpu.memory_space<vmem>>)
      tpu.yield
    }) : () -> ()
    %run_scoped3A = arith.constant 0 : i32
    %run_scoped3A_47 = arith.constant 0 : i32
    "tpu.region"() ({
      %run_scoped3A_72 = tpu.sem_alloc : memref<!tpu.dma_semaphore, #tpu.memory_space<semaphore_mem>>
      %dma_start3A_73 = arith.constant 0 : i32
      %dma_start3A_74 = tpu.memref_slice %arg14[%run_scoped3A_47, %dma_start3A_73] : memref<8x128xf32, #tpu.memory_space<vmem>> -> memref<1x128xf32, #tpu.memory_space<vmem>>
      %dma_start3A_75 = tpu.memref_squeeze %dma_start3A_74 : memref<1x128xf32, #tpu.memory_space<vmem>> -> memref<128xf32, #tpu.memory_space<vmem>>
      %dma_start3A_76 = arith.constant 0 : i32
      %dma_start3A_77 = tpu.memref_slice %arg13[%run_scoped3A, %dma_start3A_76] : memref<8x128xi32, #tpu.memory_space<vmem>> -> memref<1x128xi32, #tpu.memory_space<vmem>>
      %dma_start3A_78 = tpu.memref_squeeze %dma_start3A_77 : memref<1x128xi32, #tpu.memory_space<vmem>> -> memref<128xi32, #tpu.memory_space<vmem>>
      %dma_start3A_79 = arith.constant 0 : i32
      %dma_start3A_80 = tpu.memref_slice %arg10[%dma_start3A_79] : memref<1048576xf32, #tpu.memory_space<vmem_shared>> -> memref<1048576xf32, #tpu.memory_space<vmem_shared>>
      tpu.enqueue_indirect_dma source(%dma_start3A_80 : memref<1048576xf32, #tpu.memory_space<vmem_shared>>) target(%dma_start3A_75 : memref<128xf32, #tpu.memory_space<vmem>>) offsets(%dma_start3A_78 : memref<128xi32, #tpu.memory_space<vmem>>) semaphore(%run_scoped3A_72 : memref<!tpu.dma_semaphore, #tpu.memory_space<semaphore_mem>>)
      %dma_wait3A = arith.constant 0 : i32
      %dma_wait3A_81 = tpu.memref_slice %arg14[%run_scoped3A_47, %dma_wait3A] : memref<8x128xf32, #tpu.memory_space<vmem>> -> memref<1x128xf32, #tpu.memory_space<vmem>>
      %dma_wait3A_82 = tpu.memref_squeeze %dma_wait3A_81 : memref<1x128xf32, #tpu.memory_space<vmem>> -> memref<128xf32, #tpu.memory_space<vmem>>
      %dma_wait3A_83 = arith.constant 0 : i32
      %dma_wait3A_84 = tpu.memref_slice %arg13[%run_scoped3A, %dma_wait3A_83] : memref<8x128xi32, #tpu.memory_space<vmem>> -> memref<1x128xi32, #tpu.memory_space<vmem>>
      %dma_wait3A_85 = tpu.memref_squeeze %dma_wait3A_84 : memref<1x128xi32, #tpu.memory_space<vmem>> -> memref<128xi32, #tpu.memory_space<vmem>>
      %dma_wait3A_86 = arith.constant 0 : i32
      %dma_wait3A_87 = tpu.memref_slice %arg10[%dma_wait3A_86] : memref<1048576xf32, #tpu.memory_space<vmem_shared>> -> memref<1048576xf32, #tpu.memory_space<vmem_shared>>
      tpu.wait_indirect_dma semaphore(%run_scoped3A_72 : memref<!tpu.dma_semaphore, #tpu.memory_space<semaphore_mem>>) src(%dma_wait3A_87 : memref<1048576xf32, #tpu.memory_space<vmem_shared>>) dst(%dma_wait3A_82 : memref<128xf32, #tpu.memory_space<vmem>>)
      tpu.yield
    }) : () -> ()
    %run_scoped3A_48 = arith.constant 1 : i32
    %run_scoped3A_49 = arith.constant 1 : i32
    "tpu.region"() ({
      %run_scoped3A_72 = tpu.sem_alloc : memref<!tpu.dma_semaphore, #tpu.memory_space<semaphore_mem>>
      %dma_start3A_73 = arith.constant 0 : i32
      %dma_start3A_74 = tpu.memref_slice %arg14[%run_scoped3A_49, %dma_start3A_73] : memref<8x128xf32, #tpu.memory_space<vmem>> -> memref<1x128xf32, #tpu.memory_space<vmem>>
      %dma_start3A_75 = tpu.memref_squeeze %dma_start3A_74 : memref<1x128xf32, #tpu.memory_space<vmem>> -> memref<128xf32, #tpu.memory_space<vmem>>
      %dma_start3A_76 = arith.constant 0 : i32
      %dma_start3A_77 = tpu.memref_slice %arg13[%run_scoped3A_48, %dma_start3A_76] : memref<8x128xi32, #tpu.memory_space<vmem>> -> memref<1x128xi32, #tpu.memory_space<vmem>>
      %dma_start3A_78 = tpu.memref_squeeze %dma_start3A_77 : memref<1x128xi32, #tpu.memory_space<vmem>> -> memref<128xi32, #tpu.memory_space<vmem>>
      %dma_start3A_79 = arith.constant 0 : i32
      %dma_start3A_80 = tpu.memref_slice %arg10[%dma_start3A_79] : memref<1048576xf32, #tpu.memory_space<vmem_shared>> -> memref<1048576xf32, #tpu.memory_space<vmem_shared>>
      tpu.enqueue_indirect_dma source(%dma_start3A_80 : memref<1048576xf32, #tpu.memory_space<vmem_shared>>) target(%dma_start3A_75 : memref<128xf32, #tpu.memory_space<vmem>>) offsets(%dma_start3A_78 : memref<128xi32, #tpu.memory_space<vmem>>) semaphore(%run_scoped3A_72 : memref<!tpu.dma_semaphore, #tpu.memory_space<semaphore_mem>>)
      %dma_wait3A = arith.constant 0 : i32
      %dma_wait3A_81 = tpu.memref_slice %arg14[%run_scoped3A_49, %dma_wait3A] : memref<8x128xf32, #tpu.memory_space<vmem>> -> memref<1x128xf32, #tpu.memory_space<vmem>>
      %dma_wait3A_82 = tpu.memref_squeeze %dma_wait3A_81 : memref<1x128xf32, #tpu.memory_space<vmem>> -> memref<128xf32, #tpu.memory_space<vmem>>
      %dma_wait3A_83 = arith.constant 0 : i32
      %dma_wait3A_84 = tpu.memref_slice %arg13[%run_scoped3A_48, %dma_wait3A_83] : memref<8x128xi32, #tpu.memory_space<vmem>> -> memref<1x128xi32, #tpu.memory_space<vmem>>
      %dma_wait3A_85 = tpu.memref_squeeze %dma_wait3A_84 : memref<1x128xi32, #tpu.memory_space<vmem>> -> memref<128xi32, #tpu.memory_space<vmem>>
      %dma_wait3A_86 = arith.constant 0 : i32
      %dma_wait3A_87 = tpu.memref_slice %arg10[%dma_wait3A_86] : memref<1048576xf32, #tpu.memory_space<vmem_shared>> -> memref<1048576xf32, #tpu.memory_space<vmem_shared>>
      tpu.wait_indirect_dma semaphore(%run_scoped3A_72 : memref<!tpu.dma_semaphore, #tpu.memory_space<semaphore_mem>>) src(%dma_wait3A_87 : memref<1048576xf32, #tpu.memory_space<vmem_shared>>) dst(%dma_wait3A_82 : memref<128xf32, #tpu.memory_space<vmem>>)
      tpu.yield
    }) : () -> ()
    %run_scoped3A_50 = arith.constant 2 : i32
    %run_scoped3A_51 = arith.constant 2 : i32
    "tpu.region"() ({
      %run_scoped3A_72 = tpu.sem_alloc : memref<!tpu.dma_semaphore, #tpu.memory_space<semaphore_mem>>
      %dma_start3A_73 = arith.constant 0 : i32
      %dma_start3A_74 = tpu.memref_slice %arg14[%run_scoped3A_51, %dma_start3A_73] : memref<8x128xf32, #tpu.memory_space<vmem>> -> memref<1x128xf32, #tpu.memory_space<vmem>>
      %dma_start3A_75 = tpu.memref_squeeze %dma_start3A_74 : memref<1x128xf32, #tpu.memory_space<vmem>> -> memref<128xf32, #tpu.memory_space<vmem>>
      %dma_start3A_76 = arith.constant 0 : i32
      %dma_start3A_77 = tpu.memref_slice %arg13[%run_scoped3A_50, %dma_start3A_76] : memref<8x128xi32, #tpu.memory_space<vmem>> -> memref<1x128xi32, #tpu.memory_space<vmem>>
      %dma_start3A_78 = tpu.memref_squeeze %dma_start3A_77 : memref<1x128xi32, #tpu.memory_space<vmem>> -> memref<128xi32, #tpu.memory_space<vmem>>
      %dma_start3A_79 = arith.constant 0 : i32
      %dma_start3A_80 = tpu.memref_slice %arg10[%dma_start3A_79] : memref<1048576xf32, #tpu.memory_space<vmem_shared>> -> memref<1048576xf32, #tpu.memory_space<vmem_shared>>
      tpu.enqueue_indirect_dma source(%dma_start3A_80 : memref<1048576xf32, #tpu.memory_space<vmem_shared>>) target(%dma_start3A_75 : memref<128xf32, #tpu.memory_space<vmem>>) offsets(%dma_start3A_78 : memref<128xi32, #tpu.memory_space<vmem>>) semaphore(%run_scoped3A_72 : memref<!tpu.dma_semaphore, #tpu.memory_space<semaphore_mem>>)
      %dma_wait3A = arith.constant 0 : i32
      %dma_wait3A_81 = tpu.memref_slice %arg14[%run_scoped3A_51, %dma_wait3A] : memref<8x128xf32, #tpu.memory_space<vmem>> -> memref<1x128xf32, #tpu.memory_space<vmem>>
      %dma_wait3A_82 = tpu.memref_squeeze %dma_wait3A_81 : memref<1x128xf32, #tpu.memory_space<vmem>> -> memref<128xf32, #tpu.memory_space<vmem>>
      %dma_wait3A_83 = arith.constant 0 : i32
      %dma_wait3A_84 = tpu.memref_slice %arg13[%run_scoped3A_50, %dma_wait3A_83] : memref<8x128xi32, #tpu.memory_space<vmem>> -> memref<1x128xi32, #tpu.memory_space<vmem>>
      %dma_wait3A_85 = tpu.memref_squeeze %dma_wait3A_84 : memref<1x128xi32, #tpu.memory_space<vmem>> -> memref<128xi32, #tpu.memory_space<vmem>>
      %dma_wait3A_86 = arith.constant 0 : i32
      %dma_wait3A_87 = tpu.memref_slice %arg10[%dma_wait3A_86] : memref<1048576xf32, #tpu.memory_space<vmem_shared>> -> memref<1048576xf32, #tpu.memory_space<vmem_shared>>
      tpu.wait_indirect_dma semaphore(%run_scoped3A_72 : memref<!tpu.dma_semaphore, #tpu.memory_space<semaphore_mem>>) src(%dma_wait3A_87 : memref<1048576xf32, #tpu.memory_space<vmem_shared>>) dst(%dma_wait3A_82 : memref<128xf32, #tpu.memory_space<vmem>>)
      tpu.yield
    }) : () -> ()
    %run_scoped3A_52 = arith.constant 3 : i32
    %run_scoped3A_53 = arith.constant 3 : i32
    "tpu.region"() ({
      %run_scoped3A_72 = tpu.sem_alloc : memref<!tpu.dma_semaphore, #tpu.memory_space<semaphore_mem>>
      %dma_start3A_73 = arith.constant 0 : i32
      %dma_start3A_74 = tpu.memref_slice %arg14[%run_scoped3A_53, %dma_start3A_73] : memref<8x128xf32, #tpu.memory_space<vmem>> -> memref<1x128xf32, #tpu.memory_space<vmem>>
      %dma_start3A_75 = tpu.memref_squeeze %dma_start3A_74 : memref<1x128xf32, #tpu.memory_space<vmem>> -> memref<128xf32, #tpu.memory_space<vmem>>
      %dma_start3A_76 = arith.constant 0 : i32
      %dma_start3A_77 = tpu.memref_slice %arg13[%run_scoped3A_52, %dma_start3A_76] : memref<8x128xi32, #tpu.memory_space<vmem>> -> memref<1x128xi32, #tpu.memory_space<vmem>>
      %dma_start3A_78 = tpu.memref_squeeze %dma_start3A_77 : memref<1x128xi32, #tpu.memory_space<vmem>> -> memref<128xi32, #tpu.memory_space<vmem>>
      %dma_start3A_79 = arith.constant 0 : i32
      %dma_start3A_80 = tpu.memref_slice %arg10[%dma_start3A_79] : memref<1048576xf32, #tpu.memory_space<vmem_shared>> -> memref<1048576xf32, #tpu.memory_space<vmem_shared>>
      tpu.enqueue_indirect_dma source(%dma_start3A_80 : memref<1048576xf32, #tpu.memory_space<vmem_shared>>) target(%dma_start3A_75 : memref<128xf32, #tpu.memory_space<vmem>>) offsets(%dma_start3A_78 : memref<128xi32, #tpu.memory_space<vmem>>) semaphore(%run_scoped3A_72 : memref<!tpu.dma_semaphore, #tpu.memory_space<semaphore_mem>>)
      %dma_wait3A = arith.constant 0 : i32
      %dma_wait3A_81 = tpu.memref_slice %arg14[%run_scoped3A_53, %dma_wait3A] : memref<8x128xf32, #tpu.memory_space<vmem>> -> memref<1x128xf32, #tpu.memory_space<vmem>>
      %dma_wait3A_82 = tpu.memref_squeeze %dma_wait3A_81 : memref<1x128xf32, #tpu.memory_space<vmem>> -> memref<128xf32, #tpu.memory_space<vmem>>
      %dma_wait3A_83 = arith.constant 0 : i32
      %dma_wait3A_84 = tpu.memref_slice %arg13[%run_scoped3A_52, %dma_wait3A_83] : memref<8x128xi32, #tpu.memory_space<vmem>> -> memref<1x128xi32, #tpu.memory_space<vmem>>
      %dma_wait3A_85 = tpu.memref_squeeze %dma_wait3A_84 : memref<1x128xi32, #tpu.memory_space<vmem>> -> memref<128xi32, #tpu.memory_space<vmem>>
      %dma_wait3A_86 = arith.constant 0 : i32
      %dma_wait3A_87 = tpu.memref_slice %arg10[%dma_wait3A_86] : memref<1048576xf32, #tpu.memory_space<vmem_shared>> -> memref<1048576xf32, #tpu.memory_space<vmem_shared>>
      tpu.wait_indirect_dma semaphore(%run_scoped3A_72 : memref<!tpu.dma_semaphore, #tpu.memory_space<semaphore_mem>>) src(%dma_wait3A_87 : memref<1048576xf32, #tpu.memory_space<vmem_shared>>) dst(%dma_wait3A_82 : memref<128xf32, #tpu.memory_space<vmem>>)
      tpu.yield
    }) : () -> ()
    %run_scoped3A_54 = arith.constant 4 : i32
    %run_scoped3A_55 = arith.constant 4 : i32
    "tpu.region"() ({
      %run_scoped3A_72 = tpu.sem_alloc : memref<!tpu.dma_semaphore, #tpu.memory_space<semaphore_mem>>
      %dma_start3A_73 = arith.constant 0 : i32
      %dma_start3A_74 = tpu.memref_slice %arg14[%run_scoped3A_55, %dma_start3A_73] : memref<8x128xf32, #tpu.memory_space<vmem>> -> memref<1x128xf32, #tpu.memory_space<vmem>>
      %dma_start3A_75 = tpu.memref_squeeze %dma_start3A_74 : memref<1x128xf32, #tpu.memory_space<vmem>> -> memref<128xf32, #tpu.memory_space<vmem>>
      %dma_start3A_76 = arith.constant 0 : i32
      %dma_start3A_77 = tpu.memref_slice %arg13[%run_scoped3A_54, %dma_start3A_76] : memref<8x128xi32, #tpu.memory_space<vmem>> -> memref<1x128xi32, #tpu.memory_space<vmem>>
      %dma_start3A_78 = tpu.memref_squeeze %dma_start3A_77 : memref<1x128xi32, #tpu.memory_space<vmem>> -> memref<128xi32, #tpu.memory_space<vmem>>
      %dma_start3A_79 = arith.constant 0 : i32
      %dma_start3A_80 = tpu.memref_slice %arg10[%dma_start3A_79] : memref<1048576xf32, #tpu.memory_space<vmem_shared>> -> memref<1048576xf32, #tpu.memory_space<vmem_shared>>
      tpu.enqueue_indirect_dma source(%dma_start3A_80 : memref<1048576xf32, #tpu.memory_space<vmem_shared>>) target(%dma_start3A_75 : memref<128xf32, #tpu.memory_space<vmem>>) offsets(%dma_start3A_78 : memref<128xi32, #tpu.memory_space<vmem>>) semaphore(%run_scoped3A_72 : memref<!tpu.dma_semaphore, #tpu.memory_space<semaphore_mem>>)
      %dma_wait3A = arith.constant 0 : i32
      %dma_wait3A_81 = tpu.memref_slice %arg14[%run_scoped3A_55, %dma_wait3A] : memref<8x128xf32, #tpu.memory_space<vmem>> -> memref<1x128xf32, #tpu.memory_space<vmem>>
      %dma_wait3A_82 = tpu.memref_squeeze %dma_wait3A_81 : memref<1x128xf32, #tpu.memory_space<vmem>> -> memref<128xf32, #tpu.memory_space<vmem>>
      %dma_wait3A_83 = arith.constant 0 : i32
      %dma_wait3A_84 = tpu.memref_slice %arg13[%run_scoped3A_54, %dma_wait3A_83] : memref<8x128xi32, #tpu.memory_space<vmem>> -> memref<1x128xi32, #tpu.memory_space<vmem>>
      %dma_wait3A_85 = tpu.memref_squeeze %dma_wait3A_84 : memref<1x128xi32, #tpu.memory_space<vmem>> -> memref<128xi32, #tpu.memory_space<vmem>>
      %dma_wait3A_86 = arith.constant 0 : i32
      %dma_wait3A_87 = tpu.memref_slice %arg10[%dma_wait3A_86] : memref<1048576xf32, #tpu.memory_space<vmem_shared>> -> memref<1048576xf32, #tpu.memory_space<vmem_shared>>
      tpu.wait_indirect_dma semaphore(%run_scoped3A_72 : memref<!tpu.dma_semaphore, #tpu.memory_space<semaphore_mem>>) src(%dma_wait3A_87 : memref<1048576xf32, #tpu.memory_space<vmem_shared>>) dst(%dma_wait3A_82 : memref<128xf32, #tpu.memory_space<vmem>>)
      tpu.yield
    }) : () -> ()
    %run_scoped3A_56 = arith.constant 5 : i32
    %run_scoped3A_57 = arith.constant 5 : i32
    "tpu.region"() ({
      %run_scoped3A_72 = tpu.sem_alloc : memref<!tpu.dma_semaphore, #tpu.memory_space<semaphore_mem>>
      %dma_start3A_73 = arith.constant 0 : i32
      %dma_start3A_74 = tpu.memref_slice %arg14[%run_scoped3A_57, %dma_start3A_73] : memref<8x128xf32, #tpu.memory_space<vmem>> -> memref<1x128xf32, #tpu.memory_space<vmem>>
      %dma_start3A_75 = tpu.memref_squeeze %dma_start3A_74 : memref<1x128xf32, #tpu.memory_space<vmem>> -> memref<128xf32, #tpu.memory_space<vmem>>
      %dma_start3A_76 = arith.constant 0 : i32
      %dma_start3A_77 = tpu.memref_slice %arg13[%run_scoped3A_56, %dma_start3A_76] : memref<8x128xi32, #tpu.memory_space<vmem>> -> memref<1x128xi32, #tpu.memory_space<vmem>>
      %dma_start3A_78 = tpu.memref_squeeze %dma_start3A_77 : memref<1x128xi32, #tpu.memory_space<vmem>> -> memref<128xi32, #tpu.memory_space<vmem>>
      %dma_start3A_79 = arith.constant 0 : i32
      %dma_start3A_80 = tpu.memref_slice %arg10[%dma_start3A_79] : memref<1048576xf32, #tpu.memory_space<vmem_shared>> -> memref<1048576xf32, #tpu.memory_space<vmem_shared>>
      tpu.enqueue_indirect_dma source(%dma_start3A_80 : memref<1048576xf32, #tpu.memory_space<vmem_shared>>) target(%dma_start3A_75 : memref<128xf32, #tpu.memory_space<vmem>>) offsets(%dma_start3A_78 : memref<128xi32, #tpu.memory_space<vmem>>) semaphore(%run_scoped3A_72 : memref<!tpu.dma_semaphore, #tpu.memory_space<semaphore_mem>>)
      %dma_wait3A = arith.constant 0 : i32
      %dma_wait3A_81 = tpu.memref_slice %arg14[%run_scoped3A_57, %dma_wait3A] : memref<8x128xf32, #tpu.memory_space<vmem>> -> memref<1x128xf32, #tpu.memory_space<vmem>>
      %dma_wait3A_82 = tpu.memref_squeeze %dma_wait3A_81 : memref<1x128xf32, #tpu.memory_space<vmem>> -> memref<128xf32, #tpu.memory_space<vmem>>
      %dma_wait3A_83 = arith.constant 0 : i32
      %dma_wait3A_84 = tpu.memref_slice %arg13[%run_scoped3A_56, %dma_wait3A_83] : memref<8x128xi32, #tpu.memory_space<vmem>> -> memref<1x128xi32, #tpu.memory_space<vmem>>
      %dma_wait3A_85 = tpu.memref_squeeze %dma_wait3A_84 : memref<1x128xi32, #tpu.memory_space<vmem>> -> memref<128xi32, #tpu.memory_space<vmem>>
      %dma_wait3A_86 = arith.constant 0 : i32
      %dma_wait3A_87 = tpu.memref_slice %arg10[%dma_wait3A_86] : memref<1048576xf32, #tpu.memory_space<vmem_shared>> -> memref<1048576xf32, #tpu.memory_space<vmem_shared>>
      tpu.wait_indirect_dma semaphore(%run_scoped3A_72 : memref<!tpu.dma_semaphore, #tpu.memory_space<semaphore_mem>>) src(%dma_wait3A_87 : memref<1048576xf32, #tpu.memory_space<vmem_shared>>) dst(%dma_wait3A_82 : memref<128xf32, #tpu.memory_space<vmem>>)
      tpu.yield
    }) : () -> ()
    %run_scoped3A_58 = arith.constant 6 : i32
    %run_scoped3A_59 = arith.constant 6 : i32
    "tpu.region"() ({
      %run_scoped3A_72 = tpu.sem_alloc : memref<!tpu.dma_semaphore, #tpu.memory_space<semaphore_mem>>
      %dma_start3A_73 = arith.constant 0 : i32
      %dma_start3A_74 = tpu.memref_slice %arg14[%run_scoped3A_59, %dma_start3A_73] : memref<8x128xf32, #tpu.memory_space<vmem>> -> memref<1x128xf32, #tpu.memory_space<vmem>>
      %dma_start3A_75 = tpu.memref_squeeze %dma_start3A_74 : memref<1x128xf32, #tpu.memory_space<vmem>> -> memref<128xf32, #tpu.memory_space<vmem>>
      %dma_start3A_76 = arith.constant 0 : i32
      %dma_start3A_77 = tpu.memref_slice %arg13[%run_scoped3A_58, %dma_start3A_76] : memref<8x128xi32, #tpu.memory_space<vmem>> -> memref<1x128xi32, #tpu.memory_space<vmem>>
      %dma_start3A_78 = tpu.memref_squeeze %dma_start3A_77 : memref<1x128xi32, #tpu.memory_space<vmem>> -> memref<128xi32, #tpu.memory_space<vmem>>
      %dma_start3A_79 = arith.constant 0 : i32
      %dma_start3A_80 = tpu.memref_slice %arg10[%dma_start3A_79] : memref<1048576xf32, #tpu.memory_space<vmem_shared>> -> memref<1048576xf32, #tpu.memory_space<vmem_shared>>
      tpu.enqueue_indirect_dma source(%dma_start3A_80 : memref<1048576xf32, #tpu.memory_space<vmem_shared>>) target(%dma_start3A_75 : memref<128xf32, #tpu.memory_space<vmem>>) offsets(%dma_start3A_78 : memref<128xi32, #tpu.memory_space<vmem>>) semaphore(%run_scoped3A_72 : memref<!tpu.dma_semaphore, #tpu.memory_space<semaphore_mem>>)
      %dma_wait3A = arith.constant 0 : i32
      %dma_wait3A_81 = tpu.memref_slice %arg14[%run_scoped3A_59, %dma_wait3A] : memref<8x128xf32, #tpu.memory_space<vmem>> -> memref<1x128xf32, #tpu.memory_space<vmem>>
      %dma_wait3A_82 = tpu.memref_squeeze %dma_wait3A_81 : memref<1x128xf32, #tpu.memory_space<vmem>> -> memref<128xf32, #tpu.memory_space<vmem>>
      %dma_wait3A_83 = arith.constant 0 : i32
      %dma_wait3A_84 = tpu.memref_slice %arg13[%run_scoped3A_58, %dma_wait3A_83] : memref<8x128xi32, #tpu.memory_space<vmem>> -> memref<1x128xi32, #tpu.memory_space<vmem>>
      %dma_wait3A_85 = tpu.memref_squeeze %dma_wait3A_84 : memref<1x128xi32, #tpu.memory_space<vmem>> -> memref<128xi32, #tpu.memory_space<vmem>>
      %dma_wait3A_86 = arith.constant 0 : i32
      %dma_wait3A_87 = tpu.memref_slice %arg10[%dma_wait3A_86] : memref<1048576xf32, #tpu.memory_space<vmem_shared>> -> memref<1048576xf32, #tpu.memory_space<vmem_shared>>
      tpu.wait_indirect_dma semaphore(%run_scoped3A_72 : memref<!tpu.dma_semaphore, #tpu.memory_space<semaphore_mem>>) src(%dma_wait3A_87 : memref<1048576xf32, #tpu.memory_space<vmem_shared>>) dst(%dma_wait3A_82 : memref<128xf32, #tpu.memory_space<vmem>>)
      tpu.yield
    }) : () -> ()
    %run_scoped3A_60 = arith.constant 7 : i32
    %run_scoped3A_61 = arith.constant 7 : i32
    "tpu.region"() ({
      %run_scoped3A_72 = tpu.sem_alloc : memref<!tpu.dma_semaphore, #tpu.memory_space<semaphore_mem>>
      %dma_start3A_73 = arith.constant 0 : i32
      %dma_start3A_74 = tpu.memref_slice %arg14[%run_scoped3A_61, %dma_start3A_73] : memref<8x128xf32, #tpu.memory_space<vmem>> -> memref<1x128xf32, #tpu.memory_space<vmem>>
      %dma_start3A_75 = tpu.memref_squeeze %dma_start3A_74 : memref<1x128xf32, #tpu.memory_space<vmem>> -> memref<128xf32, #tpu.memory_space<vmem>>
      %dma_start3A_76 = arith.constant 0 : i32
      %dma_start3A_77 = tpu.memref_slice %arg13[%run_scoped3A_60, %dma_start3A_76] : memref<8x128xi32, #tpu.memory_space<vmem>> -> memref<1x128xi32, #tpu.memory_space<vmem>>
      %dma_start3A_78 = tpu.memref_squeeze %dma_start3A_77 : memref<1x128xi32, #tpu.memory_space<vmem>> -> memref<128xi32, #tpu.memory_space<vmem>>
      %dma_start3A_79 = arith.constant 0 : i32
      %dma_start3A_80 = tpu.memref_slice %arg10[%dma_start3A_79] : memref<1048576xf32, #tpu.memory_space<vmem_shared>> -> memref<1048576xf32, #tpu.memory_space<vmem_shared>>
      tpu.enqueue_indirect_dma source(%dma_start3A_80 : memref<1048576xf32, #tpu.memory_space<vmem_shared>>) target(%dma_start3A_75 : memref<128xf32, #tpu.memory_space<vmem>>) offsets(%dma_start3A_78 : memref<128xi32, #tpu.memory_space<vmem>>) semaphore(%run_scoped3A_72 : memref<!tpu.dma_semaphore, #tpu.memory_space<semaphore_mem>>)
      %dma_wait3A = arith.constant 0 : i32
      %dma_wait3A_81 = tpu.memref_slice %arg14[%run_scoped3A_61, %dma_wait3A] : memref<8x128xf32, #tpu.memory_space<vmem>> -> memref<1x128xf32, #tpu.memory_space<vmem>>
      %dma_wait3A_82 = tpu.memref_squeeze %dma_wait3A_81 : memref<1x128xf32, #tpu.memory_space<vmem>> -> memref<128xf32, #tpu.memory_space<vmem>>
      %dma_wait3A_83 = arith.constant 0 : i32
      %dma_wait3A_84 = tpu.memref_slice %arg13[%run_scoped3A_60, %dma_wait3A_83] : memref<8x128xi32, #tpu.memory_space<vmem>> -> memref<1x128xi32, #tpu.memory_space<vmem>>
      %dma_wait3A_85 = tpu.memref_squeeze %dma_wait3A_84 : memref<1x128xi32, #tpu.memory_space<vmem>> -> memref<128xi32, #tpu.memory_space<vmem>>
      %dma_wait3A_86 = arith.constant 0 : i32
      %dma_wait3A_87 = tpu.memref_slice %arg10[%dma_wait3A_86] : memref<1048576xf32, #tpu.memory_space<vmem_shared>> -> memref<1048576xf32, #tpu.memory_space<vmem_shared>>
      tpu.wait_indirect_dma semaphore(%run_scoped3A_72 : memref<!tpu.dma_semaphore, #tpu.memory_space<semaphore_mem>>) src(%dma_wait3A_87 : memref<1048576xf32, #tpu.memory_space<vmem_shared>>) dst(%dma_wait3A_82 : memref<128xf32, #tpu.memory_space<vmem>>)
      tpu.yield
    }) : () -> ()
    %eq3A_62 = arith.constant 0 : i32
    %eq3A_63 = arith.cmpi eq, %arg0, %eq3A_62 : i32
    %convert_element_type3A_64 = arith.extui %eq3A_63 : i1 to i32
    %cond3A_65 = arith.constant 0 : i32
    %cond3A_66 = arith.cmpi ne, %convert_element_type3A_64, %cond3A_65 : i32
    scf.if %cond3A_66 {
      %mul3A_72 = arith.constant 8 : i32
      %mul3A_73 = arith.muli %arg1, %mul3A_72 : i32
      "tpu.region"() ({
        %run_scoped3A_74 = tpu.sem_alloc : memref<!tpu.dma_semaphore, #tpu.memory_space<semaphore_mem>>
        %dma_start3A_75 = arith.constant 0 : i32
        %dma_start3A_76 = tpu.memref_slice %arg8[%mul3A_73, %dma_start3A_75] : memref<128x128xf32, #tpu.memory_space<hbm>> -> memref<8x128xf32, #tpu.memory_space<hbm>>
        %dma_start3A_77 = arith.constant 0 : i32
        %dma_start3A_78 = tpu.memref_slice %arg8[%mul3A_73, %dma_start3A_77] : memref<128x128xf32, #tpu.memory_space<hbm>> -> memref<8x128xf32, #tpu.memory_space<hbm>>
        tpu.enqueue_dma source(%arg14 : memref<8x128xf32, #tpu.memory_space<vmem>>) target(%dma_start3A_78 : memref<8x128xf32, #tpu.memory_space<hbm>>) target_semaphore(%run_scoped3A_74 : memref<!tpu.dma_semaphore, #tpu.memory_space<semaphore_mem>>)
        %dma_wait3A = arith.constant 0 : i32
        %dma_wait3A_79 = tpu.memref_slice %arg8[%mul3A_73, %dma_wait3A] : memref<128x128xf32, #tpu.memory_space<hbm>> -> memref<8x128xf32, #tpu.memory_space<hbm>>
        %dma_wait3A_80 = arith.constant 0 : i32
        %dma_wait3A_81 = tpu.memref_slice %arg8[%mul3A_73, %dma_wait3A_80] : memref<128x128xf32, #tpu.memory_space<hbm>> -> memref<8x128xf32, #tpu.memory_space<hbm>>
        tpu.wait_dma2 semaphore(%run_scoped3A_74 : memref<!tpu.dma_semaphore, #tpu.memory_space<semaphore_mem>>) src(%arg14 : memref<8x128xf32, #tpu.memory_space<vmem>>) dst(%dma_wait3A_81 : memref<8x128xf32, #tpu.memory_space<hbm>>)
        tpu.yield
      }) : () -> ()
    } else {
    }
    %eq3A_67 = arith.constant 1 : i32
    %eq3A_68 = arith.cmpi eq, %arg0, %eq3A_67 : i32
    %convert_element_type3A_69 = arith.extui %eq3A_68 : i1 to i32
    %cond3A_70 = arith.constant 0 : i32
    %cond3A_71 = arith.cmpi ne, %convert_element_type3A_69, %cond3A_70 : i32
    scf.if %cond3A_71 {
      %mul3A_72 = arith.constant 8 : i32
      %mul3A_73 = arith.muli %arg1, %mul3A_72 : i32
      "tpu.region"() ({
        %run_scoped3A_74 = tpu.sem_alloc : memref<!tpu.dma_semaphore, #tpu.memory_space<semaphore_mem>>
        %dma_start3A_75 = arith.constant 0 : i32
        %dma_start3A_76 = tpu.memref_slice %arg9[%mul3A_73, %dma_start3A_75] : memref<128x128xf32, #tpu.memory_space<hbm>> -> memref<8x128xf32, #tpu.memory_space<hbm>>
        %dma_start3A_77 = arith.constant 0 : i32
        %dma_start3A_78 = tpu.memref_slice %arg9[%mul3A_73, %dma_start3A_77] : memref<128x128xf32, #tpu.memory_space<hbm>> -> memref<8x128xf32, #tpu.memory_space<hbm>>
        tpu.enqueue_dma source(%arg14 : memref<8x128xf32, #tpu.memory_space<vmem>>) target(%dma_start3A_78 : memref<8x128xf32, #tpu.memory_space<hbm>>) target_semaphore(%run_scoped3A_74 : memref<!tpu.dma_semaphore, #tpu.memory_space<semaphore_mem>>)
        %dma_wait3A = arith.constant 0 : i32
        %dma_wait3A_79 = tpu.memref_slice %arg9[%mul3A_73, %dma_wait3A] : memref<128x128xf32, #tpu.memory_space<hbm>> -> memref<8x128xf32, #tpu.memory_space<hbm>>
        %dma_wait3A_80 = arith.constant 0 : i32
        %dma_wait3A_81 = tpu.memref_slice %arg9[%mul3A_73, %dma_wait3A_80] : memref<128x128xf32, #tpu.memory_space<hbm>> -> memref<8x128xf32, #tpu.memory_space<hbm>>
        tpu.wait_dma2 semaphore(%run_scoped3A_74 : memref<!tpu.dma_semaphore, #tpu.memory_space<semaphore_mem>>) src(%arg14 : memref<8x128xf32, #tpu.memory_space<vmem>>) dst(%dma_wait3A_81 : memref<8x128xf32, #tpu.memory_space<hbm>>)
        tpu.yield
      }) : () -> ()
    } else {
    }
    return
  }
}

module attributes {stable_mosaic.version = 14 : i64} {
  func.func @_tc_finish_body(%arg0: i32, %arg1: memref<128x1024xf32, #tpu.memory_space<vmem>>, %arg2: memref<128x1024xf32, #tpu.memory_space<vmem>>, %arg3: memref<128x128xf32, #tpu.memory_space<vmem>>, %arg4: memref<128x128xf32, #tpu.memory_space<vmem>>, %arg5: memref<128x128xf32, #tpu.memory_space<vmem>>, %arg6: memref<128x128xf32, #tpu.memory_space<vmem>>, %arg7: memref<1x1xf32, #tpu.memory_space<smem>>, %arg8: memref<2xf32, #tpu.memory_space<smem>>) attributes {dimension_semantics = [#tpu.dimension_semantics<arbitrary>], iteration_bounds = array<i64: 8>, scalar_prefetch = 0 : i64, scratch_operands = 1 : i64, tpu.core_type = #tpu.core_type<tc>, window_params = [{transform_indices = @transform_0, window_bounds = array<i64: 128, 1024>}, {transform_indices = @transform_1, window_bounds = array<i64: 128, 1024>}, {pipeline_mode = #tpu.pipeline_mode<synchronous>, transform_indices = @transform_2, window_bounds = array<i64: 128, 128>}, {pipeline_mode = #tpu.pipeline_mode<synchronous>, transform_indices = @transform_3, window_bounds = array<i64: 128, 128>}, {pipeline_mode = #tpu.pipeline_mode<synchronous>, transform_indices = @transform_4, window_bounds = array<i64: 128, 128>}, {pipeline_mode = #tpu.pipeline_mode<synchronous>, transform_indices = @transform_5, window_bounds = array<i64: 128, 128>}, {transform_indices = @transform_6, window_bounds = array<i64: 1, 1>}]} {
    %eq3A = arith.constant 0 : i32
    %eq3A_0 = arith.cmpi eq, %arg0, %eq3A : i32
    %convert_element_type3A = arith.extui %eq3A_0 : i1 to i32
    %cond3A = arith.constant 0 : i32
    %cond3A_1 = arith.cmpi ne, %convert_element_type3A, %cond3A : i32
    scf.if %cond3A_1 {
      %swap3A_36 = arith.constant 0.000000e+00 : f32
      %swap3A_37 = arith.constant 0 : index
      %swap3A_38 = memref.load %arg8[%swap3A_37] : memref<2xf32, #tpu.memory_space<smem>>
      memref.store %swap3A_36, %arg8[%swap3A_37] : memref<2xf32, #tpu.memory_space<smem>>
      %swap3A_39 = arith.constant 0.000000e+00 : f32
      %swap3A_40 = arith.constant 1 : index
      %swap3A_41 = memref.load %arg8[%swap3A_40] : memref<2xf32, #tpu.memory_space<smem>>
      memref.store %swap3A_39, %arg8[%swap3A_40] : memref<2xf32, #tpu.memory_space<smem>>
    } else {
    }
    %get3A = arith.constant 0 : index
    %get3A_2 = arith.constant 0 : index
    %get3A_3 = vector.load %arg1[%get3A, %get3A_2] : memref<128x1024xf32, #tpu.memory_space<vmem>>, vector<128x1024xf32>
    %get3A_4 = arith.constant 0 : index
    %get3A_5 = arith.constant 0 : index
    %get3A_6 = vector.load %arg2[%get3A_4, %get3A_5] : memref<128x1024xf32, #tpu.memory_space<vmem>>, vector<128x1024xf32>
    %ne3A = arith.constant 0.000000e+00 : f32
    %ne3A_7 = vector.broadcast %ne3A : f32 to vector<128x1024xf32>
    %ne3A_8 = arith.cmpf one, %get3A_6, %ne3A_7 : vector<128x1024xf32>
    %jit3A = arith.constant 1.000000e+00 : f32
    %broadcast_in_dim3A = vector.broadcast %jit3A : f32 to vector<128x1024xf32>
    %select_n3A = arith.select %ne3A_8, %get3A_6, %broadcast_in_dim3A : vector<128x1024xi1>, vector<128x1024xf32>
    %div3A = arith.divf %get3A_3, %select_n3A : vector<128x1024xf32>
    %jit3A_9 = arith.constant 0.000000e+00 : f32
    %broadcast_in_dim3A_10 = vector.broadcast %jit3A_9 : f32 to vector<128x1024xf32>
    %select_n3A_11 = arith.select %ne3A_8, %div3A, %broadcast_in_dim3A_10 : vector<128x1024xi1>, vector<128x1024xf32>
    %get3A_12 = arith.constant 0 : index
    %get3A_13 = memref.load %arg8[%get3A_12] : memref<2xf32, #tpu.memory_space<smem>>
    %reduce_sum3A = vector.shape_cast %select_n3A_11 : vector<128x1024xf32> to vector<1x128x1024xf32>
    %reduce_sum3A_14 = arith.constant dense<0.000000e+00> : vector<1xf32>
    %reduce_sum3A_15 = vector.multi_reduction <add>, %reduce_sum3A, %reduce_sum3A_14 [1, 2] : vector<1x128x1024xf32> to vector<1xf32>
    %reduce_sum3A_16 = vector.shape_cast %reduce_sum3A_15 : vector<1xf32> to vector<1x1x1xf32>
    %reduce_sum3A_17 = vector.extract %reduce_sum3A_16[0, 0, 0] : f32 from vector<1x1x1xf32>
    %add3A = arith.addf %get3A_13, %reduce_sum3A_17 : f32
    %swap3A = arith.constant 0 : index
    %swap3A_18 = memref.load %arg8[%swap3A] : memref<2xf32, #tpu.memory_space<smem>>
    memref.store %add3A, %arg8[%swap3A] : memref<2xf32, #tpu.memory_space<smem>>
    %get3A_19 = arith.constant 1 : index
    %get3A_20 = memref.load %arg8[%get3A_19] : memref<2xf32, #tpu.memory_space<smem>>
    %convert_element_type3A_21 = arith.extui %ne3A_8 : vector<128x1024xi1> to vector<128x1024xi32>
    %convert_element_type3A_22 = arith.sitofp %convert_element_type3A_21 : vector<128x1024xi32> to vector<128x1024xf32>
    %reduce_sum3A_23 = vector.shape_cast %convert_element_type3A_22 : vector<128x1024xf32> to vector<1x128x1024xf32>
    %reduce_sum3A_24 = arith.constant dense<0.000000e+00> : vector<1xf32>
    %reduce_sum3A_25 = vector.multi_reduction <add>, %reduce_sum3A_23, %reduce_sum3A_24 [1, 2] : vector<1x128x1024xf32> to vector<1xf32>
    %reduce_sum3A_26 = vector.shape_cast %reduce_sum3A_25 : vector<1xf32> to vector<1x1x1xf32>
    %reduce_sum3A_27 = vector.extract %reduce_sum3A_26[0, 0, 0] : f32 from vector<1x1x1xf32>
    %add3A_28 = arith.addf %get3A_20, %reduce_sum3A_27 : f32
    %swap3A_29 = arith.constant 1 : index
    %swap3A_30 = memref.load %arg8[%swap3A_29] : memref<2xf32, #tpu.memory_space<smem>>
    memref.store %add3A_28, %arg8[%swap3A_29] : memref<2xf32, #tpu.memory_space<smem>>
    %eq3A_31 = arith.constant 7 : i32
    %eq3A_32 = arith.cmpi eq, %arg0, %eq3A_31 : i32
    %convert_element_type3A_33 = arith.extui %eq3A_32 : i1 to i32
    %cond3A_34 = arith.constant 0 : i32
    %cond3A_35 = arith.cmpi ne, %convert_element_type3A_33, %cond3A_34 : i32
    scf.if %cond3A_35 {
      %get3A_36 = arith.constant 0 : index
      %get3A_37 = memref.load %arg8[%get3A_36] : memref<2xf32, #tpu.memory_space<smem>>
      %get3A_38 = arith.constant 1 : index
      %get3A_39 = memref.load %arg8[%get3A_38] : memref<2xf32, #tpu.memory_space<smem>>
      %max3A = arith.constant 1.000000e+00 : f32
      %max3A_40 = arith.maximumf %get3A_39, %max3A : f32
      %div3A_41 = arith.divf %get3A_37, %max3A_40 : f32
      %get3A_42 = arith.constant 0 : index
      %get3A_43 = arith.constant 0 : index
      %get3A_44 = vector.load %arg3[%get3A_42, %get3A_43] : memref<128x128xf32, #tpu.memory_space<vmem>>, vector<128x128xf32>
      %get3A_45 = arith.constant 0 : index
      %get3A_46 = arith.constant 0 : index
      %get3A_47 = vector.load %arg4[%get3A_45, %get3A_46] : memref<128x128xf32, #tpu.memory_space<vmem>>, vector<128x128xf32>
      %eq3A_48 = arith.constant 0.000000e+00 : f32
      %eq3A_49 = vector.broadcast %eq3A_48 : f32 to vector<128x128xf32>
      %eq3A_50 = arith.cmpf oeq, %get3A_47, %eq3A_49 : vector<128x128xf32>
      %add3A_51 = arith.constant 1.000000e-10 : f32
      %add3A_52 = vector.broadcast %add3A_51 : f32 to vector<128x128xf32>
      %add3A_53 = arith.addf %get3A_47, %add3A_52 : vector<128x128xf32>
      %div3A_54 = arith.divf %get3A_44, %add3A_53 : vector<128x128xf32>
      %broadcast_in_dim3A_55 = vector.broadcast %div3A_41 : f32 to vector<128x128xf32>
      %select_n3A_56 = arith.select %eq3A_50, %broadcast_in_dim3A_55, %div3A_54 : vector<128x128xi1>, vector<128x128xf32>
      %swap3A_57 = arith.constant 0 : index
      %swap3A_58 = arith.constant 0 : index
      %swap3A_59 = vector.load %arg6[%swap3A_57, %swap3A_58] : memref<128x128xf32, #tpu.memory_space<vmem>>, vector<128x128xf32>
      tpu.vector_store %arg6[%swap3A_57, %swap3A_58], %select_n3A_56 {strides = array<i32>} : memref<128x128xf32, #tpu.memory_space<vmem>>, vector<128x128xf32>,
      %get3A_60 = arith.constant 0 : index
      %get3A_61 = arith.constant 0 : index
      %get3A_62 = vector.load %arg5[%get3A_60, %get3A_61] : memref<128x128xf32, #tpu.memory_space<vmem>>, vector<128x128xf32>
      %sub3A = arith.subf %select_n3A_56, %get3A_62 : vector<128x128xf32>
      %integer_pow3A = arith.mulf %sub3A, %sub3A : vector<128x128xf32>
      %reduce_sum3A_63 = vector.shape_cast %integer_pow3A : vector<128x128xf32> to vector<1x128x128xf32>
      %reduce_sum3A_64 = arith.constant dense<0.000000e+00> : vector<1xf32>
      %reduce_sum3A_65 = vector.multi_reduction <add>, %reduce_sum3A_63, %reduce_sum3A_64 [1, 2] : vector<1x128x128xf32> to vector<1xf32>
      %reduce_sum3A_66 = vector.shape_cast %reduce_sum3A_65 : vector<1xf32> to vector<1x1x1xf32>
      %reduce_sum3A_67 = vector.extract %reduce_sum3A_66[0, 0, 0] : f32 from vector<1x1x1xf32>
      %div3A_68 = arith.constant 1.638400e+04 : f32
      %div3A_69 = arith.divf %reduce_sum3A_67, %div3A_68 : f32
      %swap3A_70 = arith.constant 0 : index
      %swap3A_71 = arith.constant 0 : index
      %swap3A_72 = memref.load %arg7[%swap3A_70, %swap3A_71] : memref<1x1xf32, #tpu.memory_space<smem>>
      memref.store %div3A_69, %arg7[%swap3A_70, %swap3A_71] : memref<1x1xf32, #tpu.memory_space<smem>>
    } else {
    }
    return
  }
  func.func @transform_0(%arg0: i32) -> (i32, i32) {
    %c0_i32 = arith.constant 0 : i32
    %c0_i32_0 = arith.constant 0 : i32
    return %arg0, %c0_i32 : i32, i32
  }
  func.func @transform_1(%arg0: i32) -> (i32, i32) {
    %c0_i32 = arith.constant 0 : i32
    %c0_i32_0 = arith.constant 0 : i32
    return %arg0, %c0_i32 : i32, i32
  }
  func.func @transform_2(%arg0: i32) -> (i32, i32) {
    %c0_i32 = arith.constant 0 : i32
    %c0_i32_0 = arith.constant 0 : i32
    %c0_i32_1 = arith.constant 0 : i32
    return %c0_i32, %c0_i32_0 : i32, i32
  }
  func.func @transform_3(%arg0: i32) -> (i32, i32) {
    %c0_i32 = arith.constant 0 : i32
    %c0_i32_0 = arith.constant 0 : i32
    %c0_i32_1 = arith.constant 0 : i32
    return %c0_i32, %c0_i32_0 : i32, i32
  }
  func.func @transform_4(%arg0: i32) -> (i32, i32) {
    %c0_i32 = arith.constant 0 : i32
    %c0_i32_0 = arith.constant 0 : i32
    %c0_i32_1 = arith.constant 0 : i32
    return %c0_i32, %c0_i32_0 : i32, i32
  }
  func.func @transform_5(%arg0: i32) -> (i32, i32) {
    %c0_i32 = arith.constant 0 : i32
    %c0_i32_0 = arith.constant 0 : i32
    %c0_i32_1 = arith.constant 0 : i32
    return %c0_i32, %c0_i32_0 : i32, i32
  }
  func.func @transform_6(%arg0: i32) -> (i32, i32) {
    %c0_i32 = arith.constant 0 : i32
    %c0_i32_0 = arith.constant 0 : i32
    %c0_i32_1 = arith.constant 0 : i32
    return %c0_i32, %c0_i32_0 : i32, i32
  }
}

</mosaic_0001>

<sc_bundles>
// kernel: kernel.4.cloned.1.call-start
scs
__scs_entry_jumppad:
0x0: {  	(pc) =	sbr.rel $0x88, $3  }
0x1: {  	(tag) =	ssettag $0x0;
	lr =	simm.s32 $0x1  }
0x2: {  	[smem:$0x3F9D] =	sst lr;
	_ =	strace $0xD0000000  }
0x3: {  	_ = 	snop  }
0x4: {  	_ = 	snop  }
0x5: {  	_ = 	snop  }
0x6: {  	_ = 	snop  }
0x7: {  	_ = 	snop  }
__scs_overlays_trampoline_lowered:
0x8: {  	[smem:$0x3FAC] =	sst s0  }
0x9: {  	[smem:$0x3FAD] =	sst s1  }
0xa: {  	[smem:$0x3FAE] =	sst s2  }
0xb: {  	[smem:$0x3FAF] =	sst s3  }
0xc: {  	[smem:$0x3FB0] =	sst s4  }
0xd: {  	[smem:$0x3FB1] =	sst s5  }
0xe: {  	[smem:$0x3FB2] =	sst s6  }
0xf: {  	[smem:$0x3FB3] =	sst s7  }
0x10: {  	[smem:$0x3FB4] =	sst s8  }
0x11: {  	[smem:$0x3FB5] =	sst s9;
	s0 =	simm.s32 @!p0 $0x0  }
0x12: {  	s1 =	sld [smem:$0x3F9B];
	s0 =	simm.s32 @p0 $0x1  }
0x13: {  	[smem:$0x3FB6] =	sst s0;
	s0 =	simm.s32 @!p1 $0x0  }
0x14: {  	s2 =	sld [smem:$0x3F9A];
	s0 =	simm.s32 @p1 $0x1  }
0x15: {  	[smem:$0x3FB7] =	sst s0;
	s0 =	simm.s32 @!p2 $0x0  }
0x16: {  	s3 =	sld [smem:$0x3FDB];
	s0 =	simm.s32 @p2 $0x1  }
0x17: {  	s4 =	simm.s32 $0x1BF5;
	[smem:$0x3FB9] =	sst s0  }
0x18: {  	s0 =	sld [smem:$0x3F9C];
	_ =	swait.ge [sflag:s4], $0x0  }
0x19: {  	s7 =	sld [smem:$0x3F9D]  }
0x1a: {  	s8 =	sadd.s32 $0xFFFFE003, lr  }
0x1b: {  	s9 =	sadd.s32 $0xFFFFFEF7, lr;
	s5 =	simm.s32 $0xFFFFFFFF;
	p2 =	slt.u32 s8, $0xFFFFF086  }
0x1c: {  	p1 =	slt.u32 s9, $0xF7A;
	s5 =	simm.s32 @!p2 $0x0  }
0x1d: {  	s5 =	simm.s32 @p1 $0x1;
	p0 =	seq.s32 s7, s2  }
0x1e: {  	s7 =	smul.u32 @!p0 $0xF7A, s2;
	p2 =	seq.s32 @!p0 s5, $0x0  }
0x1f: {  	s9 =	smul.u32 $0xF7A, s1;
	s8 =	simm.s32 @!p0 $0x1BF5;
	p2 =	por !p2, p0  }
0x20: {  	[sflag:s8] =	ssyncset.s32 @!p0 $0xFFFFF086;
	s6 =	sadd.s32 @!p0 s3, s7;
	s7 =	simm.s32 @!p0 $0x108  }
0x21: {  	s3 =	sadd.s32 s3, s9;
	s6 =	sadd.s32 @!p0 $0x88, s6;
	s7 =	simm.s32 @p2 $0x1082  }
0x22: {  	[simem:s7], [sflag:s8] =	dma.local @!p0 [hbm:s6], $0xF7A  }
0x23: {  	s9 =	sor.u32 $0xD0000000, s2;
	s6 =	simm.s32 $0x108;
	_ =	swait.ge @!p0 [sflag:s8], $0x0  }
0x24: {  	s3 =	sadd.s32 $0x88, s3;
	s6 =	simm.s32 @!p1 $0x1082;
	[sflag:s4] =	ssyncset.s32 $0xFFFFF086  }
0x25: {  	[simem:s6], [sflag:s4] =	dma.local [hbm:s3], $0xF7A  }
0x26: {  	[smem:$0x3F9D] =	sst s1;
	(tag) =	ssettag s2;
	_ =	strace s9  }
0x27: {  	s1 =	sld [smem:$0x3FAD]  }
0x28: {  	s2 =	sld [smem:$0x3FAE]  }
0x29: {  	s4 =	sld [smem:$0x3FB0]  }
0x2a: {  	p0 =	seq.s32 s5, $0x0;
	s5 =	sld [smem:$0x3FB1]  }
0x2b: {  	s6 =	sld [smem:$0x3FB2]  }
0x2c: {  	s7 =	sld [smem:$0x3FB3]  }
0x2d: {  	s3 =	simm.s32 $0x108;
	s8 =	sld [smem:$0x3FB4]  }
0x2e: {  	s3 =	simm.s32 @!p0 $0x1082;
	s9 =	sld [smem:$0x3FB5]  }
0x2f: {  	lr =	sadd.s32 s0, s3;
	s0 =	sld [smem:$0x3FAC]  }
0x30: {  	s3 =	sld [smem:$0x3FAF]  }
0x31: {  	[smem:$0x3FB8] =	sst s10  }
0x32: {  	s10 =	sld [smem:$0x3FB6];
	_ =	sdelay $0x3  }
0x33: {  	p0 =	seq.s32 s10, $0x1;
	s10 =	sld [smem:$0x3FB8];
	_ =	sdelay $0x3  }
0x34: {  	[smem:$0x3FB8] =	sst s10  }
0x35: {  	s10 =	sld [smem:$0x3FB7];
	_ =	sdelay $0x3  }
0x36: {  	p1 =	seq.s32 s10, $0x1;
	s10 =	sld [smem:$0x3FB8];
	_ =	sdelay $0x3  }
0x37: {  	[smem:$0x3FB8] =	sst s10  }
0x38: {  	s10 =	sld [smem:$0x3FB9]  }
0x39: {  	_ = 	snop;
	(pc) =	sbr.ind lr, $3  }
0x3a: {  	_ = 	snop  }
0x3b: {  	_ = 	snop  }
0x3c: {  	p2 =	seq.s32 s10, $0x1;
	s10 =	sld [smem:$0x3FB8]  }
0x3d: {  	_ =	shalt  }
0x3e: {  	_ =	shalt  }
0x3f: {  	_ =	shalt  }
0x40: {  	_ =	shalt  }
0x41: {  	_ =	shalt  }
0x42: {  	_ =	shalt  }
0x43: {  	_ =	shalt  }
0x44: {  	_ =	shalt  }
0x45: {  	_ =	shalt  }
0x46: {  	_ =	shalt  }
0x47: {  	_ =	shalt  }
0x48: {  	_ =	shalt  }
0x49: {  	_ =	shalt  }
0x4a: {  	_ =	shalt  }
0x4b: {  	_ =	shalt  }
0x4c: {  	_ =	shalt  }
0x4d: {  	_ =	shalt  }
0x4e: {  	_ =	shalt  }
0x4f: {  	_ =	shalt  }
0x50: {  	_ =	shalt  }
0x51: {  	_ =	shalt  }
0x52: {  	_ =	shalt  }
0x53: {  	_ =	shalt  }
0x54: {  	_ =	shalt  }
0x55: {  	_ =	shalt  }
0x56: {  	_ =	shalt  }
0x57: {  	_ =	shalt  }
0x58: {  	_ =	shalt  }
0x59: {  	_ =	shalt  }
0x5a: {  	_ =	shalt  }
0x5b: {  	_ =	shalt  }
0x5c: {  	_ =	shalt  }
0x5d: {  	_ =	shalt  }
0x5e: {  	_ =	shalt  }
0x5f: {  	_ =	shalt  }
0x60: {  	_ =	shalt  }
0x61: {  	_ =	shalt  }
0x62: {  	_ =	shalt  }
0x63: {  	_ =	shalt  }
0x64: {  	_ =	shalt  }
0x65: {  	_ =	shalt  }
0x66: {  	_ =	shalt  }
0x67: {  	_ =	shalt  }
0x68: {  	_ =	shalt  }
0x69: {  	_ =	shalt  }
0x6a: {  	_ =	shalt  }
0x6b: {  	_ =	shalt  }
0x6c: {  	_ =	shalt  }
0x6d: {  	_ =	shalt  }
0x6e: {  	_ =	shalt  }
0x6f: {  	_ =	shalt  }
0x70: {  	_ =	shalt  }
0x71: {  	_ =	shalt  }
0x72: {  	_ =	shalt  }
0x73: {  	_ =	shalt  }
0x74: {  	_ =	shalt  }
0x75: {  	_ =	shalt  }
0x76: {  	_ =	shalt  }
0x77: {  	_ =	shalt  }
0x78: {  	_ =	shalt  }
0x79: {  	_ =	shalt  }
0x7a: {  	_ =	shalt  }
0x7b: {  	_ =	shalt  }
0x7c: {  	_ =	shalt  }
0x7d: {  	_ =	shalt  }
0x7e: {  	_ =	shalt  }
0x7f: {  	_ =	shalt  }
0x80: {  	_ =	shalt  }
0x81: {  	_ =	shalt  }
0x82: {  	_ =	shalt  }
0x83: {  	_ =	shalt  }
0x84: {  	_ =	shalt  }
0x85: {  	_ =	shalt  }
0x86: {  	_ =	shalt  }
0x87: {  	_ =	shalt  }
.Lfunc_end0:
.L_simem_size_0:
called_computation_lowered:
.L_overlay_start_0:
0x88: {  	s2 =	sld [smem:$0x3FD9]  }
0x89: {  	s3 =	sld [smem:$0x3FFE];
	_ =	sdelay $0x1  }
0x8a: {  	s1 =	srdreg.scid  }
0x8b: {  	s0 =	sand.u32 $0x1, s1  }
0x8c: {  	s14 =	sshll.u32 s0, $0xA;
	s2 =	sadd.s32 s3, s2  }
0x8d: {  	s2 =	sadd.s32 s2, s14  }
0x8e: {  	[smem:$0x3FC4] =	sst s2  }
0x8f: {  	_ = 	snop  }
0x90: {  	s2 =	sld [smem:$0x3FD0]  }
0x91: {  	s15 =	sld [smem:$0x3FC9]  }
0x92: {  	s4 =	sld [smem:$0x3FC7]  }
0x93: {  	s6 =	simm.s32 $0xA;
	s7 =	simm.s32 $0x10;
	s5 =	sld [smem:$0x3FC6]  }
0x94: {  	[smem:s7], [sflag:s6] =	dma.local [hbm:s2], $0x1  }
0x95: {  	_ =	swait.eq [sflag:s6], $0x1  }
0x96: {  	[sflag:s6] =	ssyncset.done $0x0  }
0x97: {  	[sflag:s6] =	ssyncadd.s32 $0xFFFFFFFF  }
0x98: {  	s16 =	sld [smem:$0x10];
	(tm) =	ssettm $0x1  }
0x99: {  	s17 =	sld [smem:$0x3FFB];
	_ =	sdelay $0x3  }
0x9a: {  	_ =	strace s17  }
0x9b: {  	s6 =	sld [smem:$0x3FFC];
	_ =	sdelay $0x3  }
0x9c: {  	_ =	strace s6  }
0x9d: {  	s6 =	sld [smem:$0x3FFD];
	_ =	sdelay $0x3  }
0x9e: {  	_ =	strace s6  }
0x9f: {  	_ =	strace $0x8FFFFFFF  }
0xa0: {  	s18 =	sld [smem:$0x3FDB];
	_ =	sdelay $0x1  }
0xa1: {  	s19 =	simm.s32 $_scs_section_size  }
0xa2: {  	s8 =	simm.s32 $_size__tile_overlayer_lowered;
	s9 =	simm.s32 $_tile_overlayer_lowered  }
0xa3: {  	s22 =	simm.s32 $0x1BFF;
	s21 =	sshll.u32 s9, $0x1;
	s6 =	sadd.s32 s19, s18  }
0xa4: {  	s10 =	simm.s32 $0x0;
	s20 =	sshll.u32 s8, $0x1;
	s8 =	sadd.s32 s21, s6  }
0xa5: {  	[timem:s10], [sflag:s22] =	dma.local [hbm:s8], s20  }
0xa6: {  	_ =	swait.ge [sflag:s22], s20  }
0xa7: {  	s7 =	ssub.s32 $0x0, s20;
	[sflag:s22] =	ssyncset.done $0x0  }
0xa8: {  	[sflag:s22] =	ssyncadd.s32 s7;
	_ =	sdelay $0x1  }
0xa9: {  	s23 =	simm.s32 $0x1B8B  }
0xaa: {  	_ =	swait.ge [sflag:s23], $0x1  }
0xab: {  	[sflag:s23] =	ssyncset.done $0x0  }
0xac: {  	s25 =	simm.s32 $0x1B8E;
	s24 =	sld [smem:$0x3FFE];
	[sflag:s23] =	ssyncadd.s32 $0xFFFFFFFF  }
0xad: {  	s26 =	simm.s32 $execute0_lowered;
	[smem:$0x3FD2] =	sst s25  }
0xae: {  	s8 =	sshll.u32 s26, $0x1;
	_ =	strace $0x80000046;
	[dreg:$0x1] =	wrdreg $0xFFFFFFFF  }
0xaf: {  	s28 =	simm.s32 $_size_execute0_lowered;
	s6 =	sadd.s32 s6, s8;
	[dreg:$0x0] =	wrdreg $0x0  }
0xb0: {  	s8 =	sshll.u32 s28, $0x1;
	[dreg:$0x2] =	wrdreg s6  }
0xb1: {  	[dreg:$0x3] =	wrdreg s8  }
0xb2: {  	[dreg:$0x4] =	wrdreg $0xC0  }
0xb3: {  	_ =	task [dreg:s10], $0x5FFFF  }
0xb4: {  	[dreg:$0x1] =	wrdreg $0xFFFFFFFF  }
0xb5: {  	[dreg:$0x0] =	wrdreg $0x60  }
0xb6: {  	[dreg:$0x2] =	wrdreg s4  }
0xb7: {  	[dreg:$0x3] =	wrdreg s15  }
0xb8: {  	[dreg:$0x4] =	wrdreg s5  }
0xb9: {  	[dreg:$0x5] =	wrdreg s24  }
0xba: {  	[dreg:$0x6] =	wrdreg s16  }
0xbb: {  	[dreg:$0x7] =	wrdreg $0x0  }
0xbc: {  	[dreg:$0x8] =	wrdreg $0x9  }
0xbd: {  	_ =	task.clear_ibuf [dreg:s10], $0x9FFFF;
	_ =	strace $0x90000046  }
0xbe: {  	s29 =	simm.s32 $0x9;
	_ =	strace $0x80000048  }
0xbf: {  	_ =	swait.ge [sflag:s29], $0x1  }
0xc0: {  	[sflag:s29] =	ssyncadd.s32 $0xFFFFFFFF  }
0xc1: {  	_ =	strace $0x90000048  }
0xc2: {  	_ =	sfence  }
0xc3: {  	s30 =	sld [smem:$0x0];
	_ =	sdelay $0x2  }
0xc4: {  	s31 =	sshll.u32 s1, $0xD;
	s1 =	sshrl.u32 s1, $0x2  }
0xc5: {  	s3 =	sand.u32 $0x4000, s31;
	s1 =	sadd.s32 s1, s30  }
0xc6: {  	s0 =	sor.u32 s3, s0;
	s1 =	sshll.u32 s1, $0x11  }
0xc7: {  	s0 =	sor.u32 s1, s0  }
0xc8: {  	s0 =	sadd.s32 $0x8F2B, s0  }
0xc9: {  	[sflag:s0] =	ssyncadd.remote.s32 $0x1  }
0xca: {  	_ =	sfence.sel $0xFFFF  }
0xcb: {  	[dreg:$0x0] =	wrdreg $0xFFFFFFFF;
	(pc) =	sbr.abs _section_cstart, $3  }
0xcc: {  	[dreg:$0x1] =	wrdreg $0xFFFFFFFF  }
0xcd: {  	_ =	task.clear_ibuf [dreg:s10], $0x2FFFF;
	_ =	strace $0x9FFFFFFF  }
0xce: {  	(tm) =	ssettm $0x7FFFFFFF  }
0xcf: {  	_ =	shalt  }
tec
execute0_lowered:
.L_overlay_start_1:
0x0: {  	(tag) =	ssettag $0x1  }
0x1: {  	s1 =	rddreg [dreg:$0x0]  }
0x2: {  	s16 =	rddreg [dreg:$0x1]  }
0x3: {  	s0 =	rddreg [dreg:$0x2]  }
0x4: {  	s2 =	rddreg [dreg:$0x3]  }
0x5: {  	s3 =	rddreg [dreg:$0x4]  }
0x6: {  	s4 =	rddreg [dreg:$0x5];
	s5 =	simm.s32 $0x0;
	s17 =	stileid.u32  }
0x7: {  	s6 =	srdreg.scid;
	s28 =	simm.s32 $0x2;
	s29 =	simm.s32 $0x11F00  }
0x8: {  	s30 =	simm.s32 $0x13E80;
	s31 =	simm.s32 $0x11F80;
	[smem:$0x7FF] =	sst s5  }
0x9: {  	s7 =	sshll.u32 s17, $0xD;
	s6 =	sand.u32 $0x1, s6;
	s11 =	smul.u32 $0x6400, s17  }
0xa: {  	s12 =	sadd.s32 $0x21200, s2;
	s13 =	sadd.s32 $0x41200, s2;
	s15 =	smul.u32 $0x640, s17  }
0xb: {  	s19 =	sshll.u32 s17, $0x10;
	s21 =	sshll.u32 s17, $0x7;
	s25 =	sshll.u32 s17, $0x6  }
0xc: {  	s17 =	simm.s32 $0x13A80;
	_ =	strace $0x80000047;
	s9 =	sadd.s32 s7, s2  }
0xd: {  	s8 =	ssub.s32 $0x2, s6;
	s2 =	sadd.s32 $0x61200, s2;
	p0 =	seq.s32 s6, $0x0  }
0xe: {  	s20 =	sadd.s32 s19, s4;
	s0 =	sadd.s32 s0, s21;
	p1 =	sne.s32 s6, $0x0  }
0xf: {  	s10 =	sshrl.u32 s8, $0x1;
	s18 =	sadd.s32 s1, s11;
	s9 =	sadd.s32 $0x1200, s9  }
0x10: {  	[dreg:$0x9] =	wrdreg s0;
	s13 =	smov.u32 @p0 s12;
	s2 =	smov.u32 @p0 s3  }
0x11: {  	s0 =	sor.u32 $0x1C03, s25;
	s26 =	sshrl.u32 s20, $0x3;
	s20 =	simm.s32 $0x1  }
0x12: {  	s25 =	simm.s32 $0x11E80;
	s14 =	ssub.s32 s8, s10;
	[dreg:$0x7] =	wrdreg s18  }
0x13: {  	s8 =	sadd.s32 s16, s11;
	[dreg:$0x8] =	wrdreg s9;
	s10 =	sor.u32 $0x20, s15  }
0x14: {  	s11 =	sadd.s32 $0x40, s15;
	s23 =	sadd.s32 s13, s7;
	[dreg:$0xd] =	wrdreg s0  }
0x15: {  	s24 =	sadd.s32 s2, s21;
	[dreg:$0xe] =	wrdreg s26;
	s21 =	simm.s32 $0x11000  }
.Ltmp0:
0x16: {  	s15 =	simm.s32 $0x11D00;
	s18 =	simm.s32 $0x11D80;
	(pc) =	sbr.rel .LBB2_1-.Ltmp0, $4  }
0x17: {  	s2 =	simm.s32 $0x13B80;
	s26 =	simm.s32 $0x13D80;
	s0 =	simm.s32 $0x13F80  }
0x18: {  	s9 =	simm.s32 $0x0;
	s22 =	smax.u32 s14, $0x1;
	[dreg:$0xb] =	wrdreg s23  }
0x19: {  	[dreg:$0xc] =	wrdreg s24;
	s14 =	simm.s32 $0x13980;
	s23 =	simm.s32 $0x11E00  }
0x1a: {  	v0 =	vimm.f32 $1.000000000e+00;
	s24 =	simm.s32 $0x13C80;
	[dreg:$0xa] =	wrdreg s22;
	s22 =	simm.s32 $0x80  }
.LBB2_21:
0x1b: {  	[bflag:$0x0] =	sbarrier.arrive $0xFFFF  }
0x1c: {  	s3 =	rddreg [dreg:$0xb]  }
0x1d: {  	s7 =	rddreg [dreg:$0xd]  }
0x1e: {  	s9 =	rddreg [dreg:$0xe]  }
0x1f: {  	[hbm:s3], [sflag:s7] =	dma.local [spmem:s9], $0x2000  }
0x20: {  	s7 =	simm.s32 $0x3  }
0x21: {  	_ =	swait.ge [sflag:s7], $0x2000  }
0x22: {  	[sflag:s7] =	ssyncset.done $0x0  }
0x23: {  	s13 =	simm.s32 $0x14000;
	s12 =	rddreg [dreg:$0x9];
	[sflag:s7] =	ssyncadd.s32 $0xFFFFE000  }
0x24: {  	[tilespmem:s13], [sflag:$0x3] =	stream.linear.gather [hbm4b:s12+s5], $0x400, $0x38;
	[tilespmem:$0x14800] =	vst v63  }
0x25: {  	_ =	swait.ge [sflag:s7], $0x400  }
0x26: {  	[sflag:s7] =	ssyncset.done $0x0  }
0x27: {  	s12 =	simm.s32 $0x14400;
	[sflag:s7] =	ssyncadd.s32 $0xFFFFFC00  }
0x28: {  	[tilespmem:s12], [sflag:$0x3] =	stream.indirect.gather [spmem:s4], $0x1, s13, s22, $0xb8;
	[tilespmem:$0x14800] =	vst v63  }
0x29: {  	_ =	swait.ge [sflag:s7], $0x80  }
0x2a: {  	[sflag:s7] =	ssyncset.done $0x0  }
0x2b: {  	s16 =	simm.s32 $0x14080;
	s19 =	simm.s32 $0x14480;
	[sflag:s7] =	ssyncadd.s32 $0xFFFFFF80  }
0x2c: {  	[tilespmem:s19], [sflag:$0x3] =	stream.indirect.gather [spmem:s4], $0x1, s16, s22, $0xb8;
	[tilespmem:$0x14800] =	vst v63  }
0x2d: {  	_ =	swait.ge [sflag:s7], $0x80  }
0x2e: {  	[sflag:s7] =	ssyncset.done $0x0  }
0x2f: {  	s9 =	simm.s32 $0x14100;
	s13 =	simm.s32 $0x14500;
	[sflag:s7] =	ssyncadd.s32 $0xFFFFFF80  }
0x30: {  	[tilespmem:s13], [sflag:$0x3] =	stream.indirect.gather [spmem:s4], $0x1, s9, s22, $0xb8;
	[tilespmem:$0x14800] =	vst v63  }
0x31: {  	_ =	swait.ge [sflag:s7], $0x80  }
0x32: {  	[sflag:s7] =	ssyncset.done $0x0  }
0x33: {  	s16 =	simm.s32 $0x14180;
	s19 =	simm.s32 $0x14580;
	[sflag:s7] =	ssyncadd.s32 $0xFFFFFF80  }
0x34: {  	[tilespmem:s19], [sflag:$0x3] =	stream.indirect.gather [spmem:s4], $0x1, s16, s22, $0xb8;
	[tilespmem:$0x14800] =	vst v63  }
0x35: {  	_ =	swait.ge [sflag:s7], $0x80  }
0x36: {  	[sflag:s7] =	ssyncset.done $0x0  }
0x37: {  	s9 =	simm.s32 $0x14200;
	s13 =	simm.s32 $0x14600;
	[sflag:s7] =	ssyncadd.s32 $0xFFFFFF80  }
0x38: {  	[tilespmem:s13], [sflag:$0x3] =	stream.indirect.gather [spmem:s4], $0x1, s9, s22, $0xb8;
	[tilespmem:$0x14800] =	vst v63  }
0x39: {  	_ =	swait.ge [sflag:s7], $0x80  }
0x3a: {  	[sflag:s7] =	ssyncset.done $0x0  }
0x3b: {  	s16 =	simm.s32 $0x14280;
	s19 =	simm.s32 $0x14680;
	[sflag:s7] =	ssyncadd.s32 $0xFFFFFF80  }
0x3c: {  	[tilespmem:s19], [sflag:$0x3] =	stream.indirect.gather [spmem:s4], $0x1, s16, s22, $0xb8;
	[tilespmem:$0x14800] =	vst v63  }
0x3d: {  	_ =	swait.ge [sflag:s7], $0x80  }
0x3e: {  	[sflag:s7] =	ssyncset.done $0x0  }
0x3f: {  	s9 =	simm.s32 $0x14300;
	s13 =	simm.s32 $0x14700;
	[sflag:s7] =	ssyncadd.s32 $0xFFFFFF80  }
0x40: {  	[tilespmem:s13], [sflag:$0x3] =	stream.indirect.gather [spmem:s4], $0x1, s9, s22, $0xb8;
	[tilespmem:$0x14800] =	vst v63  }
0x41: {  	_ =	swait.ge [sflag:s7], $0x80  }
0x42: {  	[sflag:s7] =	ssyncset.done $0x0  }
0x43: {  	s16 =	simm.s32 $0x14380;
	s19 =	simm.s32 $0x14780;
	[sflag:s7] =	ssyncadd.s32 $0xFFFFFF80  }
0x44: {  	[tilespmem:s19], [sflag:$0x3] =	stream.indirect.gather [spmem:s4], $0x1, s16, s22, $0xb8;
	[tilespmem:$0x14800] =	vst v63  }
0x45: {  	_ =	swait.ge [sflag:s7], $0x80  }
0x46: {  	[sflag:s7] =	ssyncset.done $0x0  }
0x47: {  	s13 =	rddreg [dreg:$0xc];
	[sflag:s7] =	ssyncadd.s32 $0xFFFFFF80  }
0x48: {  	[hbm4b:s13+s5] =	stream.linear.scatter [tilespmem:s12], [sflag:$0x3], $0x400, $0x38;
	[tilespmem:$0x14800] =	vst v63  }
0x49: {  	_ =	swait.ge [sflag:s7], $0x400  }
0x4a: {  	s16 =	rddreg [dreg:$0xf]  }
0x4b: {  	s19 =	rddreg [dreg:$0xa];
	s9 =	sadd.s32 $0x1, s16  }
0x4c: {  	p2 =	sne.s32 s9, s19  }
.Ltmp1:
0x4d: {  	_ = 	snop;
	(pc) =	sbr.rel @!p2 .LBB2_22-.Ltmp1, $3  }
0x4e: {  	_ =	sdelay $0x1  }
0x4f: {  	[sflag:s7] =	ssyncset.done $0x0  }
0x50: {  	[sflag:s7] =	ssyncadd.s32 $0xFFFFFC00  }
.LBB2_1:
.Ltmp2:
0x51: {  	(pc) =	sbr.rel @p1 .LBB2_5-.Ltmp2, $4  }
0x52: {  	_ = 	snop  }
0x53: {  	[dreg:$0xf] =	wrdreg s9  }
0x54: {  	s3 =	rddreg [dreg:$0x7];
	s7 =	simm.s32 $0x10000  }
0x55: {  	[tilespmem:s7], [sflag:$0x1] =	stream.linear.gather [hbm4b:s3+s5], $0x1000, $0x38;
	[tilespmem:$0x14800] =	vst v63  }
0x56: {  	s3 =	simm.s32 $0x12000  }
0x57: {  	s7 =	simm.s32 $0x10;
	s12 =	sadd.s32 $0x0, s8;
	s9 =	simm.s32 $0x12100  }
.LBB2_3:
0x58: {  	[tilespmem:s3], [sflag:$0x1] =	stream.linear.gather [hbm4b:s12+s5], $0x80, $0x38;
	[tilespmem:$0x14800] =	vst v63  }
0x59: {  	s12 =	smov.u32 s7;
	s3 =	smov.u32 s9;
	p2 =	sne.s32 s7, $0x1F0  }
.Ltmp3:
0x5a: {  	s7 =	sadd.s32 $0x10, s7;
	(pc) =	sbr.rel @p2 .LBB2_3-.Ltmp3, $2  }
0x5b: {  	_ =	sdelay $0x2  }
0x5c: {  	s9 =	sadd.s32 $0x100, s9;
	s12 =	sadd.s32 s12, s8  }
0x5d: {  	[tilespmem:s3], [sflag:$0x1] =	stream.linear.gather [hbm4b:s12+s5], $0x80, $0x38;
	[tilespmem:$0x14800] =	vst v63  }
.LBB2_5:
0x5e: {  	s3 =	rddreg [dreg:$0x8]  }
0x5f: {  	s7 =	rddreg [dreg:$0xd]  }
0x60: {  	s9 =	rddreg [dreg:$0xe];
	s19 =	simm.s32 $0x3  }
0x61: {  	[spmem:s9], [sflag:s7] =	dma.local [hbm:s3], $0x2000  }
.Ltmp4:
0x62: {  	_ =	swait.ge [sflag:s19], $0x2000;
	(pc) =	sbr.rel @p0 .LBB2_10-.Ltmp4, $4  }
0x63: {  	[sflag:s19] =	ssyncset.done $0x0  }
0x64: {  	[sflag:s19] =	ssyncadd.s32 $0xFFFFE000  }
0x65: {  	[bflag:$0x0] =	sbarrier.arrive $0xFFFF  }
0x66: {  	s3 =	simm.s32 $0x0  }
0x67: {  	s7 =	sand.u32 $0x70, s3;
	s9 =	sand.u32 $0x1F00, s3  }
0x68: {  	s9 =	sor.u32 s7, s9  }
0x69: {  	s7 =	sadd.s32 $0x10, s3;
	[tilespmem:s9+$0x12000] =	vst v0;
	s9 =	simm.s32 $0x0  }
.LBB2_7:
0x6a: {  	p2 =	sne.s32 s7, $0xFF0  }
.Ltmp5:
0x6b: {  	_ = 	snop;
	(pc) =	sbr.rel @p2 .LBB2_7-.Ltmp5, $4  }
0x6c: {  	s9 =	sadd.s32 $0x20, s9  }
0x6d: {  	s12 =	sand.u32 $0x70, s7;
	s13 =	sand.u32 $0x1F00, s9  }
0x6e: {  	s12 =	sor.u32 s12, s13  }
0x6f: {  	s7 =	sadd.s32 $0x10, s7;
	[tilespmem:s12+$0x12000] =	vst v0  }
0x70: {  	s7 =	sand.u32 $0x70, s3;
	s9 =	sand.u32 $0x1F00, s3  }
0x71: {  	s9 =	sor.u32 s7, s9  }
0x72: {  	s7 =	simm.s32 $0x10;
	[tilespmem:s9+$0x12080] =	vst v0  }
.LBB2_9:
0x73: {  	p2 =	sne.s32 s7, $0xFF0  }
.Ltmp6:
0x74: {  	_ = 	snop;
	(pc) =	sbr.rel @p2 .LBB2_9-.Ltmp6, $4  }
0x75: {  	s3 =	sadd.s32 $0x20, s3  }
0x76: {  	s9 =	sand.u32 $0x70, s7;
	s12 =	sand.u32 $0x1F00, s3  }
0x77: {  	s9 =	sor.u32 s9, s12  }
0x78: {  	s7 =	sadd.s32 $0x10, s7;
	[tilespmem:s9+$0x12080] =	vst v0  }
.LBB2_10:
.Ltmp7:
0x79: {  	(pc) =	sbr.rel .LBB2_11-.Ltmp7, $2  }
0x7a: {  	_ =	sdelay $0x2  }
0x7b: {  	s3 =	simm.s32 $0x0  }
.LBB2_19:
0x7c: {  	[tilespmem:s9], [sflag:$0x1] =	stream.linear.gather [hbm4b:s13+s5], $0x80, $0x38;
	[tilespmem:$0x14800] =	vst v63  }
.LBB2_20:
0x7d: {  	s7 =	simm.s32 $0x12080  }
0x7e: {  	[spmem:s4] =	stream.indirect.scatter.add.f32 [tilespmem:s7], [sflag:$0x2], $0x1, s21, s22, $0xb8;
	[tilespmem:$0x14800] =	vst v63  }
0x7f: {  	s13 =	simm.s32 $0x11080;
	s9 =	simm.s32 $0x12180  }
0x80: {  	[spmem:s4] =	stream.indirect.scatter.add.f32 [tilespmem:s9], [sflag:$0x2], $0x1, s13, s22, $0xb8;
	[tilespmem:$0x14800] =	vst v63  }
0x81: {  	s16 =	simm.s32 $0x11100;
	s19 =	simm.s32 $0x12280  }
0x82: {  	[spmem:s4] =	stream.indirect.scatter.add.f32 [tilespmem:s19], [sflag:$0x2], $0x1, s16, s22, $0xb8;
	[tilespmem:$0x14800] =	vst v63  }
0x83: {  	s12 =	simm.s32 $0x11180;
	s13 =	simm.s32 $0x12380  }
0x84: {  	[spmem:s4] =	stream.indirect.scatter.add.f32 [tilespmem:s13], [sflag:$0x2], $0x1, s12, s22, $0xb8;
	[tilespmem:$0x14800] =	vst v63  }
0x85: {  	s16 =	simm.s32 $0x11200;
	s19 =	simm.s32 $0x12480  }
0x86: {  	[spmem:s4] =	stream.indirect.scatter.add.f32 [tilespmem:s19], [sflag:$0x2], $0x1, s16, s22, $0xb8;
	[tilespmem:$0x14800] =	vst v63  }
0x87: {  	s12 =	simm.s32 $0x11280;
	s13 =	simm.s32 $0x12580  }
0x88: {  	[spmem:s4] =	stream.indirect.scatter.add.f32 [tilespmem:s13], [sflag:$0x2], $0x1, s12, s22, $0xb8;
	[tilespmem:$0x14800] =	vst v63  }
0x89: {  	s16 =	simm.s32 $0x11300;
	s19 =	simm.s32 $0x12680  }
0x8a: {  	[spmem:s4] =	stream.indirect.scatter.add.f32 [tilespmem:s19], [sflag:$0x2], $0x1, s16, s22, $0xb8;
	[tilespmem:$0x14800] =	vst v63  }
0x8b: {  	s12 =	simm.s32 $0x11380;
	s13 =	simm.s32 $0x12780  }
0x8c: {  	[spmem:s4] =	stream.indirect.scatter.add.f32 [tilespmem:s13], [sflag:$0x2], $0x1, s12, s22, $0xb8;
	[tilespmem:$0x14800] =	vst v63  }
0x8d: {  	s16 =	simm.s32 $0x11400;
	s19 =	simm.s32 $0x12880  }
0x8e: {  	[spmem:s4] =	stream.indirect.scatter.add.f32 [tilespmem:s19], [sflag:$0x2], $0x1, s16, s22, $0xb8;
	[tilespmem:$0x14800] =	vst v63  }
0x8f: {  	s12 =	simm.s32 $0x11480;
	s13 =	simm.s32 $0x12980  }
0x90: {  	[spmem:s4] =	stream.indirect.scatter.add.f32 [tilespmem:s13], [sflag:$0x2], $0x1, s12, s22, $0xb8;
	[tilespmem:$0x14800] =	vst v63  }
0x91: {  	s16 =	simm.s32 $0x11500;
	s19 =	simm.s32 $0x12A80  }
0x92: {  	[spmem:s4] =	stream.indirect.scatter.add.f32 [tilespmem:s19], [sflag:$0x2], $0x1, s16, s22, $0xb8;
	[tilespmem:$0x14800] =	vst v63  }
0x93: {  	s12 =	simm.s32 $0x11580;
	s13 =	simm.s32 $0x12B80  }
0x94: {  	[spmem:s4] =	stream.indirect.scatter.add.f32 [tilespmem:s13], [sflag:$0x2], $0x1, s12, s22, $0xb8;
	[tilespmem:$0x14800] =	vst v63  }
0x95: {  	s16 =	simm.s32 $0x11600;
	s19 =	simm.s32 $0x12C80  }
0x96: {  	[spmem:s4] =	stream.indirect.scatter.add.f32 [tilespmem:s19], [sflag:$0x2], $0x1, s16, s22, $0xb8;
	[tilespmem:$0x14800] =	vst v63  }
0x97: {  	s12 =	simm.s32 $0x11680;
	s13 =	simm.s32 $0x12D80  }
0x98: {  	[spmem:s4] =	stream.indirect.scatter.add.f32 [tilespmem:s13], [sflag:$0x2], $0x1, s12, s22, $0xb8;
	[tilespmem:$0x14800] =	vst v63  }
0x99: {  	s16 =	simm.s32 $0x11700;
	s19 =	simm.s32 $0x12E80  }
0x9a: {  	[spmem:s4] =	stream.indirect.scatter.add.f32 [tilespmem:s19], [sflag:$0x2], $0x1, s16, s22, $0xb8;
	[tilespmem:$0x14800] =	vst v63  }
0x9b: {  	s12 =	simm.s32 $0x11780;
	s13 =	simm.s32 $0x12F80  }
0x9c: {  	[spmem:s4] =	stream.indirect.scatter.add.f32 [tilespmem:s13], [sflag:$0x2], $0x1, s12, s22, $0xb8;
	[tilespmem:$0x14800] =	vst v63  }
0x9d: {  	s16 =	simm.s32 $0x11800;
	s19 =	simm.s32 $0x13080  }
0x9e: {  	[spmem:s4] =	stream.indirect.scatter.add.f32 [tilespmem:s19], [sflag:$0x2], $0x1, s16, s22, $0xb8;
	[tilespmem:$0x14800] =	vst v63  }
0x9f: {  	s12 =	simm.s32 $0x11880;
	s13 =	simm.s32 $0x13180  }
0xa0: {  	[spmem:s4] =	stream.indirect.scatter.add.f32 [tilespmem:s13], [sflag:$0x2], $0x1, s12, s22, $0xb8;
	[tilespmem:$0x14800] =	vst v63  }
0xa1: {  	s16 =	simm.s32 $0x11900;
	s19 =	simm.s32 $0x13280  }
0xa2: {  	[spmem:s4] =	stream.indirect.scatter.add.f32 [tilespmem:s19], [sflag:$0x2], $0x1, s16, s22, $0xb8;
	[tilespmem:$0x14800] =	vst v63  }
0xa3: {  	s12 =	simm.s32 $0x11980;
	s13 =	simm.s32 $0x13380  }
0xa4: {  	[spmem:s4] =	stream.indirect.scatter.add.f32 [tilespmem:s13], [sflag:$0x2], $0x1, s12, s22, $0xb8;
	[tilespmem:$0x14800] =	vst v63  }
0xa5: {  	s16 =	simm.s32 $0x11A00;
	s19 =	simm.s32 $0x13480  }
0xa6: {  	[spmem:s4] =	stream.indirect.scatter.add.f32 [tilespmem:s19], [sflag:$0x2], $0x1, s16, s22, $0xb8;
	[tilespmem:$0x14800] =	vst v63  }
0xa7: {  	s12 =	simm.s32 $0x11A80;
	s13 =	simm.s32 $0x13580  }
0xa8: {  	[spmem:s4] =	stream.indirect.scatter.add.f32 [tilespmem:s13], [sflag:$0x2], $0x1, s12, s22, $0xb8;
	[tilespmem:$0x14800] =	vst v63  }
0xa9: {  	s16 =	simm.s32 $0x11B00;
	s19 =	simm.s32 $0x13680  }
0xaa: {  	[spmem:s4] =	stream.indirect.scatter.add.f32 [tilespmem:s19], [sflag:$0x2], $0x1, s16, s22, $0xb8;
	[tilespmem:$0x14800] =	vst v63  }
0xab: {  	s9 =	simm.s32 $0x11B80;
	s12 =	simm.s32 $0x13780  }
0xac: {  	[spmem:s4] =	stream.indirect.scatter.add.f32 [tilespmem:s12], [sflag:$0x2], $0x1, s9, s22, $0xb8;
	[tilespmem:$0x14800] =	vst v63  }
0xad: {  	s13 =	simm.s32 $0x11C00;
	s16 =	simm.s32 $0x13880  }
0xae: {  	[spmem:s4] =	stream.indirect.scatter.add.f32 [tilespmem:s16], [sflag:$0x2], $0x1, s13, s22, $0xb8;
	[tilespmem:$0x14800] =	vst v63  }
0xaf: {  	s19 =	simm.s32 $0x11C80  }
0xb0: {  	[spmem:s4] =	stream.indirect.scatter.add.f32 [tilespmem:s14], [sflag:$0x2], $0x1, s19, s22, $0xb8;
	[tilespmem:$0x14800] =	vst v63  }
0xb1: {  	_ = 	snop  }
0xb2: {  	[spmem:s4] =	stream.indirect.scatter.add.f32 [tilespmem:s17], [sflag:$0x2], $0x1, s15, s22, $0xb8;
	[tilespmem:$0x14800] =	vst v63  }
0xb3: {  	_ = 	snop  }
0xb4: {  	[spmem:s4] =	stream.indirect.scatter.add.f32 [tilespmem:s2], [sflag:$0x2], $0x1, s18, s22, $0xb8;
	[tilespmem:$0x14800] =	vst v63  }
0xb5: {  	_ = 	snop  }
0xb6: {  	[spmem:s4] =	stream.indirect.scatter.add.f32 [tilespmem:s24], [sflag:$0x2], $0x1, s23, s22, $0xb8;
	[tilespmem:$0x14800] =	vst v63  }
0xb7: {  	_ = 	snop  }
0xb8: {  	[spmem:s4] =	stream.indirect.scatter.add.f32 [tilespmem:s26], [sflag:$0x2], $0x1, s25, s22, $0xb8;
	[tilespmem:$0x14800] =	vst v63  }
0xb9: {  	_ = 	snop  }
0xba: {  	[spmem:s4] =	stream.indirect.scatter.add.f32 [tilespmem:s30], [sflag:$0x2], $0x1, s29, s22, $0xb8;
	[tilespmem:$0x14800] =	vst v63  }
0xbb: {  	_ = 	snop  }
0xbc: {  	[spmem:s4] =	stream.indirect.scatter.add.f32 [tilespmem:s0], [sflag:$0x2], $0x1, s31, s22, $0xb8;
	[tilespmem:$0x14800] =	vst v63  }
0xbd: {  	_ =	swait.ge [sflag:s28], $0x80  }
0xbe: {  	[sflag:s28] =	ssyncset.done $0x0  }
0xbf: {  	[sflag:s28] =	ssyncadd.s32 $0xFFFFFF80  }
0xc0: {  	_ =	swait.ge [sflag:s28], $0x80  }
0xc1: {  	[sflag:s28] =	ssyncset.done $0x0  }
0xc2: {  	[sflag:s28] =	ssyncadd.s32 $0xFFFFFF80  }
0xc3: {  	_ =	swait.ge [sflag:s28], $0x80  }
0xc4: {  	[sflag:s28] =	ssyncset.done $0x0  }
0xc5: {  	[sflag:s28] =	ssyncadd.s32 $0xFFFFFF80  }
0xc6: {  	_ =	swait.ge [sflag:s28], $0x80  }
0xc7: {  	[sflag:s28] =	ssyncset.done $0x0  }
0xc8: {  	[sflag:s28] =	ssyncadd.s32 $0xFFFFFF80  }
0xc9: {  	_ =	swait.ge [sflag:s28], $0x80  }
0xca: {  	[sflag:s28] =	ssyncset.done $0x0  }
0xcb: {  	[sflag:s28] =	ssyncadd.s32 $0xFFFFFF80  }
0xcc: {  	_ =	swait.ge [sflag:s28], $0x80  }
0xcd: {  	[sflag:s28] =	ssyncset.done $0x0  }
0xce: {  	[sflag:s28] =	ssyncadd.s32 $0xFFFFFF80  }
0xcf: {  	_ =	swait.ge [sflag:s28], $0x80  }
0xd0: {  	[sflag:s28] =	ssyncset.done $0x0  }
0xd1: {  	[sflag:s28] =	ssyncadd.s32 $0xFFFFFF80  }
0xd2: {  	_ =	swait.ge [sflag:s28], $0x80  }
0xd3: {  	[sflag:s28] =	ssyncset.done $0x0  }
0xd4: {  	[sflag:s28] =	ssyncadd.s32 $0xFFFFFF80  }
0xd5: {  	_ =	swait.ge [sflag:s28], $0x80  }
0xd6: {  	[sflag:s28] =	ssyncset.done $0x0  }
0xd7: {  	[sflag:s28] =	ssyncadd.s32 $0xFFFFFF80  }
0xd8: {  	_ =	swait.ge [sflag:s28], $0x80  }
0xd9: {  	[sflag:s28] =	ssyncset.done $0x0  }
0xda: {  	[sflag:s28] =	ssyncadd.s32 $0xFFFFFF80  }
0xdb: {  	_ =	swait.ge [sflag:s28], $0x80  }
0xdc: {  	[sflag:s28] =	ssyncset.done $0x0  }
0xdd: {  	[sflag:s28] =	ssyncadd.s32 $0xFFFFFF80  }
0xde: {  	_ =	swait.ge [sflag:s28], $0x80  }
0xdf: {  	[sflag:s28] =	ssyncset.done $0x0  }
0xe0: {  	[sflag:s28] =	ssyncadd.s32 $0xFFFFFF80  }
0xe1: {  	_ =	swait.ge [sflag:s28], $0x80  }
0xe2: {  	[sflag:s28] =	ssyncset.done $0x0  }
0xe3: {  	[sflag:s28] =	ssyncadd.s32 $0xFFFFFF80  }
0xe4: {  	_ =	swait.ge [sflag:s28], $0x80  }
0xe5: {  	[sflag:s28] =	ssyncset.done $0x0  }
0xe6: {  	[sflag:s28] =	ssyncadd.s32 $0xFFFFFF80  }
0xe7: {  	_ =	swait.ge [sflag:s28], $0x80  }
0xe8: {  	[sflag:s28] =	ssyncset.done $0x0  }
0xe9: {  	[sflag:s28] =	ssyncadd.s32 $0xFFFFFF80  }
0xea: {  	_ =	swait.ge [sflag:s28], $0x80  }
0xeb: {  	[sflag:s28] =	ssyncset.done $0x0  }
0xec: {  	[sflag:s28] =	ssyncadd.s32 $0xFFFFFF80  }
0xed: {  	_ =	swait.ge [sflag:s28], $0x80  }
0xee: {  	[sflag:s28] =	ssyncset.done $0x0  }
0xef: {  	[sflag:s28] =	ssyncadd.s32 $0xFFFFFF80  }
0xf0: {  	_ =	swait.ge [sflag:s28], $0x80  }
0xf1: {  	[sflag:s28] =	ssyncset.done $0x0  }
0xf2: {  	[sflag:s28] =	ssyncadd.s32 $0xFFFFFF80  }
0xf3: {  	_ =	swait.ge [sflag:s28], $0x80  }
0xf4: {  	[sflag:s28] =	ssyncset.done $0x0  }
0xf5: {  	[sflag:s28] =	ssyncadd.s32 $0xFFFFFF80  }
0xf6: {  	_ =	swait.ge [sflag:s28], $0x80  }
0xf7: {  	[sflag:s28] =	ssyncset.done $0x0  }
0xf8: {  	[sflag:s28] =	ssyncadd.s32 $0xFFFFFF80  }
0xf9: {  	_ =	swait.ge [sflag:s28], $0x80  }
0xfa: {  	[sflag:s28] =	ssyncset.done $0x0  }
0xfb: {  	[sflag:s28] =	ssyncadd.s32 $0xFFFFFF80  }
0xfc: {  	_ =	swait.ge [sflag:s28], $0x80  }
0xfd: {  	[sflag:s28] =	ssyncset.done $0x0  }
0xfe: {  	[sflag:s28] =	ssyncadd.s32 $0xFFFFFF80  }
0xff: {  	_ =	swait.ge [sflag:s28], $0x80  }
0x100: {  	[sflag:s28] =	ssyncset.done $0x0  }
0x101: {  	[sflag:s28] =	ssyncadd.s32 $0xFFFFFF80  }
0x102: {  	_ =	swait.ge [sflag:s28], $0x80  }
0x103: {  	[sflag:s28] =	ssyncset.done $0x0  }
0x104: {  	[sflag:s28] =	ssyncadd.s32 $0xFFFFFF80  }
0x105: {  	_ =	swait.ge [sflag:s28], $0x80  }
0x106: {  	[sflag:s28] =	ssyncset.done $0x0  }
0x107: {  	[sflag:s28] =	ssyncadd.s32 $0xFFFFFF80  }
0x108: {  	_ =	swait.ge [sflag:s28], $0x80  }
0x109: {  	[sflag:s28] =	ssyncset.done $0x0  }
0x10a: {  	[sflag:s28] =	ssyncadd.s32 $0xFFFFFF80  }
0x10b: {  	_ =	swait.ge [sflag:s28], $0x80  }
0x10c: {  	[sflag:s28] =	ssyncset.done $0x0  }
0x10d: {  	[sflag:s28] =	ssyncadd.s32 $0xFFFFFF80  }
0x10e: {  	_ =	swait.ge [sflag:s28], $0x80  }
0x10f: {  	[sflag:s28] =	ssyncset.done $0x0  }
0x110: {  	[sflag:s28] =	ssyncadd.s32 $0xFFFFFF80  }
0x111: {  	_ =	swait.ge [sflag:s28], $0x80  }
0x112: {  	[sflag:s28] =	ssyncset.done $0x0  }
0x113: {  	[sflag:s28] =	ssyncadd.s32 $0xFFFFFF80  }
0x114: {  	_ =	swait.ge [sflag:s28], $0x80  }
0x115: {  	[sflag:s28] =	ssyncset.done $0x0  }
0x116: {  	s3 =	sadd.s32 $0x1, s3;
	[sflag:s28] =	ssyncadd.s32 $0xFFFFFF80  }
0x117: {  	p2 =	sne.s32 s3, $0x19;
	_ =	swait.ge [sflag:s28], $0x80  }
.Ltmp8:
0x118: {  	[sflag:s28] =	ssyncset.done $0x0;
	(pc) =	sbr.rel @!p2 .LBB2_21-.Ltmp8, $4  }
0x119: {  	[sflag:s28] =	ssyncadd.s32 $0xFFFFFF80  }
0x11a: {  	_ =	swait.ge [sflag:s28], $0x80  }
0x11b: {  	[sflag:s28] =	ssyncset.done $0x0  }
0x11c: {  	[sflag:s28] =	ssyncadd.s32 $0xFFFFFF80  }
.LBB2_11:
.Ltmp9:
0x11d: {  	(pc) =	sbr.rel @p1 .LBB2_15-.Ltmp9, $4  }
0x11e: {  	_ = 	snop  }
0x11f: {  	s19 =	sshll.u32 s3, $0x6;
	_ =	swait.ge [sflag:s20], $0x1000  }
0x120: {  	[sflag:s20] =	ssyncset.done $0x0;
	s7 =	sadd.s32 s19, s10  }
0x121: {  	[sflag:s20] =	ssyncadd.s32 $0xFFFFF000;
	s7 =	sshll.u32 s7, $0x4  }
0x122: {  	_ =	swait.ge [sflag:s20], $0x1000  }
0x123: {  	[sflag:s20] =	ssyncset.done $0x0  }
0x124: {  	s9 =	sadd.s32 s1, s7;
	s12 =	simm.s32 $0x0;
	[sflag:s20] =	ssyncadd.s32 $0xFFFFF000  }
0x125: {  	[tilespmem:s21], [sflag:$0x1] =	stream.linear.gather [hbm4b:s9+s12], $0x1000, $0x38;
	[tilespmem:$0x14800] =	vst v63  }
0x126: {  	s16 =	rddreg [dreg:$0x1]  }
0x127: {  	s9 =	simm.s32 $0x12080;
	s7 =	sadd.s32 s16, s7  }
0x128: {  	s12 =	simm.s32 $0x12180;
	s16 =	simm.s32 $0x10;
	s13 =	sadd.s32 $0x0, s7  }
.LBB2_13:
0x129: {  	[tilespmem:s9], [sflag:$0x1] =	stream.linear.gather [hbm4b:s13+s5], $0x80, $0x38;
	[tilespmem:$0x14800] =	vst v63  }
0x12a: {  	s13 =	smov.u32 s16;
	s9 =	smov.u32 s12;
	p2 =	seq.s32 s16, $0x1F0  }
.Ltmp10:
0x12b: {  	s16 =	sadd.s32 $0x10, s16;
	(pc) =	sbr.rel @!p2 .LBB2_13-.Ltmp10, $2  }
0x12c: {  	_ =	sdelay $0x2  }
0x12d: {  	s12 =	sadd.s32 $0x100, s12;
	s13 =	sadd.s32 s13, s7  }
.Ltmp11:
0x12e: {  	(pc) =	sbr.rel .LBB2_16-.Ltmp11, $2  }
0x12f: {  	_ =	sdelay $0x2  }
0x130: {  	[tilespmem:s9], [sflag:$0x1] =	stream.linear.gather [hbm4b:s13+s5], $0x80, $0x38;
	[tilespmem:$0x14800] =	vst v63  }
.LBB2_15:
0x131: {  	s7 =	sadd.s32 s1, s7  }
0x132: {  	[tilespmem:s21], [sflag:$0x1] =	stream.linear.gather [hbm4b:s7+s5], $0x1000, $0x38;
	[tilespmem:$0x14800] =	vst v63  }
.LBB2_16:
0x133: {  	s7 =	simm.s32 $0x10000;
	s9 =	simm.s32 $0x12000  }
0x134: {  	[spmem:s4] =	stream.indirect.scatter.add.f32 [tilespmem:s9], [sflag:$0x2], $0x1, s7, s22, $0xb8;
	[tilespmem:$0x14800] =	vst v63  }
0x135: {  	s13 =	simm.s32 $0x10080;
	s16 =	simm.s32 $0x12100  }
0x136: {  	[spmem:s4] =	stream.indirect.scatter.add.f32 [tilespmem:s16], [sflag:$0x2], $0x1, s13, s22, $0xb8;
	[tilespmem:$0x14800] =	vst v63  }
0x137: {  	s12 =	simm.s32 $0x12200;
	s9 =	simm.s32 $0x10100  }
0x138: {  	[spmem:s4] =	stream.indirect.scatter.add.f32 [tilespmem:s12], [sflag:$0x2], $0x1, s9, s22, $0xb8;
	[tilespmem:$0x14800] =	vst v63  }
0x139: {  	s13 =	simm.s32 $0x10180;
	s16 =	simm.s32 $0x12300  }
0x13a: {  	[spmem:s4] =	stream.indirect.scatter.add.f32 [tilespmem:s16], [sflag:$0x2], $0x1, s13, s22, $0xb8;
	[tilespmem:$0x14800] =	vst v63  }
0x13b: {  	s9 =	simm.s32 $0x10200;
	s12 =	simm.s32 $0x12400  }
0x13c: {  	[spmem:s4] =	stream.indirect.scatter.add.f32 [tilespmem:s12], [sflag:$0x2], $0x1, s9, s22, $0xb8;
	[tilespmem:$0x14800] =	vst v63  }
0x13d: {  	s13 =	simm.s32 $0x10280;
	s16 =	simm.s32 $0x12500  }
0x13e: {  	[spmem:s4] =	stream.indirect.scatter.add.f32 [tilespmem:s16], [sflag:$0x2], $0x1, s13, s22, $0xb8;
	[tilespmem:$0x14800] =	vst v63  }
0x13f: {  	s9 =	simm.s32 $0x10300;
	s12 =	simm.s32 $0x12600  }
0x140: {  	[spmem:s4] =	stream.indirect.scatter.add.f32 [tilespmem:s12], [sflag:$0x2], $0x1, s9, s22, $0xb8;
	[tilespmem:$0x14800] =	vst v63  }
0x141: {  	s13 =	simm.s32 $0x10380;
	s16 =	simm.s32 $0x12700  }
0x142: {  	[spmem:s4] =	stream.indirect.scatter.add.f32 [tilespmem:s16], [sflag:$0x2], $0x1, s13, s22, $0xb8;
	[tilespmem:$0x14800] =	vst v63  }
0x143: {  	s9 =	simm.s32 $0x10400;
	s12 =	simm.s32 $0x12800  }
0x144: {  	[spmem:s4] =	stream.indirect.scatter.add.f32 [tilespmem:s12], [sflag:$0x2], $0x1, s9, s22, $0xb8;
	[tilespmem:$0x14800] =	vst v63  }
0x145: {  	s13 =	simm.s32 $0x10480;
	s16 =	simm.s32 $0x12900  }
0x146: {  	[spmem:s4] =	stream.indirect.scatter.add.f32 [tilespmem:s16], [sflag:$0x2], $0x1, s13, s22, $0xb8;
	[tilespmem:$0x14800] =	vst v63  }
0x147: {  	s9 =	simm.s32 $0x10500;
	s12 =	simm.s32 $0x12A00  }
0x148: {  	[spmem:s4] =	stream.indirect.scatter.add.f32 [tilespmem:s12], [sflag:$0x2], $0x1, s9, s22, $0xb8;
	[tilespmem:$0x14800] =	vst v63  }
0x149: {  	s13 =	simm.s32 $0x10580;
	s16 =	simm.s32 $0x12B00  }
0x14a: {  	[spmem:s4] =	stream.indirect.scatter.add.f32 [tilespmem:s16], [sflag:$0x2], $0x1, s13, s22, $0xb8;
	[tilespmem:$0x14800] =	vst v63  }
0x14b: {  	s9 =	simm.s32 $0x10600;
	s12 =	simm.s32 $0x12C00  }
0x14c: {  	[spmem:s4] =	stream.indirect.scatter.add.f32 [tilespmem:s12], [sflag:$0x2], $0x1, s9, s22, $0xb8;
	[tilespmem:$0x14800] =	vst v63  }
0x14d: {  	s13 =	simm.s32 $0x10680;
	s16 =	simm.s32 $0x12D00  }
0x14e: {  	[spmem:s4] =	stream.indirect.scatter.add.f32 [tilespmem:s16], [sflag:$0x2], $0x1, s13, s22, $0xb8;
	[tilespmem:$0x14800] =	vst v63  }
0x14f: {  	s9 =	simm.s32 $0x10700;
	s12 =	simm.s32 $0x12E00  }
0x150: {  	[spmem:s4] =	stream.indirect.scatter.add.f32 [tilespmem:s12], [sflag:$0x2], $0x1, s9, s22, $0xb8;
	[tilespmem:$0x14800] =	vst v63  }
0x151: {  	s13 =	simm.s32 $0x10780;
	s16 =	simm.s32 $0x12F00  }
0x152: {  	[spmem:s4] =	stream.indirect.scatter.add.f32 [tilespmem:s16], [sflag:$0x2], $0x1, s13, s22, $0xb8;
	[tilespmem:$0x14800] =	vst v63  }
0x153: {  	s9 =	simm.s32 $0x10800;
	s12 =	simm.s32 $0x13000  }
0x154: {  	[spmem:s4] =	stream.indirect.scatter.add.f32 [tilespmem:s12], [sflag:$0x2], $0x1, s9, s22, $0xb8;
	[tilespmem:$0x14800] =	vst v63  }
0x155: {  	s13 =	simm.s32 $0x10880;
	s16 =	simm.s32 $0x13100  }
0x156: {  	[spmem:s4] =	stream.indirect.scatter.add.f32 [tilespmem:s16], [sflag:$0x2], $0x1, s13, s22, $0xb8;
	[tilespmem:$0x14800] =	vst v63  }
0x157: {  	s9 =	simm.s32 $0x10900;
	s12 =	simm.s32 $0x13200  }
0x158: {  	[spmem:s4] =	stream.indirect.scatter.add.f32 [tilespmem:s12], [sflag:$0x2], $0x1, s9, s22, $0xb8;
	[tilespmem:$0x14800] =	vst v63  }
0x159: {  	s13 =	simm.s32 $0x10980;
	s16 =	simm.s32 $0x13300  }
0x15a: {  	[spmem:s4] =	stream.indirect.scatter.add.f32 [tilespmem:s16], [sflag:$0x2], $0x1, s13, s22, $0xb8;
	[tilespmem:$0x14800] =	vst v63  }
0x15b: {  	s9 =	simm.s32 $0x10A00;
	s12 =	simm.s32 $0x13400  }
0x15c: {  	[spmem:s4] =	stream.indirect.scatter.add.f32 [tilespmem:s12], [sflag:$0x2], $0x1, s9, s22, $0xb8;
	[tilespmem:$0x14800] =	vst v63  }
0x15d: {  	s13 =	simm.s32 $0x10A80;
	s16 =	simm.s32 $0x13500  }
0x15e: {  	[spmem:s4] =	stream.indirect.scatter.add.f32 [tilespmem:s16], [sflag:$0x2], $0x1, s13, s22, $0xb8;
	[tilespmem:$0x14800] =	vst v63  }
0x15f: {  	s9 =	simm.s32 $0x10B00;
	s12 =	simm.s32 $0x13600  }
0x160: {  	[spmem:s4] =	stream.indirect.scatter.add.f32 [tilespmem:s12], [sflag:$0x2], $0x1, s9, s22, $0xb8;
	[tilespmem:$0x14800] =	vst v63  }
0x161: {  	s13 =	simm.s32 $0x10B80;
	s16 =	simm.s32 $0x13700  }
0x162: {  	[spmem:s4] =	stream.indirect.scatter.add.f32 [tilespmem:s16], [sflag:$0x2], $0x1, s13, s22, $0xb8;
	[tilespmem:$0x14800] =	vst v63  }
0x163: {  	s9 =	simm.s32 $0x10C00;
	s12 =	simm.s32 $0x13800  }
0x164: {  	[spmem:s4] =	stream.indirect.scatter.add.f32 [tilespmem:s12], [sflag:$0x2], $0x1, s9, s22, $0xb8;
	[tilespmem:$0x14800] =	vst v63  }
0x165: {  	s13 =	simm.s32 $0x10C80;
	s16 =	simm.s32 $0x13900  }
0x166: {  	[spmem:s4] =	stream.indirect.scatter.add.f32 [tilespmem:s16], [sflag:$0x2], $0x1, s13, s22, $0xb8;
	[tilespmem:$0x14800] =	vst v63  }
0x167: {  	s9 =	simm.s32 $0x10D00;
	s12 =	simm.s32 $0x13A00  }
0x168: {  	[spmem:s4] =	stream.indirect.scatter.add.f32 [tilespmem:s12], [sflag:$0x2], $0x1, s9, s22, $0xb8;
	[tilespmem:$0x14800] =	vst v63  }
0x169: {  	s13 =	simm.s32 $0x10D80;
	s16 =	simm.s32 $0x13B00  }
0x16a: {  	[spmem:s4] =	stream.indirect.scatter.add.f32 [tilespmem:s16], [sflag:$0x2], $0x1, s13, s22, $0xb8;
	[tilespmem:$0x14800] =	vst v63  }
0x16b: {  	s9 =	simm.s32 $0x10E00;
	s12 =	simm.s32 $0x13C00  }
0x16c: {  	[spmem:s4] =	stream.indirect.scatter.add.f32 [tilespmem:s12], [sflag:$0x2], $0x1, s9, s22, $0xb8;
	[tilespmem:$0x14800] =	vst v63  }
0x16d: {  	s13 =	simm.s32 $0x10E80;
	s16 =	simm.s32 $0x13D00  }
0x16e: {  	[spmem:s4] =	stream.indirect.scatter.add.f32 [tilespmem:s16], [sflag:$0x2], $0x1, s13, s22, $0xb8;
	[tilespmem:$0x14800] =	vst v63  }
0x16f: {  	s9 =	simm.s32 $0x10F00;
	s12 =	simm.s32 $0x13E00  }
0x170: {  	[spmem:s4] =	stream.indirect.scatter.add.f32 [tilespmem:s12], [sflag:$0x2], $0x1, s9, s22, $0xb8;
	[tilespmem:$0x14800] =	vst v63  }
0x171: {  	s13 =	simm.s32 $0x10F80;
	s16 =	simm.s32 $0x13F00  }
0x172: {  	[spmem:s4] =	stream.indirect.scatter.add.f32 [tilespmem:s16], [sflag:$0x2], $0x1, s13, s22, $0xb8;
	[tilespmem:$0x14800] =	vst v63  }
0x173: {  	_ =	swait.ge [sflag:s28], $0x80  }
0x174: {  	[sflag:s28] =	ssyncset.done $0x0  }
0x175: {  	[sflag:s28] =	ssyncadd.s32 $0xFFFFFF80  }
0x176: {  	_ =	swait.ge [sflag:s28], $0x80  }
0x177: {  	[sflag:s28] =	ssyncset.done $0x0  }
0x178: {  	[sflag:s28] =	ssyncadd.s32 $0xFFFFFF80  }
0x179: {  	_ =	swait.ge [sflag:s28], $0x80  }
0x17a: {  	[sflag:s28] =	ssyncset.done $0x0  }
0x17b: {  	[sflag:s28] =	ssyncadd.s32 $0xFFFFFF80  }
0x17c: {  	_ =	swait.ge [sflag:s28], $0x80  }
0x17d: {  	[sflag:s28] =	ssyncset.done $0x0  }
0x17e: {  	[sflag:s28] =	ssyncadd.s32 $0xFFFFFF80  }
0x17f: {  	_ =	swait.ge [sflag:s28], $0x80  }
0x180: {  	[sflag:s28] =	ssyncset.done $0x0  }
0x181: {  	[sflag:s28] =	ssyncadd.s32 $0xFFFFFF80  }
0x182: {  	_ =	swait.ge [sflag:s28], $0x80  }
0x183: {  	[sflag:s28] =	ssyncset.done $0x0  }
0x184: {  	[sflag:s28] =	ssyncadd.s32 $0xFFFFFF80  }
0x185: {  	_ =	swait.ge [sflag:s28], $0x80  }
0x186: {  	[sflag:s28] =	ssyncset.done $0x0  }
0x187: {  	[sflag:s28] =	ssyncadd.s32 $0xFFFFFF80  }
0x188: {  	_ =	swait.ge [sflag:s28], $0x80  }
0x189: {  	[sflag:s28] =	ssyncset.done $0x0  }
0x18a: {  	[sflag:s28] =	ssyncadd.s32 $0xFFFFFF80  }
0x18b: {  	_ =	swait.ge [sflag:s28], $0x80  }
0x18c: {  	[sflag:s28] =	ssyncset.done $0x0  }
0x18d: {  	[sflag:s28] =	ssyncadd.s32 $0xFFFFFF80  }
0x18e: {  	_ =	swait.ge [sflag:s28], $0x80  }
0x18f: {  	[sflag:s28] =	ssyncset.done $0x0  }
0x190: {  	[sflag:s28] =	ssyncadd.s32 $0xFFFFFF80  }
0x191: {  	_ =	swait.ge [sflag:s28], $0x80  }
0x192: {  	[sflag:s28] =	ssyncset.done $0x0  }
0x193: {  	[sflag:s28] =	ssyncadd.s32 $0xFFFFFF80  }
0x194: {  	_ =	swait.ge [sflag:s28], $0x80  }
0x195: {  	[sflag:s28] =	ssyncset.done $0x0  }
0x196: {  	[sflag:s28] =	ssyncadd.s32 $0xFFFFFF80  }
0x197: {  	_ =	swait.ge [sflag:s28], $0x80  }
0x198: {  	[sflag:s28] =	ssyncset.done $0x0  }
0x199: {  	[sflag:s28] =	ssyncadd.s32 $0xFFFFFF80  }
0x19a: {  	_ =	swait.ge [sflag:s28], $0x80  }
0x19b: {  	[sflag:s28] =	ssyncset.done $0x0  }
0x19c: {  	[sflag:s28] =	ssyncadd.s32 $0xFFFFFF80  }
0x19d: {  	_ =	swait.ge [sflag:s28], $0x80  }
0x19e: {  	[sflag:s28] =	ssyncset.done $0x0  }
0x19f: {  	[sflag:s28] =	ssyncadd.s32 $0xFFFFFF80  }
0x1a0: {  	_ =	swait.ge [sflag:s28], $0x80  }
0x1a1: {  	[sflag:s28] =	ssyncset.done $0x0  }
0x1a2: {  	[sflag:s28] =	ssyncadd.s32 $0xFFFFFF80  }
0x1a3: {  	_ =	swait.ge [sflag:s28], $0x80  }
0x1a4: {  	[sflag:s28] =	ssyncset.done $0x0  }
0x1a5: {  	[sflag:s28] =	ssyncadd.s32 $0xFFFFFF80  }
0x1a6: {  	_ =	swait.ge [sflag:s28], $0x80  }
0x1a7: {  	[sflag:s28] =	ssyncset.done $0x0  }
0x1a8: {  	[sflag:s28] =	ssyncadd.s32 $0xFFFFFF80  }
0x1a9: {  	_ =	swait.ge [sflag:s28], $0x80  }
0x1aa: {  	[sflag:s28] =	ssyncset.done $0x0  }
0x1ab: {  	[sflag:s28] =	ssyncadd.s32 $0xFFFFFF80  }
0x1ac: {  	_ =	swait.ge [sflag:s28], $0x80  }
0x1ad: {  	[sflag:s28] =	ssyncset.done $0x0  }
0x1ae: {  	[sflag:s28] =	ssyncadd.s32 $0xFFFFFF80  }
0x1af: {  	_ =	swait.ge [sflag:s28], $0x80  }
0x1b0: {  	[sflag:s28] =	ssyncset.done $0x0  }
0x1b1: {  	[sflag:s28] =	ssyncadd.s32 $0xFFFFFF80  }
0x1b2: {  	_ =	swait.ge [sflag:s28], $0x80  }
0x1b3: {  	[sflag:s28] =	ssyncset.done $0x0  }
0x1b4: {  	[sflag:s28] =	ssyncadd.s32 $0xFFFFFF80  }
0x1b5: {  	_ =	swait.ge [sflag:s28], $0x80  }
0x1b6: {  	[sflag:s28] =	ssyncset.done $0x0  }
0x1b7: {  	[sflag:s28] =	ssyncadd.s32 $0xFFFFFF80  }
0x1b8: {  	_ =	swait.ge [sflag:s28], $0x80  }
0x1b9: {  	[sflag:s28] =	ssyncset.done $0x0  }
0x1ba: {  	[sflag:s28] =	ssyncadd.s32 $0xFFFFFF80  }
0x1bb: {  	_ =	swait.ge [sflag:s28], $0x80  }
0x1bc: {  	[sflag:s28] =	ssyncset.done $0x0  }
0x1bd: {  	[sflag:s28] =	ssyncadd.s32 $0xFFFFFF80  }
0x1be: {  	_ =	swait.ge [sflag:s28], $0x80  }
0x1bf: {  	[sflag:s28] =	ssyncset.done $0x0  }
0x1c0: {  	[sflag:s28] =	ssyncadd.s32 $0xFFFFFF80  }
0x1c1: {  	_ =	swait.ge [sflag:s28], $0x80  }
0x1c2: {  	[sflag:s28] =	ssyncset.done $0x0  }
0x1c3: {  	[sflag:s28] =	ssyncadd.s32 $0xFFFFFF80  }
0x1c4: {  	_ =	swait.ge [sflag:s28], $0x80  }
0x1c5: {  	[sflag:s28] =	ssyncset.done $0x0  }
0x1c6: {  	[sflag:s28] =	ssyncadd.s32 $0xFFFFFF80  }
0x1c7: {  	_ =	swait.ge [sflag:s28], $0x80  }
0x1c8: {  	[sflag:s28] =	ssyncset.done $0x0  }
0x1c9: {  	[sflag:s28] =	ssyncadd.s32 $0xFFFFFF80  }
0x1ca: {  	_ =	swait.ge [sflag:s28], $0x80  }
0x1cb: {  	[sflag:s28] =	ssyncset.done $0x0  }
0x1cc: {  	[sflag:s28] =	ssyncadd.s32 $0xFFFFFF80  }
0x1cd: {  	_ =	swait.ge [sflag:s28], $0x80  }
0x1ce: {  	[sflag:s28] =	ssyncset.done $0x0  }
0x1cf: {  	[sflag:s28] =	ssyncadd.s32 $0xFFFFFF80  }
0x1d0: {  	_ =	swait.ge [sflag:s28], $0x80  }
0x1d1: {  	[sflag:s28] =	ssyncset.done $0x0  }
0x1d2: {  	[sflag:s28] =	ssyncadd.s32 $0xFFFFFF80  }
0x1d3: {  	_ =	swait.ge [sflag:s20], $0x1000  }
0x1d4: {  	[sflag:s20] =	ssyncset.done $0x0  }
0x1d5: {  	s7 =	simm.s32 @!p1 $0x1;
	[sflag:s20] =	ssyncadd.s32 $0xFFFFF000  }
0x1d6: {  	p2 =	seq.s32 s3, $0x18;
	_ =	swait.ge @!p1 [sflag:s7], $0x1000  }
0x1d7: {  	s9 =	sadd.s32 @!p2 s19, s11;
	[sflag:s7] =	ssyncset.done @!p1 $0x0  }
0x1d8: {  	p3 =	sne.s32 @!p2 s6, $0x0;
	[sflag:s7] =	ssyncadd.s32 @!p1 $0xFFFFF000;
	s7 =	sshll.u32 @!p2 s9, $0x4  }
0x1d9: {  	s12 =	simm.s32 @!p2 $0x0;
	s13 =	simm.s32 @!p2 $0x10000;
	s9 =	sadd.s32 @!p2 s1, s7  }
0x1da: {  	[tilespmem:s13], [sflag:$0x1] =	stream.linear.gather @!p2 [hbm4b:s9+s12], $0x1000, $0x38;
	[tilespmem:$0x14800] =	vst v63  }
0x1db: {  	p2 =	por p2, p3  }
.Ltmp12:
0x1dc: {  	_ = 	snop;
	(pc) =	sbr.rel @p2 .LBB2_20-.Ltmp12, $1  }
0x1dd: {  	_ =	sdelay $0x3  }
0x1de: {  	s9 =	rddreg [dreg:$0x1]  }
0x1df: {  	s16 =	simm.s32 $0x10;
	s7 =	sadd.s32 s9, s7  }
0x1e0: {  	s12 =	simm.s32 $0x12100;
	s9 =	simm.s32 $0x12000;
	s13 =	sadd.s32 $0x0, s7  }
.LBB2_18:
0x1e1: {  	[tilespmem:s9], [sflag:$0x1] =	stream.linear.gather [hbm4b:s13+s5], $0x80, $0x38;
	[tilespmem:$0x14800] =	vst v63  }
0x1e2: {  	s13 =	smov.u32 s16;
	s9 =	smov.u32 s12;
	p2 =	sne.s32 s16, $0x1F0  }
.Ltmp13:
0x1e3: {  	s16 =	sadd.s32 $0x10, s16;
	(pc) =	sbr.rel @p2 .LBB2_18-.Ltmp13, $2  }
0x1e4: {  	_ =	sdelay $0x2  }
0x1e5: {  	s12 =	sadd.s32 $0x100, s12;
	s13 =	sadd.s32 s13, s7  }
.Ltmp14:
0x1e6: {  	_ = 	snop;
	(pc) =	sbr.rel .LBB2_19-.Ltmp14, $1  }
0x1e7: {  	_ =	sdelay $0x3  }
.LBB2_22:
0x1e8: {  	_ =	sfence.sel $0x180000  }
0x1e9: {  	[bflag:$0x0] =	sbarrier.arrive $0xFFFF  }
0x1ea: {  	_ =	strace $0x90000047  }
0x1eb: {  	s0 =	stileid.u32;
	[bflag:$0x2] =	sbarrier.arrive $0xFFFF  }
0x1ec: {  	p0 =	sne.s32 s0, $0x0;
	s0 =	rddreg [dreg:$0x6]  }
0x1ed: {  	s0 =	sadd.s32 @!p0 $0x100000, s0  }
0x1ee: {  	[sflag:s0] =	ssyncadd.tile.s32 @!p0 $0x1;
	_ =	shalt  }
.Lfunc_end2:
_tile_overlayer_lowered:
.L_overlay_start_2:
0x1ef: {  	(tag) =	ssettag $0x2  }
0x1f0: {  	s0 =	rddreg [dreg:$0x0];
	s2 =	stileid.u32  }
0x1f1: {  	s1 =	rddreg [dreg:$0x1];
	p0 =	sne.s32 s2, $0x0  }
0x1f2: {  	s3 =	rddreg [dreg:$0x2];
	[bflag:$0x3] =	sbarrier.arrive $0xFFFF;
	s2 =	simm.s32 @!p0 $0x1C03  }
0x1f3: {  	[timem:s3], [sflag:s2] =	dma.local @!p0 [hbm:s0], s1  }
0x1f4: {  	s0 =	simm.s32 @!p0 $0x3  }
0x1f5: {  	_ =	swait.ge @!p0 [sflag:s0], s1  }
0x1f6: {  	s1 =	ssub.s32 @!p0 $0x0, s1;
	[sflag:s0] =	ssyncset.done @!p0 $0x0  }
0x1f7: {  	[sflag:s0] =	ssyncadd.s32 @!p0 s1  }
0x1f8: {  	[bflag:$0x3] =	sbarrier.arrive $0xFFFF  }
0x1f9: {  	_ =	shalt  }

</sc_bundles>
